<compile_context>
chip_gen: v7x
topology: tpu7x:2x2x1
jax: 0.10.2.dev20260603
libtpu: 0.0.44.dev20260713+nightly
codegen_flags: <defaults>
</compile_context>

<pallas_src>
import functools

import jax
import jax.numpy as jnp
from jax import lax
from jax.experimental import pallas as pl
from jax.experimental.pallas import tpu as pltpu
from jax.experimental.pallas import tpu_sc as plsc

N = 10000
E = 320000
D_IN = 128
HID = 64
D_OUT = 64
ALPHA = 0.1
K_PROP = 10

NC = 2
NS = 16
NPAD = 10240
ROWS_PER_TILE = NPAD // NS
E_TILE = E // (NC * NS)
BLK = 1000
NBLK = E_TILE // BLK
ROW_BLK = 1280

_mesh = plsc.VectorSubcoreMesh(core_axis_name="c", subcore_axis_name="s")



def _mlp_body(x_ref, w1_ref, b1_ref, w2_ref, b2_ref, o_ref):
    h = jnp.maximum(
        jnp.dot(x_ref[...], w1_ref[...], preferred_element_type=jnp.float32)
        + b1_ref[...], 0.0)
    o_ref[...] = (
        jnp.dot(h, w2_ref[...], preferred_element_type=jnp.float32)
        + b2_ref[...])


def _mlp(xp, W1, b1, W2, b2):
    grid = NPAD // ROW_BLK
    return pl.pallas_call(
        _mlp_body,
        grid=(grid,),
        in_specs=[
            pl.BlockSpec((ROW_BLK, D_IN), lambda i: (i, 0)),
            pl.BlockSpec((D_IN, HID), lambda i: (0, 0)),
            pl.BlockSpec((1, HID), lambda i: (0, 0)),
            pl.BlockSpec((HID, D_OUT), lambda i: (0, 0)),
            pl.BlockSpec((1, D_OUT), lambda i: (0, 0)),
        ],
        out_specs=pl.BlockSpec((ROW_BLK, D_OUT), lambda i: (i, 0)),
        out_shape=jax.ShapeDtypeStruct((NPAD, D_OUT), jnp.float32),
    )(xp, W1, b1.reshape(1, HID), W2, b2.reshape(1, D_OUT))


def _precompute_body(degp_ref, h0_ref, c1_ref, c2_ref, u_ref, v_ref, zt0_ref):
    deg = degp_ref[0, :, 0:1] + degp_ref[1, :, 0:1]
    dis = jnp.where(deg > 0.0, lax.rsqrt(jnp.maximum(deg, 1e-12)), 0.0)
    h0 = h0_ref[...]
    c1_ref[...] = (1.0 - ALPHA) * dis * dis
    c2_ref[...] = (1.0 - ALPHA) * dis
    u_ref[...] = ALPHA * dis * h0
    v_ref[...] = ALPHA * h0
    zt0_ref[...] = dis * h0


def _precompute(degp, h0):
    grid = NPAD // ROW_BLK
    return pl.pallas_call(
        _precompute_body,
        grid=(grid,),
        in_specs=[
            pl.BlockSpec((2, ROW_BLK, 16), lambda i: (0, i, 0)),
            pl.BlockSpec((ROW_BLK, D_OUT), lambda i: (i, 0)),
        ],
        out_specs=[
            pl.BlockSpec((ROW_BLK, 1), lambda i: (i, 0)),
            pl.BlockSpec((ROW_BLK, 1), lambda i: (i, 0)),
            pl.BlockSpec((ROW_BLK, D_OUT), lambda i: (i, 0)),
            pl.BlockSpec((ROW_BLK, D_OUT), lambda i: (i, 0)),
            pl.BlockSpec((ROW_BLK, D_OUT), lambda i: (i, 0)),
        ],
        out_shape=[
            jax.ShapeDtypeStruct((NPAD, 1), jnp.float32),
            jax.ShapeDtypeStruct((NPAD, 1), jnp.float32),
            jax.ShapeDtypeStruct((NPAD, D_OUT), jnp.float32),
            jax.ShapeDtypeStruct((NPAD, D_OUT), jnp.float32),
            jax.ShapeDtypeStruct((NPAD, D_OUT), jnp.float32),
        ],
    )(degp, h0)


def _combine_body(c_ref, add_ref, p_ref, o_ref):
    o_ref[...] = c_ref[...] * (p_ref[0] + p_ref[1]) + add_ref[...]


def _combine(c, add, partials):
    grid = NPAD // ROW_BLK
    return pl.pallas_call(
        _combine_body,
        grid=(grid,),
        in_specs=[
            pl.BlockSpec((ROW_BLK, 1), lambda i: (i, 0)),
            pl.BlockSpec((ROW_BLK, D_OUT), lambda i: (i, 0)),
            pl.BlockSpec((2, ROW_BLK, D_OUT), lambda i: (0, i, 0)),
        ],
        out_specs=pl.BlockSpec((ROW_BLK, D_OUT), lambda i: (i, 0)),
        out_shape=jax.ShapeDtypeStruct((NPAD, D_OUT), jnp.float32),
    )(c, add, partials)



@functools.partial(
    pl.kernel,
    out_type=jax.ShapeDtypeStruct((NC, NPAD, 16), jnp.float32),
    mesh=_mesh,
    compiler_params=pltpu.CompilerParams(use_tc_tiling_on_sc=False),
    scratch_types=[
        pltpu.VMEM((E_TILE,), jnp.int32),
        pltpu.VMEM((BLK, 16), jnp.float32),
        pltpu.VMEM_SHARED((NPAD, 16), jnp.float32),
    ],
)
def _deg_kernel(dst_hbm, ones_hbm, zeros_hbm, out_hbm, dst_v, ones_v, acc):
    c = lax.axis_index("c")
    s = lax.axis_index("s")
    wid = c * NS + s
    pltpu.sync_copy(dst_hbm.at[wid], dst_v)
    pltpu.sync_copy(ones_hbm, ones_v)
    base = s * ROWS_PER_TILE
    pltpu.sync_copy(zeros_hbm.at[pl.ds(base, ROWS_PER_TILE)],
                    acc.at[pl.ds(base, ROWS_PER_TILE)])
    plsc.subcore_barrier()

    def body(j, carry):
        pltpu.sync_copy(ones_v, acc.at[dst_v.at[pl.ds(j * BLK, BLK)]],
                        add=True)
        return carry

    lax.fori_loop(0, NBLK, body, 0)
    plsc.subcore_barrier()
    pltpu.sync_copy(acc.at[pl.ds(base, ROWS_PER_TILE)],
                    out_hbm.at[c].at[pl.ds(base, ROWS_PER_TILE)])


@functools.partial(
    pl.kernel,
    out_type=jax.ShapeDtypeStruct((NC, NPAD, D_OUT), jnp.float32),
    mesh=_mesh,
    compiler_params=pltpu.CompilerParams(use_tc_tiling_on_sc=False),
    scratch_types=[
        pltpu.VMEM((E_TILE,), jnp.int32),
        pltpu.VMEM((E_TILE,), jnp.int32),
        pltpu.VMEM((BLK, D_OUT), jnp.float32),
        pltpu.VMEM_SHARED((NPAD, D_OUT), jnp.float32),
        pltpu.SemaphoreType.DMA,
        pltpu.SemaphoreType.DMA,
    ],
)
def _prop_kernel(zt_hbm, src_hbm, dst_hbm, zeros_hbm, out_hbm,
                 src_v, dst_v, buf, acc, sem, psem):
    c = lax.axis_index("c")
    s = lax.axis_index("s")
    wid = c * NS + s
    base = s * ROWS_PER_TILE
    d0 = pltpu.async_copy(src_hbm.at[wid], src_v, psem)
    d1 = pltpu.async_copy(dst_hbm.at[wid], dst_v, psem)
    d2 = pltpu.async_copy(zeros_hbm.at[pl.ds(base, ROWS_PER_TILE)],
                          acc.at[pl.ds(base, ROWS_PER_TILE)], psem)
    d0.wait()
    d1.wait()
    d2.wait()
    plsc.subcore_barrier()

    def body(j, carry):
        pltpu.async_copy(
            zt_hbm.at[src_v.at[pl.ds(j * BLK, BLK)]], buf, sem).wait()
        pltpu.sync_copy(buf, acc.at[dst_v.at[pl.ds(j * BLK, BLK)]], add=True)
        return carry

    lax.fori_loop(0, NBLK, body, 0)
    plsc.subcore_barrier()
    pltpu.sync_copy(acc.at[pl.ds(base, ROWS_PER_TILE)],
                    out_hbm.at[c].at[pl.ds(base, ROWS_PER_TILE)])



def kernel(x, edge_index, W1, b1, W2, b2):
    xp = jnp.pad(x, ((0, NPAD - N), (0, 0)))
    srcp = edge_index[0].reshape(NC * NS, E_TILE)
    dstp = edge_index[1].reshape(NC * NS, E_TILE)

    ones16 = jnp.ones((BLK, 16), jnp.float32)
    zeros16 = jnp.zeros((NPAD, 16), jnp.float32)
    zeros64 = jnp.zeros((NPAD, D_OUT), jnp.float32)

    h0 = _mlp(xp, W1, b1, W2, b2)
    degp = _deg_kernel(dstp, ones16, zeros16)
    c1, c2, u, v, zt0 = _precompute(degp, h0)

    zt = zt0
    for _ in range(K_PROP - 1):
        partials = _prop_kernel(zt, srcp, dstp, zeros64)
        zt = _combine(c1, u, partials)
    partials = _prop_kernel(zt, srcp, dstp, zeros64)
    z = _combine(c2, v, partials)
    return z[:N]

# --- scband reference (transcript-rebuilt; emitter-appended) ---
"""Pipeline reference for scband-appnp-57647051047652 (READ-ONLY COPY).

The authoritative reference and input builder live on the scoring server;
editing this copy changes nothing except your own understanding.
"""

import jax, jax.numpy as jnp
import numpy as np

N = 10000
E = 320000
D_IN = 128
HID = 64
D_OUT = 64
ALPHA = 0.1
K_PROP = 10


def setup_inputs(seed: int = 0) -> dict:
    key = jax.random.key(seed)
    k1, k2, k3, k4, k5, k6 = jax.random.split(key, 6)
    x = jax.random.normal(k1, (N, D_IN), dtype=jnp.float32)
    edge_index = jax.random.randint(k2, (2, E), 0, N, dtype=jnp.int32)
    W1 = jax.random.normal(k3, (D_IN, HID), dtype=jnp.float32) * 0.05
    b1 = jnp.zeros((HID,), dtype=jnp.float32)
    W2 = jax.random.normal(k4, (HID, D_OUT), dtype=jnp.float32) * 0.05
    b2 = jnp.zeros((D_OUT,), dtype=jnp.float32)
    return {"x": x, "edge_index": edge_index, "W1": W1, "b1": b1, "W2": W2, "b2": b2}


def reference(x, edge_index, W1, b1, W2, b2):
    # MLP (eval mode: dropout=0.0 is identity)
    h = jnp.maximum(x @ W1 + b1, 0.0)
    z = h @ W2 + b2
    # APPNP propagation with symmetric GCN normalization
    src = edge_index[0]
    dst = edge_index[1]
    deg = jnp.zeros((N,), dtype=jnp.float32).at[dst].add(1.0)
    deg_inv_sqrt = jnp.where(deg > 0, 1.0 / jnp.sqrt(jnp.maximum(deg, 1e-12)), 0.0)
    norm = deg_inv_sqrt[src] * deg_inv_sqrt[dst]
    h0 = z
    for _ in range(K_PROP):
        msgs = z[src] * norm[:, None]
        agg = jax.ops.segment_sum(msgs, dst, num_segments=N)
        z = (1.0 - ALPHA) * agg + ALPHA * h0
    return z

if __name__ == "__main__":
    import jax
    _d = setup_inputs()
    print(jax.jit(kernel)(*tuple(_d.values())))

</pallas_src>

<mosaic_0001>
#map = affine_map<(d0, d1) -> (0, 0)>
#map1 = affine_map<(d0, d1) -> (0, 0, 0)>
module attributes {stable_mosaic.version = 14 : i64} {
  func.func @_prop_kernel(%arg0: i32, %arg1: i32, %arg2: memref<10240x64xf32, #tpu.memory_space<hbm>>, %arg3: memref<32x10000xi32, #tpu.memory_space<hbm>>, %arg4: memref<32x10000xi32, #tpu.memory_space<hbm>>, %arg5: memref<10240x64xf32, #tpu.memory_space<hbm>>, %arg6: memref<2x10240x64xf32, #tpu.memory_space<hbm>>, %arg7: memref<10000xi32, #tpu.memory_space<vmem>>, %arg8: memref<10000xi32, #tpu.memory_space<vmem>>, %arg9: memref<1000x64xf32, #tpu.memory_space<vmem>>, %arg10: memref<10240x64xf32, #tpu.memory_space<vmem_shared>>, %arg11: memref<!tpu.dma_semaphore, #tpu.memory_space<semaphore_mem>>, %arg12: memref<!tpu.dma_semaphore, #tpu.memory_space<semaphore_mem>>) attributes {dimension_semantics = [#tpu.dimension_semantics<core_parallel>, #tpu.dimension_semantics<subcore_parallel>], iteration_bounds = array<i64: 2, 16>, scalar_prefetch = 0 : i64, scratch_operands = 6 : i64, tpu.core_type = #tpu.core_type<sc_vector_subcore>, window_params = [{transform_indices = #map}, {transform_indices = #map}, {transform_indices = #map}, {transform_indices = #map}, {transform_indices = #map1}]} {
    %mul3A = arith.constant 16 : i32
    %mul3A_0 = arith.muli %arg0, %mul3A : i32
    %add3A = arith.addi %mul3A_0, %arg1 : i32
    %mul3A_1 = arith.constant 640 : i32
    %mul3A_2 = arith.muli %arg1, %mul3A_1 : i32
    %dma_start3A = arith.constant 0 : i32
    %dma_start3A_3 = tpu.memref_slice %arg3[%add3A, %dma_start3A] : memref<32x10000xi32, #tpu.memory_space<hbm>> -> memref<1x10000xi32, #tpu.memory_space<hbm>>
    %dma_start3A_4 = tpu.memref_squeeze %dma_start3A_3 : memref<1x10000xi32, #tpu.memory_space<hbm>> -> memref<10000xi32, #tpu.memory_space<hbm>>
    %dma_start3A_5 = arith.constant 0 : i32
    %dma_start3A_6 = tpu.memref_slice %arg3[%add3A, %dma_start3A_5] : memref<32x10000xi32, #tpu.memory_space<hbm>> -> memref<1x10000xi32, #tpu.memory_space<hbm>>
    %dma_start3A_7 = tpu.memref_squeeze %dma_start3A_6 : memref<1x10000xi32, #tpu.memory_space<hbm>> -> memref<10000xi32, #tpu.memory_space<hbm>>
    tpu.enqueue_dma source(%dma_start3A_7 : memref<10000xi32, #tpu.memory_space<hbm>>) target(%arg7 : memref<10000xi32, #tpu.memory_space<vmem>>) target_semaphore(%arg12 : memref<!tpu.dma_semaphore, #tpu.memory_space<semaphore_mem>>)
    %dma_start3A_8 = arith.constant 0 : i32
    %dma_start3A_9 = tpu.memref_slice %arg4[%add3A, %dma_start3A_8] : memref<32x10000xi32, #tpu.memory_space<hbm>> -> memref<1x10000xi32, #tpu.memory_space<hbm>>
    %dma_start3A_10 = tpu.memref_squeeze %dma_start3A_9 : memref<1x10000xi32, #tpu.memory_space<hbm>> -> memref<10000xi32, #tpu.memory_space<hbm>>
    %dma_start3A_11 = arith.constant 0 : i32
    %dma_start3A_12 = tpu.memref_slice %arg4[%add3A, %dma_start3A_11] : memref<32x10000xi32, #tpu.memory_space<hbm>> -> memref<1x10000xi32, #tpu.memory_space<hbm>>
    %dma_start3A_13 = tpu.memref_squeeze %dma_start3A_12 : memref<1x10000xi32, #tpu.memory_space<hbm>> -> memref<10000xi32, #tpu.memory_space<hbm>>
    tpu.enqueue_dma source(%dma_start3A_13 : memref<10000xi32, #tpu.memory_space<hbm>>) target(%arg8 : memref<10000xi32, #tpu.memory_space<vmem>>) target_semaphore(%arg12 : memref<!tpu.dma_semaphore, #tpu.memory_space<semaphore_mem>>)
    %dma_start3A_14 = arith.constant 0 : i32
    %dma_start3A_15 = tpu.memref_slice %arg10[%mul3A_2, %dma_start3A_14] : memref<10240x64xf32, #tpu.memory_space<vmem_shared>> -> memref<640x64xf32, #tpu.memory_space<vmem_shared>>
    %dma_start3A_16 = arith.constant 0 : i32
    %dma_start3A_17 = tpu.memref_slice %arg5[%mul3A_2, %dma_start3A_16] : memref<10240x64xf32, #tpu.memory_space<hbm>> -> memref<640x64xf32, #tpu.memory_space<hbm>>
    tpu.enqueue_dma source(%dma_start3A_17 : memref<640x64xf32, #tpu.memory_space<hbm>>) target(%dma_start3A_15 : memref<640x64xf32, #tpu.memory_space<vmem_shared>>) target_semaphore(%arg12 : memref<!tpu.dma_semaphore, #tpu.memory_space<semaphore_mem>>)
    %dma_wait3A = arith.constant 0 : i32
    %dma_wait3A_18 = tpu.memref_slice %arg3[%add3A, %dma_wait3A] : memref<32x10000xi32, #tpu.memory_space<hbm>> -> memref<1x10000xi32, #tpu.memory_space<hbm>>
    %dma_wait3A_19 = tpu.memref_squeeze %dma_wait3A_18 : memref<1x10000xi32, #tpu.memory_space<hbm>> -> memref<10000xi32, #tpu.memory_space<hbm>>
    %dma_wait3A_20 = arith.constant 0 : i32
    %dma_wait3A_21 = tpu.memref_slice %arg3[%add3A, %dma_wait3A_20] : memref<32x10000xi32, #tpu.memory_space<hbm>> -> memref<1x10000xi32, #tpu.memory_space<hbm>>
    %dma_wait3A_22 = tpu.memref_squeeze %dma_wait3A_21 : memref<1x10000xi32, #tpu.memory_space<hbm>> -> memref<10000xi32, #tpu.memory_space<hbm>>
    tpu.wait_dma2 semaphore(%arg12 : memref<!tpu.dma_semaphore, #tpu.memory_space<semaphore_mem>>) src(%dma_wait3A_22 : memref<10000xi32, #tpu.memory_space<hbm>>) dst(%arg7 : memref<10000xi32, #tpu.memory_space<vmem>>)
    %dma_wait3A_23 = arith.constant 0 : i32
    %dma_wait3A_24 = tpu.memref_slice %arg4[%add3A, %dma_wait3A_23] : memref<32x10000xi32, #tpu.memory_space<hbm>> -> memref<1x10000xi32, #tpu.memory_space<hbm>>
    %dma_wait3A_25 = tpu.memref_squeeze %dma_wait3A_24 : memref<1x10000xi32, #tpu.memory_space<hbm>> -> memref<10000xi32, #tpu.memory_space<hbm>>
    %dma_wait3A_26 = arith.constant 0 : i32
    %dma_wait3A_27 = tpu.memref_slice %arg4[%add3A, %dma_wait3A_26] : memref<32x10000xi32, #tpu.memory_space<hbm>> -> memref<1x10000xi32, #tpu.memory_space<hbm>>
    %dma_wait3A_28 = tpu.memref_squeeze %dma_wait3A_27 : memref<1x10000xi32, #tpu.memory_space<hbm>> -> memref<10000xi32, #tpu.memory_space<hbm>>
    tpu.wait_dma2 semaphore(%arg12 : memref<!tpu.dma_semaphore, #tpu.memory_space<semaphore_mem>>) src(%dma_wait3A_28 : memref<10000xi32, #tpu.memory_space<hbm>>) dst(%arg8 : memref<10000xi32, #tpu.memory_space<vmem>>)
    %dma_wait3A_29 = arith.constant 0 : i32
    %dma_wait3A_30 = tpu.memref_slice %arg10[%mul3A_2, %dma_wait3A_29] : memref<10240x64xf32, #tpu.memory_space<vmem_shared>> -> memref<640x64xf32, #tpu.memory_space<vmem_shared>>
    %dma_wait3A_31 = arith.constant 0 : i32
    %dma_wait3A_32 = tpu.memref_slice %arg5[%mul3A_2, %dma_wait3A_31] : memref<10240x64xf32, #tpu.memory_space<hbm>> -> memref<640x64xf32, #tpu.memory_space<hbm>>
    tpu.wait_dma2 semaphore(%arg12 : memref<!tpu.dma_semaphore, #tpu.memory_space<semaphore_mem>>) src(%dma_wait3A_32 : memref<640x64xf32, #tpu.memory_space<hbm>>) dst(%dma_wait3A_30 : memref<640x64xf32, #tpu.memory_space<vmem_shared>>)
    %barrier3A = arith.constant 0 : index
    tpu.barrier barrier_id(%barrier3A)
    %scan3A = arith.constant 0 : i32
    %scan3A_33 = arith.constant 0 : i32
    %scan3A_34 = arith.constant 10 : i32
    %scan3A_35 = arith.addi %scan3A_33, %scan3A_34 : i32
    %scan3A_36 = arith.constant 1 : i32
    scf.for %scan3A_39 = %scan3A_33 to %scan3A_35 step %scan3A_36  : i32 {
      %mul3A_40 = arith.constant 1000 : i32
      %mul3A_41 = arith.muli %scan3A_39, %mul3A_40 : i32
      %dma_start3A_42 = tpu.memref_slice %arg7[%mul3A_41] : memref<10000xi32, #tpu.memory_space<vmem>> -> memref<1000xi32, #tpu.memory_space<vmem>>
      %dma_start3A_43 = arith.constant 0 : i32
      %dma_start3A_44 = arith.constant 0 : i32
      %dma_start3A_45 = tpu.memref_slice %arg2[%dma_start3A_43, %dma_start3A_44] : memref<10240x64xf32, #tpu.memory_space<hbm>> -> memref<10240x64xf32, #tpu.memory_space<hbm>>
      tpu.enqueue_indirect_dma source(%dma_start3A_45 : memref<10240x64xf32, #tpu.memory_space<hbm>>) target(%arg9 : memref<1000x64xf32, #tpu.memory_space<vmem>>) offsets(%dma_start3A_42 : memref<1000xi32, #tpu.memory_space<vmem>>) semaphore(%arg11 : memref<!tpu.dma_semaphore, #tpu.memory_space<semaphore_mem>>)
      %dma_wait3A_46 = tpu.memref_slice %arg7[%mul3A_41] : memref<10000xi32, #tpu.memory_space<vmem>> -> memref<1000xi32, #tpu.memory_space<vmem>>
      %dma_wait3A_47 = arith.constant 0 : i32
      %dma_wait3A_48 = arith.constant 0 : i32
      %dma_wait3A_49 = tpu.memref_slice %arg2[%dma_wait3A_47, %dma_wait3A_48] : memref<10240x64xf32, #tpu.memory_space<hbm>> -> memref<10240x64xf32, #tpu.memory_space<hbm>>
      tpu.wait_indirect_dma semaphore(%arg11 : memref<!tpu.dma_semaphore, #tpu.memory_space<semaphore_mem>>) src(%dma_wait3A_49 : memref<10240x64xf32, #tpu.memory_space<hbm>>) dst(%arg9 : memref<1000x64xf32, #tpu.memory_space<vmem>>)
      %mul3A_50 = arith.constant 1000 : i32
      %mul3A_51 = arith.muli %scan3A_39, %mul3A_50 : i32
      "tpu.region"() ({
        %run_scoped3A = tpu.sem_alloc : memref<!tpu.dma_semaphore, #tpu.memory_space<semaphore_mem>>
        %dma_start3A_52 = tpu.memref_slice %arg8[%mul3A_51] : memref<10000xi32, #tpu.memory_space<vmem>> -> memref<1000xi32, #tpu.memory_space<vmem>>
        %dma_start3A_53 = arith.constant 0 : i32
        %dma_start3A_54 = arith.constant 0 : i32
        %dma_start3A_55 = tpu.memref_slice %arg10[%dma_start3A_53, %dma_start3A_54] : memref<10240x64xf32, #tpu.memory_space<vmem_shared>> -> memref<10240x64xf32, #tpu.memory_space<vmem_shared>>
        tpu.enqueue_indirect_dma source(%arg9 : memref<1000x64xf32, #tpu.memory_space<vmem>>) target(%dma_start3A_55 : memref<10240x64xf32, #tpu.memory_space<vmem_shared>>) offsets(%dma_start3A_52 : memref<1000xi32, #tpu.memory_space<vmem>>) semaphore(%run_scoped3A : memref<!tpu.dma_semaphore, #tpu.memory_space<semaphore_mem>>) {add = true}
        %dma_wait3A_56 = tpu.memref_slice %arg8[%mul3A_51] : memref<10000xi32, #tpu.memory_space<vmem>> -> memref<1000xi32, #tpu.memory_space<vmem>>
        %dma_wait3A_57 = arith.constant 0 : i32
        %dma_wait3A_58 = arith.constant 0 : i32
        %dma_wait3A_59 = tpu.memref_slice %arg10[%dma_wait3A_57, %dma_wait3A_58] : memref<10240x64xf32, #tpu.memory_space<vmem_shared>> -> memref<10240x64xf32, #tpu.memory_space<vmem_shared>>
        tpu.wait_indirect_dma semaphore(%run_scoped3A : memref<!tpu.dma_semaphore, #tpu.memory_space<semaphore_mem>>) src(%arg9 : memref<1000x64xf32, #tpu.memory_space<vmem>>) dst(%dma_wait3A_59 : memref<10240x64xf32, #tpu.memory_space<vmem_shared>>)
        tpu.yield
      }) : () -> ()
    }
    %scan3A_37 = arith.constant 10 : i32
    %barrier3A_38 = arith.constant 0 : index
    tpu.barrier barrier_id(%barrier3A_38)
    "tpu.region"() ({
      %run_scoped3A = tpu.sem_alloc : memref<!tpu.dma_semaphore, #tpu.memory_space<semaphore_mem>>
      %dma_start3A_39 = arith.constant 0 : i32
      %dma_start3A_40 = arith.constant 0 : i32
      %dma_start3A_41 = tpu.memref_slice %arg6[%arg0, %dma_start3A_39, %dma_start3A_40] : memref<2x10240x64xf32, #tpu.memory_space<hbm>> -> memref<1x10240x64xf32, #tpu.memory_space<hbm>>
      %dma_start3A_42 = tpu.memref_squeeze %dma_start3A_41 : memref<1x10240x64xf32, #tpu.memory_space<hbm>> -> memref<10240x64xf32, #tpu.memory_space<hbm>>
      %dma_start3A_43 = arith.constant 0 : i32
      %dma_start3A_44 = tpu.memref_slice %dma_start3A_42[%mul3A_2, %dma_start3A_43] : memref<10240x64xf32, #tpu.memory_space<hbm>> -> memref<640x64xf32, #tpu.memory_space<hbm>>
      %dma_start3A_45 = arith.constant 0 : i32
      %dma_start3A_46 = tpu.memref_slice %arg10[%mul3A_2, %dma_start3A_45] : memref<10240x64xf32, #tpu.memory_space<vmem_shared>> -> memref<640x64xf32, #tpu.memory_space<vmem_shared>>
      tpu.enqueue_dma source(%dma_start3A_46 : memref<640x64xf32, #tpu.memory_space<vmem_shared>>) target(%dma_start3A_44 : memref<640x64xf32, #tpu.memory_space<hbm>>) target_semaphore(%run_scoped3A : memref<!tpu.dma_semaphore, #tpu.memory_space<semaphore_mem>>)
      %dma_wait3A_47 = arith.constant 0 : i32
      %dma_wait3A_48 = arith.constant 0 : i32
      %dma_wait3A_49 = tpu.memref_slice %arg6[%arg0, %dma_wait3A_47, %dma_wait3A_48] : memref<2x10240x64xf32, #tpu.memory_space<hbm>> -> memref<1x10240x64xf32, #tpu.memory_space<hbm>>
      %dma_wait3A_50 = tpu.memref_squeeze %dma_wait3A_49 : memref<1x10240x64xf32, #tpu.memory_space<hbm>> -> memref<10240x64xf32, #tpu.memory_space<hbm>>
      %dma_wait3A_51 = arith.constant 0 : i32
      %dma_wait3A_52 = tpu.memref_slice %dma_wait3A_50[%mul3A_2, %dma_wait3A_51] : memref<10240x64xf32, #tpu.memory_space<hbm>> -> memref<640x64xf32, #tpu.memory_space<hbm>>
      %dma_wait3A_53 = arith.constant 0 : i32
      %dma_wait3A_54 = tpu.memref_slice %arg10[%mul3A_2, %dma_wait3A_53] : memref<10240x64xf32, #tpu.memory_space<vmem_shared>> -> memref<640x64xf32, #tpu.memory_space<vmem_shared>>
      tpu.wait_dma2 semaphore(%run_scoped3A : memref<!tpu.dma_semaphore, #tpu.memory_space<semaphore_mem>>) src(%dma_wait3A_54 : memref<640x64xf32, #tpu.memory_space<vmem_shared>>) dst(%dma_wait3A_52 : memref<640x64xf32, #tpu.memory_space<hbm>>)
      tpu.yield
    }) : () -> ()
    return
  }
}

#map = affine_map<(d0, d1) -> (0, 0)>
#map1 = affine_map<(d0, d1) -> (0, 0, 0)>
module attributes {stable_mosaic.version = 14 : i64} {
  func.func @_deg_kernel(%arg0: i32, %arg1: i32, %arg2: memref<32x10000xi32, #tpu.memory_space<hbm>>, %arg3: memref<1000x16xf32, #tpu.memory_space<hbm>>, %arg4: memref<10240x16xf32, #tpu.memory_space<hbm>>, %arg5: memref<2x10240x16xf32, #tpu.memory_space<hbm>>, %arg6: memref<10000xi32, #tpu.memory_space<vmem>>, %arg7: memref<1000x16xf32, #tpu.memory_space<vmem>>, %arg8: memref<10240x16xf32, #tpu.memory_space<vmem_shared>>) attributes {dimension_semantics = [#tpu.dimension_semantics<core_parallel>, #tpu.dimension_semantics<subcore_parallel>], iteration_bounds = array<i64: 2, 16>, scalar_prefetch = 0 : i64, scratch_operands = 3 : i64, tpu.core_type = #tpu.core_type<sc_vector_subcore>, window_params = [{transform_indices = #map}, {transform_indices = #map}, {transform_indices = #map}, {transform_indices = #map1}]} {
    %mul3A = arith.constant 16 : i32
    %mul3A_0 = arith.muli %arg0, %mul3A : i32
    %add3A = arith.addi %mul3A_0, %arg1 : i32
    "tpu.region"() ({
      %run_scoped3A = tpu.sem_alloc : memref<!tpu.dma_semaphore, #tpu.memory_space<semaphore_mem>>
      %dma_start3A = arith.constant 0 : i32
      %dma_start3A_9 = tpu.memref_slice %arg2[%add3A, %dma_start3A] : memref<32x10000xi32, #tpu.memory_space<hbm>> -> memref<1x10000xi32, #tpu.memory_space<hbm>>
      %dma_start3A_10 = tpu.memref_squeeze %dma_start3A_9 : memref<1x10000xi32, #tpu.memory_space<hbm>> -> memref<10000xi32, #tpu.memory_space<hbm>>
      %dma_start3A_11 = arith.constant 0 : i32
      %dma_start3A_12 = tpu.memref_slice %arg2[%add3A, %dma_start3A_11] : memref<32x10000xi32, #tpu.memory_space<hbm>> -> memref<1x10000xi32, #tpu.memory_space<hbm>>
      %dma_start3A_13 = tpu.memref_squeeze %dma_start3A_12 : memref<1x10000xi32, #tpu.memory_space<hbm>> -> memref<10000xi32, #tpu.memory_space<hbm>>
      tpu.enqueue_dma source(%dma_start3A_13 : memref<10000xi32, #tpu.memory_space<hbm>>) target(%arg6 : memref<10000xi32, #tpu.memory_space<vmem>>) target_semaphore(%run_scoped3A : memref<!tpu.dma_semaphore, #tpu.memory_space<semaphore_mem>>)
      %dma_wait3A = arith.constant 0 : i32
      %dma_wait3A_14 = tpu.memref_slice %arg2[%add3A, %dma_wait3A] : memref<32x10000xi32, #tpu.memory_space<hbm>> -> memref<1x10000xi32, #tpu.memory_space<hbm>>
      %dma_wait3A_15 = tpu.memref_squeeze %dma_wait3A_14 : memref<1x10000xi32, #tpu.memory_space<hbm>> -> memref<10000xi32, #tpu.memory_space<hbm>>
      %dma_wait3A_16 = arith.constant 0 : i32
      %dma_wait3A_17 = tpu.memref_slice %arg2[%add3A, %dma_wait3A_16] : memref<32x10000xi32, #tpu.memory_space<hbm>> -> memref<1x10000xi32, #tpu.memory_space<hbm>>
      %dma_wait3A_18 = tpu.memref_squeeze %dma_wait3A_17 : memref<1x10000xi32, #tpu.memory_space<hbm>> -> memref<10000xi32, #tpu.memory_space<hbm>>
      tpu.wait_dma2 semaphore(%run_scoped3A : memref<!tpu.dma_semaphore, #tpu.memory_space<semaphore_mem>>) src(%dma_wait3A_18 : memref<10000xi32, #tpu.memory_space<hbm>>) dst(%arg6 : memref<10000xi32, #tpu.memory_space<vmem>>)
      tpu.yield
    }) : () -> ()
    "tpu.region"() ({
      %run_scoped3A = tpu.sem_alloc : memref<!tpu.dma_semaphore, #tpu.memory_space<semaphore_mem>>
      tpu.enqueue_dma source(%arg3 : memref<1000x16xf32, #tpu.memory_space<hbm>>) target(%arg7 : memref<1000x16xf32, #tpu.memory_space<vmem>>) target_semaphore(%run_scoped3A : memref<!tpu.dma_semaphore, #tpu.memory_space<semaphore_mem>>)
      tpu.wait_dma2 semaphore(%run_scoped3A : memref<!tpu.dma_semaphore, #tpu.memory_space<semaphore_mem>>) src(%arg3 : memref<1000x16xf32, #tpu.memory_space<hbm>>) dst(%arg7 : memref<1000x16xf32, #tpu.memory_space<vmem>>)
      tpu.yield
    }) : () -> ()
    %mul3A_1 = arith.constant 640 : i32
    %mul3A_2 = arith.muli %arg1, %mul3A_1 : i32
    "tpu.region"() ({
      %run_scoped3A = tpu.sem_alloc : memref<!tpu.dma_semaphore, #tpu.memory_space<semaphore_mem>>
      %dma_start3A = arith.constant 0 : i32
      %dma_start3A_9 = tpu.memref_slice %arg8[%mul3A_2, %dma_start3A] : memref<10240x16xf32, #tpu.memory_space<vmem_shared>> -> memref<640x16xf32, #tpu.memory_space<vmem_shared>>
      %dma_start3A_10 = arith.constant 0 : i32
      %dma_start3A_11 = tpu.memref_slice %arg4[%mul3A_2, %dma_start3A_10] : memref<10240x16xf32, #tpu.memory_space<hbm>> -> memref<640x16xf32, #tpu.memory_space<hbm>>
      tpu.enqueue_dma source(%dma_start3A_11 : memref<640x16xf32, #tpu.memory_space<hbm>>) target(%dma_start3A_9 : memref<640x16xf32, #tpu.memory_space<vmem_shared>>) target_semaphore(%run_scoped3A : memref<!tpu.dma_semaphore, #tpu.memory_space<semaphore_mem>>)
      %dma_wait3A = arith.constant 0 : i32
      %dma_wait3A_12 = tpu.memref_slice %arg8[%mul3A_2, %dma_wait3A] : memref<10240x16xf32, #tpu.memory_space<vmem_shared>> -> memref<640x16xf32, #tpu.memory_space<vmem_shared>>
      %dma_wait3A_13 = arith.constant 0 : i32
      %dma_wait3A_14 = tpu.memref_slice %arg4[%mul3A_2, %dma_wait3A_13] : memref<10240x16xf32, #tpu.memory_space<hbm>> -> memref<640x16xf32, #tpu.memory_space<hbm>>
      tpu.wait_dma2 semaphore(%run_scoped3A : memref<!tpu.dma_semaphore, #tpu.memory_space<semaphore_mem>>) src(%dma_wait3A_14 : memref<640x16xf32, #tpu.memory_space<hbm>>) dst(%dma_wait3A_12 : memref<640x16xf32, #tpu.memory_space<vmem_shared>>)
      tpu.yield
    }) : () -> ()
    %barrier3A = arith.constant 0 : index
    tpu.barrier barrier_id(%barrier3A)
    %scan3A = arith.constant 0 : i32
    %scan3A_3 = arith.constant 0 : i32
    %scan3A_4 = arith.constant 10 : i32
    %scan3A_5 = arith.addi %scan3A_3, %scan3A_4 : i32
    %scan3A_6 = arith.constant 1 : i32
    scf.for %scan3A_9 = %scan3A_3 to %scan3A_5 step %scan3A_6  : i32 {
      %mul3A_10 = arith.constant 1000 : i32
      %mul3A_11 = arith.muli %scan3A_9, %mul3A_10 : i32
      "tpu.region"() ({
        %run_scoped3A = tpu.sem_alloc : memref<!tpu.dma_semaphore, #tpu.memory_space<semaphore_mem>>
        %dma_start3A = tpu.memref_slice %arg6[%mul3A_11] : memref<10000xi32, #tpu.memory_space<vmem>> -> memref<1000xi32, #tpu.memory_space<vmem>>
        %dma_start3A_12 = arith.constant 0 : i32
        %dma_start3A_13 = arith.constant 0 : i32
        %dma_start3A_14 = tpu.memref_slice %arg8[%dma_start3A_12, %dma_start3A_13] : memref<10240x16xf32, #tpu.memory_space<vmem_shared>> -> memref<10240x16xf32, #tpu.memory_space<vmem_shared>>
        tpu.enqueue_indirect_dma source(%arg7 : memref<1000x16xf32, #tpu.memory_space<vmem>>) target(%dma_start3A_14 : memref<10240x16xf32, #tpu.memory_space<vmem_shared>>) offsets(%dma_start3A : memref<1000xi32, #tpu.memory_space<vmem>>) semaphore(%run_scoped3A : memref<!tpu.dma_semaphore, #tpu.memory_space<semaphore_mem>>) {add = true}
        %dma_wait3A = tpu.memref_slice %arg6[%mul3A_11] : memref<10000xi32, #tpu.memory_space<vmem>> -> memref<1000xi32, #tpu.memory_space<vmem>>
        %dma_wait3A_15 = arith.constant 0 : i32
        %dma_wait3A_16 = arith.constant 0 : i32
        %dma_wait3A_17 = tpu.memref_slice %arg8[%dma_wait3A_15, %dma_wait3A_16] : memref<10240x16xf32, #tpu.memory_space<vmem_shared>> -> memref<10240x16xf32, #tpu.memory_space<vmem_shared>>
        tpu.wait_indirect_dma semaphore(%run_scoped3A : memref<!tpu.dma_semaphore, #tpu.memory_space<semaphore_mem>>) src(%arg7 : memref<1000x16xf32, #tpu.memory_space<vmem>>) dst(%dma_wait3A_17 : memref<10240x16xf32, #tpu.memory_space<vmem_shared>>)
        tpu.yield
      }) : () -> ()
    }
    %scan3A_7 = arith.constant 10 : i32
    %barrier3A_8 = arith.constant 0 : index
    tpu.barrier barrier_id(%barrier3A_8)
    "tpu.region"() ({
      %run_scoped3A = tpu.sem_alloc : memref<!tpu.dma_semaphore, #tpu.memory_space<semaphore_mem>>
      %dma_start3A = arith.constant 0 : i32
      %dma_start3A_9 = arith.constant 0 : i32
      %dma_start3A_10 = tpu.memref_slice %arg5[%arg0, %dma_start3A, %dma_start3A_9] : memref<2x10240x16xf32, #tpu.memory_space<hbm>> -> memref<1x10240x16xf32, #tpu.memory_space<hbm>>
      %dma_start3A_11 = tpu.memref_squeeze %dma_start3A_10 : memref<1x10240x16xf32, #tpu.memory_space<hbm>> -> memref<10240x16xf32, #tpu.memory_space<hbm>>
      %dma_start3A_12 = arith.constant 0 : i32
      %dma_start3A_13 = tpu.memref_slice %dma_start3A_11[%mul3A_2, %dma_start3A_12] : memref<10240x16xf32, #tpu.memory_space<hbm>> -> memref<640x16xf32, #tpu.memory_space<hbm>>
      %dma_start3A_14 = arith.constant 0 : i32
      %dma_start3A_15 = tpu.memref_slice %arg8[%mul3A_2, %dma_start3A_14] : memref<10240x16xf32, #tpu.memory_space<vmem_shared>> -> memref<640x16xf32, #tpu.memory_space<vmem_shared>>
      tpu.enqueue_dma source(%dma_start3A_15 : memref<640x16xf32, #tpu.memory_space<vmem_shared>>) target(%dma_start3A_13 : memref<640x16xf32, #tpu.memory_space<hbm>>) target_semaphore(%run_scoped3A : memref<!tpu.dma_semaphore, #tpu.memory_space<semaphore_mem>>)
      %dma_wait3A = arith.constant 0 : i32
      %dma_wait3A_16 = arith.constant 0 : i32
      %dma_wait3A_17 = tpu.memref_slice %arg5[%arg0, %dma_wait3A, %dma_wait3A_16] : memref<2x10240x16xf32, #tpu.memory_space<hbm>> -> memref<1x10240x16xf32, #tpu.memory_space<hbm>>
      %dma_wait3A_18 = tpu.memref_squeeze %dma_wait3A_17 : memref<1x10240x16xf32, #tpu.memory_space<hbm>> -> memref<10240x16xf32, #tpu.memory_space<hbm>>
      %dma_wait3A_19 = arith.constant 0 : i32
      %dma_wait3A_20 = tpu.memref_slice %dma_wait3A_18[%mul3A_2, %dma_wait3A_19] : memref<10240x16xf32, #tpu.memory_space<hbm>> -> memref<640x16xf32, #tpu.memory_space<hbm>>
      %dma_wait3A_21 = arith.constant 0 : i32
      %dma_wait3A_22 = tpu.memref_slice %arg8[%mul3A_2, %dma_wait3A_21] : memref<10240x16xf32, #tpu.memory_space<vmem_shared>> -> memref<640x16xf32, #tpu.memory_space<vmem_shared>>
      tpu.wait_dma2 semaphore(%run_scoped3A : memref<!tpu.dma_semaphore, #tpu.memory_space<semaphore_mem>>) src(%dma_wait3A_22 : memref<640x16xf32, #tpu.memory_space<vmem_shared>>) dst(%dma_wait3A_20 : memref<640x16xf32, #tpu.memory_space<hbm>>)
      tpu.yield
    }) : () -> ()
    return
  }
}

#map = affine_map<(d0, d1) -> (0, 0)>
#map1 = affine_map<(d0, d1) -> (0, 0, 0)>
module attributes {stable_mosaic.version = 14 : i64} {
  func.func @_prop_kernel(%arg0: i32, %arg1: i32, %arg2: memref<10240x64xf32, #tpu.memory_space<hbm>>, %arg3: memref<32x10000xi32, #tpu.memory_space<hbm>>, %arg4: memref<32x10000xi32, #tpu.memory_space<hbm>>, %arg5: memref<10240x64xf32, #tpu.memory_space<hbm>>, %arg6: memref<2x10240x64xf32, #tpu.memory_space<hbm>>, %arg7: memref<10000xi32, #tpu.memory_space<vmem>>, %arg8: memref<10000xi32, #tpu.memory_space<vmem>>, %arg9: memref<1000x64xf32, #tpu.memory_space<vmem>>, %arg10: memref<10240x64xf32, #tpu.memory_space<vmem_shared>>, %arg11: memref<!tpu.dma_semaphore, #tpu.memory_space<semaphore_mem>>, %arg12: memref<!tpu.dma_semaphore, #tpu.memory_space<semaphore_mem>>) attributes {dimension_semantics = [#tpu.dimension_semantics<core_parallel>, #tpu.dimension_semantics<subcore_parallel>], iteration_bounds = array<i64: 2, 16>, scalar_prefetch = 0 : i64, scratch_operands = 6 : i64, tpu.core_type = #tpu.core_type<sc_vector_subcore>, window_params = [{transform_indices = #map}, {transform_indices = #map}, {transform_indices = #map}, {transform_indices = #map}, {transform_indices = #map1}]} {
    %mul3A = arith.constant 16 : i32
    %mul3A_0 = arith.muli %arg0, %mul3A : i32
    %add3A = arith.addi %mul3A_0, %arg1 : i32
    %mul3A_1 = arith.constant 640 : i32
    %mul3A_2 = arith.muli %arg1, %mul3A_1 : i32
    %dma_start3A = arith.constant 0 : i32
    %dma_start3A_3 = tpu.memref_slice %arg3[%add3A, %dma_start3A] : memref<32x10000xi32, #tpu.memory_space<hbm>> -> memref<1x10000xi32, #tpu.memory_space<hbm>>
    %dma_start3A_4 = tpu.memref_squeeze %dma_start3A_3 : memref<1x10000xi32, #tpu.memory_space<hbm>> -> memref<10000xi32, #tpu.memory_space<hbm>>
    %dma_start3A_5 = arith.constant 0 : i32
    %dma_start3A_6 = tpu.memref_slice %arg3[%add3A, %dma_start3A_5] : memref<32x10000xi32, #tpu.memory_space<hbm>> -> memref<1x10000xi32, #tpu.memory_space<hbm>>
    %dma_start3A_7 = tpu.memref_squeeze %dma_start3A_6 : memref<1x10000xi32, #tpu.memory_space<hbm>> -> memref<10000xi32, #tpu.memory_space<hbm>>
    tpu.enqueue_dma source(%dma_start3A_7 : memref<10000xi32, #tpu.memory_space<hbm>>) target(%arg7 : memref<10000xi32, #tpu.memory_space<vmem>>) target_semaphore(%arg12 : memref<!tpu.dma_semaphore, #tpu.memory_space<semaphore_mem>>)
    %dma_start3A_8 = arith.constant 0 : i32
    %dma_start3A_9 = tpu.memref_slice %arg4[%add3A, %dma_start3A_8] : memref<32x10000xi32, #tpu.memory_space<hbm>> -> memref<1x10000xi32, #tpu.memory_space<hbm>>
    %dma_start3A_10 = tpu.memref_squeeze %dma_start3A_9 : memref<1x10000xi32, #tpu.memory_space<hbm>> -> memref<10000xi32, #tpu.memory_space<hbm>>
    %dma_start3A_11 = arith.constant 0 : i32
    %dma_start3A_12 = tpu.memref_slice %arg4[%add3A, %dma_start3A_11] : memref<32x10000xi32, #tpu.memory_space<hbm>> -> memref<1x10000xi32, #tpu.memory_space<hbm>>
    %dma_start3A_13 = tpu.memref_squeeze %dma_start3A_12 : memref<1x10000xi32, #tpu.memory_space<hbm>> -> memref<10000xi32, #tpu.memory_space<hbm>>
    tpu.enqueue_dma source(%dma_start3A_13 : memref<10000xi32, #tpu.memory_space<hbm>>) target(%arg8 : memref<10000xi32, #tpu.memory_space<vmem>>) target_semaphore(%arg12 : memref<!tpu.dma_semaphore, #tpu.memory_space<semaphore_mem>>)
    %dma_start3A_14 = arith.constant 0 : i32
    %dma_start3A_15 = tpu.memref_slice %arg10[%mul3A_2, %dma_start3A_14] : memref<10240x64xf32, #tpu.memory_space<vmem_shared>> -> memref<640x64xf32, #tpu.memory_space<vmem_shared>>
    %dma_start3A_16 = arith.constant 0 : i32
    %dma_start3A_17 = tpu.memref_slice %arg5[%mul3A_2, %dma_start3A_16] : memref<10240x64xf32, #tpu.memory_space<hbm>> -> memref<640x64xf32, #tpu.memory_space<hbm>>
    tpu.enqueue_dma source(%dma_start3A_17 : memref<640x64xf32, #tpu.memory_space<hbm>>) target(%dma_start3A_15 : memref<640x64xf32, #tpu.memory_space<vmem_shared>>) target_semaphore(%arg12 : memref<!tpu.dma_semaphore, #tpu.memory_space<semaphore_mem>>)
    %dma_wait3A = arith.constant 0 : i32
    %dma_wait3A_18 = tpu.memref_slice %arg3[%add3A, %dma_wait3A] : memref<32x10000xi32, #tpu.memory_space<hbm>> -> memref<1x10000xi32, #tpu.memory_space<hbm>>
    %dma_wait3A_19 = tpu.memref_squeeze %dma_wait3A_18 : memref<1x10000xi32, #tpu.memory_space<hbm>> -> memref<10000xi32, #tpu.memory_space<hbm>>
    %dma_wait3A_20 = arith.constant 0 : i32
    %dma_wait3A_21 = tpu.memref_slice %arg3[%add3A, %dma_wait3A_20] : memref<32x10000xi32, #tpu.memory_space<hbm>> -> memref<1x10000xi32, #tpu.memory_space<hbm>>
    %dma_wait3A_22 = tpu.memref_squeeze %dma_wait3A_21 : memref<1x10000xi32, #tpu.memory_space<hbm>> -> memref<10000xi32, #tpu.memory_space<hbm>>
    tpu.wait_dma2 semaphore(%arg12 : memref<!tpu.dma_semaphore, #tpu.memory_space<semaphore_mem>>) src(%dma_wait3A_22 : memref<10000xi32, #tpu.memory_space<hbm>>) dst(%arg7 : memref<10000xi32, #tpu.memory_space<vmem>>)
    %dma_wait3A_23 = arith.constant 0 : i32
    %dma_wait3A_24 = tpu.memref_slice %arg4[%add3A, %dma_wait3A_23] : memref<32x10000xi32, #tpu.memory_space<hbm>> -> memref<1x10000xi32, #tpu.memory_space<hbm>>
    %dma_wait3A_25 = tpu.memref_squeeze %dma_wait3A_24 : memref<1x10000xi32, #tpu.memory_space<hbm>> -> memref<10000xi32, #tpu.memory_space<hbm>>
    %dma_wait3A_26 = arith.constant 0 : i32
    %dma_wait3A_27 = tpu.memref_slice %arg4[%add3A, %dma_wait3A_26] : memref<32x10000xi32, #tpu.memory_space<hbm>> -> memref<1x10000xi32, #tpu.memory_space<hbm>>
    %dma_wait3A_28 = tpu.memref_squeeze %dma_wait3A_27 : memref<1x10000xi32, #tpu.memory_space<hbm>> -> memref<10000xi32, #tpu.memory_space<hbm>>
    tpu.wait_dma2 semaphore(%arg12 : memref<!tpu.dma_semaphore, #tpu.memory_space<semaphore_mem>>) src(%dma_wait3A_28 : memref<10000xi32, #tpu.memory_space<hbm>>) dst(%arg8 : memref<10000xi32, #tpu.memory_space<vmem>>)
    %dma_wait3A_29 = arith.constant 0 : i32
    %dma_wait3A_30 = tpu.memref_slice %arg10[%mul3A_2, %dma_wait3A_29] : memref<10240x64xf32, #tpu.memory_space<vmem_shared>> -> memref<640x64xf32, #tpu.memory_space<vmem_shared>>
    %dma_wait3A_31 = arith.constant 0 : i32
    %dma_wait3A_32 = tpu.memref_slice %arg5[%mul3A_2, %dma_wait3A_31] : memref<10240x64xf32, #tpu.memory_space<hbm>> -> memref<640x64xf32, #tpu.memory_space<hbm>>
    tpu.wait_dma2 semaphore(%arg12 : memref<!tpu.dma_semaphore, #tpu.memory_space<semaphore_mem>>) src(%dma_wait3A_32 : memref<640x64xf32, #tpu.memory_space<hbm>>) dst(%dma_wait3A_30 : memref<640x64xf32, #tpu.memory_space<vmem_shared>>)
    %barrier3A = arith.constant 0 : index
    tpu.barrier barrier_id(%barrier3A)
    %scan3A = arith.constant 0 : i32
    %scan3A_33 = arith.constant 0 : i32
    %scan3A_34 = arith.constant 10 : i32
    %scan3A_35 = arith.addi %scan3A_33, %scan3A_34 : i32
    %scan3A_36 = arith.constant 1 : i32
    scf.for %scan3A_39 = %scan3A_33 to %scan3A_35 step %scan3A_36  : i32 {
      %mul3A_40 = arith.constant 1000 : i32
      %mul3A_41 = arith.muli %scan3A_39, %mul3A_40 : i32
      %dma_start3A_42 = tpu.memref_slice %arg7[%mul3A_41] : memref<10000xi32, #tpu.memory_space<vmem>> -> memref<1000xi32, #tpu.memory_space<vmem>>
      %dma_start3A_43 = arith.constant 0 : i32
      %dma_start3A_44 = arith.constant 0 : i32
      %dma_start3A_45 = tpu.memref_slice %arg2[%dma_start3A_43, %dma_start3A_44] : memref<10240x64xf32, #tpu.memory_space<hbm>> -> memref<10240x64xf32, #tpu.memory_space<hbm>>
      tpu.enqueue_indirect_dma source(%dma_start3A_45 : memref<10240x64xf32, #tpu.memory_space<hbm>>) target(%arg9 : memref<1000x64xf32, #tpu.memory_space<vmem>>) offsets(%dma_start3A_42 : memref<1000xi32, #tpu.memory_space<vmem>>) semaphore(%arg11 : memref<!tpu.dma_semaphore, #tpu.memory_space<semaphore_mem>>)
      %dma_wait3A_46 = tpu.memref_slice %arg7[%mul3A_41] : memref<10000xi32, #tpu.memory_space<vmem>> -> memref<1000xi32, #tpu.memory_space<vmem>>
      %dma_wait3A_47 = arith.constant 0 : i32
      %dma_wait3A_48 = arith.constant 0 : i32
      %dma_wait3A_49 = tpu.memref_slice %arg2[%dma_wait3A_47, %dma_wait3A_48] : memref<10240x64xf32, #tpu.memory_space<hbm>> -> memref<10240x64xf32, #tpu.memory_space<hbm>>
      tpu.wait_indirect_dma semaphore(%arg11 : memref<!tpu.dma_semaphore, #tpu.memory_space<semaphore_mem>>) src(%dma_wait3A_49 : memref<10240x64xf32, #tpu.memory_space<hbm>>) dst(%arg9 : memref<1000x64xf32, #tpu.memory_space<vmem>>)
      %mul3A_50 = arith.constant 1000 : i32
      %mul3A_51 = arith.muli %scan3A_39, %mul3A_50 : i32
      "tpu.region"() ({
        %run_scoped3A = tpu.sem_alloc : memref<!tpu.dma_semaphore, #tpu.memory_space<semaphore_mem>>
        %dma_start3A_52 = tpu.memref_slice %arg8[%mul3A_51] : memref<10000xi32, #tpu.memory_space<vmem>> -> memref<1000xi32, #tpu.memory_space<vmem>>
        %dma_start3A_53 = arith.constant 0 : i32
        %dma_start3A_54 = arith.constant 0 : i32
        %dma_start3A_55 = tpu.memref_slice %arg10[%dma_start3A_53, %dma_start3A_54] : memref<10240x64xf32, #tpu.memory_space<vmem_shared>> -> memref<10240x64xf32, #tpu.memory_space<vmem_shared>>
        tpu.enqueue_indirect_dma source(%arg9 : memref<1000x64xf32, #tpu.memory_space<vmem>>) target(%dma_start3A_55 : memref<10240x64xf32, #tpu.memory_space<vmem_shared>>) offsets(%dma_start3A_52 : memref<1000xi32, #tpu.memory_space<vmem>>) semaphore(%run_scoped3A : memref<!tpu.dma_semaphore, #tpu.memory_space<semaphore_mem>>) {add = true}
        %dma_wait3A_56 = tpu.memref_slice %arg8[%mul3A_51] : memref<10000xi32, #tpu.memory_space<vmem>> -> memref<1000xi32, #tpu.memory_space<vmem>>
        %dma_wait3A_57 = arith.constant 0 : i32
        %dma_wait3A_58 = arith.constant 0 : i32
        %dma_wait3A_59 = tpu.memref_slice %arg10[%dma_wait3A_57, %dma_wait3A_58] : memref<10240x64xf32, #tpu.memory_space<vmem_shared>> -> memref<10240x64xf32, #tpu.memory_space<vmem_shared>>
        tpu.wait_indirect_dma semaphore(%run_scoped3A : memref<!tpu.dma_semaphore, #tpu.memory_space<semaphore_mem>>) src(%arg9 : memref<1000x64xf32, #tpu.memory_space<vmem>>) dst(%dma_wait3A_59 : memref<10240x64xf32, #tpu.memory_space<vmem_shared>>)
        tpu.yield
      }) : () -> ()
    }
    %scan3A_37 = arith.constant 10 : i32
    %barrier3A_38 = arith.constant 0 : index
    tpu.barrier barrier_id(%barrier3A_38)
    "tpu.region"() ({
      %run_scoped3A = tpu.sem_alloc : memref<!tpu.dma_semaphore, #tpu.memory_space<semaphore_mem>>
      %dma_start3A_39 = arith.constant 0 : i32
      %dma_start3A_40 = arith.constant 0 : i32
      %dma_start3A_41 = tpu.memref_slice %arg6[%arg0, %dma_start3A_39, %dma_start3A_40] : memref<2x10240x64xf32, #tpu.memory_space<hbm>> -> memref<1x10240x64xf32, #tpu.memory_space<hbm>>
      %dma_start3A_42 = tpu.memref_squeeze %dma_start3A_41 : memref<1x10240x64xf32, #tpu.memory_space<hbm>> -> memref<10240x64xf32, #tpu.memory_space<hbm>>
      %dma_start3A_43 = arith.constant 0 : i32
      %dma_start3A_44 = tpu.memref_slice %dma_start3A_42[%mul3A_2, %dma_start3A_43] : memref<10240x64xf32, #tpu.memory_space<hbm>> -> memref<640x64xf32, #tpu.memory_space<hbm>>
      %dma_start3A_45 = arith.constant 0 : i32
      %dma_start3A_46 = tpu.memref_slice %arg10[%mul3A_2, %dma_start3A_45] : memref<10240x64xf32, #tpu.memory_space<vmem_shared>> -> memref<640x64xf32, #tpu.memory_space<vmem_shared>>
      tpu.enqueue_dma source(%dma_start3A_46 : memref<640x64xf32, #tpu.memory_space<vmem_shared>>) target(%dma_start3A_44 : memref<640x64xf32, #tpu.memory_space<hbm>>) target_semaphore(%run_scoped3A : memref<!tpu.dma_semaphore, #tpu.memory_space<semaphore_mem>>)
      %dma_wait3A_47 = arith.constant 0 : i32
      %dma_wait3A_48 = arith.constant 0 : i32
      %dma_wait3A_49 = tpu.memref_slice %arg6[%arg0, %dma_wait3A_47, %dma_wait3A_48] : memref<2x10240x64xf32, #tpu.memory_space<hbm>> -> memref<1x10240x64xf32, #tpu.memory_space<hbm>>
      %dma_wait3A_50 = tpu.memref_squeeze %dma_wait3A_49 : memref<1x10240x64xf32, #tpu.memory_space<hbm>> -> memref<10240x64xf32, #tpu.memory_space<hbm>>
      %dma_wait3A_51 = arith.constant 0 : i32
      %dma_wait3A_52 = tpu.memref_slice %dma_wait3A_50[%mul3A_2, %dma_wait3A_51] : memref<10240x64xf32, #tpu.memory_space<hbm>> -> memref<640x64xf32, #tpu.memory_space<hbm>>
      %dma_wait3A_53 = arith.constant 0 : i32
      %dma_wait3A_54 = tpu.memref_slice %arg10[%mul3A_2, %dma_wait3A_53] : memref<10240x64xf32, #tpu.memory_space<vmem_shared>> -> memref<640x64xf32, #tpu.memory_space<vmem_shared>>
      tpu.wait_dma2 semaphore(%run_scoped3A : memref<!tpu.dma_semaphore, #tpu.memory_space<semaphore_mem>>) src(%dma_wait3A_54 : memref<640x64xf32, #tpu.memory_space<vmem_shared>>) dst(%dma_wait3A_52 : memref<640x64xf32, #tpu.memory_space<hbm>>)
      tpu.yield
    }) : () -> ()
    return
  }
}

#map = affine_map<(d0, d1) -> (0, 0)>
#map1 = affine_map<(d0, d1) -> (0, 0, 0)>
module attributes {stable_mosaic.version = 14 : i64} {
  func.func @_prop_kernel(%arg0: i32, %arg1: i32, %arg2: memref<10240x64xf32, #tpu.memory_space<hbm>>, %arg3: memref<32x10000xi32, #tpu.memory_space<hbm>>, %arg4: memref<32x10000xi32, #tpu.memory_space<hbm>>, %arg5: memref<10240x64xf32, #tpu.memory_space<hbm>>, %arg6: memref<2x10240x64xf32, #tpu.memory_space<hbm>>, %arg7: memref<10000xi32, #tpu.memory_space<vmem>>, %arg8: memref<10000xi32, #tpu.memory_space<vmem>>, %arg9: memref<1000x64xf32, #tpu.memory_space<vmem>>, %arg10: memref<10240x64xf32, #tpu.memory_space<vmem_shared>>, %arg11: memref<!tpu.dma_semaphore, #tpu.memory_space<semaphore_mem>>, %arg12: memref<!tpu.dma_semaphore, #tpu.memory_space<semaphore_mem>>) attributes {dimension_semantics = [#tpu.dimension_semantics<core_parallel>, #tpu.dimension_semantics<subcore_parallel>], iteration_bounds = array<i64: 2, 16>, scalar_prefetch = 0 : i64, scratch_operands = 6 : i64, tpu.core_type = #tpu.core_type<sc_vector_subcore>, window_params = [{transform_indices = #map}, {transform_indices = #map}, {transform_indices = #map}, {transform_indices = #map}, {transform_indices = #map1}]} {
    %mul3A = arith.constant 16 : i32
    %mul3A_0 = arith.muli %arg0, %mul3A : i32
    %add3A = arith.addi %mul3A_0, %arg1 : i32
    %mul3A_1 = arith.constant 640 : i32
    %mul3A_2 = arith.muli %arg1, %mul3A_1 : i32
    %dma_start3A = arith.constant 0 : i32
    %dma_start3A_3 = tpu.memref_slice %arg3[%add3A, %dma_start3A] : memref<32x10000xi32, #tpu.memory_space<hbm>> -> memref<1x10000xi32, #tpu.memory_space<hbm>>
    %dma_start3A_4 = tpu.memref_squeeze %dma_start3A_3 : memref<1x10000xi32, #tpu.memory_space<hbm>> -> memref<10000xi32, #tpu.memory_space<hbm>>
    %dma_start3A_5 = arith.constant 0 : i32
    %dma_start3A_6 = tpu.memref_slice %arg3[%add3A, %dma_start3A_5] : memref<32x10000xi32, #tpu.memory_space<hbm>> -> memref<1x10000xi32, #tpu.memory_space<hbm>>
    %dma_start3A_7 = tpu.memref_squeeze %dma_start3A_6 : memref<1x10000xi32, #tpu.memory_space<hbm>> -> memref<10000xi32, #tpu.memory_space<hbm>>
    tpu.enqueue_dma source(%dma_start3A_7 : memref<10000xi32, #tpu.memory_space<hbm>>) target(%arg7 : memref<10000xi32, #tpu.memory_space<vmem>>) target_semaphore(%arg12 : memref<!tpu.dma_semaphore, #tpu.memory_space<semaphore_mem>>)
    %dma_start3A_8 = arith.constant 0 : i32
    %dma_start3A_9 = tpu.memref_slice %arg4[%add3A, %dma_start3A_8] : memref<32x10000xi32, #tpu.memory_space<hbm>> -> memref<1x10000xi32, #tpu.memory_space<hbm>>
    %dma_start3A_10 = tpu.memref_squeeze %dma_start3A_9 : memref<1x10000xi32, #tpu.memory_space<hbm>> -> memref<10000xi32, #tpu.memory_space<hbm>>
    %dma_start3A_11 = arith.constant 0 : i32
    %dma_start3A_12 = tpu.memref_slice %arg4[%add3A, %dma_start3A_11] : memref<32x10000xi32, #tpu.memory_space<hbm>> -> memref<1x10000xi32, #tpu.memory_space<hbm>>
    %dma_start3A_13 = tpu.memref_squeeze %dma_start3A_12 : memref<1x10000xi32, #tpu.memory_space<hbm>> -> memref<10000xi32, #tpu.memory_space<hbm>>
    tpu.enqueue_dma source(%dma_start3A_13 : memref<10000xi32, #tpu.memory_space<hbm>>) target(%arg8 : memref<10000xi32, #tpu.memory_space<vmem>>) target_semaphore(%arg12 : memref<!tpu.dma_semaphore, #tpu.memory_space<semaphore_mem>>)
    %dma_start3A_14 = arith.constant 0 : i32
    %dma_start3A_15 = tpu.memref_slice %arg10[%mul3A_2, %dma_start3A_14] : memref<10240x64xf32, #tpu.memory_space<vmem_shared>> -> memref<640x64xf32, #tpu.memory_space<vmem_shared>>
    %dma_start3A_16 = arith.constant 0 : i32
    %dma_start3A_17 = tpu.memref_slice %arg5[%mul3A_2, %dma_start3A_16] : memref<10240x64xf32, #tpu.memory_space<hbm>> -> memref<640x64xf32, #tpu.memory_space<hbm>>
    tpu.enqueue_dma source(%dma_start3A_17 : memref<640x64xf32, #tpu.memory_space<hbm>>) target(%dma_start3A_15 : memref<640x64xf32, #tpu.memory_space<vmem_shared>>) target_semaphore(%arg12 : memref<!tpu.dma_semaphore, #tpu.memory_space<semaphore_mem>>)
    %dma_wait3A = arith.constant 0 : i32
    %dma_wait3A_18 = tpu.memref_slice %arg3[%add3A, %dma_wait3A] : memref<32x10000xi32, #tpu.memory_space<hbm>> -> memref<1x10000xi32, #tpu.memory_space<hbm>>
    %dma_wait3A_19 = tpu.memref_squeeze %dma_wait3A_18 : memref<1x10000xi32, #tpu.memory_space<hbm>> -> memref<10000xi32, #tpu.memory_space<hbm>>
    %dma_wait3A_20 = arith.constant 0 : i32
    %dma_wait3A_21 = tpu.memref_slice %arg3[%add3A, %dma_wait3A_20] : memref<32x10000xi32, #tpu.memory_space<hbm>> -> memref<1x10000xi32, #tpu.memory_space<hbm>>
    %dma_wait3A_22 = tpu.memref_squeeze %dma_wait3A_21 : memref<1x10000xi32, #tpu.memory_space<hbm>> -> memref<10000xi32, #tpu.memory_space<hbm>>
    tpu.wait_dma2 semaphore(%arg12 : memref<!tpu.dma_semaphore, #tpu.memory_space<semaphore_mem>>) src(%dma_wait3A_22 : memref<10000xi32, #tpu.memory_space<hbm>>) dst(%arg7 : memref<10000xi32, #tpu.memory_space<vmem>>)
    %dma_wait3A_23 = arith.constant 0 : i32
    %dma_wait3A_24 = tpu.memref_slice %arg4[%add3A, %dma_wait3A_23] : memref<32x10000xi32, #tpu.memory_space<hbm>> -> memref<1x10000xi32, #tpu.memory_space<hbm>>
    %dma_wait3A_25 = tpu.memref_squeeze %dma_wait3A_24 : memref<1x10000xi32, #tpu.memory_space<hbm>> -> memref<10000xi32, #tpu.memory_space<hbm>>
    %dma_wait3A_26 = arith.constant 0 : i32
    %dma_wait3A_27 = tpu.memref_slice %arg4[%add3A, %dma_wait3A_26] : memref<32x10000xi32, #tpu.memory_space<hbm>> -> memref<1x10000xi32, #tpu.memory_space<hbm>>
    %dma_wait3A_28 = tpu.memref_squeeze %dma_wait3A_27 : memref<1x10000xi32, #tpu.memory_space<hbm>> -> memref<10000xi32, #tpu.memory_space<hbm>>
    tpu.wait_dma2 semaphore(%arg12 : memref<!tpu.dma_semaphore, #tpu.memory_space<semaphore_mem>>) src(%dma_wait3A_28 : memref<10000xi32, #tpu.memory_space<hbm>>) dst(%arg8 : memref<10000xi32, #tpu.memory_space<vmem>>)
    %dma_wait3A_29 = arith.constant 0 : i32
    %dma_wait3A_30 = tpu.memref_slice %arg10[%mul3A_2, %dma_wait3A_29] : memref<10240x64xf32, #tpu.memory_space<vmem_shared>> -> memref<640x64xf32, #tpu.memory_space<vmem_shared>>
    %dma_wait3A_31 = arith.constant 0 : i32
    %dma_wait3A_32 = tpu.memref_slice %arg5[%mul3A_2, %dma_wait3A_31] : memref<10240x64xf32, #tpu.memory_space<hbm>> -> memref<640x64xf32, #tpu.memory_space<hbm>>
    tpu.wait_dma2 semaphore(%arg12 : memref<!tpu.dma_semaphore, #tpu.memory_space<semaphore_mem>>) src(%dma_wait3A_32 : memref<640x64xf32, #tpu.memory_space<hbm>>) dst(%dma_wait3A_30 : memref<640x64xf32, #tpu.memory_space<vmem_shared>>)
    %barrier3A = arith.constant 0 : index
    tpu.barrier barrier_id(%barrier3A)
    %scan3A = arith.constant 0 : i32
    %scan3A_33 = arith.constant 0 : i32
    %scan3A_34 = arith.constant 10 : i32
    %scan3A_35 = arith.addi %scan3A_33, %scan3A_34 : i32
    %scan3A_36 = arith.constant 1 : i32
    scf.for %scan3A_39 = %scan3A_33 to %scan3A_35 step %scan3A_36  : i32 {
      %mul3A_40 = arith.constant 1000 : i32
      %mul3A_41 = arith.muli %scan3A_39, %mul3A_40 : i32
      %dma_start3A_42 = tpu.memref_slice %arg7[%mul3A_41] : memref<10000xi32, #tpu.memory_space<vmem>> -> memref<1000xi32, #tpu.memory_space<vmem>>
      %dma_start3A_43 = arith.constant 0 : i32
      %dma_start3A_44 = arith.constant 0 : i32
      %dma_start3A_45 = tpu.memref_slice %arg2[%dma_start3A_43, %dma_start3A_44] : memref<10240x64xf32, #tpu.memory_space<hbm>> -> memref<10240x64xf32, #tpu.memory_space<hbm>>
      tpu.enqueue_indirect_dma source(%dma_start3A_45 : memref<10240x64xf32, #tpu.memory_space<hbm>>) target(%arg9 : memref<1000x64xf32, #tpu.memory_space<vmem>>) offsets(%dma_start3A_42 : memref<1000xi32, #tpu.memory_space<vmem>>) semaphore(%arg11 : memref<!tpu.dma_semaphore, #tpu.memory_space<semaphore_mem>>)
      %dma_wait3A_46 = tpu.memref_slice %arg7[%mul3A_41] : memref<10000xi32, #tpu.memory_space<vmem>> -> memref<1000xi32, #tpu.memory_space<vmem>>
      %dma_wait3A_47 = arith.constant 0 : i32
      %dma_wait3A_48 = arith.constant 0 : i32
      %dma_wait3A_49 = tpu.memref_slice %arg2[%dma_wait3A_47, %dma_wait3A_48] : memref<10240x64xf32, #tpu.memory_space<hbm>> -> memref<10240x64xf32, #tpu.memory_space<hbm>>
      tpu.wait_indirect_dma semaphore(%arg11 : memref<!tpu.dma_semaphore, #tpu.memory_space<semaphore_mem>>) src(%dma_wait3A_49 : memref<10240x64xf32, #tpu.memory_space<hbm>>) dst(%arg9 : memref<1000x64xf32, #tpu.memory_space<vmem>>)
      %mul3A_50 = arith.constant 1000 : i32
      %mul3A_51 = arith.muli %scan3A_39, %mul3A_50 : i32
      "tpu.region"() ({
        %run_scoped3A = tpu.sem_alloc : memref<!tpu.dma_semaphore, #tpu.memory_space<semaphore_mem>>
        %dma_start3A_52 = tpu.memref_slice %arg8[%mul3A_51] : memref<10000xi32, #tpu.memory_space<vmem>> -> memref<1000xi32, #tpu.memory_space<vmem>>
        %dma_start3A_53 = arith.constant 0 : i32
        %dma_start3A_54 = arith.constant 0 : i32
        %dma_start3A_55 = tpu.memref_slice %arg10[%dma_start3A_53, %dma_start3A_54] : memref<10240x64xf32, #tpu.memory_space<vmem_shared>> -> memref<10240x64xf32, #tpu.memory_space<vmem_shared>>
        tpu.enqueue_indirect_dma source(%arg9 : memref<1000x64xf32, #tpu.memory_space<vmem>>) target(%dma_start3A_55 : memref<10240x64xf32, #tpu.memory_space<vmem_shared>>) offsets(%dma_start3A_52 : memref<1000xi32, #tpu.memory_space<vmem>>) semaphore(%run_scoped3A : memref<!tpu.dma_semaphore, #tpu.memory_space<semaphore_mem>>) {add = true}
        %dma_wait3A_56 = tpu.memref_slice %arg8[%mul3A_51] : memref<10000xi32, #tpu.memory_space<vmem>> -> memref<1000xi32, #tpu.memory_space<vmem>>
        %dma_wait3A_57 = arith.constant 0 : i32
        %dma_wait3A_58 = arith.constant 0 : i32
        %dma_wait3A_59 = tpu.memref_slice %arg10[%dma_wait3A_57, %dma_wait3A_58] : memref<10240x64xf32, #tpu.memory_space<vmem_shared>> -> memref<10240x64xf32, #tpu.memory_space<vmem_shared>>
        tpu.wait_indirect_dma semaphore(%run_scoped3A : memref<!tpu.dma_semaphore, #tpu.memory_space<semaphore_mem>>) src(%arg9 : memref<1000x64xf32, #tpu.memory_space<vmem>>) dst(%dma_wait3A_59 : memref<10240x64xf32, #tpu.memory_space<vmem_shared>>)
        tpu.yield
      }) : () -> ()
    }
    %scan3A_37 = arith.constant 10 : i32
    %barrier3A_38 = arith.constant 0 : index
    tpu.barrier barrier_id(%barrier3A_38)
    "tpu.region"() ({
      %run_scoped3A = tpu.sem_alloc : memref<!tpu.dma_semaphore, #tpu.memory_space<semaphore_mem>>
      %dma_start3A_39 = arith.constant 0 : i32
      %dma_start3A_40 = arith.constant 0 : i32
      %dma_start3A_41 = tpu.memref_slice %arg6[%arg0, %dma_start3A_39, %dma_start3A_40] : memref<2x10240x64xf32, #tpu.memory_space<hbm>> -> memref<1x10240x64xf32, #tpu.memory_space<hbm>>
      %dma_start3A_42 = tpu.memref_squeeze %dma_start3A_41 : memref<1x10240x64xf32, #tpu.memory_space<hbm>> -> memref<10240x64xf32, #tpu.memory_space<hbm>>
      %dma_start3A_43 = arith.constant 0 : i32
      %dma_start3A_44 = tpu.memref_slice %dma_start3A_42[%mul3A_2, %dma_start3A_43] : memref<10240x64xf32, #tpu.memory_space<hbm>> -> memref<640x64xf32, #tpu.memory_space<hbm>>
      %dma_start3A_45 = arith.constant 0 : i32
      %dma_start3A_46 = tpu.memref_slice %arg10[%mul3A_2, %dma_start3A_45] : memref<10240x64xf32, #tpu.memory_space<vmem_shared>> -> memref<640x64xf32, #tpu.memory_space<vmem_shared>>
      tpu.enqueue_dma source(%dma_start3A_46 : memref<640x64xf32, #tpu.memory_space<vmem_shared>>) target(%dma_start3A_44 : memref<640x64xf32, #tpu.memory_space<hbm>>) target_semaphore(%run_scoped3A : memref<!tpu.dma_semaphore, #tpu.memory_space<semaphore_mem>>)
      %dma_wait3A_47 = arith.constant 0 : i32
      %dma_wait3A_48 = arith.constant 0 : i32
      %dma_wait3A_49 = tpu.memref_slice %arg6[%arg0, %dma_wait3A_47, %dma_wait3A_48] : memref<2x10240x64xf32, #tpu.memory_space<hbm>> -> memref<1x10240x64xf32, #tpu.memory_space<hbm>>
      %dma_wait3A_50 = tpu.memref_squeeze %dma_wait3A_49 : memref<1x10240x64xf32, #tpu.memory_space<hbm>> -> memref<10240x64xf32, #tpu.memory_space<hbm>>
      %dma_wait3A_51 = arith.constant 0 : i32
      %dma_wait3A_52 = tpu.memref_slice %dma_wait3A_50[%mul3A_2, %dma_wait3A_51] : memref<10240x64xf32, #tpu.memory_space<hbm>> -> memref<640x64xf32, #tpu.memory_space<hbm>>
      %dma_wait3A_53 = arith.constant 0 : i32
      %dma_wait3A_54 = tpu.memref_slice %arg10[%mul3A_2, %dma_wait3A_53] : memref<10240x64xf32, #tpu.memory_space<vmem_shared>> -> memref<640x64xf32, #tpu.memory_space<vmem_shared>>
      tpu.wait_dma2 semaphore(%run_scoped3A : memref<!tpu.dma_semaphore, #tpu.memory_space<semaphore_mem>>) src(%dma_wait3A_54 : memref<640x64xf32, #tpu.memory_space<vmem_shared>>) dst(%dma_wait3A_52 : memref<640x64xf32, #tpu.memory_space<hbm>>)
      tpu.yield
    }) : () -> ()
    return
  }
}

#map = affine_map<(d0, d1) -> (0, 0)>
#map1 = affine_map<(d0, d1) -> (0, 0, 0)>
module attributes {stable_mosaic.version = 14 : i64} {
  func.func @_prop_kernel(%arg0: i32, %arg1: i32, %arg2: memref<10240x64xf32, #tpu.memory_space<hbm>>, %arg3: memref<32x10000xi32, #tpu.memory_space<hbm>>, %arg4: memref<32x10000xi32, #tpu.memory_space<hbm>>, %arg5: memref<10240x64xf32, #tpu.memory_space<hbm>>, %arg6: memref<2x10240x64xf32, #tpu.memory_space<hbm>>, %arg7: memref<10000xi32, #tpu.memory_space<vmem>>, %arg8: memref<10000xi32, #tpu.memory_space<vmem>>, %arg9: memref<1000x64xf32, #tpu.memory_space<vmem>>, %arg10: memref<10240x64xf32, #tpu.memory_space<vmem_shared>>, %arg11: memref<!tpu.dma_semaphore, #tpu.memory_space<semaphore_mem>>, %arg12: memref<!tpu.dma_semaphore, #tpu.memory_space<semaphore_mem>>) attributes {dimension_semantics = [#tpu.dimension_semantics<core_parallel>, #tpu.dimension_semantics<subcore_parallel>], iteration_bounds = array<i64: 2, 16>, scalar_prefetch = 0 : i64, scratch_operands = 6 : i64, tpu.core_type = #tpu.core_type<sc_vector_subcore>, window_params = [{transform_indices = #map}, {transform_indices = #map}, {transform_indices = #map}, {transform_indices = #map}, {transform_indices = #map1}]} {
    %mul3A = arith.constant 16 : i32
    %mul3A_0 = arith.muli %arg0, %mul3A : i32
    %add3A = arith.addi %mul3A_0, %arg1 : i32
    %mul3A_1 = arith.constant 640 : i32
    %mul3A_2 = arith.muli %arg1, %mul3A_1 : i32
    %dma_start3A = arith.constant 0 : i32
    %dma_start3A_3 = tpu.memref_slice %arg3[%add3A, %dma_start3A] : memref<32x10000xi32, #tpu.memory_space<hbm>> -> memref<1x10000xi32, #tpu.memory_space<hbm>>
    %dma_start3A_4 = tpu.memref_squeeze %dma_start3A_3 : memref<1x10000xi32, #tpu.memory_space<hbm>> -> memref<10000xi32, #tpu.memory_space<hbm>>
    %dma_start3A_5 = arith.constant 0 : i32
    %dma_start3A_6 = tpu.memref_slice %arg3[%add3A, %dma_start3A_5] : memref<32x10000xi32, #tpu.memory_space<hbm>> -> memref<1x10000xi32, #tpu.memory_space<hbm>>
    %dma_start3A_7 = tpu.memref_squeeze %dma_start3A_6 : memref<1x10000xi32, #tpu.memory_space<hbm>> -> memref<10000xi32, #tpu.memory_space<hbm>>
    tpu.enqueue_dma source(%dma_start3A_7 : memref<10000xi32, #tpu.memory_space<hbm>>) target(%arg7 : memref<10000xi32, #tpu.memory_space<vmem>>) target_semaphore(%arg12 : memref<!tpu.dma_semaphore, #tpu.memory_space<semaphore_mem>>)
    %dma_start3A_8 = arith.constant 0 : i32
    %dma_start3A_9 = tpu.memref_slice %arg4[%add3A, %dma_start3A_8] : memref<32x10000xi32, #tpu.memory_space<hbm>> -> memref<1x10000xi32, #tpu.memory_space<hbm>>
    %dma_start3A_10 = tpu.memref_squeeze %dma_start3A_9 : memref<1x10000xi32, #tpu.memory_space<hbm>> -> memref<10000xi32, #tpu.memory_space<hbm>>
    %dma_start3A_11 = arith.constant 0 : i32
    %dma_start3A_12 = tpu.memref_slice %arg4[%add3A, %dma_start3A_11] : memref<32x10000xi32, #tpu.memory_space<hbm>> -> memref<1x10000xi32, #tpu.memory_space<hbm>>
    %dma_start3A_13 = tpu.memref_squeeze %dma_start3A_12 : memref<1x10000xi32, #tpu.memory_space<hbm>> -> memref<10000xi32, #tpu.memory_space<hbm>>
    tpu.enqueue_dma source(%dma_start3A_13 : memref<10000xi32, #tpu.memory_space<hbm>>) target(%arg8 : memref<10000xi32, #tpu.memory_space<vmem>>) target_semaphore(%arg12 : memref<!tpu.dma_semaphore, #tpu.memory_space<semaphore_mem>>)
    %dma_start3A_14 = arith.constant 0 : i32
    %dma_start3A_15 = tpu.memref_slice %arg10[%mul3A_2, %dma_start3A_14] : memref<10240x64xf32, #tpu.memory_space<vmem_shared>> -> memref<640x64xf32, #tpu.memory_space<vmem_shared>>
    %dma_start3A_16 = arith.constant 0 : i32
    %dma_start3A_17 = tpu.memref_slice %arg5[%mul3A_2, %dma_start3A_16] : memref<10240x64xf32, #tpu.memory_space<hbm>> -> memref<640x64xf32, #tpu.memory_space<hbm>>
    tpu.enqueue_dma source(%dma_start3A_17 : memref<640x64xf32, #tpu.memory_space<hbm>>) target(%dma_start3A_15 : memref<640x64xf32, #tpu.memory_space<vmem_shared>>) target_semaphore(%arg12 : memref<!tpu.dma_semaphore, #tpu.memory_space<semaphore_mem>>)
    %dma_wait3A = arith.constant 0 : i32
    %dma_wait3A_18 = tpu.memref_slice %arg3[%add3A, %dma_wait3A] : memref<32x10000xi32, #tpu.memory_space<hbm>> -> memref<1x10000xi32, #tpu.memory_space<hbm>>
    %dma_wait3A_19 = tpu.memref_squeeze %dma_wait3A_18 : memref<1x10000xi32, #tpu.memory_space<hbm>> -> memref<10000xi32, #tpu.memory_space<hbm>>
    %dma_wait3A_20 = arith.constant 0 : i32
    %dma_wait3A_21 = tpu.memref_slice %arg3[%add3A, %dma_wait3A_20] : memref<32x10000xi32, #tpu.memory_space<hbm>> -> memref<1x10000xi32, #tpu.memory_space<hbm>>
    %dma_wait3A_22 = tpu.memref_squeeze %dma_wait3A_21 : memref<1x10000xi32, #tpu.memory_space<hbm>> -> memref<10000xi32, #tpu.memory_space<hbm>>
    tpu.wait_dma2 semaphore(%arg12 : memref<!tpu.dma_semaphore, #tpu.memory_space<semaphore_mem>>) src(%dma_wait3A_22 : memref<10000xi32, #tpu.memory_space<hbm>>) dst(%arg7 : memref<10000xi32, #tpu.memory_space<vmem>>)
    %dma_wait3A_23 = arith.constant 0 : i32
    %dma_wait3A_24 = tpu.memref_slice %arg4[%add3A, %dma_wait3A_23] : memref<32x10000xi32, #tpu.memory_space<hbm>> -> memref<1x10000xi32, #tpu.memory_space<hbm>>
    %dma_wait3A_25 = tpu.memref_squeeze %dma_wait3A_24 : memref<1x10000xi32, #tpu.memory_space<hbm>> -> memref<10000xi32, #tpu.memory_space<hbm>>
    %dma_wait3A_26 = arith.constant 0 : i32
    %dma_wait3A_27 = tpu.memref_slice %arg4[%add3A, %dma_wait3A_26] : memref<32x10000xi32, #tpu.memory_space<hbm>> -> memref<1x10000xi32, #tpu.memory_space<hbm>>
    %dma_wait3A_28 = tpu.memref_squeeze %dma_wait3A_27 : memref<1x10000xi32, #tpu.memory_space<hbm>> -> memref<10000xi32, #tpu.memory_space<hbm>>
    tpu.wait_dma2 semaphore(%arg12 : memref<!tpu.dma_semaphore, #tpu.memory_space<semaphore_mem>>) src(%dma_wait3A_28 : memref<10000xi32, #tpu.memory_space<hbm>>) dst(%arg8 : memref<10000xi32, #tpu.memory_space<vmem>>)
    %dma_wait3A_29 = arith.constant 0 : i32
    %dma_wait3A_30 = tpu.memref_slice %arg10[%mul3A_2, %dma_wait3A_29] : memref<10240x64xf32, #tpu.memory_space<vmem_shared>> -> memref<640x64xf32, #tpu.memory_space<vmem_shared>>
    %dma_wait3A_31 = arith.constant 0 : i32
    %dma_wait3A_32 = tpu.memref_slice %arg5[%mul3A_2, %dma_wait3A_31] : memref<10240x64xf32, #tpu.memory_space<hbm>> -> memref<640x64xf32, #tpu.memory_space<hbm>>
    tpu.wait_dma2 semaphore(%arg12 : memref<!tpu.dma_semaphore, #tpu.memory_space<semaphore_mem>>) src(%dma_wait3A_32 : memref<640x64xf32, #tpu.memory_space<hbm>>) dst(%dma_wait3A_30 : memref<640x64xf32, #tpu.memory_space<vmem_shared>>)
    %barrier3A = arith.constant 0 : index
    tpu.barrier barrier_id(%barrier3A)
    %scan3A = arith.constant 0 : i32
    %scan3A_33 = arith.constant 0 : i32
    %scan3A_34 = arith.constant 10 : i32
    %scan3A_35 = arith.addi %scan3A_33, %scan3A_34 : i32
    %scan3A_36 = arith.constant 1 : i32
    scf.for %scan3A_39 = %scan3A_33 to %scan3A_35 step %scan3A_36  : i32 {
      %mul3A_40 = arith.constant 1000 : i32
      %mul3A_41 = arith.muli %scan3A_39, %mul3A_40 : i32
      %dma_start3A_42 = tpu.memref_slice %arg7[%mul3A_41] : memref<10000xi32, #tpu.memory_space<vmem>> -> memref<1000xi32, #tpu.memory_space<vmem>>
      %dma_start3A_43 = arith.constant 0 : i32
      %dma_start3A_44 = arith.constant 0 : i32
      %dma_start3A_45 = tpu.memref_slice %arg2[%dma_start3A_43, %dma_start3A_44] : memref<10240x64xf32, #tpu.memory_space<hbm>> -> memref<10240x64xf32, #tpu.memory_space<hbm>>
      tpu.enqueue_indirect_dma source(%dma_start3A_45 : memref<10240x64xf32, #tpu.memory_space<hbm>>) target(%arg9 : memref<1000x64xf32, #tpu.memory_space<vmem>>) offsets(%dma_start3A_42 : memref<1000xi32, #tpu.memory_space<vmem>>) semaphore(%arg11 : memref<!tpu.dma_semaphore, #tpu.memory_space<semaphore_mem>>)
      %dma_wait3A_46 = tpu.memref_slice %arg7[%mul3A_41] : memref<10000xi32, #tpu.memory_space<vmem>> -> memref<1000xi32, #tpu.memory_space<vmem>>
      %dma_wait3A_47 = arith.constant 0 : i32
      %dma_wait3A_48 = arith.constant 0 : i32
      %dma_wait3A_49 = tpu.memref_slice %arg2[%dma_wait3A_47, %dma_wait3A_48] : memref<10240x64xf32, #tpu.memory_space<hbm>> -> memref<10240x64xf32, #tpu.memory_space<hbm>>
      tpu.wait_indirect_dma semaphore(%arg11 : memref<!tpu.dma_semaphore, #tpu.memory_space<semaphore_mem>>) src(%dma_wait3A_49 : memref<10240x64xf32, #tpu.memory_space<hbm>>) dst(%arg9 : memref<1000x64xf32, #tpu.memory_space<vmem>>)
      %mul3A_50 = arith.constant 1000 : i32
      %mul3A_51 = arith.muli %scan3A_39, %mul3A_50 : i32
      "tpu.region"() ({
        %run_scoped3A = tpu.sem_alloc : memref<!tpu.dma_semaphore, #tpu.memory_space<semaphore_mem>>
        %dma_start3A_52 = tpu.memref_slice %arg8[%mul3A_51] : memref<10000xi32, #tpu.memory_space<vmem>> -> memref<1000xi32, #tpu.memory_space<vmem>>
        %dma_start3A_53 = arith.constant 0 : i32
        %dma_start3A_54 = arith.constant 0 : i32
        %dma_start3A_55 = tpu.memref_slice %arg10[%dma_start3A_53, %dma_start3A_54] : memref<10240x64xf32, #tpu.memory_space<vmem_shared>> -> memref<10240x64xf32, #tpu.memory_space<vmem_shared>>
        tpu.enqueue_indirect_dma source(%arg9 : memref<1000x64xf32, #tpu.memory_space<vmem>>) target(%dma_start3A_55 : memref<10240x64xf32, #tpu.memory_space<vmem_shared>>) offsets(%dma_start3A_52 : memref<1000xi32, #tpu.memory_space<vmem>>) semaphore(%run_scoped3A : memref<!tpu.dma_semaphore, #tpu.memory_space<semaphore_mem>>) {add = true}
        %dma_wait3A_56 = tpu.memref_slice %arg8[%mul3A_51] : memref<10000xi32, #tpu.memory_space<vmem>> -> memref<1000xi32, #tpu.memory_space<vmem>>
        %dma_wait3A_57 = arith.constant 0 : i32
        %dma_wait3A_58 = arith.constant 0 : i32
        %dma_wait3A_59 = tpu.memref_slice %arg10[%dma_wait3A_57, %dma_wait3A_58] : memref<10240x64xf32, #tpu.memory_space<vmem_shared>> -> memref<10240x64xf32, #tpu.memory_space<vmem_shared>>
        tpu.wait_indirect_dma semaphore(%run_scoped3A : memref<!tpu.dma_semaphore, #tpu.memory_space<semaphore_mem>>) src(%arg9 : memref<1000x64xf32, #tpu.memory_space<vmem>>) dst(%dma_wait3A_59 : memref<10240x64xf32, #tpu.memory_space<vmem_shared>>)
        tpu.yield
      }) : () -> ()
    }
    %scan3A_37 = arith.constant 10 : i32
    %barrier3A_38 = arith.constant 0 : index
    tpu.barrier barrier_id(%barrier3A_38)
    "tpu.region"() ({
      %run_scoped3A = tpu.sem_alloc : memref<!tpu.dma_semaphore, #tpu.memory_space<semaphore_mem>>
      %dma_start3A_39 = arith.constant 0 : i32
      %dma_start3A_40 = arith.constant 0 : i32
      %dma_start3A_41 = tpu.memref_slice %arg6[%arg0, %dma_start3A_39, %dma_start3A_40] : memref<2x10240x64xf32, #tpu.memory_space<hbm>> -> memref<1x10240x64xf32, #tpu.memory_space<hbm>>
      %dma_start3A_42 = tpu.memref_squeeze %dma_start3A_41 : memref<1x10240x64xf32, #tpu.memory_space<hbm>> -> memref<10240x64xf32, #tpu.memory_space<hbm>>
      %dma_start3A_43 = arith.constant 0 : i32
      %dma_start3A_44 = tpu.memref_slice %dma_start3A_42[%mul3A_2, %dma_start3A_43] : memref<10240x64xf32, #tpu.memory_space<hbm>> -> memref<640x64xf32, #tpu.memory_space<hbm>>
      %dma_start3A_45 = arith.constant 0 : i32
      %dma_start3A_46 = tpu.memref_slice %arg10[%mul3A_2, %dma_start3A_45] : memref<10240x64xf32, #tpu.memory_space<vmem_shared>> -> memref<640x64xf32, #tpu.memory_space<vmem_shared>>
      tpu.enqueue_dma source(%dma_start3A_46 : memref<640x64xf32, #tpu.memory_space<vmem_shared>>) target(%dma_start3A_44 : memref<640x64xf32, #tpu.memory_space<hbm>>) target_semaphore(%run_scoped3A : memref<!tpu.dma_semaphore, #tpu.memory_space<semaphore_mem>>)
      %dma_wait3A_47 = arith.constant 0 : i32
      %dma_wait3A_48 = arith.constant 0 : i32
      %dma_wait3A_49 = tpu.memref_slice %arg6[%arg0, %dma_wait3A_47, %dma_wait3A_48] : memref<2x10240x64xf32, #tpu.memory_space<hbm>> -> memref<1x10240x64xf32, #tpu.memory_space<hbm>>
      %dma_wait3A_50 = tpu.memref_squeeze %dma_wait3A_49 : memref<1x10240x64xf32, #tpu.memory_space<hbm>> -> memref<10240x64xf32, #tpu.memory_space<hbm>>
      %dma_wait3A_51 = arith.constant 0 : i32
      %dma_wait3A_52 = tpu.memref_slice %dma_wait3A_50[%mul3A_2, %dma_wait3A_51] : memref<10240x64xf32, #tpu.memory_space<hbm>> -> memref<640x64xf32, #tpu.memory_space<hbm>>
      %dma_wait3A_53 = arith.constant 0 : i32
      %dma_wait3A_54 = tpu.memref_slice %arg10[%mul3A_2, %dma_wait3A_53] : memref<10240x64xf32, #tpu.memory_space<vmem_shared>> -> memref<640x64xf32, #tpu.memory_space<vmem_shared>>
      tpu.wait_dma2 semaphore(%run_scoped3A : memref<!tpu.dma_semaphore, #tpu.memory_space<semaphore_mem>>) src(%dma_wait3A_54 : memref<640x64xf32, #tpu.memory_space<vmem_shared>>) dst(%dma_wait3A_52 : memref<640x64xf32, #tpu.memory_space<hbm>>)
      tpu.yield
    }) : () -> ()
    return
  }
}

#map = affine_map<(d0, d1) -> (0, 0)>
#map1 = affine_map<(d0, d1) -> (0, 0, 0)>
module attributes {stable_mosaic.version = 14 : i64} {
  func.func @_prop_kernel(%arg0: i32, %arg1: i32, %arg2: memref<10240x64xf32, #tpu.memory_space<hbm>>, %arg3: memref<32x10000xi32, #tpu.memory_space<hbm>>, %arg4: memref<32x10000xi32, #tpu.memory_space<hbm>>, %arg5: memref<10240x64xf32, #tpu.memory_space<hbm>>, %arg6: memref<2x10240x64xf32, #tpu.memory_space<hbm>>, %arg7: memref<10000xi32, #tpu.memory_space<vmem>>, %arg8: memref<10000xi32, #tpu.memory_space<vmem>>, %arg9: memref<1000x64xf32, #tpu.memory_space<vmem>>, %arg10: memref<10240x64xf32, #tpu.memory_space<vmem_shared>>, %arg11: memref<!tpu.dma_semaphore, #tpu.memory_space<semaphore_mem>>, %arg12: memref<!tpu.dma_semaphore, #tpu.memory_space<semaphore_mem>>) attributes {dimension_semantics = [#tpu.dimension_semantics<core_parallel>, #tpu.dimension_semantics<subcore_parallel>], iteration_bounds = array<i64: 2, 16>, scalar_prefetch = 0 : i64, scratch_operands = 6 : i64, tpu.core_type = #tpu.core_type<sc_vector_subcore>, window_params = [{transform_indices = #map}, {transform_indices = #map}, {transform_indices = #map}, {transform_indices = #map}, {transform_indices = #map1}]} {
    %mul3A = arith.constant 16 : i32
    %mul3A_0 = arith.muli %arg0, %mul3A : i32
    %add3A = arith.addi %mul3A_0, %arg1 : i32
    %mul3A_1 = arith.constant 640 : i32
    %mul3A_2 = arith.muli %arg1, %mul3A_1 : i32
    %dma_start3A = arith.constant 0 : i32
    %dma_start3A_3 = tpu.memref_slice %arg3[%add3A, %dma_start3A] : memref<32x10000xi32, #tpu.memory_space<hbm>> -> memref<1x10000xi32, #tpu.memory_space<hbm>>
    %dma_start3A_4 = tpu.memref_squeeze %dma_start3A_3 : memref<1x10000xi32, #tpu.memory_space<hbm>> -> memref<10000xi32, #tpu.memory_space<hbm>>
    %dma_start3A_5 = arith.constant 0 : i32
    %dma_start3A_6 = tpu.memref_slice %arg3[%add3A, %dma_start3A_5] : memref<32x10000xi32, #tpu.memory_space<hbm>> -> memref<1x10000xi32, #tpu.memory_space<hbm>>
    %dma_start3A_7 = tpu.memref_squeeze %dma_start3A_6 : memref<1x10000xi32, #tpu.memory_space<hbm>> -> memref<10000xi32, #tpu.memory_space<hbm>>
    tpu.enqueue_dma source(%dma_start3A_7 : memref<10000xi32, #tpu.memory_space<hbm>>) target(%arg7 : memref<10000xi32, #tpu.memory_space<vmem>>) target_semaphore(%arg12 : memref<!tpu.dma_semaphore, #tpu.memory_space<semaphore_mem>>)
    %dma_start3A_8 = arith.constant 0 : i32
    %dma_start3A_9 = tpu.memref_slice %arg4[%add3A, %dma_start3A_8] : memref<32x10000xi32, #tpu.memory_space<hbm>> -> memref<1x10000xi32, #tpu.memory_space<hbm>>
    %dma_start3A_10 = tpu.memref_squeeze %dma_start3A_9 : memref<1x10000xi32, #tpu.memory_space<hbm>> -> memref<10000xi32, #tpu.memory_space<hbm>>
    %dma_start3A_11 = arith.constant 0 : i32
    %dma_start3A_12 = tpu.memref_slice %arg4[%add3A, %dma_start3A_11] : memref<32x10000xi32, #tpu.memory_space<hbm>> -> memref<1x10000xi32, #tpu.memory_space<hbm>>
    %dma_start3A_13 = tpu.memref_squeeze %dma_start3A_12 : memref<1x10000xi32, #tpu.memory_space<hbm>> -> memref<10000xi32, #tpu.memory_space<hbm>>
    tpu.enqueue_dma source(%dma_start3A_13 : memref<10000xi32, #tpu.memory_space<hbm>>) target(%arg8 : memref<10000xi32, #tpu.memory_space<vmem>>) target_semaphore(%arg12 : memref<!tpu.dma_semaphore, #tpu.memory_space<semaphore_mem>>)
    %dma_start3A_14 = arith.constant 0 : i32
    %dma_start3A_15 = tpu.memref_slice %arg10[%mul3A_2, %dma_start3A_14] : memref<10240x64xf32, #tpu.memory_space<vmem_shared>> -> memref<640x64xf32, #tpu.memory_space<vmem_shared>>
    %dma_start3A_16 = arith.constant 0 : i32
    %dma_start3A_17 = tpu.memref_slice %arg5[%mul3A_2, %dma_start3A_16] : memref<10240x64xf32, #tpu.memory_space<hbm>> -> memref<640x64xf32, #tpu.memory_space<hbm>>
    tpu.enqueue_dma source(%dma_start3A_17 : memref<640x64xf32, #tpu.memory_space<hbm>>) target(%dma_start3A_15 : memref<640x64xf32, #tpu.memory_space<vmem_shared>>) target_semaphore(%arg12 : memref<!tpu.dma_semaphore, #tpu.memory_space<semaphore_mem>>)
    %dma_wait3A = arith.constant 0 : i32
    %dma_wait3A_18 = tpu.memref_slice %arg3[%add3A, %dma_wait3A] : memref<32x10000xi32, #tpu.memory_space<hbm>> -> memref<1x10000xi32, #tpu.memory_space<hbm>>
    %dma_wait3A_19 = tpu.memref_squeeze %dma_wait3A_18 : memref<1x10000xi32, #tpu.memory_space<hbm>> -> memref<10000xi32, #tpu.memory_space<hbm>>
    %dma_wait3A_20 = arith.constant 0 : i32
    %dma_wait3A_21 = tpu.memref_slice %arg3[%add3A, %dma_wait3A_20] : memref<32x10000xi32, #tpu.memory_space<hbm>> -> memref<1x10000xi32, #tpu.memory_space<hbm>>
    %dma_wait3A_22 = tpu.memref_squeeze %dma_wait3A_21 : memref<1x10000xi32, #tpu.memory_space<hbm>> -> memref<10000xi32, #tpu.memory_space<hbm>>
    tpu.wait_dma2 semaphore(%arg12 : memref<!tpu.dma_semaphore, #tpu.memory_space<semaphore_mem>>) src(%dma_wait3A_22 : memref<10000xi32, #tpu.memory_space<hbm>>) dst(%arg7 : memref<10000xi32, #tpu.memory_space<vmem>>)
    %dma_wait3A_23 = arith.constant 0 : i32
    %dma_wait3A_24 = tpu.memref_slice %arg4[%add3A, %dma_wait3A_23] : memref<32x10000xi32, #tpu.memory_space<hbm>> -> memref<1x10000xi32, #tpu.memory_space<hbm>>
    %dma_wait3A_25 = tpu.memref_squeeze %dma_wait3A_24 : memref<1x10000xi32, #tpu.memory_space<hbm>> -> memref<10000xi32, #tpu.memory_space<hbm>>
    %dma_wait3A_26 = arith.constant 0 : i32
    %dma_wait3A_27 = tpu.memref_slice %arg4[%add3A, %dma_wait3A_26] : memref<32x10000xi32, #tpu.memory_space<hbm>> -> memref<1x10000xi32, #tpu.memory_space<hbm>>
    %dma_wait3A_28 = tpu.memref_squeeze %dma_wait3A_27 : memref<1x10000xi32, #tpu.memory_space<hbm>> -> memref<10000xi32, #tpu.memory_space<hbm>>
    tpu.wait_dma2 semaphore(%arg12 : memref<!tpu.dma_semaphore, #tpu.memory_space<semaphore_mem>>) src(%dma_wait3A_28 : memref<10000xi32, #tpu.memory_space<hbm>>) dst(%arg8 : memref<10000xi32, #tpu.memory_space<vmem>>)
    %dma_wait3A_29 = arith.constant 0 : i32
    %dma_wait3A_30 = tpu.memref_slice %arg10[%mul3A_2, %dma_wait3A_29] : memref<10240x64xf32, #tpu.memory_space<vmem_shared>> -> memref<640x64xf32, #tpu.memory_space<vmem_shared>>
    %dma_wait3A_31 = arith.constant 0 : i32
    %dma_wait3A_32 = tpu.memref_slice %arg5[%mul3A_2, %dma_wait3A_31] : memref<10240x64xf32, #tpu.memory_space<hbm>> -> memref<640x64xf32, #tpu.memory_space<hbm>>
    tpu.wait_dma2 semaphore(%arg12 : memref<!tpu.dma_semaphore, #tpu.memory_space<semaphore_mem>>) src(%dma_wait3A_32 : memref<640x64xf32, #tpu.memory_space<hbm>>) dst(%dma_wait3A_30 : memref<640x64xf32, #tpu.memory_space<vmem_shared>>)
    %barrier3A = arith.constant 0 : index
    tpu.barrier barrier_id(%barrier3A)
    %scan3A = arith.constant 0 : i32
    %scan3A_33 = arith.constant 0 : i32
    %scan3A_34 = arith.constant 10 : i32
    %scan3A_35 = arith.addi %scan3A_33, %scan3A_34 : i32
    %scan3A_36 = arith.constant 1 : i32
    scf.for %scan3A_39 = %scan3A_33 to %scan3A_35 step %scan3A_36  : i32 {
      %mul3A_40 = arith.constant 1000 : i32
      %mul3A_41 = arith.muli %scan3A_39, %mul3A_40 : i32
      %dma_start3A_42 = tpu.memref_slice %arg7[%mul3A_41] : memref<10000xi32, #tpu.memory_space<vmem>> -> memref<1000xi32, #tpu.memory_space<vmem>>
      %dma_start3A_43 = arith.constant 0 : i32
      %dma_start3A_44 = arith.constant 0 : i32
      %dma_start3A_45 = tpu.memref_slice %arg2[%dma_start3A_43, %dma_start3A_44] : memref<10240x64xf32, #tpu.memory_space<hbm>> -> memref<10240x64xf32, #tpu.memory_space<hbm>>
      tpu.enqueue_indirect_dma source(%dma_start3A_45 : memref<10240x64xf32, #tpu.memory_space<hbm>>) target(%arg9 : memref<1000x64xf32, #tpu.memory_space<vmem>>) offsets(%dma_start3A_42 : memref<1000xi32, #tpu.memory_space<vmem>>) semaphore(%arg11 : memref<!tpu.dma_semaphore, #tpu.memory_space<semaphore_mem>>)
      %dma_wait3A_46 = tpu.memref_slice %arg7[%mul3A_41] : memref<10000xi32, #tpu.memory_space<vmem>> -> memref<1000xi32, #tpu.memory_space<vmem>>
      %dma_wait3A_47 = arith.constant 0 : i32
      %dma_wait3A_48 = arith.constant 0 : i32
      %dma_wait3A_49 = tpu.memref_slice %arg2[%dma_wait3A_47, %dma_wait3A_48] : memref<10240x64xf32, #tpu.memory_space<hbm>> -> memref<10240x64xf32, #tpu.memory_space<hbm>>
      tpu.wait_indirect_dma semaphore(%arg11 : memref<!tpu.dma_semaphore, #tpu.memory_space<semaphore_mem>>) src(%dma_wait3A_49 : memref<10240x64xf32, #tpu.memory_space<hbm>>) dst(%arg9 : memref<1000x64xf32, #tpu.memory_space<vmem>>)
      %mul3A_50 = arith.constant 1000 : i32
      %mul3A_51 = arith.muli %scan3A_39, %mul3A_50 : i32
      "tpu.region"() ({
        %run_scoped3A = tpu.sem_alloc : memref<!tpu.dma_semaphore, #tpu.memory_space<semaphore_mem>>
        %dma_start3A_52 = tpu.memref_slice %arg8[%mul3A_51] : memref<10000xi32, #tpu.memory_space<vmem>> -> memref<1000xi32, #tpu.memory_space<vmem>>
        %dma_start3A_53 = arith.constant 0 : i32
        %dma_start3A_54 = arith.constant 0 : i32
        %dma_start3A_55 = tpu.memref_slice %arg10[%dma_start3A_53, %dma_start3A_54] : memref<10240x64xf32, #tpu.memory_space<vmem_shared>> -> memref<10240x64xf32, #tpu.memory_space<vmem_shared>>
        tpu.enqueue_indirect_dma source(%arg9 : memref<1000x64xf32, #tpu.memory_space<vmem>>) target(%dma_start3A_55 : memref<10240x64xf32, #tpu.memory_space<vmem_shared>>) offsets(%dma_start3A_52 : memref<1000xi32, #tpu.memory_space<vmem>>) semaphore(%run_scoped3A : memref<!tpu.dma_semaphore, #tpu.memory_space<semaphore_mem>>) {add = true}
        %dma_wait3A_56 = tpu.memref_slice %arg8[%mul3A_51] : memref<10000xi32, #tpu.memory_space<vmem>> -> memref<1000xi32, #tpu.memory_space<vmem>>
        %dma_wait3A_57 = arith.constant 0 : i32
        %dma_wait3A_58 = arith.constant 0 : i32
        %dma_wait3A_59 = tpu.memref_slice %arg10[%dma_wait3A_57, %dma_wait3A_58] : memref<10240x64xf32, #tpu.memory_space<vmem_shared>> -> memref<10240x64xf32, #tpu.memory_space<vmem_shared>>
        tpu.wait_indirect_dma semaphore(%run_scoped3A : memref<!tpu.dma_semaphore, #tpu.memory_space<semaphore_mem>>) src(%arg9 : memref<1000x64xf32, #tpu.memory_space<vmem>>) dst(%dma_wait3A_59 : memref<10240x64xf32, #tpu.memory_space<vmem_shared>>)
        tpu.yield
      }) : () -> ()
    }
    %scan3A_37 = arith.constant 10 : i32
    %barrier3A_38 = arith.constant 0 : index
    tpu.barrier barrier_id(%barrier3A_38)
    "tpu.region"() ({
      %run_scoped3A = tpu.sem_alloc : memref<!tpu.dma_semaphore, #tpu.memory_space<semaphore_mem>>
      %dma_start3A_39 = arith.constant 0 : i32
      %dma_start3A_40 = arith.constant 0 : i32
      %dma_start3A_41 = tpu.memref_slice %arg6[%arg0, %dma_start3A_39, %dma_start3A_40] : memref<2x10240x64xf32, #tpu.memory_space<hbm>> -> memref<1x10240x64xf32, #tpu.memory_space<hbm>>
      %dma_start3A_42 = tpu.memref_squeeze %dma_start3A_41 : memref<1x10240x64xf32, #tpu.memory_space<hbm>> -> memref<10240x64xf32, #tpu.memory_space<hbm>>
      %dma_start3A_43 = arith.constant 0 : i32
      %dma_start3A_44 = tpu.memref_slice %dma_start3A_42[%mul3A_2, %dma_start3A_43] : memref<10240x64xf32, #tpu.memory_space<hbm>> -> memref<640x64xf32, #tpu.memory_space<hbm>>
      %dma_start3A_45 = arith.constant 0 : i32
      %dma_start3A_46 = tpu.memref_slice %arg10[%mul3A_2, %dma_start3A_45] : memref<10240x64xf32, #tpu.memory_space<vmem_shared>> -> memref<640x64xf32, #tpu.memory_space<vmem_shared>>
      tpu.enqueue_dma source(%dma_start3A_46 : memref<640x64xf32, #tpu.memory_space<vmem_shared>>) target(%dma_start3A_44 : memref<640x64xf32, #tpu.memory_space<hbm>>) target_semaphore(%run_scoped3A : memref<!tpu.dma_semaphore, #tpu.memory_space<semaphore_mem>>)
      %dma_wait3A_47 = arith.constant 0 : i32
      %dma_wait3A_48 = arith.constant 0 : i32
      %dma_wait3A_49 = tpu.memref_slice %arg6[%arg0, %dma_wait3A_47, %dma_wait3A_48] : memref<2x10240x64xf32, #tpu.memory_space<hbm>> -> memref<1x10240x64xf32, #tpu.memory_space<hbm>>
      %dma_wait3A_50 = tpu.memref_squeeze %dma_wait3A_49 : memref<1x10240x64xf32, #tpu.memory_space<hbm>> -> memref<10240x64xf32, #tpu.memory_space<hbm>>
      %dma_wait3A_51 = arith.constant 0 : i32
      %dma_wait3A_52 = tpu.memref_slice %dma_wait3A_50[%mul3A_2, %dma_wait3A_51] : memref<10240x64xf32, #tpu.memory_space<hbm>> -> memref<640x64xf32, #tpu.memory_space<hbm>>
      %dma_wait3A_53 = arith.constant 0 : i32
      %dma_wait3A_54 = tpu.memref_slice %arg10[%mul3A_2, %dma_wait3A_53] : memref<10240x64xf32, #tpu.memory_space<vmem_shared>> -> memref<640x64xf32, #tpu.memory_space<vmem_shared>>
      tpu.wait_dma2 semaphore(%run_scoped3A : memref<!tpu.dma_semaphore, #tpu.memory_space<semaphore_mem>>) src(%dma_wait3A_54 : memref<640x64xf32, #tpu.memory_space<vmem_shared>>) dst(%dma_wait3A_52 : memref<640x64xf32, #tpu.memory_space<hbm>>)
      tpu.yield
    }) : () -> ()
    return
  }
}

#map = affine_map<(d0, d1) -> (0, 0)>
#map1 = affine_map<(d0, d1) -> (0, 0, 0)>
module attributes {stable_mosaic.version = 14 : i64} {
  func.func @_prop_kernel(%arg0: i32, %arg1: i32, %arg2: memref<10240x64xf32, #tpu.memory_space<hbm>>, %arg3: memref<32x10000xi32, #tpu.memory_space<hbm>>, %arg4: memref<32x10000xi32, #tpu.memory_space<hbm>>, %arg5: memref<10240x64xf32, #tpu.memory_space<hbm>>, %arg6: memref<2x10240x64xf32, #tpu.memory_space<hbm>>, %arg7: memref<10000xi32, #tpu.memory_space<vmem>>, %arg8: memref<10000xi32, #tpu.memory_space<vmem>>, %arg9: memref<1000x64xf32, #tpu.memory_space<vmem>>, %arg10: memref<10240x64xf32, #tpu.memory_space<vmem_shared>>, %arg11: memref<!tpu.dma_semaphore, #tpu.memory_space<semaphore_mem>>, %arg12: memref<!tpu.dma_semaphore, #tpu.memory_space<semaphore_mem>>) attributes {dimension_semantics = [#tpu.dimension_semantics<core_parallel>, #tpu.dimension_semantics<subcore_parallel>], iteration_bounds = array<i64: 2, 16>, scalar_prefetch = 0 : i64, scratch_operands = 6 : i64, tpu.core_type = #tpu.core_type<sc_vector_subcore>, window_params = [{transform_indices = #map}, {transform_indices = #map}, {transform_indices = #map}, {transform_indices = #map}, {transform_indices = #map1}]} {
    %mul3A = arith.constant 16 : i32
    %mul3A_0 = arith.muli %arg0, %mul3A : i32
    %add3A = arith.addi %mul3A_0, %arg1 : i32
    %mul3A_1 = arith.constant 640 : i32
    %mul3A_2 = arith.muli %arg1, %mul3A_1 : i32
    %dma_start3A = arith.constant 0 : i32
    %dma_start3A_3 = tpu.memref_slice %arg3[%add3A, %dma_start3A] : memref<32x10000xi32, #tpu.memory_space<hbm>> -> memref<1x10000xi32, #tpu.memory_space<hbm>>
    %dma_start3A_4 = tpu.memref_squeeze %dma_start3A_3 : memref<1x10000xi32, #tpu.memory_space<hbm>> -> memref<10000xi32, #tpu.memory_space<hbm>>
    %dma_start3A_5 = arith.constant 0 : i32
    %dma_start3A_6 = tpu.memref_slice %arg3[%add3A, %dma_start3A_5] : memref<32x10000xi32, #tpu.memory_space<hbm>> -> memref<1x10000xi32, #tpu.memory_space<hbm>>
    %dma_start3A_7 = tpu.memref_squeeze %dma_start3A_6 : memref<1x10000xi32, #tpu.memory_space<hbm>> -> memref<10000xi32, #tpu.memory_space<hbm>>
    tpu.enqueue_dma source(%dma_start3A_7 : memref<10000xi32, #tpu.memory_space<hbm>>) target(%arg7 : memref<10000xi32, #tpu.memory_space<vmem>>) target_semaphore(%arg12 : memref<!tpu.dma_semaphore, #tpu.memory_space<semaphore_mem>>)
    %dma_start3A_8 = arith.constant 0 : i32
    %dma_start3A_9 = tpu.memref_slice %arg4[%add3A, %dma_start3A_8] : memref<32x10000xi32, #tpu.memory_space<hbm>> -> memref<1x10000xi32, #tpu.memory_space<hbm>>
    %dma_start3A_10 = tpu.memref_squeeze %dma_start3A_9 : memref<1x10000xi32, #tpu.memory_space<hbm>> -> memref<10000xi32, #tpu.memory_space<hbm>>
    %dma_start3A_11 = arith.constant 0 : i32
    %dma_start3A_12 = tpu.memref_slice %arg4[%add3A, %dma_start3A_11] : memref<32x10000xi32, #tpu.memory_space<hbm>> -> memref<1x10000xi32, #tpu.memory_space<hbm>>
    %dma_start3A_13 = tpu.memref_squeeze %dma_start3A_12 : memref<1x10000xi32, #tpu.memory_space<hbm>> -> memref<10000xi32, #tpu.memory_space<hbm>>
    tpu.enqueue_dma source(%dma_start3A_13 : memref<10000xi32, #tpu.memory_space<hbm>>) target(%arg8 : memref<10000xi32, #tpu.memory_space<vmem>>) target_semaphore(%arg12 : memref<!tpu.dma_semaphore, #tpu.memory_space<semaphore_mem>>)
    %dma_start3A_14 = arith.constant 0 : i32
    %dma_start3A_15 = tpu.memref_slice %arg10[%mul3A_2, %dma_start3A_14] : memref<10240x64xf32, #tpu.memory_space<vmem_shared>> -> memref<640x64xf32, #tpu.memory_space<vmem_shared>>
    %dma_start3A_16 = arith.constant 0 : i32
    %dma_start3A_17 = tpu.memref_slice %arg5[%mul3A_2, %dma_start3A_16] : memref<10240x64xf32, #tpu.memory_space<hbm>> -> memref<640x64xf32, #tpu.memory_space<hbm>>
    tpu.enqueue_dma source(%dma_start3A_17 : memref<640x64xf32, #tpu.memory_space<hbm>>) target(%dma_start3A_15 : memref<640x64xf32, #tpu.memory_space<vmem_shared>>) target_semaphore(%arg12 : memref<!tpu.dma_semaphore, #tpu.memory_space<semaphore_mem>>)
    %dma_wait3A = arith.constant 0 : i32
    %dma_wait3A_18 = tpu.memref_slice %arg3[%add3A, %dma_wait3A] : memref<32x10000xi32, #tpu.memory_space<hbm>> -> memref<1x10000xi32, #tpu.memory_space<hbm>>
    %dma_wait3A_19 = tpu.memref_squeeze %dma_wait3A_18 : memref<1x10000xi32, #tpu.memory_space<hbm>> -> memref<10000xi32, #tpu.memory_space<hbm>>
    %dma_wait3A_20 = arith.constant 0 : i32
    %dma_wait3A_21 = tpu.memref_slice %arg3[%add3A, %dma_wait3A_20] : memref<32x10000xi32, #tpu.memory_space<hbm>> -> memref<1x10000xi32, #tpu.memory_space<hbm>>
    %dma_wait3A_22 = tpu.memref_squeeze %dma_wait3A_21 : memref<1x10000xi32, #tpu.memory_space<hbm>> -> memref<10000xi32, #tpu.memory_space<hbm>>
    tpu.wait_dma2 semaphore(%arg12 : memref<!tpu.dma_semaphore, #tpu.memory_space<semaphore_mem>>) src(%dma_wait3A_22 : memref<10000xi32, #tpu.memory_space<hbm>>) dst(%arg7 : memref<10000xi32, #tpu.memory_space<vmem>>)
    %dma_wait3A_23 = arith.constant 0 : i32
    %dma_wait3A_24 = tpu.memref_slice %arg4[%add3A, %dma_wait3A_23] : memref<32x10000xi32, #tpu.memory_space<hbm>> -> memref<1x10000xi32, #tpu.memory_space<hbm>>
    %dma_wait3A_25 = tpu.memref_squeeze %dma_wait3A_24 : memref<1x10000xi32, #tpu.memory_space<hbm>> -> memref<10000xi32, #tpu.memory_space<hbm>>
    %dma_wait3A_26 = arith.constant 0 : i32
    %dma_wait3A_27 = tpu.memref_slice %arg4[%add3A, %dma_wait3A_26] : memref<32x10000xi32, #tpu.memory_space<hbm>> -> memref<1x10000xi32, #tpu.memory_space<hbm>>
    %dma_wait3A_28 = tpu.memref_squeeze %dma_wait3A_27 : memref<1x10000xi32, #tpu.memory_space<hbm>> -> memref<10000xi32, #tpu.memory_space<hbm>>
    tpu.wait_dma2 semaphore(%arg12 : memref<!tpu.dma_semaphore, #tpu.memory_space<semaphore_mem>>) src(%dma_wait3A_28 : memref<10000xi32, #tpu.memory_space<hbm>>) dst(%arg8 : memref<10000xi32, #tpu.memory_space<vmem>>)
    %dma_wait3A_29 = arith.constant 0 : i32
    %dma_wait3A_30 = tpu.memref_slice %arg10[%mul3A_2, %dma_wait3A_29] : memref<10240x64xf32, #tpu.memory_space<vmem_shared>> -> memref<640x64xf32, #tpu.memory_space<vmem_shared>>
    %dma_wait3A_31 = arith.constant 0 : i32
    %dma_wait3A_32 = tpu.memref_slice %arg5[%mul3A_2, %dma_wait3A_31] : memref<10240x64xf32, #tpu.memory_space<hbm>> -> memref<640x64xf32, #tpu.memory_space<hbm>>
    tpu.wait_dma2 semaphore(%arg12 : memref<!tpu.dma_semaphore, #tpu.memory_space<semaphore_mem>>) src(%dma_wait3A_32 : memref<640x64xf32, #tpu.memory_space<hbm>>) dst(%dma_wait3A_30 : memref<640x64xf32, #tpu.memory_space<vmem_shared>>)
    %barrier3A = arith.constant 0 : index
    tpu.barrier barrier_id(%barrier3A)
    %scan3A = arith.constant 0 : i32
    %scan3A_33 = arith.constant 0 : i32
    %scan3A_34 = arith.constant 10 : i32
    %scan3A_35 = arith.addi %scan3A_33, %scan3A_34 : i32
    %scan3A_36 = arith.constant 1 : i32
    scf.for %scan3A_39 = %scan3A_33 to %scan3A_35 step %scan3A_36  : i32 {
      %mul3A_40 = arith.constant 1000 : i32
      %mul3A_41 = arith.muli %scan3A_39, %mul3A_40 : i32
      %dma_start3A_42 = tpu.memref_slice %arg7[%mul3A_41] : memref<10000xi32, #tpu.memory_space<vmem>> -> memref<1000xi32, #tpu.memory_space<vmem>>
      %dma_start3A_43 = arith.constant 0 : i32
      %dma_start3A_44 = arith.constant 0 : i32
      %dma_start3A_45 = tpu.memref_slice %arg2[%dma_start3A_43, %dma_start3A_44] : memref<10240x64xf32, #tpu.memory_space<hbm>> -> memref<10240x64xf32, #tpu.memory_space<hbm>>
      tpu.enqueue_indirect_dma source(%dma_start3A_45 : memref<10240x64xf32, #tpu.memory_space<hbm>>) target(%arg9 : memref<1000x64xf32, #tpu.memory_space<vmem>>) offsets(%dma_start3A_42 : memref<1000xi32, #tpu.memory_space<vmem>>) semaphore(%arg11 : memref<!tpu.dma_semaphore, #tpu.memory_space<semaphore_mem>>)
      %dma_wait3A_46 = tpu.memref_slice %arg7[%mul3A_41] : memref<10000xi32, #tpu.memory_space<vmem>> -> memref<1000xi32, #tpu.memory_space<vmem>>
      %dma_wait3A_47 = arith.constant 0 : i32
      %dma_wait3A_48 = arith.constant 0 : i32
      %dma_wait3A_49 = tpu.memref_slice %arg2[%dma_wait3A_47, %dma_wait3A_48] : memref<10240x64xf32, #tpu.memory_space<hbm>> -> memref<10240x64xf32, #tpu.memory_space<hbm>>
      tpu.wait_indirect_dma semaphore(%arg11 : memref<!tpu.dma_semaphore, #tpu.memory_space<semaphore_mem>>) src(%dma_wait3A_49 : memref<10240x64xf32, #tpu.memory_space<hbm>>) dst(%arg9 : memref<1000x64xf32, #tpu.memory_space<vmem>>)
      %mul3A_50 = arith.constant 1000 : i32
      %mul3A_51 = arith.muli %scan3A_39, %mul3A_50 : i32
      "tpu.region"() ({
        %run_scoped3A = tpu.sem_alloc : memref<!tpu.dma_semaphore, #tpu.memory_space<semaphore_mem>>
        %dma_start3A_52 = tpu.memref_slice %arg8[%mul3A_51] : memref<10000xi32, #tpu.memory_space<vmem>> -> memref<1000xi32, #tpu.memory_space<vmem>>
        %dma_start3A_53 = arith.constant 0 : i32
        %dma_start3A_54 = arith.constant 0 : i32
        %dma_start3A_55 = tpu.memref_slice %arg10[%dma_start3A_53, %dma_start3A_54] : memref<10240x64xf32, #tpu.memory_space<vmem_shared>> -> memref<10240x64xf32, #tpu.memory_space<vmem_shared>>
        tpu.enqueue_indirect_dma source(%arg9 : memref<1000x64xf32, #tpu.memory_space<vmem>>) target(%dma_start3A_55 : memref<10240x64xf32, #tpu.memory_space<vmem_shared>>) offsets(%dma_start3A_52 : memref<1000xi32, #tpu.memory_space<vmem>>) semaphore(%run_scoped3A : memref<!tpu.dma_semaphore, #tpu.memory_space<semaphore_mem>>) {add = true}
        %dma_wait3A_56 = tpu.memref_slice %arg8[%mul3A_51] : memref<10000xi32, #tpu.memory_space<vmem>> -> memref<1000xi32, #tpu.memory_space<vmem>>
        %dma_wait3A_57 = arith.constant 0 : i32
        %dma_wait3A_58 = arith.constant 0 : i32
        %dma_wait3A_59 = tpu.memref_slice %arg10[%dma_wait3A_57, %dma_wait3A_58] : memref<10240x64xf32, #tpu.memory_space<vmem_shared>> -> memref<10240x64xf32, #tpu.memory_space<vmem_shared>>
        tpu.wait_indirect_dma semaphore(%run_scoped3A : memref<!tpu.dma_semaphore, #tpu.memory_space<semaphore_mem>>) src(%arg9 : memref<1000x64xf32, #tpu.memory_space<vmem>>) dst(%dma_wait3A_59 : memref<10240x64xf32, #tpu.memory_space<vmem_shared>>)
        tpu.yield
      }) : () -> ()
    }
    %scan3A_37 = arith.constant 10 : i32
    %barrier3A_38 = arith.constant 0 : index
    tpu.barrier barrier_id(%barrier3A_38)
    "tpu.region"() ({
      %run_scoped3A = tpu.sem_alloc : memref<!tpu.dma_semaphore, #tpu.memory_space<semaphore_mem>>
      %dma_start3A_39 = arith.constant 0 : i32
      %dma_start3A_40 = arith.constant 0 : i32
      %dma_start3A_41 = tpu.memref_slice %arg6[%arg0, %dma_start3A_39, %dma_start3A_40] : memref<2x10240x64xf32, #tpu.memory_space<hbm>> -> memref<1x10240x64xf32, #tpu.memory_space<hbm>>
      %dma_start3A_42 = tpu.memref_squeeze %dma_start3A_41 : memref<1x10240x64xf32, #tpu.memory_space<hbm>> -> memref<10240x64xf32, #tpu.memory_space<hbm>>
      %dma_start3A_43 = arith.constant 0 : i32
      %dma_start3A_44 = tpu.memref_slice %dma_start3A_42[%mul3A_2, %dma_start3A_43] : memref<10240x64xf32, #tpu.memory_space<hbm>> -> memref<640x64xf32, #tpu.memory_space<hbm>>
      %dma_start3A_45 = arith.constant 0 : i32
      %dma_start3A_46 = tpu.memref_slice %arg10[%mul3A_2, %dma_start3A_45] : memref<10240x64xf32, #tpu.memory_space<vmem_shared>> -> memref<640x64xf32, #tpu.memory_space<vmem_shared>>
      tpu.enqueue_dma source(%dma_start3A_46 : memref<640x64xf32, #tpu.memory_space<vmem_shared>>) target(%dma_start3A_44 : memref<640x64xf32, #tpu.memory_space<hbm>>) target_semaphore(%run_scoped3A : memref<!tpu.dma_semaphore, #tpu.memory_space<semaphore_mem>>)
      %dma_wait3A_47 = arith.constant 0 : i32
      %dma_wait3A_48 = arith.constant 0 : i32
      %dma_wait3A_49 = tpu.memref_slice %arg6[%arg0, %dma_wait3A_47, %dma_wait3A_48] : memref<2x10240x64xf32, #tpu.memory_space<hbm>> -> memref<1x10240x64xf32, #tpu.memory_space<hbm>>
      %dma_wait3A_50 = tpu.memref_squeeze %dma_wait3A_49 : memref<1x10240x64xf32, #tpu.memory_space<hbm>> -> memref<10240x64xf32, #tpu.memory_space<hbm>>
      %dma_wait3A_51 = arith.constant 0 : i32
      %dma_wait3A_52 = tpu.memref_slice %dma_wait3A_50[%mul3A_2, %dma_wait3A_51] : memref<10240x64xf32, #tpu.memory_space<hbm>> -> memref<640x64xf32, #tpu.memory_space<hbm>>
      %dma_wait3A_53 = arith.constant 0 : i32
      %dma_wait3A_54 = tpu.memref_slice %arg10[%mul3A_2, %dma_wait3A_53] : memref<10240x64xf32, #tpu.memory_space<vmem_shared>> -> memref<640x64xf32, #tpu.memory_space<vmem_shared>>
      tpu.wait_dma2 semaphore(%run_scoped3A : memref<!tpu.dma_semaphore, #tpu.memory_space<semaphore_mem>>) src(%dma_wait3A_54 : memref<640x64xf32, #tpu.memory_space<vmem_shared>>) dst(%dma_wait3A_52 : memref<640x64xf32, #tpu.memory_space<hbm>>)
      tpu.yield
    }) : () -> ()
    return
  }
}

#map = affine_map<(d0, d1) -> (0, 0)>
#map1 = affine_map<(d0, d1) -> (0, 0, 0)>
module attributes {stable_mosaic.version = 14 : i64} {
  func.func @_prop_kernel(%arg0: i32, %arg1: i32, %arg2: memref<10240x64xf32, #tpu.memory_space<hbm>>, %arg3: memref<32x10000xi32, #tpu.memory_space<hbm>>, %arg4: memref<32x10000xi32, #tpu.memory_space<hbm>>, %arg5: memref<10240x64xf32, #tpu.memory_space<hbm>>, %arg6: memref<2x10240x64xf32, #tpu.memory_space<hbm>>, %arg7: memref<10000xi32, #tpu.memory_space<vmem>>, %arg8: memref<10000xi32, #tpu.memory_space<vmem>>, %arg9: memref<1000x64xf32, #tpu.memory_space<vmem>>, %arg10: memref<10240x64xf32, #tpu.memory_space<vmem_shared>>, %arg11: memref<!tpu.dma_semaphore, #tpu.memory_space<semaphore_mem>>, %arg12: memref<!tpu.dma_semaphore, #tpu.memory_space<semaphore_mem>>) attributes {dimension_semantics = [#tpu.dimension_semantics<core_parallel>, #tpu.dimension_semantics<subcore_parallel>], iteration_bounds = array<i64: 2, 16>, scalar_prefetch = 0 : i64, scratch_operands = 6 : i64, tpu.core_type = #tpu.core_type<sc_vector_subcore>, window_params = [{transform_indices = #map}, {transform_indices = #map}, {transform_indices = #map}, {transform_indices = #map}, {transform_indices = #map1}]} {
    %mul3A = arith.constant 16 : i32
    %mul3A_0 = arith.muli %arg0, %mul3A : i32
    %add3A = arith.addi %mul3A_0, %arg1 : i32
    %mul3A_1 = arith.constant 640 : i32
    %mul3A_2 = arith.muli %arg1, %mul3A_1 : i32
    %dma_start3A = arith.constant 0 : i32
    %dma_start3A_3 = tpu.memref_slice %arg3[%add3A, %dma_start3A] : memref<32x10000xi32, #tpu.memory_space<hbm>> -> memref<1x10000xi32, #tpu.memory_space<hbm>>
    %dma_start3A_4 = tpu.memref_squeeze %dma_start3A_3 : memref<1x10000xi32, #tpu.memory_space<hbm>> -> memref<10000xi32, #tpu.memory_space<hbm>>
    %dma_start3A_5 = arith.constant 0 : i32
    %dma_start3A_6 = tpu.memref_slice %arg3[%add3A, %dma_start3A_5] : memref<32x10000xi32, #tpu.memory_space<hbm>> -> memref<1x10000xi32, #tpu.memory_space<hbm>>
    %dma_start3A_7 = tpu.memref_squeeze %dma_start3A_6 : memref<1x10000xi32, #tpu.memory_space<hbm>> -> memref<10000xi32, #tpu.memory_space<hbm>>
    tpu.enqueue_dma source(%dma_start3A_7 : memref<10000xi32, #tpu.memory_space<hbm>>) target(%arg7 : memref<10000xi32, #tpu.memory_space<vmem>>) target_semaphore(%arg12 : memref<!tpu.dma_semaphore, #tpu.memory_space<semaphore_mem>>)
    %dma_start3A_8 = arith.constant 0 : i32
    %dma_start3A_9 = tpu.memref_slice %arg4[%add3A, %dma_start3A_8] : memref<32x10000xi32, #tpu.memory_space<hbm>> -> memref<1x10000xi32, #tpu.memory_space<hbm>>
    %dma_start3A_10 = tpu.memref_squeeze %dma_start3A_9 : memref<1x10000xi32, #tpu.memory_space<hbm>> -> memref<10000xi32, #tpu.memory_space<hbm>>
    %dma_start3A_11 = arith.constant 0 : i32
    %dma_start3A_12 = tpu.memref_slice %arg4[%add3A, %dma_start3A_11] : memref<32x10000xi32, #tpu.memory_space<hbm>> -> memref<1x10000xi32, #tpu.memory_space<hbm>>
    %dma_start3A_13 = tpu.memref_squeeze %dma_start3A_12 : memref<1x10000xi32, #tpu.memory_space<hbm>> -> memref<10000xi32, #tpu.memory_space<hbm>>
    tpu.enqueue_dma source(%dma_start3A_13 : memref<10000xi32, #tpu.memory_space<hbm>>) target(%arg8 : memref<10000xi32, #tpu.memory_space<vmem>>) target_semaphore(%arg12 : memref<!tpu.dma_semaphore, #tpu.memory_space<semaphore_mem>>)
    %dma_start3A_14 = arith.constant 0 : i32
    %dma_start3A_15 = tpu.memref_slice %arg10[%mul3A_2, %dma_start3A_14] : memref<10240x64xf32, #tpu.memory_space<vmem_shared>> -> memref<640x64xf32, #tpu.memory_space<vmem_shared>>
    %dma_start3A_16 = arith.constant 0 : i32
    %dma_start3A_17 = tpu.memref_slice %arg5[%mul3A_2, %dma_start3A_16] : memref<10240x64xf32, #tpu.memory_space<hbm>> -> memref<640x64xf32, #tpu.memory_space<hbm>>
    tpu.enqueue_dma source(%dma_start3A_17 : memref<640x64xf32, #tpu.memory_space<hbm>>) target(%dma_start3A_15 : memref<640x64xf32, #tpu.memory_space<vmem_shared>>) target_semaphore(%arg12 : memref<!tpu.dma_semaphore, #tpu.memory_space<semaphore_mem>>)
    %dma_wait3A = arith.constant 0 : i32
    %dma_wait3A_18 = tpu.memref_slice %arg3[%add3A, %dma_wait3A] : memref<32x10000xi32, #tpu.memory_space<hbm>> -> memref<1x10000xi32, #tpu.memory_space<hbm>>
    %dma_wait3A_19 = tpu.memref_squeeze %dma_wait3A_18 : memref<1x10000xi32, #tpu.memory_space<hbm>> -> memref<10000xi32, #tpu.memory_space<hbm>>
    %dma_wait3A_20 = arith.constant 0 : i32
    %dma_wait3A_21 = tpu.memref_slice %arg3[%add3A, %dma_wait3A_20] : memref<32x10000xi32, #tpu.memory_space<hbm>> -> memref<1x10000xi32, #tpu.memory_space<hbm>>
    %dma_wait3A_22 = tpu.memref_squeeze %dma_wait3A_21 : memref<1x10000xi32, #tpu.memory_space<hbm>> -> memref<10000xi32, #tpu.memory_space<hbm>>
    tpu.wait_dma2 semaphore(%arg12 : memref<!tpu.dma_semaphore, #tpu.memory_space<semaphore_mem>>) src(%dma_wait3A_22 : memref<10000xi32, #tpu.memory_space<hbm>>) dst(%arg7 : memref<10000xi32, #tpu.memory_space<vmem>>)
    %dma_wait3A_23 = arith.constant 0 : i32
    %dma_wait3A_24 = tpu.memref_slice %arg4[%add3A, %dma_wait3A_23] : memref<32x10000xi32, #tpu.memory_space<hbm>> -> memref<1x10000xi32, #tpu.memory_space<hbm>>
    %dma_wait3A_25 = tpu.memref_squeeze %dma_wait3A_24 : memref<1x10000xi32, #tpu.memory_space<hbm>> -> memref<10000xi32, #tpu.memory_space<hbm>>
    %dma_wait3A_26 = arith.constant 0 : i32
    %dma_wait3A_27 = tpu.memref_slice %arg4[%add3A, %dma_wait3A_26] : memref<32x10000xi32, #tpu.memory_space<hbm>> -> memref<1x10000xi32, #tpu.memory_space<hbm>>
    %dma_wait3A_28 = tpu.memref_squeeze %dma_wait3A_27 : memref<1x10000xi32, #tpu.memory_space<hbm>> -> memref<10000xi32, #tpu.memory_space<hbm>>
    tpu.wait_dma2 semaphore(%arg12 : memref<!tpu.dma_semaphore, #tpu.memory_space<semaphore_mem>>) src(%dma_wait3A_28 : memref<10000xi32, #tpu.memory_space<hbm>>) dst(%arg8 : memref<10000xi32, #tpu.memory_space<vmem>>)
    %dma_wait3A_29 = arith.constant 0 : i32
    %dma_wait3A_30 = tpu.memref_slice %arg10[%mul3A_2, %dma_wait3A_29] : memref<10240x64xf32, #tpu.memory_space<vmem_shared>> -> memref<640x64xf32, #tpu.memory_space<vmem_shared>>
    %dma_wait3A_31 = arith.constant 0 : i32
    %dma_wait3A_32 = tpu.memref_slice %arg5[%mul3A_2, %dma_wait3A_31] : memref<10240x64xf32, #tpu.memory_space<hbm>> -> memref<640x64xf32, #tpu.memory_space<hbm>>
    tpu.wait_dma2 semaphore(%arg12 : memref<!tpu.dma_semaphore, #tpu.memory_space<semaphore_mem>>) src(%dma_wait3A_32 : memref<640x64xf32, #tpu.memory_space<hbm>>) dst(%dma_wait3A_30 : memref<640x64xf32, #tpu.memory_space<vmem_shared>>)
    %barrier3A = arith.constant 0 : index
    tpu.barrier barrier_id(%barrier3A)
    %scan3A = arith.constant 0 : i32
    %scan3A_33 = arith.constant 0 : i32
    %scan3A_34 = arith.constant 10 : i32
    %scan3A_35 = arith.addi %scan3A_33, %scan3A_34 : i32
    %scan3A_36 = arith.constant 1 : i32
    scf.for %scan3A_39 = %scan3A_33 to %scan3A_35 step %scan3A_36  : i32 {
      %mul3A_40 = arith.constant 1000 : i32
      %mul3A_41 = arith.muli %scan3A_39, %mul3A_40 : i32
      %dma_start3A_42 = tpu.memref_slice %arg7[%mul3A_41] : memref<10000xi32, #tpu.memory_space<vmem>> -> memref<1000xi32, #tpu.memory_space<vmem>>
      %dma_start3A_43 = arith.constant 0 : i32
      %dma_start3A_44 = arith.constant 0 : i32
      %dma_start3A_45 = tpu.memref_slice %arg2[%dma_start3A_43, %dma_start3A_44] : memref<10240x64xf32, #tpu.memory_space<hbm>> -> memref<10240x64xf32, #tpu.memory_space<hbm>>
      tpu.enqueue_indirect_dma source(%dma_start3A_45 : memref<10240x64xf32, #tpu.memory_space<hbm>>) target(%arg9 : memref<1000x64xf32, #tpu.memory_space<vmem>>) offsets(%dma_start3A_42 : memref<1000xi32, #tpu.memory_space<vmem>>) semaphore(%arg11 : memref<!tpu.dma_semaphore, #tpu.memory_space<semaphore_mem>>)
      %dma_wait3A_46 = tpu.memref_slice %arg7[%mul3A_41] : memref<10000xi32, #tpu.memory_space<vmem>> -> memref<1000xi32, #tpu.memory_space<vmem>>
      %dma_wait3A_47 = arith.constant 0 : i32
      %dma_wait3A_48 = arith.constant 0 : i32
      %dma_wait3A_49 = tpu.memref_slice %arg2[%dma_wait3A_47, %dma_wait3A_48] : memref<10240x64xf32, #tpu.memory_space<hbm>> -> memref<10240x64xf32, #tpu.memory_space<hbm>>
      tpu.wait_indirect_dma semaphore(%arg11 : memref<!tpu.dma_semaphore, #tpu.memory_space<semaphore_mem>>) src(%dma_wait3A_49 : memref<10240x64xf32, #tpu.memory_space<hbm>>) dst(%arg9 : memref<1000x64xf32, #tpu.memory_space<vmem>>)
      %mul3A_50 = arith.constant 1000 : i32
      %mul3A_51 = arith.muli %scan3A_39, %mul3A_50 : i32
      "tpu.region"() ({
        %run_scoped3A = tpu.sem_alloc : memref<!tpu.dma_semaphore, #tpu.memory_space<semaphore_mem>>
        %dma_start3A_52 = tpu.memref_slice %arg8[%mul3A_51] : memref<10000xi32, #tpu.memory_space<vmem>> -> memref<1000xi32, #tpu.memory_space<vmem>>
        %dma_start3A_53 = arith.constant 0 : i32
        %dma_start3A_54 = arith.constant 0 : i32
        %dma_start3A_55 = tpu.memref_slice %arg10[%dma_start3A_53, %dma_start3A_54] : memref<10240x64xf32, #tpu.memory_space<vmem_shared>> -> memref<10240x64xf32, #tpu.memory_space<vmem_shared>>
        tpu.enqueue_indirect_dma source(%arg9 : memref<1000x64xf32, #tpu.memory_space<vmem>>) target(%dma_start3A_55 : memref<10240x64xf32, #tpu.memory_space<vmem_shared>>) offsets(%dma_start3A_52 : memref<1000xi32, #tpu.memory_space<vmem>>) semaphore(%run_scoped3A : memref<!tpu.dma_semaphore, #tpu.memory_space<semaphore_mem>>) {add = true}
        %dma_wait3A_56 = tpu.memref_slice %arg8[%mul3A_51] : memref<10000xi32, #tpu.memory_space<vmem>> -> memref<1000xi32, #tpu.memory_space<vmem>>
        %dma_wait3A_57 = arith.constant 0 : i32
        %dma_wait3A_58 = arith.constant 0 : i32
        %dma_wait3A_59 = tpu.memref_slice %arg10[%dma_wait3A_57, %dma_wait3A_58] : memref<10240x64xf32, #tpu.memory_space<vmem_shared>> -> memref<10240x64xf32, #tpu.memory_space<vmem_shared>>
        tpu.wait_indirect_dma semaphore(%run_scoped3A : memref<!tpu.dma_semaphore, #tpu.memory_space<semaphore_mem>>) src(%arg9 : memref<1000x64xf32, #tpu.memory_space<vmem>>) dst(%dma_wait3A_59 : memref<10240x64xf32, #tpu.memory_space<vmem_shared>>)
        tpu.yield
      }) : () -> ()
    }
    %scan3A_37 = arith.constant 10 : i32
    %barrier3A_38 = arith.constant 0 : index
    tpu.barrier barrier_id(%barrier3A_38)
    "tpu.region"() ({
      %run_scoped3A = tpu.sem_alloc : memref<!tpu.dma_semaphore, #tpu.memory_space<semaphore_mem>>
      %dma_start3A_39 = arith.constant 0 : i32
      %dma_start3A_40 = arith.constant 0 : i32
      %dma_start3A_41 = tpu.memref_slice %arg6[%arg0, %dma_start3A_39, %dma_start3A_40] : memref<2x10240x64xf32, #tpu.memory_space<hbm>> -> memref<1x10240x64xf32, #tpu.memory_space<hbm>>
      %dma_start3A_42 = tpu.memref_squeeze %dma_start3A_41 : memref<1x10240x64xf32, #tpu.memory_space<hbm>> -> memref<10240x64xf32, #tpu.memory_space<hbm>>
      %dma_start3A_43 = arith.constant 0 : i32
      %dma_start3A_44 = tpu.memref_slice %dma_start3A_42[%mul3A_2, %dma_start3A_43] : memref<10240x64xf32, #tpu.memory_space<hbm>> -> memref<640x64xf32, #tpu.memory_space<hbm>>
      %dma_start3A_45 = arith.constant 0 : i32
      %dma_start3A_46 = tpu.memref_slice %arg10[%mul3A_2, %dma_start3A_45] : memref<10240x64xf32, #tpu.memory_space<vmem_shared>> -> memref<640x64xf32, #tpu.memory_space<vmem_shared>>
      tpu.enqueue_dma source(%dma_start3A_46 : memref<640x64xf32, #tpu.memory_space<vmem_shared>>) target(%dma_start3A_44 : memref<640x64xf32, #tpu.memory_space<hbm>>) target_semaphore(%run_scoped3A : memref<!tpu.dma_semaphore, #tpu.memory_space<semaphore_mem>>)
      %dma_wait3A_47 = arith.constant 0 : i32
      %dma_wait3A_48 = arith.constant 0 : i32
      %dma_wait3A_49 = tpu.memref_slice %arg6[%arg0, %dma_wait3A_47, %dma_wait3A_48] : memref<2x10240x64xf32, #tpu.memory_space<hbm>> -> memref<1x10240x64xf32, #tpu.memory_space<hbm>>
      %dma_wait3A_50 = tpu.memref_squeeze %dma_wait3A_49 : memref<1x10240x64xf32, #tpu.memory_space<hbm>> -> memref<10240x64xf32, #tpu.memory_space<hbm>>
      %dma_wait3A_51 = arith.constant 0 : i32
      %dma_wait3A_52 = tpu.memref_slice %dma_wait3A_50[%mul3A_2, %dma_wait3A_51] : memref<10240x64xf32, #tpu.memory_space<hbm>> -> memref<640x64xf32, #tpu.memory_space<hbm>>
      %dma_wait3A_53 = arith.constant 0 : i32
      %dma_wait3A_54 = tpu.memref_slice %arg10[%mul3A_2, %dma_wait3A_53] : memref<10240x64xf32, #tpu.memory_space<vmem_shared>> -> memref<640x64xf32, #tpu.memory_space<vmem_shared>>
      tpu.wait_dma2 semaphore(%run_scoped3A : memref<!tpu.dma_semaphore, #tpu.memory_space<semaphore_mem>>) src(%dma_wait3A_54 : memref<640x64xf32, #tpu.memory_space<vmem_shared>>) dst(%dma_wait3A_52 : memref<640x64xf32, #tpu.memory_space<hbm>>)
      tpu.yield
    }) : () -> ()
    return
  }
}

#map = affine_map<(d0, d1) -> (0, 0)>
#map1 = affine_map<(d0, d1) -> (0, 0, 0)>
module attributes {stable_mosaic.version = 14 : i64} {
  func.func @_prop_kernel(%arg0: i32, %arg1: i32, %arg2: memref<10240x64xf32, #tpu.memory_space<hbm>>, %arg3: memref<32x10000xi32, #tpu.memory_space<hbm>>, %arg4: memref<32x10000xi32, #tpu.memory_space<hbm>>, %arg5: memref<10240x64xf32, #tpu.memory_space<hbm>>, %arg6: memref<2x10240x64xf32, #tpu.memory_space<hbm>>, %arg7: memref<10000xi32, #tpu.memory_space<vmem>>, %arg8: memref<10000xi32, #tpu.memory_space<vmem>>, %arg9: memref<1000x64xf32, #tpu.memory_space<vmem>>, %arg10: memref<10240x64xf32, #tpu.memory_space<vmem_shared>>, %arg11: memref<!tpu.dma_semaphore, #tpu.memory_space<semaphore_mem>>, %arg12: memref<!tpu.dma_semaphore, #tpu.memory_space<semaphore_mem>>) attributes {dimension_semantics = [#tpu.dimension_semantics<core_parallel>, #tpu.dimension_semantics<subcore_parallel>], iteration_bounds = array<i64: 2, 16>, scalar_prefetch = 0 : i64, scratch_operands = 6 : i64, tpu.core_type = #tpu.core_type<sc_vector_subcore>, window_params = [{transform_indices = #map}, {transform_indices = #map}, {transform_indices = #map}, {transform_indices = #map}, {transform_indices = #map1}]} {
    %mul3A = arith.constant 16 : i32
    %mul3A_0 = arith.muli %arg0, %mul3A : i32
    %add3A = arith.addi %mul3A_0, %arg1 : i32
    %mul3A_1 = arith.constant 640 : i32
    %mul3A_2 = arith.muli %arg1, %mul3A_1 : i32
    %dma_start3A = arith.constant 0 : i32
    %dma_start3A_3 = tpu.memref_slice %arg3[%add3A, %dma_start3A] : memref<32x10000xi32, #tpu.memory_space<hbm>> -> memref<1x10000xi32, #tpu.memory_space<hbm>>
    %dma_start3A_4 = tpu.memref_squeeze %dma_start3A_3 : memref<1x10000xi32, #tpu.memory_space<hbm>> -> memref<10000xi32, #tpu.memory_space<hbm>>
    %dma_start3A_5 = arith.constant 0 : i32
    %dma_start3A_6 = tpu.memref_slice %arg3[%add3A, %dma_start3A_5] : memref<32x10000xi32, #tpu.memory_space<hbm>> -> memref<1x10000xi32, #tpu.memory_space<hbm>>
    %dma_start3A_7 = tpu.memref_squeeze %dma_start3A_6 : memref<1x10000xi32, #tpu.memory_space<hbm>> -> memref<10000xi32, #tpu.memory_space<hbm>>
    tpu.enqueue_dma source(%dma_start3A_7 : memref<10000xi32, #tpu.memory_space<hbm>>) target(%arg7 : memref<10000xi32, #tpu.memory_space<vmem>>) target_semaphore(%arg12 : memref<!tpu.dma_semaphore, #tpu.memory_space<semaphore_mem>>)
    %dma_start3A_8 = arith.constant 0 : i32
    %dma_start3A_9 = tpu.memref_slice %arg4[%add3A, %dma_start3A_8] : memref<32x10000xi32, #tpu.memory_space<hbm>> -> memref<1x10000xi32, #tpu.memory_space<hbm>>
    %dma_start3A_10 = tpu.memref_squeeze %dma_start3A_9 : memref<1x10000xi32, #tpu.memory_space<hbm>> -> memref<10000xi32, #tpu.memory_space<hbm>>
    %dma_start3A_11 = arith.constant 0 : i32
    %dma_start3A_12 = tpu.memref_slice %arg4[%add3A, %dma_start3A_11] : memref<32x10000xi32, #tpu.memory_space<hbm>> -> memref<1x10000xi32, #tpu.memory_space<hbm>>
    %dma_start3A_13 = tpu.memref_squeeze %dma_start3A_12 : memref<1x10000xi32, #tpu.memory_space<hbm>> -> memref<10000xi32, #tpu.memory_space<hbm>>
    tpu.enqueue_dma source(%dma_start3A_13 : memref<10000xi32, #tpu.memory_space<hbm>>) target(%arg8 : memref<10000xi32, #tpu.memory_space<vmem>>) target_semaphore(%arg12 : memref<!tpu.dma_semaphore, #tpu.memory_space<semaphore_mem>>)
    %dma_start3A_14 = arith.constant 0 : i32
    %dma_start3A_15 = tpu.memref_slice %arg10[%mul3A_2, %dma_start3A_14] : memref<10240x64xf32, #tpu.memory_space<vmem_shared>> -> memref<640x64xf32, #tpu.memory_space<vmem_shared>>
    %dma_start3A_16 = arith.constant 0 : i32
    %dma_start3A_17 = tpu.memref_slice %arg5[%mul3A_2, %dma_start3A_16] : memref<10240x64xf32, #tpu.memory_space<hbm>> -> memref<640x64xf32, #tpu.memory_space<hbm>>
    tpu.enqueue_dma source(%dma_start3A_17 : memref<640x64xf32, #tpu.memory_space<hbm>>) target(%dma_start3A_15 : memref<640x64xf32, #tpu.memory_space<vmem_shared>>) target_semaphore(%arg12 : memref<!tpu.dma_semaphore, #tpu.memory_space<semaphore_mem>>)
    %dma_wait3A = arith.constant 0 : i32
    %dma_wait3A_18 = tpu.memref_slice %arg3[%add3A, %dma_wait3A] : memref<32x10000xi32, #tpu.memory_space<hbm>> -> memref<1x10000xi32, #tpu.memory_space<hbm>>
    %dma_wait3A_19 = tpu.memref_squeeze %dma_wait3A_18 : memref<1x10000xi32, #tpu.memory_space<hbm>> -> memref<10000xi32, #tpu.memory_space<hbm>>
    %dma_wait3A_20 = arith.constant 0 : i32
    %dma_wait3A_21 = tpu.memref_slice %arg3[%add3A, %dma_wait3A_20] : memref<32x10000xi32, #tpu.memory_space<hbm>> -> memref<1x10000xi32, #tpu.memory_space<hbm>>
    %dma_wait3A_22 = tpu.memref_squeeze %dma_wait3A_21 : memref<1x10000xi32, #tpu.memory_space<hbm>> -> memref<10000xi32, #tpu.memory_space<hbm>>
    tpu.wait_dma2 semaphore(%arg12 : memref<!tpu.dma_semaphore, #tpu.memory_space<semaphore_mem>>) src(%dma_wait3A_22 : memref<10000xi32, #tpu.memory_space<hbm>>) dst(%arg7 : memref<10000xi32, #tpu.memory_space<vmem>>)
    %dma_wait3A_23 = arith.constant 0 : i32
    %dma_wait3A_24 = tpu.memref_slice %arg4[%add3A, %dma_wait3A_23] : memref<32x10000xi32, #tpu.memory_space<hbm>> -> memref<1x10000xi32, #tpu.memory_space<hbm>>
    %dma_wait3A_25 = tpu.memref_squeeze %dma_wait3A_24 : memref<1x10000xi32, #tpu.memory_space<hbm>> -> memref<10000xi32, #tpu.memory_space<hbm>>
    %dma_wait3A_26 = arith.constant 0 : i32
    %dma_wait3A_27 = tpu.memref_slice %arg4[%add3A, %dma_wait3A_26] : memref<32x10000xi32, #tpu.memory_space<hbm>> -> memref<1x10000xi32, #tpu.memory_space<hbm>>
    %dma_wait3A_28 = tpu.memref_squeeze %dma_wait3A_27 : memref<1x10000xi32, #tpu.memory_space<hbm>> -> memref<10000xi32, #tpu.memory_space<hbm>>
    tpu.wait_dma2 semaphore(%arg12 : memref<!tpu.dma_semaphore, #tpu.memory_space<semaphore_mem>>) src(%dma_wait3A_28 : memref<10000xi32, #tpu.memory_space<hbm>>) dst(%arg8 : memref<10000xi32, #tpu.memory_space<vmem>>)
    %dma_wait3A_29 = arith.constant 0 : i32
    %dma_wait3A_30 = tpu.memref_slice %arg10[%mul3A_2, %dma_wait3A_29] : memref<10240x64xf32, #tpu.memory_space<vmem_shared>> -> memref<640x64xf32, #tpu.memory_space<vmem_shared>>
    %dma_wait3A_31 = arith.constant 0 : i32
    %dma_wait3A_32 = tpu.memref_slice %arg5[%mul3A_2, %dma_wait3A_31] : memref<10240x64xf32, #tpu.memory_space<hbm>> -> memref<640x64xf32, #tpu.memory_space<hbm>>
    tpu.wait_dma2 semaphore(%arg12 : memref<!tpu.dma_semaphore, #tpu.memory_space<semaphore_mem>>) src(%dma_wait3A_32 : memref<640x64xf32, #tpu.memory_space<hbm>>) dst(%dma_wait3A_30 : memref<640x64xf32, #tpu.memory_space<vmem_shared>>)
    %barrier3A = arith.constant 0 : index
    tpu.barrier barrier_id(%barrier3A)
    %scan3A = arith.constant 0 : i32
    %scan3A_33 = arith.constant 0 : i32
    %scan3A_34 = arith.constant 10 : i32
    %scan3A_35 = arith.addi %scan3A_33, %scan3A_34 : i32
    %scan3A_36 = arith.constant 1 : i32
    scf.for %scan3A_39 = %scan3A_33 to %scan3A_35 step %scan3A_36  : i32 {
      %mul3A_40 = arith.constant 1000 : i32
      %mul3A_41 = arith.muli %scan3A_39, %mul3A_40 : i32
      %dma_start3A_42 = tpu.memref_slice %arg7[%mul3A_41] : memref<10000xi32, #tpu.memory_space<vmem>> -> memref<1000xi32, #tpu.memory_space<vmem>>
      %dma_start3A_43 = arith.constant 0 : i32
      %dma_start3A_44 = arith.constant 0 : i32
      %dma_start3A_45 = tpu.memref_slice %arg2[%dma_start3A_43, %dma_start3A_44] : memref<10240x64xf32, #tpu.memory_space<hbm>> -> memref<10240x64xf32, #tpu.memory_space<hbm>>
      tpu.enqueue_indirect_dma source(%dma_start3A_45 : memref<10240x64xf32, #tpu.memory_space<hbm>>) target(%arg9 : memref<1000x64xf32, #tpu.memory_space<vmem>>) offsets(%dma_start3A_42 : memref<1000xi32, #tpu.memory_space<vmem>>) semaphore(%arg11 : memref<!tpu.dma_semaphore, #tpu.memory_space<semaphore_mem>>)
      %dma_wait3A_46 = tpu.memref_slice %arg7[%mul3A_41] : memref<10000xi32, #tpu.memory_space<vmem>> -> memref<1000xi32, #tpu.memory_space<vmem>>
      %dma_wait3A_47 = arith.constant 0 : i32
      %dma_wait3A_48 = arith.constant 0 : i32
      %dma_wait3A_49 = tpu.memref_slice %arg2[%dma_wait3A_47, %dma_wait3A_48] : memref<10240x64xf32, #tpu.memory_space<hbm>> -> memref<10240x64xf32, #tpu.memory_space<hbm>>
      tpu.wait_indirect_dma semaphore(%arg11 : memref<!tpu.dma_semaphore, #tpu.memory_space<semaphore_mem>>) src(%dma_wait3A_49 : memref<10240x64xf32, #tpu.memory_space<hbm>>) dst(%arg9 : memref<1000x64xf32, #tpu.memory_space<vmem>>)
      %mul3A_50 = arith.constant 1000 : i32
      %mul3A_51 = arith.muli %scan3A_39, %mul3A_50 : i32
      "tpu.region"() ({
        %run_scoped3A = tpu.sem_alloc : memref<!tpu.dma_semaphore, #tpu.memory_space<semaphore_mem>>
        %dma_start3A_52 = tpu.memref_slice %arg8[%mul3A_51] : memref<10000xi32, #tpu.memory_space<vmem>> -> memref<1000xi32, #tpu.memory_space<vmem>>
        %dma_start3A_53 = arith.constant 0 : i32
        %dma_start3A_54 = arith.constant 0 : i32
        %dma_start3A_55 = tpu.memref_slice %arg10[%dma_start3A_53, %dma_start3A_54] : memref<10240x64xf32, #tpu.memory_space<vmem_shared>> -> memref<10240x64xf32, #tpu.memory_space<vmem_shared>>
        tpu.enqueue_indirect_dma source(%arg9 : memref<1000x64xf32, #tpu.memory_space<vmem>>) target(%dma_start3A_55 : memref<10240x64xf32, #tpu.memory_space<vmem_shared>>) offsets(%dma_start3A_52 : memref<1000xi32, #tpu.memory_space<vmem>>) semaphore(%run_scoped3A : memref<!tpu.dma_semaphore, #tpu.memory_space<semaphore_mem>>) {add = true}
        %dma_wait3A_56 = tpu.memref_slice %arg8[%mul3A_51] : memref<10000xi32, #tpu.memory_space<vmem>> -> memref<1000xi32, #tpu.memory_space<vmem>>
        %dma_wait3A_57 = arith.constant 0 : i32
        %dma_wait3A_58 = arith.constant 0 : i32
        %dma_wait3A_59 = tpu.memref_slice %arg10[%dma_wait3A_57, %dma_wait3A_58] : memref<10240x64xf32, #tpu.memory_space<vmem_shared>> -> memref<10240x64xf32, #tpu.memory_space<vmem_shared>>
        tpu.wait_indirect_dma semaphore(%run_scoped3A : memref<!tpu.dma_semaphore, #tpu.memory_space<semaphore_mem>>) src(%arg9 : memref<1000x64xf32, #tpu.memory_space<vmem>>) dst(%dma_wait3A_59 : memref<10240x64xf32, #tpu.memory_space<vmem_shared>>)
        tpu.yield
      }) : () -> ()
    }
    %scan3A_37 = arith.constant 10 : i32
    %barrier3A_38 = arith.constant 0 : index
    tpu.barrier barrier_id(%barrier3A_38)
    "tpu.region"() ({
      %run_scoped3A = tpu.sem_alloc : memref<!tpu.dma_semaphore, #tpu.memory_space<semaphore_mem>>
      %dma_start3A_39 = arith.constant 0 : i32
      %dma_start3A_40 = arith.constant 0 : i32
      %dma_start3A_41 = tpu.memref_slice %arg6[%arg0, %dma_start3A_39, %dma_start3A_40] : memref<2x10240x64xf32, #tpu.memory_space<hbm>> -> memref<1x10240x64xf32, #tpu.memory_space<hbm>>
      %dma_start3A_42 = tpu.memref_squeeze %dma_start3A_41 : memref<1x10240x64xf32, #tpu.memory_space<hbm>> -> memref<10240x64xf32, #tpu.memory_space<hbm>>
      %dma_start3A_43 = arith.constant 0 : i32
      %dma_start3A_44 = tpu.memref_slice %dma_start3A_42[%mul3A_2, %dma_start3A_43] : memref<10240x64xf32, #tpu.memory_space<hbm>> -> memref<640x64xf32, #tpu.memory_space<hbm>>
      %dma_start3A_45 = arith.constant 0 : i32
      %dma_start3A_46 = tpu.memref_slice %arg10[%mul3A_2, %dma_start3A_45] : memref<10240x64xf32, #tpu.memory_space<vmem_shared>> -> memref<640x64xf32, #tpu.memory_space<vmem_shared>>
      tpu.enqueue_dma source(%dma_start3A_46 : memref<640x64xf32, #tpu.memory_space<vmem_shared>>) target(%dma_start3A_44 : memref<640x64xf32, #tpu.memory_space<hbm>>) target_semaphore(%run_scoped3A : memref<!tpu.dma_semaphore, #tpu.memory_space<semaphore_mem>>)
      %dma_wait3A_47 = arith.constant 0 : i32
      %dma_wait3A_48 = arith.constant 0 : i32
      %dma_wait3A_49 = tpu.memref_slice %arg6[%arg0, %dma_wait3A_47, %dma_wait3A_48] : memref<2x10240x64xf32, #tpu.memory_space<hbm>> -> memref<1x10240x64xf32, #tpu.memory_space<hbm>>
      %dma_wait3A_50 = tpu.memref_squeeze %dma_wait3A_49 : memref<1x10240x64xf32, #tpu.memory_space<hbm>> -> memref<10240x64xf32, #tpu.memory_space<hbm>>
      %dma_wait3A_51 = arith.constant 0 : i32
      %dma_wait3A_52 = tpu.memref_slice %dma_wait3A_50[%mul3A_2, %dma_wait3A_51] : memref<10240x64xf32, #tpu.memory_space<hbm>> -> memref<640x64xf32, #tpu.memory_space<hbm>>
      %dma_wait3A_53 = arith.constant 0 : i32
      %dma_wait3A_54 = tpu.memref_slice %arg10[%mul3A_2, %dma_wait3A_53] : memref<10240x64xf32, #tpu.memory_space<vmem_shared>> -> memref<640x64xf32, #tpu.memory_space<vmem_shared>>
      tpu.wait_dma2 semaphore(%run_scoped3A : memref<!tpu.dma_semaphore, #tpu.memory_space<semaphore_mem>>) src(%dma_wait3A_54 : memref<640x64xf32, #tpu.memory_space<vmem_shared>>) dst(%dma_wait3A_52 : memref<640x64xf32, #tpu.memory_space<hbm>>)
      tpu.yield
    }) : () -> ()
    return
  }
}

#map = affine_map<(d0, d1) -> (0, 0)>
#map1 = affine_map<(d0, d1) -> (0, 0, 0)>
module attributes {stable_mosaic.version = 14 : i64} {
  func.func @_prop_kernel(%arg0: i32, %arg1: i32, %arg2: memref<10240x64xf32, #tpu.memory_space<hbm>>, %arg3: memref<32x10000xi32, #tpu.memory_space<hbm>>, %arg4: memref<32x10000xi32, #tpu.memory_space<hbm>>, %arg5: memref<10240x64xf32, #tpu.memory_space<hbm>>, %arg6: memref<2x10240x64xf32, #tpu.memory_space<hbm>>, %arg7: memref<10000xi32, #tpu.memory_space<vmem>>, %arg8: memref<10000xi32, #tpu.memory_space<vmem>>, %arg9: memref<1000x64xf32, #tpu.memory_space<vmem>>, %arg10: memref<10240x64xf32, #tpu.memory_space<vmem_shared>>, %arg11: memref<!tpu.dma_semaphore, #tpu.memory_space<semaphore_mem>>, %arg12: memref<!tpu.dma_semaphore, #tpu.memory_space<semaphore_mem>>) attributes {dimension_semantics = [#tpu.dimension_semantics<core_parallel>, #tpu.dimension_semantics<subcore_parallel>], iteration_bounds = array<i64: 2, 16>, scalar_prefetch = 0 : i64, scratch_operands = 6 : i64, tpu.core_type = #tpu.core_type<sc_vector_subcore>, window_params = [{transform_indices = #map}, {transform_indices = #map}, {transform_indices = #map}, {transform_indices = #map}, {transform_indices = #map1}]} {
    %mul3A = arith.constant 16 : i32
    %mul3A_0 = arith.muli %arg0, %mul3A : i32
    %add3A = arith.addi %mul3A_0, %arg1 : i32
    %mul3A_1 = arith.constant 640 : i32
    %mul3A_2 = arith.muli %arg1, %mul3A_1 : i32
    %dma_start3A = arith.constant 0 : i32
    %dma_start3A_3 = tpu.memref_slice %arg3[%add3A, %dma_start3A] : memref<32x10000xi32, #tpu.memory_space<hbm>> -> memref<1x10000xi32, #tpu.memory_space<hbm>>
    %dma_start3A_4 = tpu.memref_squeeze %dma_start3A_3 : memref<1x10000xi32, #tpu.memory_space<hbm>> -> memref<10000xi32, #tpu.memory_space<hbm>>
    %dma_start3A_5 = arith.constant 0 : i32
    %dma_start3A_6 = tpu.memref_slice %arg3[%add3A, %dma_start3A_5] : memref<32x10000xi32, #tpu.memory_space<hbm>> -> memref<1x10000xi32, #tpu.memory_space<hbm>>
    %dma_start3A_7 = tpu.memref_squeeze %dma_start3A_6 : memref<1x10000xi32, #tpu.memory_space<hbm>> -> memref<10000xi32, #tpu.memory_space<hbm>>
    tpu.enqueue_dma source(%dma_start3A_7 : memref<10000xi32, #tpu.memory_space<hbm>>) target(%arg7 : memref<10000xi32, #tpu.memory_space<vmem>>) target_semaphore(%arg12 : memref<!tpu.dma_semaphore, #tpu.memory_space<semaphore_mem>>)
    %dma_start3A_8 = arith.constant 0 : i32
    %dma_start3A_9 = tpu.memref_slice %arg4[%add3A, %dma_start3A_8] : memref<32x10000xi32, #tpu.memory_space<hbm>> -> memref<1x10000xi32, #tpu.memory_space<hbm>>
    %dma_start3A_10 = tpu.memref_squeeze %dma_start3A_9 : memref<1x10000xi32, #tpu.memory_space<hbm>> -> memref<10000xi32, #tpu.memory_space<hbm>>
    %dma_start3A_11 = arith.constant 0 : i32
    %dma_start3A_12 = tpu.memref_slice %arg4[%add3A, %dma_start3A_11] : memref<32x10000xi32, #tpu.memory_space<hbm>> -> memref<1x10000xi32, #tpu.memory_space<hbm>>
    %dma_start3A_13 = tpu.memref_squeeze %dma_start3A_12 : memref<1x10000xi32, #tpu.memory_space<hbm>> -> memref<10000xi32, #tpu.memory_space<hbm>>
    tpu.enqueue_dma source(%dma_start3A_13 : memref<10000xi32, #tpu.memory_space<hbm>>) target(%arg8 : memref<10000xi32, #tpu.memory_space<vmem>>) target_semaphore(%arg12 : memref<!tpu.dma_semaphore, #tpu.memory_space<semaphore_mem>>)
    %dma_start3A_14 = arith.constant 0 : i32
    %dma_start3A_15 = tpu.memref_slice %arg10[%mul3A_2, %dma_start3A_14] : memref<10240x64xf32, #tpu.memory_space<vmem_shared>> -> memref<640x64xf32, #tpu.memory_space<vmem_shared>>
    %dma_start3A_16 = arith.constant 0 : i32
    %dma_start3A_17 = tpu.memref_slice %arg5[%mul3A_2, %dma_start3A_16] : memref<10240x64xf32, #tpu.memory_space<hbm>> -> memref<640x64xf32, #tpu.memory_space<hbm>>
    tpu.enqueue_dma source(%dma_start3A_17 : memref<640x64xf32, #tpu.memory_space<hbm>>) target(%dma_start3A_15 : memref<640x64xf32, #tpu.memory_space<vmem_shared>>) target_semaphore(%arg12 : memref<!tpu.dma_semaphore, #tpu.memory_space<semaphore_mem>>)
    %dma_wait3A = arith.constant 0 : i32
    %dma_wait3A_18 = tpu.memref_slice %arg3[%add3A, %dma_wait3A] : memref<32x10000xi32, #tpu.memory_space<hbm>> -> memref<1x10000xi32, #tpu.memory_space<hbm>>
    %dma_wait3A_19 = tpu.memref_squeeze %dma_wait3A_18 : memref<1x10000xi32, #tpu.memory_space<hbm>> -> memref<10000xi32, #tpu.memory_space<hbm>>
    %dma_wait3A_20 = arith.constant 0 : i32
    %dma_wait3A_21 = tpu.memref_slice %arg3[%add3A, %dma_wait3A_20] : memref<32x10000xi32, #tpu.memory_space<hbm>> -> memref<1x10000xi32, #tpu.memory_space<hbm>>
    %dma_wait3A_22 = tpu.memref_squeeze %dma_wait3A_21 : memref<1x10000xi32, #tpu.memory_space<hbm>> -> memref<10000xi32, #tpu.memory_space<hbm>>
    tpu.wait_dma2 semaphore(%arg12 : memref<!tpu.dma_semaphore, #tpu.memory_space<semaphore_mem>>) src(%dma_wait3A_22 : memref<10000xi32, #tpu.memory_space<hbm>>) dst(%arg7 : memref<10000xi32, #tpu.memory_space<vmem>>)
    %dma_wait3A_23 = arith.constant 0 : i32
    %dma_wait3A_24 = tpu.memref_slice %arg4[%add3A, %dma_wait3A_23] : memref<32x10000xi32, #tpu.memory_space<hbm>> -> memref<1x10000xi32, #tpu.memory_space<hbm>>
    %dma_wait3A_25 = tpu.memref_squeeze %dma_wait3A_24 : memref<1x10000xi32, #tpu.memory_space<hbm>> -> memref<10000xi32, #tpu.memory_space<hbm>>
    %dma_wait3A_26 = arith.constant 0 : i32
    %dma_wait3A_27 = tpu.memref_slice %arg4[%add3A, %dma_wait3A_26] : memref<32x10000xi32, #tpu.memory_space<hbm>> -> memref<1x10000xi32, #tpu.memory_space<hbm>>
    %dma_wait3A_28 = tpu.memref_squeeze %dma_wait3A_27 : memref<1x10000xi32, #tpu.memory_space<hbm>> -> memref<10000xi32, #tpu.memory_space<hbm>>
    tpu.wait_dma2 semaphore(%arg12 : memref<!tpu.dma_semaphore, #tpu.memory_space<semaphore_mem>>) src(%dma_wait3A_28 : memref<10000xi32, #tpu.memory_space<hbm>>) dst(%arg8 : memref<10000xi32, #tpu.memory_space<vmem>>)
    %dma_wait3A_29 = arith.constant 0 : i32
    %dma_wait3A_30 = tpu.memref_slice %arg10[%mul3A_2, %dma_wait3A_29] : memref<10240x64xf32, #tpu.memory_space<vmem_shared>> -> memref<640x64xf32, #tpu.memory_space<vmem_shared>>
    %dma_wait3A_31 = arith.constant 0 : i32
    %dma_wait3A_32 = tpu.memref_slice %arg5[%mul3A_2, %dma_wait3A_31] : memref<10240x64xf32, #tpu.memory_space<hbm>> -> memref<640x64xf32, #tpu.memory_space<hbm>>
    tpu.wait_dma2 semaphore(%arg12 : memref<!tpu.dma_semaphore, #tpu.memory_space<semaphore_mem>>) src(%dma_wait3A_32 : memref<640x64xf32, #tpu.memory_space<hbm>>) dst(%dma_wait3A_30 : memref<640x64xf32, #tpu.memory_space<vmem_shared>>)
    %barrier3A = arith.constant 0 : index
    tpu.barrier barrier_id(%barrier3A)
    %scan3A = arith.constant 0 : i32
    %scan3A_33 = arith.constant 0 : i32
    %scan3A_34 = arith.constant 10 : i32
    %scan3A_35 = arith.addi %scan3A_33, %scan3A_34 : i32
    %scan3A_36 = arith.constant 1 : i32
    scf.for %scan3A_39 = %scan3A_33 to %scan3A_35 step %scan3A_36  : i32 {
      %mul3A_40 = arith.constant 1000 : i32
      %mul3A_41 = arith.muli %scan3A_39, %mul3A_40 : i32
      %dma_start3A_42 = tpu.memref_slice %arg7[%mul3A_41] : memref<10000xi32, #tpu.memory_space<vmem>> -> memref<1000xi32, #tpu.memory_space<vmem>>
      %dma_start3A_43 = arith.constant 0 : i32
      %dma_start3A_44 = arith.constant 0 : i32
      %dma_start3A_45 = tpu.memref_slice %arg2[%dma_start3A_43, %dma_start3A_44] : memref<10240x64xf32, #tpu.memory_space<hbm>> -> memref<10240x64xf32, #tpu.memory_space<hbm>>
      tpu.enqueue_indirect_dma source(%dma_start3A_45 : memref<10240x64xf32, #tpu.memory_space<hbm>>) target(%arg9 : memref<1000x64xf32, #tpu.memory_space<vmem>>) offsets(%dma_start3A_42 : memref<1000xi32, #tpu.memory_space<vmem>>) semaphore(%arg11 : memref<!tpu.dma_semaphore, #tpu.memory_space<semaphore_mem>>)
      %dma_wait3A_46 = tpu.memref_slice %arg7[%mul3A_41] : memref<10000xi32, #tpu.memory_space<vmem>> -> memref<1000xi32, #tpu.memory_space<vmem>>
      %dma_wait3A_47 = arith.constant 0 : i32
      %dma_wait3A_48 = arith.constant 0 : i32
      %dma_wait3A_49 = tpu.memref_slice %arg2[%dma_wait3A_47, %dma_wait3A_48] : memref<10240x64xf32, #tpu.memory_space<hbm>> -> memref<10240x64xf32, #tpu.memory_space<hbm>>
      tpu.wait_indirect_dma semaphore(%arg11 : memref<!tpu.dma_semaphore, #tpu.memory_space<semaphore_mem>>) src(%dma_wait3A_49 : memref<10240x64xf32, #tpu.memory_space<hbm>>) dst(%arg9 : memref<1000x64xf32, #tpu.memory_space<vmem>>)
      %mul3A_50 = arith.constant 1000 : i32
      %mul3A_51 = arith.muli %scan3A_39, %mul3A_50 : i32
      "tpu.region"() ({
        %run_scoped3A = tpu.sem_alloc : memref<!tpu.dma_semaphore, #tpu.memory_space<semaphore_mem>>
        %dma_start3A_52 = tpu.memref_slice %arg8[%mul3A_51] : memref<10000xi32, #tpu.memory_space<vmem>> -> memref<1000xi32, #tpu.memory_space<vmem>>
        %dma_start3A_53 = arith.constant 0 : i32
        %dma_start3A_54 = arith.constant 0 : i32
        %dma_start3A_55 = tpu.memref_slice %arg10[%dma_start3A_53, %dma_start3A_54] : memref<10240x64xf32, #tpu.memory_space<vmem_shared>> -> memref<10240x64xf32, #tpu.memory_space<vmem_shared>>
        tpu.enqueue_indirect_dma source(%arg9 : memref<1000x64xf32, #tpu.memory_space<vmem>>) target(%dma_start3A_55 : memref<10240x64xf32, #tpu.memory_space<vmem_shared>>) offsets(%dma_start3A_52 : memref<1000xi32, #tpu.memory_space<vmem>>) semaphore(%run_scoped3A : memref<!tpu.dma_semaphore, #tpu.memory_space<semaphore_mem>>) {add = true}
        %dma_wait3A_56 = tpu.memref_slice %arg8[%mul3A_51] : memref<10000xi32, #tpu.memory_space<vmem>> -> memref<1000xi32, #tpu.memory_space<vmem>>
        %dma_wait3A_57 = arith.constant 0 : i32
        %dma_wait3A_58 = arith.constant 0 : i32
        %dma_wait3A_59 = tpu.memref_slice %arg10[%dma_wait3A_57, %dma_wait3A_58] : memref<10240x64xf32, #tpu.memory_space<vmem_shared>> -> memref<10240x64xf32, #tpu.memory_space<vmem_shared>>
        tpu.wait_indirect_dma semaphore(%run_scoped3A : memref<!tpu.dma_semaphore, #tpu.memory_space<semaphore_mem>>) src(%arg9 : memref<1000x64xf32, #tpu.memory_space<vmem>>) dst(%dma_wait3A_59 : memref<10240x64xf32, #tpu.memory_space<vmem_shared>>)
        tpu.yield
      }) : () -> ()
    }
    %scan3A_37 = arith.constant 10 : i32
    %barrier3A_38 = arith.constant 0 : index
    tpu.barrier barrier_id(%barrier3A_38)
    "tpu.region"() ({
      %run_scoped3A = tpu.sem_alloc : memref<!tpu.dma_semaphore, #tpu.memory_space<semaphore_mem>>
      %dma_start3A_39 = arith.constant 0 : i32
      %dma_start3A_40 = arith.constant 0 : i32
      %dma_start3A_41 = tpu.memref_slice %arg6[%arg0, %dma_start3A_39, %dma_start3A_40] : memref<2x10240x64xf32, #tpu.memory_space<hbm>> -> memref<1x10240x64xf32, #tpu.memory_space<hbm>>
      %dma_start3A_42 = tpu.memref_squeeze %dma_start3A_41 : memref<1x10240x64xf32, #tpu.memory_space<hbm>> -> memref<10240x64xf32, #tpu.memory_space<hbm>>
      %dma_start3A_43 = arith.constant 0 : i32
      %dma_start3A_44 = tpu.memref_slice %dma_start3A_42[%mul3A_2, %dma_start3A_43] : memref<10240x64xf32, #tpu.memory_space<hbm>> -> memref<640x64xf32, #tpu.memory_space<hbm>>
      %dma_start3A_45 = arith.constant 0 : i32
      %dma_start3A_46 = tpu.memref_slice %arg10[%mul3A_2, %dma_start3A_45] : memref<10240x64xf32, #tpu.memory_space<vmem_shared>> -> memref<640x64xf32, #tpu.memory_space<vmem_shared>>
      tpu.enqueue_dma source(%dma_start3A_46 : memref<640x64xf32, #tpu.memory_space<vmem_shared>>) target(%dma_start3A_44 : memref<640x64xf32, #tpu.memory_space<hbm>>) target_semaphore(%run_scoped3A : memref<!tpu.dma_semaphore, #tpu.memory_space<semaphore_mem>>)
      %dma_wait3A_47 = arith.constant 0 : i32
      %dma_wait3A_48 = arith.constant 0 : i32
      %dma_wait3A_49 = tpu.memref_slice %arg6[%arg0, %dma_wait3A_47, %dma_wait3A_48] : memref<2x10240x64xf32, #tpu.memory_space<hbm>> -> memref<1x10240x64xf32, #tpu.memory_space<hbm>>
      %dma_wait3A_50 = tpu.memref_squeeze %dma_wait3A_49 : memref<1x10240x64xf32, #tpu.memory_space<hbm>> -> memref<10240x64xf32, #tpu.memory_space<hbm>>
      %dma_wait3A_51 = arith.constant 0 : i32
      %dma_wait3A_52 = tpu.memref_slice %dma_wait3A_50[%mul3A_2, %dma_wait3A_51] : memref<10240x64xf32, #tpu.memory_space<hbm>> -> memref<640x64xf32, #tpu.memory_space<hbm>>
      %dma_wait3A_53 = arith.constant 0 : i32
      %dma_wait3A_54 = tpu.memref_slice %arg10[%mul3A_2, %dma_wait3A_53] : memref<10240x64xf32, #tpu.memory_space<vmem_shared>> -> memref<640x64xf32, #tpu.memory_space<vmem_shared>>
      tpu.wait_dma2 semaphore(%run_scoped3A : memref<!tpu.dma_semaphore, #tpu.memory_space<semaphore_mem>>) src(%dma_wait3A_54 : memref<640x64xf32, #tpu.memory_space<vmem_shared>>) dst(%dma_wait3A_52 : memref<640x64xf32, #tpu.memory_space<hbm>>)
      tpu.yield
    }) : () -> ()
    return
  }
}

#map = affine_map<(d0, d1) -> (0, 0)>
#map1 = affine_map<(d0, d1) -> (0, 0, 0)>
module attributes {stable_mosaic.version = 14 : i64} {
  func.func @_prop_kernel(%arg0: i32, %arg1: i32, %arg2: memref<10240x64xf32, #tpu.memory_space<hbm>>, %arg3: memref<32x10000xi32, #tpu.memory_space<hbm>>, %arg4: memref<32x10000xi32, #tpu.memory_space<hbm>>, %arg5: memref<10240x64xf32, #tpu.memory_space<hbm>>, %arg6: memref<2x10240x64xf32, #tpu.memory_space<hbm>>, %arg7: memref<10000xi32, #tpu.memory_space<vmem>>, %arg8: memref<10000xi32, #tpu.memory_space<vmem>>, %arg9: memref<1000x64xf32, #tpu.memory_space<vmem>>, %arg10: memref<10240x64xf32, #tpu.memory_space<vmem_shared>>, %arg11: memref<!tpu.dma_semaphore, #tpu.memory_space<semaphore_mem>>, %arg12: memref<!tpu.dma_semaphore, #tpu.memory_space<semaphore_mem>>) attributes {dimension_semantics = [#tpu.dimension_semantics<core_parallel>, #tpu.dimension_semantics<subcore_parallel>], iteration_bounds = array<i64: 2, 16>, scalar_prefetch = 0 : i64, scratch_operands = 6 : i64, tpu.core_type = #tpu.core_type<sc_vector_subcore>, window_params = [{transform_indices = #map}, {transform_indices = #map}, {transform_indices = #map}, {transform_indices = #map}, {transform_indices = #map1}]} {
    %mul3A = arith.constant 16 : i32
    %mul3A_0 = arith.muli %arg0, %mul3A : i32
    %add3A = arith.addi %mul3A_0, %arg1 : i32
    %mul3A_1 = arith.constant 640 : i32
    %mul3A_2 = arith.muli %arg1, %mul3A_1 : i32
    %dma_start3A = arith.constant 0 : i32
    %dma_start3A_3 = tpu.memref_slice %arg3[%add3A, %dma_start3A] : memref<32x10000xi32, #tpu.memory_space<hbm>> -> memref<1x10000xi32, #tpu.memory_space<hbm>>
    %dma_start3A_4 = tpu.memref_squeeze %dma_start3A_3 : memref<1x10000xi32, #tpu.memory_space<hbm>> -> memref<10000xi32, #tpu.memory_space<hbm>>
    %dma_start3A_5 = arith.constant 0 : i32
    %dma_start3A_6 = tpu.memref_slice %arg3[%add3A, %dma_start3A_5] : memref<32x10000xi32, #tpu.memory_space<hbm>> -> memref<1x10000xi32, #tpu.memory_space<hbm>>
    %dma_start3A_7 = tpu.memref_squeeze %dma_start3A_6 : memref<1x10000xi32, #tpu.memory_space<hbm>> -> memref<10000xi32, #tpu.memory_space<hbm>>
    tpu.enqueue_dma source(%dma_start3A_7 : memref<10000xi32, #tpu.memory_space<hbm>>) target(%arg7 : memref<10000xi32, #tpu.memory_space<vmem>>) target_semaphore(%arg12 : memref<!tpu.dma_semaphore, #tpu.memory_space<semaphore_mem>>)
    %dma_start3A_8 = arith.constant 0 : i32
    %dma_start3A_9 = tpu.memref_slice %arg4[%add3A, %dma_start3A_8] : memref<32x10000xi32, #tpu.memory_space<hbm>> -> memref<1x10000xi32, #tpu.memory_space<hbm>>
    %dma_start3A_10 = tpu.memref_squeeze %dma_start3A_9 : memref<1x10000xi32, #tpu.memory_space<hbm>> -> memref<10000xi32, #tpu.memory_space<hbm>>
    %dma_start3A_11 = arith.constant 0 : i32
    %dma_start3A_12 = tpu.memref_slice %arg4[%add3A, %dma_start3A_11] : memref<32x10000xi32, #tpu.memory_space<hbm>> -> memref<1x10000xi32, #tpu.memory_space<hbm>>
    %dma_start3A_13 = tpu.memref_squeeze %dma_start3A_12 : memref<1x10000xi32, #tpu.memory_space<hbm>> -> memref<10000xi32, #tpu.memory_space<hbm>>
    tpu.enqueue_dma source(%dma_start3A_13 : memref<10000xi32, #tpu.memory_space<hbm>>) target(%arg8 : memref<10000xi32, #tpu.memory_space<vmem>>) target_semaphore(%arg12 : memref<!tpu.dma_semaphore, #tpu.memory_space<semaphore_mem>>)
    %dma_start3A_14 = arith.constant 0 : i32
    %dma_start3A_15 = tpu.memref_slice %arg10[%mul3A_2, %dma_start3A_14] : memref<10240x64xf32, #tpu.memory_space<vmem_shared>> -> memref<640x64xf32, #tpu.memory_space<vmem_shared>>
    %dma_start3A_16 = arith.constant 0 : i32
    %dma_start3A_17 = tpu.memref_slice %arg5[%mul3A_2, %dma_start3A_16] : memref<10240x64xf32, #tpu.memory_space<hbm>> -> memref<640x64xf32, #tpu.memory_space<hbm>>
    tpu.enqueue_dma source(%dma_start3A_17 : memref<640x64xf32, #tpu.memory_space<hbm>>) target(%dma_start3A_15 : memref<640x64xf32, #tpu.memory_space<vmem_shared>>) target_semaphore(%arg12 : memref<!tpu.dma_semaphore, #tpu.memory_space<semaphore_mem>>)
    %dma_wait3A = arith.constant 0 : i32
    %dma_wait3A_18 = tpu.memref_slice %arg3[%add3A, %dma_wait3A] : memref<32x10000xi32, #tpu.memory_space<hbm>> -> memref<1x10000xi32, #tpu.memory_space<hbm>>
    %dma_wait3A_19 = tpu.memref_squeeze %dma_wait3A_18 : memref<1x10000xi32, #tpu.memory_space<hbm>> -> memref<10000xi32, #tpu.memory_space<hbm>>
    %dma_wait3A_20 = arith.constant 0 : i32
    %dma_wait3A_21 = tpu.memref_slice %arg3[%add3A, %dma_wait3A_20] : memref<32x10000xi32, #tpu.memory_space<hbm>> -> memref<1x10000xi32, #tpu.memory_space<hbm>>
    %dma_wait3A_22 = tpu.memref_squeeze %dma_wait3A_21 : memref<1x10000xi32, #tpu.memory_space<hbm>> -> memref<10000xi32, #tpu.memory_space<hbm>>
    tpu.wait_dma2 semaphore(%arg12 : memref<!tpu.dma_semaphore, #tpu.memory_space<semaphore_mem>>) src(%dma_wait3A_22 : memref<10000xi32, #tpu.memory_space<hbm>>) dst(%arg7 : memref<10000xi32, #tpu.memory_space<vmem>>)
    %dma_wait3A_23 = arith.constant 0 : i32
    %dma_wait3A_24 = tpu.memref_slice %arg4[%add3A, %dma_wait3A_23] : memref<32x10000xi32, #tpu.memory_space<hbm>> -> memref<1x10000xi32, #tpu.memory_space<hbm>>
    %dma_wait3A_25 = tpu.memref_squeeze %dma_wait3A_24 : memref<1x10000xi32, #tpu.memory_space<hbm>> -> memref<10000xi32, #tpu.memory_space<hbm>>
    %dma_wait3A_26 = arith.constant 0 : i32
    %dma_wait3A_27 = tpu.memref_slice %arg4[%add3A, %dma_wait3A_26] : memref<32x10000xi32, #tpu.memory_space<hbm>> -> memref<1x10000xi32, #tpu.memory_space<hbm>>
    %dma_wait3A_28 = tpu.memref_squeeze %dma_wait3A_27 : memref<1x10000xi32, #tpu.memory_space<hbm>> -> memref<10000xi32, #tpu.memory_space<hbm>>
    tpu.wait_dma2 semaphore(%arg12 : memref<!tpu.dma_semaphore, #tpu.memory_space<semaphore_mem>>) src(%dma_wait3A_28 : memref<10000xi32, #tpu.memory_space<hbm>>) dst(%arg8 : memref<10000xi32, #tpu.memory_space<vmem>>)
    %dma_wait3A_29 = arith.constant 0 : i32
    %dma_wait3A_30 = tpu.memref_slice %arg10[%mul3A_2, %dma_wait3A_29] : memref<10240x64xf32, #tpu.memory_space<vmem_shared>> -> memref<640x64xf32, #tpu.memory_space<vmem_shared>>
    %dma_wait3A_31 = arith.constant 0 : i32
    %dma_wait3A_32 = tpu.memref_slice %arg5[%mul3A_2, %dma_wait3A_31] : memref<10240x64xf32, #tpu.memory_space<hbm>> -> memref<640x64xf32, #tpu.memory_space<hbm>>
    tpu.wait_dma2 semaphore(%arg12 : memref<!tpu.dma_semaphore, #tpu.memory_space<semaphore_mem>>) src(%dma_wait3A_32 : memref<640x64xf32, #tpu.memory_space<hbm>>) dst(%dma_wait3A_30 : memref<640x64xf32, #tpu.memory_space<vmem_shared>>)
    %barrier3A = arith.constant 0 : index
    tpu.barrier barrier_id(%barrier3A)
    %scan3A = arith.constant 0 : i32
    %scan3A_33 = arith.constant 0 : i32
    %scan3A_34 = arith.constant 10 : i32
    %scan3A_35 = arith.addi %scan3A_33, %scan3A_34 : i32
    %scan3A_36 = arith.constant 1 : i32
    scf.for %scan3A_39 = %scan3A_33 to %scan3A_35 step %scan3A_36  : i32 {
      %mul3A_40 = arith.constant 1000 : i32
      %mul3A_41 = arith.muli %scan3A_39, %mul3A_40 : i32
      %dma_start3A_42 = tpu.memref_slice %arg7[%mul3A_41] : memref<10000xi32, #tpu.memory_space<vmem>> -> memref<1000xi32, #tpu.memory_space<vmem>>
      %dma_start3A_43 = arith.constant 0 : i32
      %dma_start3A_44 = arith.constant 0 : i32
      %dma_start3A_45 = tpu.memref_slice %arg2[%dma_start3A_43, %dma_start3A_44] : memref<10240x64xf32, #tpu.memory_space<hbm>> -> memref<10240x64xf32, #tpu.memory_space<hbm>>
      tpu.enqueue_indirect_dma source(%dma_start3A_45 : memref<10240x64xf32, #tpu.memory_space<hbm>>) target(%arg9 : memref<1000x64xf32, #tpu.memory_space<vmem>>) offsets(%dma_start3A_42 : memref<1000xi32, #tpu.memory_space<vmem>>) semaphore(%arg11 : memref<!tpu.dma_semaphore, #tpu.memory_space<semaphore_mem>>)
      %dma_wait3A_46 = tpu.memref_slice %arg7[%mul3A_41] : memref<10000xi32, #tpu.memory_space<vmem>> -> memref<1000xi32, #tpu.memory_space<vmem>>
      %dma_wait3A_47 = arith.constant 0 : i32
      %dma_wait3A_48 = arith.constant 0 : i32
      %dma_wait3A_49 = tpu.memref_slice %arg2[%dma_wait3A_47, %dma_wait3A_48] : memref<10240x64xf32, #tpu.memory_space<hbm>> -> memref<10240x64xf32, #tpu.memory_space<hbm>>
      tpu.wait_indirect_dma semaphore(%arg11 : memref<!tpu.dma_semaphore, #tpu.memory_space<semaphore_mem>>) src(%dma_wait3A_49 : memref<10240x64xf32, #tpu.memory_space<hbm>>) dst(%arg9 : memref<1000x64xf32, #tpu.memory_space<vmem>>)
      %mul3A_50 = arith.constant 1000 : i32
      %mul3A_51 = arith.muli %scan3A_39, %mul3A_50 : i32
      "tpu.region"() ({
        %run_scoped3A = tpu.sem_alloc : memref<!tpu.dma_semaphore, #tpu.memory_space<semaphore_mem>>
        %dma_start3A_52 = tpu.memref_slice %arg8[%mul3A_51] : memref<10000xi32, #tpu.memory_space<vmem>> -> memref<1000xi32, #tpu.memory_space<vmem>>
        %dma_start3A_53 = arith.constant 0 : i32
        %dma_start3A_54 = arith.constant 0 : i32
        %dma_start3A_55 = tpu.memref_slice %arg10[%dma_start3A_53, %dma_start3A_54] : memref<10240x64xf32, #tpu.memory_space<vmem_shared>> -> memref<10240x64xf32, #tpu.memory_space<vmem_shared>>
        tpu.enqueue_indirect_dma source(%arg9 : memref<1000x64xf32, #tpu.memory_space<vmem>>) target(%dma_start3A_55 : memref<10240x64xf32, #tpu.memory_space<vmem_shared>>) offsets(%dma_start3A_52 : memref<1000xi32, #tpu.memory_space<vmem>>) semaphore(%run_scoped3A : memref<!tpu.dma_semaphore, #tpu.memory_space<semaphore_mem>>) {add = true}
        %dma_wait3A_56 = tpu.memref_slice %arg8[%mul3A_51] : memref<10000xi32, #tpu.memory_space<vmem>> -> memref<1000xi32, #tpu.memory_space<vmem>>
        %dma_wait3A_57 = arith.constant 0 : i32
        %dma_wait3A_58 = arith.constant 0 : i32
        %dma_wait3A_59 = tpu.memref_slice %arg10[%dma_wait3A_57, %dma_wait3A_58] : memref<10240x64xf32, #tpu.memory_space<vmem_shared>> -> memref<10240x64xf32, #tpu.memory_space<vmem_shared>>
        tpu.wait_indirect_dma semaphore(%run_scoped3A : memref<!tpu.dma_semaphore, #tpu.memory_space<semaphore_mem>>) src(%arg9 : memref<1000x64xf32, #tpu.memory_space<vmem>>) dst(%dma_wait3A_59 : memref<10240x64xf32, #tpu.memory_space<vmem_shared>>)
        tpu.yield
      }) : () -> ()
    }
    %scan3A_37 = arith.constant 10 : i32
    %barrier3A_38 = arith.constant 0 : index
    tpu.barrier barrier_id(%barrier3A_38)
    "tpu.region"() ({
      %run_scoped3A = tpu.sem_alloc : memref<!tpu.dma_semaphore, #tpu.memory_space<semaphore_mem>>
      %dma_start3A_39 = arith.constant 0 : i32
      %dma_start3A_40 = arith.constant 0 : i32
      %dma_start3A_41 = tpu.memref_slice %arg6[%arg0, %dma_start3A_39, %dma_start3A_40] : memref<2x10240x64xf32, #tpu.memory_space<hbm>> -> memref<1x10240x64xf32, #tpu.memory_space<hbm>>
      %dma_start3A_42 = tpu.memref_squeeze %dma_start3A_41 : memref<1x10240x64xf32, #tpu.memory_space<hbm>> -> memref<10240x64xf32, #tpu.memory_space<hbm>>
      %dma_start3A_43 = arith.constant 0 : i32
      %dma_start3A_44 = tpu.memref_slice %dma_start3A_42[%mul3A_2, %dma_start3A_43] : memref<10240x64xf32, #tpu.memory_space<hbm>> -> memref<640x64xf32, #tpu.memory_space<hbm>>
      %dma_start3A_45 = arith.constant 0 : i32
      %dma_start3A_46 = tpu.memref_slice %arg10[%mul3A_2, %dma_start3A_45] : memref<10240x64xf32, #tpu.memory_space<vmem_shared>> -> memref<640x64xf32, #tpu.memory_space<vmem_shared>>
      tpu.enqueue_dma source(%dma_start3A_46 : memref<640x64xf32, #tpu.memory_space<vmem_shared>>) target(%dma_start3A_44 : memref<640x64xf32, #tpu.memory_space<hbm>>) target_semaphore(%run_scoped3A : memref<!tpu.dma_semaphore, #tpu.memory_space<semaphore_mem>>)
      %dma_wait3A_47 = arith.constant 0 : i32
      %dma_wait3A_48 = arith.constant 0 : i32
      %dma_wait3A_49 = tpu.memref_slice %arg6[%arg0, %dma_wait3A_47, %dma_wait3A_48] : memref<2x10240x64xf32, #tpu.memory_space<hbm>> -> memref<1x10240x64xf32, #tpu.memory_space<hbm>>
      %dma_wait3A_50 = tpu.memref_squeeze %dma_wait3A_49 : memref<1x10240x64xf32, #tpu.memory_space<hbm>> -> memref<10240x64xf32, #tpu.memory_space<hbm>>
      %dma_wait3A_51 = arith.constant 0 : i32
      %dma_wait3A_52 = tpu.memref_slice %dma_wait3A_50[%mul3A_2, %dma_wait3A_51] : memref<10240x64xf32, #tpu.memory_space<hbm>> -> memref<640x64xf32, #tpu.memory_space<hbm>>
      %dma_wait3A_53 = arith.constant 0 : i32
      %dma_wait3A_54 = tpu.memref_slice %arg10[%mul3A_2, %dma_wait3A_53] : memref<10240x64xf32, #tpu.memory_space<vmem_shared>> -> memref<640x64xf32, #tpu.memory_space<vmem_shared>>
      tpu.wait_dma2 semaphore(%run_scoped3A : memref<!tpu.dma_semaphore, #tpu.memory_space<semaphore_mem>>) src(%dma_wait3A_54 : memref<640x64xf32, #tpu.memory_space<vmem_shared>>) dst(%dma_wait3A_52 : memref<640x64xf32, #tpu.memory_space<hbm>>)
      tpu.yield
    }) : () -> ()
    return
  }
}

module attributes {stable_mosaic.version = 14 : i64} {
  func.func @_mlp_body(%arg0: i32, %arg1: memref<1280x128xf32, #tpu.memory_space<vmem>>, %arg2: memref<128x64xf32, #tpu.memory_space<vmem>>, %arg3: memref<1x64xf32, #tpu.memory_space<vmem>>, %arg4: memref<64x64xf32, #tpu.memory_space<vmem>>, %arg5: memref<1x64xf32, #tpu.memory_space<vmem>>, %arg6: memref<1280x64xf32, #tpu.memory_space<vmem>>) attributes {dimension_semantics = [#tpu.dimension_semantics<arbitrary>], iteration_bounds = array<i64: 8>, scalar_prefetch = 0 : i64, scratch_operands = 0 : i64, tpu.core_type = #tpu.core_type<tc>, window_params = [{transform_indices = @transform_0, window_bounds = array<i64: 1280, 128>}, {pipeline_mode = #tpu.pipeline_mode<synchronous>, transform_indices = @transform_1, window_bounds = array<i64: 128, 64>}, {pipeline_mode = #tpu.pipeline_mode<synchronous>, transform_indices = @transform_2, window_bounds = array<i64: 1, 64>}, {pipeline_mode = #tpu.pipeline_mode<synchronous>, transform_indices = @transform_3, window_bounds = array<i64: 64, 64>}, {pipeline_mode = #tpu.pipeline_mode<synchronous>, transform_indices = @transform_4, window_bounds = array<i64: 1, 64>}, {transform_indices = @transform_5, window_bounds = array<i64: 1280, 64>}]} {
    %get3A = arith.constant 0 : index
    %get3A_0 = arith.constant 0 : index
    %get3A_1 = vector.load %arg1[%get3A, %get3A_0] : memref<1280x128xf32, #tpu.memory_space<vmem>>, vector<1280x128xf32>
    %get3A_2 = arith.constant 0 : index
    %get3A_3 = arith.constant 0 : index
    %get3A_4 = vector.load %arg2[%get3A_2, %get3A_3] : memref<128x64xf32, #tpu.memory_space<vmem>>, vector<128x64xf32>
    %dot_general3A = arith.constant dense<0.000000e+00> : vector<1280x64xf32>
    %dot_general3A_5 = tpu.matmul %get3A_1, %get3A_4, %dot_general3A {dimension_numbers = #tpu.dot_dimension_numbers<[1], [0], [0], [1], [0, 0, 1, 1], [], []>, transpose_lhs_hint = false} : vector<1280x128xf32>, vector<128x64xf32>, vector<1280x64xf32> -> vector<1280x64xf32>
    %get3A_6 = arith.constant 0 : index
    %get3A_7 = arith.constant 0 : index
    %get3A_8 = vector.load %arg3[%get3A_6, %get3A_7] : memref<1x64xf32, #tpu.memory_space<vmem>>, vector<1x64xf32>
    %add3A = vector.broadcast %get3A_8 : vector<1x64xf32> to vector<1280x64xf32>
    %add3A_9 = arith.addf %dot_general3A_5, %add3A : vector<1280x64xf32>
    %max3A = arith.constant 0.000000e+00 : f32
    %max3A_10 = vector.broadcast %max3A : f32 to vector<1280x64xf32>
    %max3A_11 = arith.maximumf %add3A_9, %max3A_10 : vector<1280x64xf32>
    %get3A_12 = arith.constant 0 : index
    %get3A_13 = arith.constant 0 : index
    %get3A_14 = vector.load %arg4[%get3A_12, %get3A_13] : memref<64x64xf32, #tpu.memory_space<vmem>>, vector<64x64xf32>
    %dot_general3A_15 = arith.constant dense<0.000000e+00> : vector<1280x64xf32>
    %dot_general3A_16 = tpu.matmul %max3A_11, %get3A_14, %dot_general3A_15 {dimension_numbers = #tpu.dot_dimension_numbers<[1], [0], [0], [1], [0, 0, 1, 1], [], []>, transpose_lhs_hint = false} : vector<1280x64xf32>, vector<64x64xf32>, vector<1280x64xf32> -> vector<1280x64xf32>
    %get3A_17 = arith.constant 0 : index
    %get3A_18 = arith.constant 0 : index
    %get3A_19 = vector.load %arg5[%get3A_17, %get3A_18] : memref<1x64xf32, #tpu.memory_space<vmem>>, vector<1x64xf32>
    %add3A_20 = vector.broadcast %get3A_19 : vector<1x64xf32> to vector<1280x64xf32>
    %add3A_21 = arith.addf %dot_general3A_16, %add3A_20 : vector<1280x64xf32>
    %swap3A = arith.constant 0 : index
    %swap3A_22 = arith.constant 0 : index
    %swap3A_23 = vector.load %arg6[%swap3A, %swap3A_22] : memref<1280x64xf32, #tpu.memory_space<vmem>>, vector<1280x64xf32>
    tpu.vector_store %arg6[%swap3A, %swap3A_22], %add3A_21 {strides = array<i32>} : memref<1280x64xf32, #tpu.memory_space<vmem>>, vector<1280x64xf32>,
    return
  }
  func.func @transform_0(%arg0: i32) -> (i32, i32) {
    %c0_i32 = arith.constant 0 : i32
    %c0_i32_0 = arith.constant 0 : i32
    return %arg0, %c0_i32 : i32, i32
  }
  func.func @transform_1(%arg0: i32) -> (i32, i32) {
    %c0_i32 = arith.constant 0 : i32
    %c0_i32_0 = arith.constant 0 : i32
    %c0_i32_1 = arith.constant 0 : i32
    return %c0_i32, %c0_i32_0 : i32, i32
  }
  func.func @transform_2(%arg0: i32) -> (i32, i32) {
    %c0_i32 = arith.constant 0 : i32
    %c0_i32_0 = arith.constant 0 : i32
    %c0_i32_1 = arith.constant 0 : i32
    return %c0_i32, %c0_i32_0 : i32, i32
  }
  func.func @transform_3(%arg0: i32) -> (i32, i32) {
    %c0_i32 = arith.constant 0 : i32
    %c0_i32_0 = arith.constant 0 : i32
    %c0_i32_1 = arith.constant 0 : i32
    return %c0_i32, %c0_i32_0 : i32, i32
  }
  func.func @transform_4(%arg0: i32) -> (i32, i32) {
    %c0_i32 = arith.constant 0 : i32
    %c0_i32_0 = arith.constant 0 : i32
    %c0_i32_1 = arith.constant 0 : i32
    return %c0_i32, %c0_i32_0 : i32, i32
  }
  func.func @transform_5(%arg0: i32) -> (i32, i32) {
    %c0_i32 = arith.constant 0 : i32
    %c0_i32_0 = arith.constant 0 : i32
    return %arg0, %c0_i32 : i32, i32
  }
}

module attributes {stable_mosaic.version = 14 : i64} {
  func.func @_precompute_body(%arg0: i32, %arg1: memref<2x1280x16xf32, #tpu.memory_space<vmem>>, %arg2: memref<1280x64xf32, #tpu.memory_space<vmem>>, %arg3: memref<1280x1xf32, #tpu.memory_space<vmem>>, %arg4: memref<1280x1xf32, #tpu.memory_space<vmem>>, %arg5: memref<1280x64xf32, #tpu.memory_space<vmem>>, %arg6: memref<1280x64xf32, #tpu.memory_space<vmem>>, %arg7: memref<1280x64xf32, #tpu.memory_space<vmem>>) attributes {dimension_semantics = [#tpu.dimension_semantics<arbitrary>], iteration_bounds = array<i64: 8>, scalar_prefetch = 0 : i64, scratch_operands = 0 : i64, tpu.core_type = #tpu.core_type<tc>, window_params = [{transform_indices = @transform_0, window_bounds = array<i64: 2, 1280, 16>}, {transform_indices = @transform_1, window_bounds = array<i64: 1280, 64>}, {transform_indices = @transform_2, window_bounds = array<i64: 1280, 1>}, {transform_indices = @transform_3, window_bounds = array<i64: 1280, 1>}, {transform_indices = @transform_4, window_bounds = array<i64: 1280, 64>}, {transform_indices = @transform_5, window_bounds = array<i64: 1280, 64>}, {transform_indices = @transform_6, window_bounds = array<i64: 1280, 64>}]} {
    %get3A = arith.constant 0 : index
    %get3A_0 = arith.constant 0 : index
    %get3A_1 = arith.constant 0 : index
    %get3A_2 = vector.load %arg1[%get3A, %get3A_0, %get3A_1] : memref<2x1280x16xf32, #tpu.memory_space<vmem>>, vector<1x1280x1xf32>
    %get3A_3 = vector.shape_cast %get3A_2 : vector<1x1280x1xf32> to vector<1280x1xf32>
    %get3A_4 = arith.constant 1 : index
    %get3A_5 = arith.constant 0 : index
    %get3A_6 = arith.constant 0 : index
    %get3A_7 = vector.load %arg1[%get3A_4, %get3A_5, %get3A_6] : memref<2x1280x16xf32, #tpu.memory_space<vmem>>, vector<1x1280x1xf32>
    %get3A_8 = vector.shape_cast %get3A_7 : vector<1x1280x1xf32> to vector<1280x1xf32>
    %add3A = arith.addf %get3A_3, %get3A_8 : vector<1280x1xf32>
    %gt3A = arith.constant 0.000000e+00 : f32
    %gt3A_9 = vector.broadcast %gt3A : f32 to vector<1280x1xf32>
    %gt3A_10 = arith.cmpf ogt, %add3A, %gt3A_9 : vector<1280x1xf32>
    %max3A = arith.constant 9.99999996E-13 : f32
    %max3A_11 = vector.broadcast %max3A : f32 to vector<1280x1xf32>
    %max3A_12 = arith.maximumf %add3A, %max3A_11 : vector<1280x1xf32>
    %rsqrt3A = math.rsqrt %max3A_12 : vector<1280x1xf32>
    %jit3A = arith.constant 0.000000e+00 : f32
    %broadcast_in_dim3A = vector.broadcast %jit3A : f32 to vector<1280x1xf32>
    %select_n3A = arith.select %gt3A_10, %rsqrt3A, %broadcast_in_dim3A : vector<1280x1xi1>, vector<1280x1xf32>
    %get3A_13 = arith.constant 0 : index
    %get3A_14 = arith.constant 0 : index
    %get3A_15 = vector.load %arg2[%get3A_13, %get3A_14] : memref<1280x64xf32, #tpu.memory_space<vmem>>, vector<1280x64xf32>
    %mul3A = arith.constant 0.899999976 : f32
    %mul3A_16 = vector.broadcast %mul3A : f32 to vector<1280x1xf32>
    %mul3A_17 = arith.mulf %mul3A_16, %select_n3A : vector<1280x1xf32>
    %mul3A_18 = arith.mulf %mul3A_17, %select_n3A : vector<1280x1xf32>
    %swap3A = arith.constant 0 : index
    %swap3A_19 = arith.constant 0 : index
    %swap3A_20 = vector.load %arg3[%swap3A, %swap3A_19] : memref<1280x1xf32, #tpu.memory_space<vmem>>, vector<1280x1xf32>
    tpu.vector_store %arg3[%swap3A, %swap3A_19], %mul3A_18 {strides = array<i32>} : memref<1280x1xf32, #tpu.memory_space<vmem>>, vector<1280x1xf32>,
    %mul3A_21 = arith.constant 0.899999976 : f32
    %mul3A_22 = vector.broadcast %mul3A_21 : f32 to vector<1280x1xf32>
    %mul3A_23 = arith.mulf %mul3A_22, %select_n3A : vector<1280x1xf32>
    %swap3A_24 = arith.constant 0 : index
    %swap3A_25 = arith.constant 0 : index
    %swap3A_26 = vector.load %arg4[%swap3A_24, %swap3A_25] : memref<1280x1xf32, #tpu.memory_space<vmem>>, vector<1280x1xf32>
    tpu.vector_store %arg4[%swap3A_24, %swap3A_25], %mul3A_23 {strides = array<i32>} : memref<1280x1xf32, #tpu.memory_space<vmem>>, vector<1280x1xf32>,
    %mul3A_27 = arith.constant 1.000000e-01 : f32
    %mul3A_28 = vector.broadcast %mul3A_27 : f32 to vector<1280x1xf32>
    %mul3A_29 = arith.mulf %mul3A_28, %select_n3A : vector<1280x1xf32>
    %mul3A_30 = vector.broadcast %mul3A_29 : vector<1280x1xf32> to vector<1280x64xf32>
    %mul3A_31 = arith.mulf %mul3A_30, %get3A_15 : vector<1280x64xf32>
    %swap3A_32 = arith.constant 0 : index
    %swap3A_33 = arith.constant 0 : index
    %swap3A_34 = vector.load %arg5[%swap3A_32, %swap3A_33] : memref<1280x64xf32, #tpu.memory_space<vmem>>, vector<1280x64xf32>
    tpu.vector_store %arg5[%swap3A_32, %swap3A_33], %mul3A_31 {strides = array<i32>} : memref<1280x64xf32, #tpu.memory_space<vmem>>, vector<1280x64xf32>,
    %mul3A_35 = arith.constant 1.000000e-01 : f32
    %mul3A_36 = vector.broadcast %mul3A_35 : f32 to vector<1280x64xf32>
    %mul3A_37 = arith.mulf %mul3A_36, %get3A_15 : vector<1280x64xf32>
    %swap3A_38 = arith.constant 0 : index
    %swap3A_39 = arith.constant 0 : index
    %swap3A_40 = vector.load %arg6[%swap3A_38, %swap3A_39] : memref<1280x64xf32, #tpu.memory_space<vmem>>, vector<1280x64xf32>
    tpu.vector_store %arg6[%swap3A_38, %swap3A_39], %mul3A_37 {strides = array<i32>} : memref<1280x64xf32, #tpu.memory_space<vmem>>, vector<1280x64xf32>,
    %mul3A_41 = vector.broadcast %select_n3A : vector<1280x1xf32> to vector<1280x64xf32>
    %mul3A_42 = arith.mulf %mul3A_41, %get3A_15 : vector<1280x64xf32>
    %swap3A_43 = arith.constant 0 : index
    %swap3A_44 = arith.constant 0 : index
    %swap3A_45 = vector.load %arg7[%swap3A_43, %swap3A_44] : memref<1280x64xf32, #tpu.memory_space<vmem>>, vector<1280x64xf32>
    tpu.vector_store %arg7[%swap3A_43, %swap3A_44], %mul3A_42 {strides = array<i32>} : memref<1280x64xf32, #tpu.memory_space<vmem>>, vector<1280x64xf32>,
    return
  }
  func.func @transform_0(%arg0: i32) -> (i32, i32, i32) {
    %c0_i32 = arith.constant 0 : i32
    %c0_i32_0 = arith.constant 0 : i32
    %c0_i32_1 = arith.constant 0 : i32
    return %c0_i32, %arg0, %c0_i32_0 : i32, i32, i32
  }
  func.func @transform_1(%arg0: i32) -> (i32, i32) {
    %c0_i32 = arith.constant 0 : i32
    %c0_i32_0 = arith.constant 0 : i32
    return %arg0, %c0_i32 : i32, i32
  }
  func.func @transform_2(%arg0: i32) -> (i32, i32) {
    %c0_i32 = arith.constant 0 : i32
    %c0_i32_0 = arith.constant 0 : i32
    return %arg0, %c0_i32 : i32, i32
  }
  func.func @transform_3(%arg0: i32) -> (i32, i32) {
    %c0_i32 = arith.constant 0 : i32
    %c0_i32_0 = arith.constant 0 : i32
    return %arg0, %c0_i32 : i32, i32
  }
  func.func @transform_4(%arg0: i32) -> (i32, i32) {
    %c0_i32 = arith.constant 0 : i32
    %c0_i32_0 = arith.constant 0 : i32
    return %arg0, %c0_i32 : i32, i32
  }
  func.func @transform_5(%arg0: i32) -> (i32, i32) {
    %c0_i32 = arith.constant 0 : i32
    %c0_i32_0 = arith.constant 0 : i32
    return %arg0, %c0_i32 : i32, i32
  }
  func.func @transform_6(%arg0: i32) -> (i32, i32) {
    %c0_i32 = arith.constant 0 : i32
    %c0_i32_0 = arith.constant 0 : i32
    return %arg0, %c0_i32 : i32, i32
  }
}

module attributes {stable_mosaic.version = 14 : i64} {
  func.func @_combine_body(%arg0: i32, %arg1: memref<1280x1xf32, #tpu.memory_space<vmem>>, %arg2: memref<1280x64xf32, #tpu.memory_space<vmem>>, %arg3: memref<2x1280x64xf32, #tpu.memory_space<vmem>>, %arg4: memref<1280x64xf32, #tpu.memory_space<vmem>>) attributes {dimension_semantics = [#tpu.dimension_semantics<arbitrary>], iteration_bounds = array<i64: 8>, scalar_prefetch = 0 : i64, scratch_operands = 0 : i64, tpu.core_type = #tpu.core_type<tc>, window_params = [{transform_indices = @transform_0, window_bounds = array<i64: 1280, 1>}, {transform_indices = @transform_1, window_bounds = array<i64: 1280, 64>}, {transform_indices = @transform_2, window_bounds = array<i64: 2, 1280, 64>}, {transform_indices = @transform_3, window_bounds = array<i64: 1280, 64>}]} {
    %get3A = arith.constant 0 : index
    %get3A_0 = arith.constant 0 : index
    %get3A_1 = vector.load %arg1[%get3A, %get3A_0] : memref<1280x1xf32, #tpu.memory_space<vmem>>, vector<1280x1xf32>
    %get3A_2 = arith.constant 0 : index
    %get3A_3 = arith.constant 0 : index
    %get3A_4 = arith.constant 0 : index
    %get3A_5 = vector.load %arg3[%get3A_2, %get3A_3, %get3A_4] : memref<2x1280x64xf32, #tpu.memory_space<vmem>>, vector<1x1280x64xf32>
    %get3A_6 = vector.shape_cast %get3A_5 : vector<1x1280x64xf32> to vector<1280x64xf32>
    %get3A_7 = arith.constant 1 : index
    %get3A_8 = arith.constant 0 : index
    %get3A_9 = arith.constant 0 : index
    %get3A_10 = vector.load %arg3[%get3A_7, %get3A_8, %get3A_9] : memref<2x1280x64xf32, #tpu.memory_space<vmem>>, vector<1x1280x64xf32>
    %get3A_11 = vector.shape_cast %get3A_10 : vector<1x1280x64xf32> to vector<1280x64xf32>
    %add3A = arith.addf %get3A_6, %get3A_11 : vector<1280x64xf32>
    %mul3A = vector.broadcast %get3A_1 : vector<1280x1xf32> to vector<1280x64xf32>
    %mul3A_12 = arith.mulf %mul3A, %add3A : vector<1280x64xf32>
    %get3A_13 = arith.constant 0 : index
    %get3A_14 = arith.constant 0 : index
    %get3A_15 = vector.load %arg2[%get3A_13, %get3A_14] : memref<1280x64xf32, #tpu.memory_space<vmem>>, vector<1280x64xf32>
    %add3A_16 = arith.addf %mul3A_12, %get3A_15 : vector<1280x64xf32>
    %swap3A = arith.constant 0 : index
    %swap3A_17 = arith.constant 0 : index
    %swap3A_18 = vector.load %arg4[%swap3A, %swap3A_17] : memref<1280x64xf32, #tpu.memory_space<vmem>>, vector<1280x64xf32>
    tpu.vector_store %arg4[%swap3A, %swap3A_17], %add3A_16 {strides = array<i32>} : memref<1280x64xf32, #tpu.memory_space<vmem>>, vector<1280x64xf32>,
    return
  }
  func.func @transform_0(%arg0: i32) -> (i32, i32) {
    %c0_i32 = arith.constant 0 : i32
    %c0_i32_0 = arith.constant 0 : i32
    return %arg0, %c0_i32 : i32, i32
  }
  func.func @transform_1(%arg0: i32) -> (i32, i32) {
    %c0_i32 = arith.constant 0 : i32
    %c0_i32_0 = arith.constant 0 : i32
    return %arg0, %c0_i32 : i32, i32
  }
  func.func @transform_2(%arg0: i32) -> (i32, i32, i32) {
    %c0_i32 = arith.constant 0 : i32
    %c0_i32_0 = arith.constant 0 : i32
    %c0_i32_1 = arith.constant 0 : i32
    return %c0_i32, %arg0, %c0_i32_0 : i32, i32, i32
  }
  func.func @transform_3(%arg0: i32) -> (i32, i32) {
    %c0_i32 = arith.constant 0 : i32
    %c0_i32_0 = arith.constant 0 : i32
    return %arg0, %c0_i32 : i32, i32
  }
}

</mosaic_0001>

<sc_bundles>
// kernel: kernel.25.cloned.1.call-start
scs
__scs_entry_jumppad:
0x0: {  	(pc) =	sbr.rel $0x88, $3  }
0x1: {  	(tag) =	ssettag $0x0;
	lr =	simm.s32 $0x1  }
0x2: {  	[smem:$0x3F9B] =	sst lr;
	_ =	strace $0xD0000000  }
0x3: {  	_ = 	snop  }
0x4: {  	_ = 	snop  }
0x5: {  	_ = 	snop  }
0x6: {  	_ = 	snop  }
0x7: {  	_ = 	snop  }
__scs_overlays_trampoline_lowered:
0x8: {  	[smem:$0x3FAA] =	sst s0  }
0x9: {  	[smem:$0x3FAB] =	sst s1  }
0xa: {  	[smem:$0x3FAC] =	sst s2  }
0xb: {  	[smem:$0x3FAD] =	sst s3  }
0xc: {  	[smem:$0x3FAE] =	sst s4  }
0xd: {  	[smem:$0x3FAF] =	sst s5  }
0xe: {  	[smem:$0x3FB0] =	sst s6  }
0xf: {  	[smem:$0x3FB1] =	sst s7  }
0x10: {  	[smem:$0x3FB2] =	sst s8  }
0x11: {  	[smem:$0x3FB3] =	sst s9;
	s0 =	simm.s32 @!p0 $0x0  }
0x12: {  	s1 =	sld [smem:$0x3F99];
	s0 =	simm.s32 @p0 $0x1  }
0x13: {  	[smem:$0x3FB4] =	sst s0;
	s0 =	simm.s32 @!p1 $0x0  }
0x14: {  	s2 =	sld [smem:$0x3F98];
	s0 =	simm.s32 @p1 $0x1  }
0x15: {  	[smem:$0x3FB5] =	sst s0;
	s0 =	simm.s32 @!p2 $0x0  }
0x16: {  	s3 =	sld [smem:$0x3FDB];
	s0 =	simm.s32 @p2 $0x1  }
0x17: {  	s4 =	simm.s32 $0x1BF5;
	[smem:$0x3FB7] =	sst s0  }
0x18: {  	s0 =	sld [smem:$0x3F9A];
	_ =	swait.ge [sflag:s4], $0x0  }
0x19: {  	s7 =	sld [smem:$0x3F9B]  }
0x1a: {  	s8 =	sadd.s32 $0xFFFFE003, lr  }
0x1b: {  	s9 =	sadd.s32 $0xFFFFFEF7, lr;
	s5 =	simm.s32 $0xFFFFFFFF;
	p2 =	slt.u32 s8, $0xFFFFF086  }
0x1c: {  	p1 =	slt.u32 s9, $0xF7A;
	s5 =	simm.s32 @!p2 $0x0  }
0x1d: {  	s5 =	simm.s32 @p1 $0x1;
	p0 =	seq.s32 s7, s2  }
0x1e: {  	s7 =	smul.u32 @!p0 $0xF7A, s2;
	p2 =	seq.s32 @!p0 s5, $0x0  }
0x1f: {  	s9 =	smul.u32 $0xF7A, s1;
	s8 =	simm.s32 @!p0 $0x1BF5;
	p2 =	por !p2, p0  }
0x20: {  	[sflag:s8] =	ssyncset.s32 @!p0 $0xFFFFF086;
	s6 =	sadd.s32 @!p0 s3, s7;
	s7 =	simm.s32 @!p0 $0x108  }
0x21: {  	s3 =	sadd.s32 s3, s9;
	s6 =	sadd.s32 @!p0 $0x88, s6;
	s7 =	simm.s32 @p2 $0x1082  }
0x22: {  	[simem:s7], [sflag:s8] =	dma.local @!p0 [hbm:s6], $0xF7A  }
0x23: {  	s9 =	sor.u32 $0xD0000000, s2;
	s6 =	simm.s32 $0x108;
	_ =	swait.ge @!p0 [sflag:s8], $0x0  }
0x24: {  	s3 =	sadd.s32 $0x88, s3;
	s6 =	simm.s32 @!p1 $0x1082;
	[sflag:s4] =	ssyncset.s32 $0xFFFFF086  }
0x25: {  	[simem:s6], [sflag:s4] =	dma.local [hbm:s3], $0xF7A  }
0x26: {  	[smem:$0x3F9B] =	sst s1;
	(tag) =	ssettag s2;
	_ =	strace s9  }
0x27: {  	s1 =	sld [smem:$0x3FAB]  }
0x28: {  	s2 =	sld [smem:$0x3FAC]  }
0x29: {  	s4 =	sld [smem:$0x3FAE]  }
0x2a: {  	p0 =	seq.s32 s5, $0x0;
	s5 =	sld [smem:$0x3FAF]  }
0x2b: {  	s6 =	sld [smem:$0x3FB0]  }
0x2c: {  	s7 =	sld [smem:$0x3FB1]  }
0x2d: {  	s3 =	simm.s32 $0x108;
	s8 =	sld [smem:$0x3FB2]  }
0x2e: {  	s3 =	simm.s32 @!p0 $0x1082;
	s9 =	sld [smem:$0x3FB3]  }
0x2f: {  	lr =	sadd.s32 s0, s3;
	s0 =	sld [smem:$0x3FAA]  }
0x30: {  	s3 =	sld [smem:$0x3FAD]  }
0x31: {  	[smem:$0x3FB6] =	sst s10  }
0x32: {  	s10 =	sld [smem:$0x3FB4];
	_ =	sdelay $0x3  }
0x33: {  	p0 =	seq.s32 s10, $0x1;
	s10 =	sld [smem:$0x3FB6];
	_ =	sdelay $0x3  }
0x34: {  	[smem:$0x3FB6] =	sst s10  }
0x35: {  	s10 =	sld [smem:$0x3FB5];
	_ =	sdelay $0x3  }
0x36: {  	p1 =	seq.s32 s10, $0x1;
	s10 =	sld [smem:$0x3FB6];
	_ =	sdelay $0x3  }
0x37: {  	[smem:$0x3FB6] =	sst s10  }
0x38: {  	s10 =	sld [smem:$0x3FB7]  }
0x39: {  	_ = 	snop;
	(pc) =	sbr.ind lr, $3  }
0x3a: {  	_ = 	snop  }
0x3b: {  	_ = 	snop  }
0x3c: {  	p2 =	seq.s32 s10, $0x1;
	s10 =	sld [smem:$0x3FB6]  }
0x3d: {  	_ =	shalt  }
0x3e: {  	_ =	shalt  }
0x3f: {  	_ =	shalt  }
0x40: {  	_ =	shalt  }
0x41: {  	_ =	shalt  }
0x42: {  	_ =	shalt  }
0x43: {  	_ =	shalt  }
0x44: {  	_ =	shalt  }
0x45: {  	_ =	shalt  }
0x46: {  	_ =	shalt  }
0x47: {  	_ =	shalt  }
0x48: {  	_ =	shalt  }
0x49: {  	_ =	shalt  }
0x4a: {  	_ =	shalt  }
0x4b: {  	_ =	shalt  }
0x4c: {  	_ =	shalt  }
0x4d: {  	_ =	shalt  }
0x4e: {  	_ =	shalt  }
0x4f: {  	_ =	shalt  }
0x50: {  	_ =	shalt  }
0x51: {  	_ =	shalt  }
0x52: {  	_ =	shalt  }
0x53: {  	_ =	shalt  }
0x54: {  	_ =	shalt  }
0x55: {  	_ =	shalt  }
0x56: {  	_ =	shalt  }
0x57: {  	_ =	shalt  }
0x58: {  	_ =	shalt  }
0x59: {  	_ =	shalt  }
0x5a: {  	_ =	shalt  }
0x5b: {  	_ =	shalt  }
0x5c: {  	_ =	shalt  }
0x5d: {  	_ =	shalt  }
0x5e: {  	_ =	shalt  }
0x5f: {  	_ =	shalt  }
0x60: {  	_ =	shalt  }
0x61: {  	_ =	shalt  }
0x62: {  	_ =	shalt  }
0x63: {  	_ =	shalt  }
0x64: {  	_ =	shalt  }
0x65: {  	_ =	shalt  }
0x66: {  	_ =	shalt  }
0x67: {  	_ =	shalt  }
0x68: {  	_ =	shalt  }
0x69: {  	_ =	shalt  }
0x6a: {  	_ =	shalt  }
0x6b: {  	_ =	shalt  }
0x6c: {  	_ =	shalt  }
0x6d: {  	_ =	shalt  }
0x6e: {  	_ =	shalt  }
0x6f: {  	_ =	shalt  }
0x70: {  	_ =	shalt  }
0x71: {  	_ =	shalt  }
0x72: {  	_ =	shalt  }
0x73: {  	_ =	shalt  }
0x74: {  	_ =	shalt  }
0x75: {  	_ =	shalt  }
0x76: {  	_ =	shalt  }
0x77: {  	_ =	shalt  }
0x78: {  	_ =	shalt  }
0x79: {  	_ =	shalt  }
0x7a: {  	_ =	shalt  }
0x7b: {  	_ =	shalt  }
0x7c: {  	_ =	shalt  }
0x7d: {  	_ =	shalt  }
0x7e: {  	_ =	shalt  }
0x7f: {  	_ =	shalt  }
0x80: {  	_ =	shalt  }
0x81: {  	_ =	shalt  }
0x82: {  	_ =	shalt  }
0x83: {  	_ =	shalt  }
0x84: {  	_ =	shalt  }
0x85: {  	_ =	shalt  }
0x86: {  	_ =	shalt  }
0x87: {  	_ =	shalt  }
.Lfunc_end0:
.L_simem_size_0:
called_computation_lowered:
.L_overlay_start_0:
0x88: {  	s2 =	sld [smem:$0x3FD9]  }
0x89: {  	s3 =	sld [smem:$0x3FFE];
	_ =	sdelay $0x1  }
0x8a: {  	s1 =	srdreg.scid  }
0x8b: {  	s0 =	sand.u32 $0x1, s1  }
0x8c: {  	s17 =	sshll.u32 s0, $0xA;
	s2 =	sadd.s32 s3, s2  }
0x8d: {  	s2 =	sadd.s32 s2, s17  }
0x8e: {  	[smem:$0x3FC2] =	sst s2  }
0x8f: {  	_ = 	snop  }
0x90: {  	s2 =	sld [smem:$0x3FD0];
	(tm) =	ssettm $0x1  }
0x91: {  	s18 =	sld [smem:$0x3FFB];
	_ =	sdelay $0x3  }
0x92: {  	_ =	strace s18  }
0x93: {  	s3 =	sld [smem:$0x3FFC];
	_ =	sdelay $0x3  }
0x94: {  	_ =	strace s3  }
0x95: {  	s3 =	sld [smem:$0x3FFD];
	_ =	sdelay $0x3  }
0x96: {  	_ =	strace s3  }
0x97: {  	_ =	strace $0x8FFFFFFF  }
0x98: {  	s19 =	sld [smem:$0x3FDB];
	_ =	sdelay $0x1  }
0x99: {  	s4 =	simm.s32 $_scs_section_size  }
0x9a: {  	s5 =	simm.s32 $_size__tile_overlayer_lowered;
	s6 =	simm.s32 $_tile_overlayer_lowered  }
0x9b: {  	s22 =	simm.s32 $0x1BFF;
	s21 =	sshll.u32 s6, $0x1;
	s3 =	sadd.s32 s4, s19  }
0x9c: {  	s7 =	simm.s32 $0x0;
	s20 =	sshll.u32 s5, $0x1;
	s5 =	sadd.s32 s21, s3  }
0x9d: {  	[timem:s7], [sflag:s22] =	dma.local [hbm:s5], s20  }
0x9e: {  	_ =	swait.ge [sflag:s22], s20  }
0x9f: {  	s4 =	ssub.s32 $0x0, s20;
	[sflag:s22] =	ssyncset.done $0x0  }
0xa0: {  	[sflag:s22] =	ssyncadd.s32 s4;
	_ =	sdelay $0x1  }
0xa1: {  	s23 =	simm.s32 $0x1B8B  }
0xa2: {  	_ =	swait.ge [sflag:s23], $0x1  }
0xa3: {  	[sflag:s23] =	ssyncset.done $0x0  }
0xa4: {  	s25 =	simm.s32 $0x1B8E;
	s24 =	sld [smem:$0x3FFE];
	[sflag:s23] =	ssyncadd.s32 $0xFFFFFFFF  }
0xa5: {  	s26 =	simm.s32 $execute0_lowered;
	[smem:$0x3FD2] =	sst s25  }
0xa6: {  	s5 =	sshll.u32 s26, $0x1;
	_ =	strace $0x80000046;
	[dreg:$0x1] =	wrdreg $0xFFFFFFFF  }
0xa7: {  	s28 =	simm.s32 $_size_execute0_lowered;
	s3 =	sadd.s32 s3, s5;
	[dreg:$0x0] =	wrdreg $0x0  }
0xa8: {  	s5 =	sshll.u32 s28, $0x1;
	[dreg:$0x2] =	wrdreg s3  }
0xa9: {  	[dreg:$0x3] =	wrdreg s5  }
0xaa: {  	[dreg:$0x4] =	wrdreg $0xC0  }
0xab: {  	_ =	task [dreg:s7], $0x5FFFF  }
0xac: {  	[dreg:$0x1] =	wrdreg $0xFFFFFFFF  }
0xad: {  	[dreg:$0x0] =	wrdreg $0x60  }
0xae: {  	[dreg:$0x2] =	wrdreg s24  }
0xaf: {  	[dreg:$0x3] =	wrdreg s2  }
0xb0: {  	[dreg:$0x4] =	wrdreg $0x65900  }
0xb1: {  	[dreg:$0x5] =	wrdreg $0x9  }
0xb2: {  	_ =	task.clear_ibuf [dreg:s7], $0x6FFFF;
	_ =	strace $0x90000046  }
0xb3: {  	s29 =	simm.s32 $0x9;
	_ =	strace $0x80000048  }
0xb4: {  	_ =	swait.ge [sflag:s29], $0x1  }
0xb5: {  	[sflag:s29] =	ssyncadd.s32 $0xFFFFFFFF  }
0xb6: {  	_ =	strace $0x90000048  }
0xb7: {  	_ =	sfence  }
0xb8: {  	s30 =	sld [smem:$0x0];
	_ =	sdelay $0x2  }
0xb9: {  	s31 =	sshll.u32 s1, $0xD;
	s1 =	sshrl.u32 s1, $0x2  }
0xba: {  	s3 =	sand.u32 $0x4000, s31;
	s1 =	sadd.s32 s1, s30  }
0xbb: {  	s0 =	sor.u32 s3, s0;
	s1 =	sshll.u32 s1, $0x11  }
0xbc: {  	s0 =	sor.u32 s1, s0  }
0xbd: {  	s0 =	sadd.s32 $0x8F2B, s0  }
0xbe: {  	[sflag:s0] =	ssyncadd.remote.s32 $0x1  }
0xbf: {  	_ =	sfence.sel $0xFFFF  }
0xc0: {  	[dreg:$0x0] =	wrdreg $0xFFFFFFFF;
	(pc) =	sbr.abs _section_cstart, $3  }
0xc1: {  	[dreg:$0x1] =	wrdreg $0xFFFFFFFF  }
0xc2: {  	_ =	task.clear_ibuf [dreg:s7], $0x2FFFF;
	_ =	strace $0x9FFFFFFF  }
0xc3: {  	(tm) =	ssettm $0x7FFFFFFF  }
tec
execute0_lowered:
.L_overlay_start_1:
0x0: {  	(tag) =	ssettag $0x1  }
0x1: {  	s0 =	srdreg.scid  }
0x2: {  	s21 =	sand.u32 $0x1, s0  }
0x3: {  	s8 =	rddreg [dreg:$0x0];
	s0 =	stileid.u32;
	s1 =	sshll.u32 s21, $0x4  }
0x4: {  	s20 =	rddreg [dreg:$0x1];
	s1 =	sor.u32 s0, s1  }
0x5: {  	s2 =	rddreg [dreg:$0x2];
	s3 =	simm.s32 $0x0;
	s4 =	smul.u32 $0x4E2, s1  }
0x6: {  	[smem:$0x7FF] =	sst s3  }
0x7: {  	s1 =	rddreg [dreg:$0x3];
	s4 =	sadd.s32 s4, s8  }
0x8: {  	_ =	strace $0x80000047;
	s5 =	sadd.s32 $0xEA00, s4;
	s4 =	simm.s32 $0x1  }
0x9: {  	[tilespmem:s3], [sflag:$0x1] =	stream.linear.gather [hbm4b:s5+s3], $0x2710, $0x38;
	[tilespmem:$0x8D90] =	vst v63  }
0xa: {  	_ =	swait.ge [sflag:s4], $0x2710  }
0xb: {  	s7 =	simm.s32 $0x2710;
	s6 =	sadd.s32 $0x1D800, s8;
	[sflag:s4] =	ssyncset.done $0x0  }
0xc: {  	s9 =	smul.u32 $0x2800, s0;
	s30 =	sshll.u32 s0, $0x6;
	[sflag:s4] =	ssyncadd.s32 $0xFFFFD8F0  }
0xd: {  	[tilespmem:s7], [sflag:$0x1] =	stream.linear.gather [hbm4b:s6+s3], $0x3E80, $0x38;
	[tilespmem:$0x8D90] =	vst v63  }
0xe: {  	s22 =	sshrl.u32 s9, $0x3;
	s10 =	sadd.s32 s9, s2;
	_ =	swait.ge [sflag:s4], $0x3E80  }
0xf: {  	s9 =	sor.u32 $0x1C01, s30;
	s8 =	sadd.s32 s22, s8;
	[sflag:s4] =	ssyncset.done $0x0  }
0x10: {  	s10 =	sshrl.u32 s10, $0x3;
	s8 =	sadd.s32 $0x18800, s8;
	[sflag:s4] =	ssyncadd.s32 $0xFFFFC180  }
0x11: {  	[spmem:s10], [sflag:s9] =	dma.local [hbm:s8], $0x500  }
0x12: {  	_ =	swait.ge [sflag:s4], $0x500  }
0x13: {  	[sflag:s4] =	ssyncset.done $0x0  }
0x14: {  	[sflag:s4] =	ssyncadd.s32 $0xFFFFFB00  }
0x15: {  	s11 =	simm.s32 $0x3E8;
	[bflag:$0x0] =	sbarrier.arrive $0xFFFF  }
0x16: {  	[spmem:s2] =	stream.indirect.scatter.add.f32 [tilespmem:s7], [sflag:$0x1], $0x10, s3, s11, $0xb8;
	[tilespmem:$0x8D90] =	vst v63  }
0x17: {  	_ =	swait.ge [sflag:s4], $0x3E80  }
0x18: {  	[sflag:s4] =	ssyncset.done $0x0  }
0x19: {  	[sflag:s4] =	ssyncadd.s32 $0xFFFFC180  }
0x1a: {  	[spmem:s2] =	stream.indirect.scatter.add.f32 [tilespmem:s7], [sflag:$0x1], $0x10, s11, s11, $0xb8;
	[tilespmem:$0x8D90] =	vst v63  }
0x1b: {  	_ =	swait.ge [sflag:s4], $0x3E80  }
0x1c: {  	[sflag:s4] =	ssyncset.done $0x0  }
0x1d: {  	s12 =	simm.s32 $0x7D0;
	[sflag:s4] =	ssyncadd.s32 $0xFFFFC180  }
0x1e: {  	[spmem:s2] =	stream.indirect.scatter.add.f32 [tilespmem:s7], [sflag:$0x1], $0x10, s12, s11, $0xb8;
	[tilespmem:$0x8D90] =	vst v63  }
0x1f: {  	_ =	swait.ge [sflag:s4], $0x3E80  }
0x20: {  	[sflag:s4] =	ssyncset.done $0x0  }
0x21: {  	s13 =	simm.s32 $0xBB8;
	[sflag:s4] =	ssyncadd.s32 $0xFFFFC180  }
0x22: {  	[spmem:s2] =	stream.indirect.scatter.add.f32 [tilespmem:s7], [sflag:$0x1], $0x10, s13, s11, $0xb8;
	[tilespmem:$0x8D90] =	vst v63  }
0x23: {  	_ =	swait.ge [sflag:s4], $0x3E80  }
0x24: {  	[sflag:s4] =	ssyncset.done $0x0  }
0x25: {  	s14 =	simm.s32 $0xFA0;
	[sflag:s4] =	ssyncadd.s32 $0xFFFFC180  }
0x26: {  	[spmem:s2] =	stream.indirect.scatter.add.f32 [tilespmem:s7], [sflag:$0x1], $0x10, s14, s11, $0xb8;
	[tilespmem:$0x8D90] =	vst v63  }
0x27: {  	_ =	swait.ge [sflag:s4], $0x3E80  }
0x28: {  	[sflag:s4] =	ssyncset.done $0x0  }
0x29: {  	s15 =	simm.s32 $0x1388;
	[sflag:s4] =	ssyncadd.s32 $0xFFFFC180  }
0x2a: {  	[spmem:s2] =	stream.indirect.scatter.add.f32 [tilespmem:s7], [sflag:$0x1], $0x10, s15, s11, $0xb8;
	[tilespmem:$0x8D90] =	vst v63  }
0x2b: {  	_ =	swait.ge [sflag:s4], $0x3E80  }
0x2c: {  	[sflag:s4] =	ssyncset.done $0x0  }
0x2d: {  	s16 =	simm.s32 $0x1770;
	[sflag:s4] =	ssyncadd.s32 $0xFFFFC180  }
0x2e: {  	[spmem:s2] =	stream.indirect.scatter.add.f32 [tilespmem:s7], [sflag:$0x1], $0x10, s16, s11, $0xb8;
	[tilespmem:$0x8D90] =	vst v63  }
0x2f: {  	_ =	swait.ge [sflag:s4], $0x3E80  }
0x30: {  	[sflag:s4] =	ssyncset.done $0x0  }
0x31: {  	s17 =	simm.s32 $0x1B58;
	[sflag:s4] =	ssyncadd.s32 $0xFFFFC180  }
0x32: {  	[spmem:s2] =	stream.indirect.scatter.add.f32 [tilespmem:s7], [sflag:$0x1], $0x10, s17, s11, $0xb8;
	[tilespmem:$0x8D90] =	vst v63  }
0x33: {  	_ =	swait.ge [sflag:s4], $0x3E80  }
0x34: {  	[sflag:s4] =	ssyncset.done $0x0  }
0x35: {  	s18 =	simm.s32 $0x1F40;
	[sflag:s4] =	ssyncadd.s32 $0xFFFFC180  }
0x36: {  	[spmem:s2] =	stream.indirect.scatter.add.f32 [tilespmem:s7], [sflag:$0x1], $0x10, s18, s11, $0xb8;
	[tilespmem:$0x8D90] =	vst v63  }
0x37: {  	s23 =	ssub.s32 $0x2, s21;
	_ =	swait.ge [sflag:s4], $0x3E80  }
0x38: {  	s24 =	sshrl.u32 s23, $0x1;
	[sflag:s4] =	ssyncset.done $0x0  }
0x39: {  	s19 =	simm.s32 $0x2328;
	s23 =	ssub.s32 s23, s24;
	[sflag:s4] =	ssyncadd.s32 $0xFFFFC180  }
0x3a: {  	[spmem:s2] =	stream.indirect.scatter.add.f32 [tilespmem:s7], [sflag:$0x1], $0x10, s19, s11, $0xb8;
	[tilespmem:$0x8D90] =	vst v63  }
0x3b: {  	s21 =	smul.u32 $0x5000, s21;
	s31 =	smax.u32 s23, $0x1;
	_ =	swait.ge [sflag:s4], $0x3E80  }
0x3c: {  	p0 =	sne.s32 s31, $0x1;
	[sflag:s4] =	ssyncset.done $0x0  }
.Ltmp0:
0x3d: {  	s20 =	sadd.s32 s20, s21;
	[sflag:s4] =	ssyncadd.s32 $0xFFFFC180;
	(pc) =	sbr.rel @!p0 .LBB2_2-.Ltmp0, $4  }
0x3e: {  	s20 =	sadd.s32 s22, s20;
	[bflag:$0x0] =	sbarrier.arrive $0xFFFF  }
0x3f: {  	[hbm:s20], [sflag:s9] =	dma.local [spmem:s10], $0x500  }
0x40: {  	_ =	swait.ge [sflag:s4], $0x500  }
0x41: {  	s21 =	sadd.s32 $0xFFFFFFFF, s31;
	[sflag:s4] =	ssyncset.done $0x0  }
.LBB2_1:
0x42: {  	p0 =	sne.s32 s21, $0x1;
	s21 =	sadd.s32 $0xFFFFFFFF, s21;
	[sflag:s4] =	ssyncadd.s32 $0xFFFFFB00  }
0x43: {  	[tilespmem:s3], [sflag:$0x1] =	stream.linear.gather [hbm4b:s5+s3], $0x2710, $0x38;
	[tilespmem:$0x8D90] =	vst v63  }
0x44: {  	_ =	swait.ge [sflag:s4], $0x2710  }
0x45: {  	[sflag:s4] =	ssyncset.done $0x0  }
0x46: {  	[sflag:s4] =	ssyncadd.s32 $0xFFFFD8F0  }
0x47: {  	[tilespmem:s7], [sflag:$0x1] =	stream.linear.gather [hbm4b:s6+s3], $0x3E80, $0x38;
	[tilespmem:$0x8D90] =	vst v63  }
0x48: {  	_ =	swait.ge [sflag:s4], $0x3E80  }
0x49: {  	[sflag:s4] =	ssyncset.done $0x0  }
0x4a: {  	[sflag:s4] =	ssyncadd.s32 $0xFFFFC180  }
0x4b: {  	[spmem:s10], [sflag:s9] =	dma.local [hbm:s8], $0x500  }
0x4c: {  	_ =	swait.ge [sflag:s4], $0x500  }
0x4d: {  	[sflag:s4] =	ssyncset.done $0x0  }
0x4e: {  	[sflag:s4] =	ssyncadd.s32 $0xFFFFFB00  }
0x4f: {  	[bflag:$0x0] =	sbarrier.arrive $0xFFFF  }
0x50: {  	[spmem:s2] =	stream.indirect.scatter.add.f32 [tilespmem:s7], [sflag:$0x1], $0x10, s3, s11, $0xb8;
	[tilespmem:$0x8D90] =	vst v63  }
0x51: {  	_ =	swait.ge [sflag:s4], $0x3E80  }
0x52: {  	[sflag:s4] =	ssyncset.done $0x0  }
0x53: {  	[sflag:s4] =	ssyncadd.s32 $0xFFFFC180  }
0x54: {  	[spmem:s2] =	stream.indirect.scatter.add.f32 [tilespmem:s7], [sflag:$0x1], $0x10, s11, s11, $0xb8;
	[tilespmem:$0x8D90] =	vst v63  }
0x55: {  	_ =	swait.ge [sflag:s4], $0x3E80  }
0x56: {  	[sflag:s4] =	ssyncset.done $0x0  }
0x57: {  	[sflag:s4] =	ssyncadd.s32 $0xFFFFC180  }
0x58: {  	[spmem:s2] =	stream.indirect.scatter.add.f32 [tilespmem:s7], [sflag:$0x1], $0x10, s12, s11, $0xb8;
	[tilespmem:$0x8D90] =	vst v63  }
0x59: {  	_ =	swait.ge [sflag:s4], $0x3E80  }
0x5a: {  	[sflag:s4] =	ssyncset.done $0x0  }
0x5b: {  	[sflag:s4] =	ssyncadd.s32 $0xFFFFC180  }
0x5c: {  	[spmem:s2] =	stream.indirect.scatter.add.f32 [tilespmem:s7], [sflag:$0x1], $0x10, s13, s11, $0xb8;
	[tilespmem:$0x8D90] =	vst v63  }
0x5d: {  	_ =	swait.ge [sflag:s4], $0x3E80  }
0x5e: {  	[sflag:s4] =	ssyncset.done $0x0  }
0x5f: {  	[sflag:s4] =	ssyncadd.s32 $0xFFFFC180  }
0x60: {  	[spmem:s2] =	stream.indirect.scatter.add.f32 [tilespmem:s7], [sflag:$0x1], $0x10, s14, s11, $0xb8;
	[tilespmem:$0x8D90] =	vst v63  }
0x61: {  	_ =	swait.ge [sflag:s4], $0x3E80  }
0x62: {  	[sflag:s4] =	ssyncset.done $0x0  }
0x63: {  	[sflag:s4] =	ssyncadd.s32 $0xFFFFC180  }
0x64: {  	[spmem:s2] =	stream.indirect.scatter.add.f32 [tilespmem:s7], [sflag:$0x1], $0x10, s15, s11, $0xb8;
	[tilespmem:$0x8D90] =	vst v63  }
0x65: {  	_ =	swait.ge [sflag:s4], $0x3E80  }
0x66: {  	[sflag:s4] =	ssyncset.done $0x0  }
0x67: {  	[sflag:s4] =	ssyncadd.s32 $0xFFFFC180  }
0x68: {  	[spmem:s2] =	stream.indirect.scatter.add.f32 [tilespmem:s7], [sflag:$0x1], $0x10, s16, s11, $0xb8;
	[tilespmem:$0x8D90] =	vst v63  }
0x69: {  	_ =	swait.ge [sflag:s4], $0x3E80  }
0x6a: {  	[sflag:s4] =	ssyncset.done $0x0  }
0x6b: {  	[sflag:s4] =	ssyncadd.s32 $0xFFFFC180  }
0x6c: {  	[spmem:s2] =	stream.indirect.scatter.add.f32 [tilespmem:s7], [sflag:$0x1], $0x10, s17, s11, $0xb8;
	[tilespmem:$0x8D90] =	vst v63  }
0x6d: {  	_ =	swait.ge [sflag:s4], $0x3E80  }
0x6e: {  	[sflag:s4] =	ssyncset.done $0x0  }
0x6f: {  	[sflag:s4] =	ssyncadd.s32 $0xFFFFC180  }
0x70: {  	[spmem:s2] =	stream.indirect.scatter.add.f32 [tilespmem:s7], [sflag:$0x1], $0x10, s18, s11, $0xb8;
	[tilespmem:$0x8D90] =	vst v63  }
0x71: {  	_ =	swait.ge [sflag:s4], $0x3E80  }
0x72: {  	[sflag:s4] =	ssyncset.done $0x0  }
0x73: {  	[sflag:s4] =	ssyncadd.s32 $0xFFFFC180  }
0x74: {  	[spmem:s2] =	stream.indirect.scatter.add.f32 [tilespmem:s7], [sflag:$0x1], $0x10, s19, s11, $0xb8;
	[tilespmem:$0x8D90] =	vst v63  }
0x75: {  	_ =	swait.ge [sflag:s4], $0x3E80  }
0x76: {  	[sflag:s4] =	ssyncset.done $0x0  }
.Ltmp1:
0x77: {  	[sflag:s4] =	ssyncadd.s32 $0xFFFFC180;
	(pc) =	sbr.rel @p0 .LBB2_1-.Ltmp1, $4  }
0x78: {  	[bflag:$0x0] =	sbarrier.arrive $0xFFFF  }
0x79: {  	[hbm:s20], [sflag:s9] =	dma.local [spmem:s10], $0x500  }
0x7a: {  	_ =	swait.ge [sflag:s4], $0x500  }
0x7b: {  	[sflag:s4] =	ssyncset.done $0x0  }
.LBB2_2:
0x7c: {  	[sflag:s4] =	ssyncadd.s32 $0xFFFFFB00  }
0x7d: {  	_ =	sfence.sel $0x180000  }
0x7e: {  	[bflag:$0x0] =	sbarrier.arrive $0xFFFF  }
0x7f: {  	p0 =	sne.s32 s0, $0x0;
	_ =	strace $0x90000047  }
0x80: {  	s0 =	sadd.s32 @!p0 $0x100000, s1;
	[bflag:$0x2] =	sbarrier.arrive $0xFFFF  }
0x81: {  	[sflag:s0] =	ssyncadd.tile.s32 @!p0 $0x1;
	_ =	shalt  }
.Lfunc_end2:
_tile_overlayer_lowered:
.L_overlay_start_2:
0x82: {  	(tag) =	ssettag $0x2  }
0x83: {  	s0 =	rddreg [dreg:$0x0];
	s2 =	stileid.u32  }
0x84: {  	s1 =	rddreg [dreg:$0x1];
	p0 =	sne.s32 s2, $0x0  }
0x85: {  	s3 =	rddreg [dreg:$0x2];
	[bflag:$0x3] =	sbarrier.arrive $0xFFFF;
	s2 =	simm.s32 @!p0 $0x1C01  }
0x86: {  	[timem:s3], [sflag:s2] =	dma.local @!p0 [hbm:s0], s1  }
0x87: {  	s0 =	simm.s32 @!p0 $0x1  }
0x88: {  	_ =	swait.ge @!p0 [sflag:s0], s1  }
0x89: {  	s1 =	ssub.s32 @!p0 $0x0, s1;
	[sflag:s0] =	ssyncset.done @!p0 $0x0  }
0x8a: {  	[sflag:s0] =	ssyncadd.s32 @!p0 s1  }
0x8b: {  	[bflag:$0x3] =	sbarrier.arrive $0xFFFF  }
0x8c: {  	_ =	shalt  }

// kernel: kernel.28.cloned.1.call-start
scs
__scs_entry_jumppad:
0x0: {  	(pc) =	sbr.rel $0x88, $3  }
0x1: {  	(tag) =	ssettag $0x0;
	lr =	simm.s32 $0x1  }
0x2: {  	[smem:$0x3F9B] =	sst lr;
	_ =	strace $0xD0000000  }
0x3: {  	_ = 	snop  }
0x4: {  	_ = 	snop  }
0x5: {  	_ = 	snop  }
0x6: {  	_ = 	snop  }
0x7: {  	_ = 	snop  }
__scs_overlays_trampoline_lowered:
0x8: {  	[smem:$0x3FAA] =	sst s0  }
0x9: {  	[smem:$0x3FAB] =	sst s1  }
0xa: {  	[smem:$0x3FAC] =	sst s2  }
0xb: {  	[smem:$0x3FAD] =	sst s3  }
0xc: {  	[smem:$0x3FAE] =	sst s4  }
0xd: {  	[smem:$0x3FAF] =	sst s5  }
0xe: {  	[smem:$0x3FB0] =	sst s6  }
0xf: {  	[smem:$0x3FB1] =	sst s7  }
0x10: {  	[smem:$0x3FB2] =	sst s8  }
0x11: {  	[smem:$0x3FB3] =	sst s9;
	s0 =	simm.s32 @!p0 $0x0  }
0x12: {  	s1 =	sld [smem:$0x3F99];
	s0 =	simm.s32 @p0 $0x1  }
0x13: {  	[smem:$0x3FB4] =	sst s0;
	s0 =	simm.s32 @!p1 $0x0  }
0x14: {  	s2 =	sld [smem:$0x3F98];
	s0 =	simm.s32 @p1 $0x1  }
0x15: {  	[smem:$0x3FB5] =	sst s0;
	s0 =	simm.s32 @!p2 $0x0  }
0x16: {  	s3 =	sld [smem:$0x3FDB];
	s0 =	simm.s32 @p2 $0x1  }
0x17: {  	s4 =	simm.s32 $0x1BF5;
	[smem:$0x3FB7] =	sst s0  }
0x18: {  	s0 =	sld [smem:$0x3F9A];
	_ =	swait.ge [sflag:s4], $0x0  }
0x19: {  	s7 =	sld [smem:$0x3F9B]  }
0x1a: {  	s8 =	sadd.s32 $0xFFFFE003, lr  }
0x1b: {  	s9 =	sadd.s32 $0xFFFFFEF7, lr;
	s5 =	simm.s32 $0xFFFFFFFF;
	p2 =	slt.u32 s8, $0xFFFFF086  }
0x1c: {  	p1 =	slt.u32 s9, $0xF7A;
	s5 =	simm.s32 @!p2 $0x0  }
0x1d: {  	s5 =	simm.s32 @p1 $0x1;
	p0 =	seq.s32 s7, s2  }
0x1e: {  	s7 =	smul.u32 @!p0 $0xF7A, s2;
	p2 =	seq.s32 @!p0 s5, $0x0  }
0x1f: {  	s9 =	smul.u32 $0xF7A, s1;
	s8 =	simm.s32 @!p0 $0x1BF5;
	p2 =	por !p2, p0  }
0x20: {  	[sflag:s8] =	ssyncset.s32 @!p0 $0xFFFFF086;
	s6 =	sadd.s32 @!p0 s3, s7;
	s7 =	simm.s32 @!p0 $0x108  }
0x21: {  	s3 =	sadd.s32 s3, s9;
	s6 =	sadd.s32 @!p0 $0x88, s6;
	s7 =	simm.s32 @p2 $0x1082  }
0x22: {  	[simem:s7], [sflag:s8] =	dma.local @!p0 [hbm:s6], $0xF7A  }
0x23: {  	s9 =	sor.u32 $0xD0000000, s2;
	s6 =	simm.s32 $0x108;
	_ =	swait.ge @!p0 [sflag:s8], $0x0  }
0x24: {  	s3 =	sadd.s32 $0x88, s3;
	s6 =	simm.s32 @!p1 $0x1082;
	[sflag:s4] =	ssyncset.s32 $0xFFFFF086  }
0x25: {  	[simem:s6], [sflag:s4] =	dma.local [hbm:s3], $0xF7A  }
0x26: {  	[smem:$0x3F9B] =	sst s1;
	(tag) =	ssettag s2;
	_ =	strace s9  }
0x27: {  	s1 =	sld [smem:$0x3FAB]  }
0x28: {  	s2 =	sld [smem:$0x3FAC]  }
0x29: {  	s4 =	sld [smem:$0x3FAE]  }
0x2a: {  	p0 =	seq.s32 s5, $0x0;
	s5 =	sld [smem:$0x3FAF]  }
0x2b: {  	s6 =	sld [smem:$0x3FB0]  }
0x2c: {  	s7 =	sld [smem:$0x3FB1]  }
0x2d: {  	s3 =	simm.s32 $0x108;
	s8 =	sld [smem:$0x3FB2]  }
0x2e: {  	s3 =	simm.s32 @!p0 $0x1082;
	s9 =	sld [smem:$0x3FB3]  }
0x2f: {  	lr =	sadd.s32 s0, s3;
	s0 =	sld [smem:$0x3FAA]  }
0x30: {  	s3 =	sld [smem:$0x3FAD]  }
0x31: {  	[smem:$0x3FB6] =	sst s10  }
0x32: {  	s10 =	sld [smem:$0x3FB4];
	_ =	sdelay $0x3  }
0x33: {  	p0 =	seq.s32 s10, $0x1;
	s10 =	sld [smem:$0x3FB6];
	_ =	sdelay $0x3  }
0x34: {  	[smem:$0x3FB6] =	sst s10  }
0x35: {  	s10 =	sld [smem:$0x3FB5];
	_ =	sdelay $0x3  }
0x36: {  	p1 =	seq.s32 s10, $0x1;
	s10 =	sld [smem:$0x3FB6];
	_ =	sdelay $0x3  }
0x37: {  	[smem:$0x3FB6] =	sst s10  }
0x38: {  	s10 =	sld [smem:$0x3FB7]  }
0x39: {  	_ = 	snop;
	(pc) =	sbr.ind lr, $3  }
0x3a: {  	_ = 	snop  }
0x3b: {  	_ = 	snop  }
0x3c: {  	p2 =	seq.s32 s10, $0x1;
	s10 =	sld [smem:$0x3FB6]  }
0x3d: {  	_ =	shalt  }
0x3e: {  	_ =	shalt  }
0x3f: {  	_ =	shalt  }
0x40: {  	_ =	shalt  }
0x41: {  	_ =	shalt  }
0x42: {  	_ =	shalt  }
0x43: {  	_ =	shalt  }
0x44: {  	_ =	shalt  }
0x45: {  	_ =	shalt  }
0x46: {  	_ =	shalt  }
0x47: {  	_ =	shalt  }
0x48: {  	_ =	shalt  }
0x49: {  	_ =	shalt  }
0x4a: {  	_ =	shalt  }
0x4b: {  	_ =	shalt  }
0x4c: {  	_ =	shalt  }
0x4d: {  	_ =	shalt  }
0x4e: {  	_ =	shalt  }
0x4f: {  	_ =	shalt  }
0x50: {  	_ =	shalt  }
0x51: {  	_ =	shalt  }
0x52: {  	_ =	shalt  }
0x53: {  	_ =	shalt  }
0x54: {  	_ =	shalt  }
0x55: {  	_ =	shalt  }
0x56: {  	_ =	shalt  }
0x57: {  	_ =	shalt  }
0x58: {  	_ =	shalt  }
0x59: {  	_ =	shalt  }
0x5a: {  	_ =	shalt  }
0x5b: {  	_ =	shalt  }
0x5c: {  	_ =	shalt  }
0x5d: {  	_ =	shalt  }
0x5e: {  	_ =	shalt  }
0x5f: {  	_ =	shalt  }
0x60: {  	_ =	shalt  }
0x61: {  	_ =	shalt  }
0x62: {  	_ =	shalt  }
0x63: {  	_ =	shalt  }
0x64: {  	_ =	shalt  }
0x65: {  	_ =	shalt  }
0x66: {  	_ =	shalt  }
0x67: {  	_ =	shalt  }
0x68: {  	_ =	shalt  }
0x69: {  	_ =	shalt  }
0x6a: {  	_ =	shalt  }
0x6b: {  	_ =	shalt  }
0x6c: {  	_ =	shalt  }
0x6d: {  	_ =	shalt  }
0x6e: {  	_ =	shalt  }
0x6f: {  	_ =	shalt  }
0x70: {  	_ =	shalt  }
0x71: {  	_ =	shalt  }
0x72: {  	_ =	shalt  }
0x73: {  	_ =	shalt  }
0x74: {  	_ =	shalt  }
0x75: {  	_ =	shalt  }
0x76: {  	_ =	shalt  }
0x77: {  	_ =	shalt  }
0x78: {  	_ =	shalt  }
0x79: {  	_ =	shalt  }
0x7a: {  	_ =	shalt  }
0x7b: {  	_ =	shalt  }
0x7c: {  	_ =	shalt  }
0x7d: {  	_ =	shalt  }
0x7e: {  	_ =	shalt  }
0x7f: {  	_ =	shalt  }
0x80: {  	_ =	shalt  }
0x81: {  	_ =	shalt  }
0x82: {  	_ =	shalt  }
0x83: {  	_ =	shalt  }
0x84: {  	_ =	shalt  }
0x85: {  	_ =	shalt  }
0x86: {  	_ =	shalt  }
0x87: {  	_ =	shalt  }
.Lfunc_end0:
.L_simem_size_0:
called_computation.1_lowered:
.L_overlay_start_0:
0x88: {  	s2 =	sld [smem:$0x3FD9]  }
0x89: {  	s3 =	sld [smem:$0x3FFE];
	_ =	sdelay $0x1  }
0x8a: {  	s1 =	srdreg.scid  }
0x8b: {  	s0 =	sand.u32 $0x1, s1  }
0x8c: {  	s16 =	sshll.u32 s0, $0xA;
	s2 =	sadd.s32 s3, s2  }
0x8d: {  	s2 =	sadd.s32 s2, s16  }
0x8e: {  	[smem:$0x3FC2] =	sst s2  }
0x8f: {  	_ = 	snop  }
0x90: {  	(tm) =	ssettm $0x1  }
0x91: {  	s17 =	sld [smem:$0x3FFB];
	_ =	sdelay $0x3  }
0x92: {  	_ =	strace s17  }
0x93: {  	s2 =	sld [smem:$0x3FFC];
	_ =	sdelay $0x3  }
0x94: {  	_ =	strace s2  }
0x95: {  	s2 =	sld [smem:$0x3FFD];
	_ =	sdelay $0x3  }
0x96: {  	_ =	strace s2  }
0x97: {  	_ =	strace $0x8FFFFFFF  }
0x98: {  	s18 =	sld [smem:$0x3FDB];
	_ =	sdelay $0x1  }
0x99: {  	s19 =	simm.s32 $_scs_section_size  }
0x9a: {  	s4 =	simm.s32 $_size__tile_overlayer_lowered;
	s5 =	simm.s32 $_tile_overlayer_lowered  }
0x9b: {  	s22 =	simm.s32 $0x1BFF;
	s21 =	sshll.u32 s5, $0x1;
	s2 =	sadd.s32 s19, s18  }
0x9c: {  	s6 =	simm.s32 $0x0;
	s20 =	sshll.u32 s4, $0x1;
	s4 =	sadd.s32 s21, s2  }
0x9d: {  	[timem:s6], [sflag:s22] =	dma.local [hbm:s4], s20  }
0x9e: {  	_ =	swait.ge [sflag:s22], s20  }
0x9f: {  	s3 =	ssub.s32 $0x0, s20;
	[sflag:s22] =	ssyncset.done $0x0  }
0xa0: {  	[sflag:s22] =	ssyncadd.s32 s3;
	_ =	sdelay $0x1  }
0xa1: {  	s23 =	simm.s32 $0x1B8B  }
0xa2: {  	_ =	swait.ge [sflag:s23], $0x1  }
0xa3: {  	[sflag:s23] =	ssyncset.done $0x0  }
0xa4: {  	s25 =	simm.s32 $0x1B8E;
	s24 =	sld [smem:$0x3FFE];
	[sflag:s23] =	ssyncadd.s32 $0xFFFFFFFF  }
0xa5: {  	s26 =	simm.s32 $execute0_lowered;
	[smem:$0x3FD2] =	sst s25  }
0xa6: {  	s4 =	sshll.u32 s26, $0x1;
	_ =	strace $0x80000049;
	[dreg:$0x1] =	wrdreg $0xFFFFFFFF  }
0xa7: {  	s28 =	simm.s32 $_size_execute0_lowered;
	s2 =	sadd.s32 s2, s4;
	[dreg:$0x0] =	wrdreg $0x0  }
0xa8: {  	s4 =	sshll.u32 s28, $0x1;
	[dreg:$0x2] =	wrdreg s2  }
0xa9: {  	[dreg:$0x3] =	wrdreg s4  }
0xaa: {  	[dreg:$0x4] =	wrdreg $0xC0  }
0xab: {  	_ =	task [dreg:s6], $0x5FFFF  }
0xac: {  	[dreg:$0x1] =	wrdreg $0xFFFFFFFF  }
0xad: {  	[dreg:$0x0] =	wrdreg $0x60  }
0xae: {  	[dreg:$0x2] =	wrdreg s24  }
0xaf: {  	[dreg:$0x3] =	wrdreg $0x148200  }
0xb0: {  	[dreg:$0x4] =	wrdreg $0x9  }
0xb1: {  	_ =	task.clear_ibuf [dreg:s6], $0x5FFFF;
	_ =	strace $0x90000049  }
0xb2: {  	s29 =	simm.s32 $0x9;
	_ =	strace $0x8000004B  }
0xb3: {  	_ =	swait.ge [sflag:s29], $0x1  }
0xb4: {  	[sflag:s29] =	ssyncadd.s32 $0xFFFFFFFF  }
0xb5: {  	_ =	strace $0x9000004B  }
0xb6: {  	_ =	sfence  }
0xb7: {  	s30 =	sld [smem:$0x0];
	_ =	sdelay $0x2  }
0xb8: {  	s31 =	sshll.u32 s1, $0xD;
	s1 =	sshrl.u32 s1, $0x2  }
0xb9: {  	s3 =	sand.u32 $0x4000, s31;
	s1 =	sadd.s32 s1, s30  }
0xba: {  	s0 =	sor.u32 s3, s0;
	s1 =	sshll.u32 s1, $0x11  }
0xbb: {  	s0 =	sor.u32 s1, s0  }
0xbc: {  	s0 =	sadd.s32 $0x8F2B, s0  }
0xbd: {  	[sflag:s0] =	ssyncadd.remote.s32 $0x1  }
0xbe: {  	_ =	sfence.sel $0xFFFF  }
0xbf: {  	[dreg:$0x0] =	wrdreg $0xFFFFFFFF;
	(pc) =	sbr.abs _section_cstart, $3  }
0xc0: {  	[dreg:$0x1] =	wrdreg $0xFFFFFFFF  }
0xc1: {  	_ =	task.clear_ibuf [dreg:s6], $0x2FFFF;
	_ =	strace $0x9FFFFFFF  }
0xc2: {  	(tm) =	ssettm $0x7FFFFFFF  }
0xc3: {  	_ =	shalt  }
tec
execute0_lowered:
.L_overlay_start_1:
0x0: {  	(tag) =	ssettag $0x1  }
0x1: {  	s0 =	srdreg.scid;
	s21 =	stileid.u32  }
0x2: {  	s30 =	rddreg [dreg:$0x0];
	s29 =	sand.u32 $0x1, s0;
	s4 =	smul.u32 $0xA000, s21  }
0x3: {  	s2 =	rddreg [dreg:$0x1];
	s3 =	simm.s32 $0x0;
	s1 =	sshll.u32 s29, $0x4  }
0x4: {  	s9 =	simm.s32 $0x2AF8;
	s1 =	sor.u32 s21, s1;
	s31 =	sshrl.u32 s4, $0x3  }
0x5: {  	[smem:$0x7FF] =	sst s3;
	s1 =	smul.u32 $0x4E2, s1;
	s6 =	sadd.s32 s31, s30  }
0x6: {  	_ =	strace $0x8000004A;
	[dreg:$0x7] =	wrdreg s9;
	s22 =	sadd.s32 $0x7C800, s6  }
0x7: {  	s1 =	sadd.s32 s1, s30;
	[dreg:$0x5] =	wrdreg s22  }
0x8: {  	s5 =	sadd.s32 $0x4C00, s1;
	s8 =	rddreg [dreg:$0x5]  }
0x9: {  	s1 =	sadd.s32 $0xEA00, s1;
	[dreg:$0x3] =	wrdreg s5  }
0xa: {  	[dreg:$0x4] =	wrdreg s1  }
0xb: {  	s1 =	sshll.u32 s21, $0x6;
	s24 =	rddreg [dreg:$0x3]  }
0xc: {  	s23 =	sor.u32 $0x1C02, s1;
	s7 =	rddreg [dreg:$0x4]  }
0xd: {  	s25 =	sadd.s32 s4, s2;
	s4 =	simm.s32 $0x2710;
	[dreg:$0x6] =	wrdreg s23  }
0xe: {  	[tilespmem:s3], [sflag:$0x2] =	stream.linear.gather [hbm4b:s24+s3], $0x2710, $0x38;
	[tilespmem:$0x1E820] =	vst v63  }
0xf: {  	s6 =	simm.s32 $0x2;
	s5 =	sshrl.u32 s25, $0x3;
	s10 =	rddreg [dreg:$0x6]  }
0x10: {  	[tilespmem:s4], [sflag:$0x2] =	stream.linear.gather [hbm4b:s7+s3], $0x2710, $0x38;
	[tilespmem:$0x1E820] =	vst v63  }
0x11: {  	[spmem:s5], [sflag:s10] =	dma.local [hbm:s8], $0x1400  }
0x12: {  	_ =	swait.ge [sflag:s6], $0x2710  }
0x13: {  	[sflag:s6] =	ssyncset.done $0x0  }
0x14: {  	[sflag:s6] =	ssyncadd.s32 $0xFFFFD8F0  }
0x15: {  	_ =	swait.ge [sflag:s6], $0x2710  }
0x16: {  	[sflag:s6] =	ssyncset.done $0x0  }
0x17: {  	[sflag:s6] =	ssyncadd.s32 $0xFFFFD8F0  }
0x18: {  	_ =	swait.ge [sflag:s6], $0x1400  }
0x19: {  	[sflag:s6] =	ssyncset.done $0x0  }
0x1a: {  	s9 =	simm.s32 $0x4E20;
	s7 =	sadd.s32 $0x68800, s30;
	[sflag:s6] =	ssyncadd.s32 $0xFFFFEC00  }
0x1b: {  	s8 =	simm.s32 $0x3E8;
	s10 =	simm.s32 $0x1;
	[bflag:$0x0] =	sbarrier.arrive $0xFFFF  }
0x1c: {  	[tilespmem:s9], [sflag:$0x1] =	stream.indirect.gather [hbm4b:s7+s8], $0x40, s3, s8, $0xb8;
	[tilespmem:$0x1E820] =	vst v63  }
0x1d: {  	_ =	swait.ge [sflag:s10], $0xFA00  }
0x1e: {  	[sflag:s10] =	ssyncset.done $0x0  }
0x1f: {  	s11 =	simm.s32 $0x3;
	[sflag:s10] =	ssyncadd.s32 $0xFFFF0600  }
0x20: {  	[spmem:s2] =	stream.indirect.scatter.add.f32 [tilespmem:s9], [sflag:$0x3], $0x40, s4, s8, $0xb8;
	[tilespmem:$0x1E820] =	vst v63  }
0x21: {  	_ =	swait.ge [sflag:s11], $0xFA00  }
0x22: {  	[sflag:s11] =	ssyncset.done $0x0  }
0x23: {  	[sflag:s11] =	ssyncadd.s32 $0xFFFF0600  }
0x24: {  	[tilespmem:s9], [sflag:$0x1] =	stream.indirect.gather [hbm4b:s7+s8], $0x40, s8, s8, $0xb8;
	[tilespmem:$0x1E820] =	vst v63  }
0x25: {  	_ =	swait.ge [sflag:s10], $0xFA00  }
0x26: {  	[sflag:s10] =	ssyncset.done $0x0  }
0x27: {  	s12 =	rddreg [dreg:$0x7];
	[sflag:s10] =	ssyncadd.s32 $0xFFFF0600  }
0x28: {  	[spmem:s2] =	stream.indirect.scatter.add.f32 [tilespmem:s9], [sflag:$0x3], $0x40, s12, s8, $0xb8;
	[tilespmem:$0x1E820] =	vst v63  }
0x29: {  	_ =	swait.ge [sflag:s11], $0xFA00  }
0x2a: {  	[sflag:s11] =	ssyncset.done $0x0  }
0x2b: {  	s26 =	simm.s32 $0x7D0;
	[sflag:s11] =	ssyncadd.s32 $0xFFFF0600  }
0x2c: {  	[tilespmem:s9], [sflag:$0x1] =	stream.indirect.gather [hbm4b:s7+s8], $0x40, s26, s8, $0xb8;
	[tilespmem:$0x1E820] =	vst v63  }
0x2d: {  	_ =	swait.ge [sflag:s10], $0xFA00  }
0x2e: {  	[sflag:s10] =	ssyncset.done $0x0  }
0x2f: {  	s13 =	simm.s32 $0x2EE0;
	[sflag:s10] =	ssyncadd.s32 $0xFFFF0600  }
0x30: {  	[spmem:s2] =	stream.indirect.scatter.add.f32 [tilespmem:s9], [sflag:$0x3], $0x40, s13, s8, $0xb8;
	[tilespmem:$0x1E820] =	vst v63  }
0x31: {  	_ =	swait.ge [sflag:s11], $0xFA00  }
0x32: {  	[sflag:s11] =	ssyncset.done $0x0  }
0x33: {  	s14 =	simm.s32 $0xBB8;
	[sflag:s11] =	ssyncadd.s32 $0xFFFF0600  }
0x34: {  	[tilespmem:s9], [sflag:$0x1] =	stream.indirect.gather [hbm4b:s7+s8], $0x40, s14, s8, $0xb8;
	[tilespmem:$0x1E820] =	vst v63  }
0x35: {  	_ =	swait.ge [sflag:s10], $0xFA00  }
0x36: {  	[sflag:s10] =	ssyncset.done $0x0  }
0x37: {  	s15 =	simm.s32 $0x32C8;
	[sflag:s10] =	ssyncadd.s32 $0xFFFF0600  }
0x38: {  	[spmem:s2] =	stream.indirect.scatter.add.f32 [tilespmem:s9], [sflag:$0x3], $0x40, s15, s8, $0xb8;
	[tilespmem:$0x1E820] =	vst v63  }
0x39: {  	_ =	swait.ge [sflag:s11], $0xFA00  }
0x3a: {  	[sflag:s11] =	ssyncset.done $0x0  }
0x3b: {  	s16 =	simm.s32 $0xFA0;
	[sflag:s11] =	ssyncadd.s32 $0xFFFF0600  }
0x3c: {  	[tilespmem:s9], [sflag:$0x1] =	stream.indirect.gather [hbm4b:s7+s8], $0x40, s16, s8, $0xb8;
	[tilespmem:$0x1E820] =	vst v63  }
0x3d: {  	_ =	swait.ge [sflag:s10], $0xFA00  }
0x3e: {  	[sflag:s10] =	ssyncset.done $0x0  }
0x3f: {  	s17 =	simm.s32 $0x36B0;
	[sflag:s10] =	ssyncadd.s32 $0xFFFF0600  }
0x40: {  	[spmem:s2] =	stream.indirect.scatter.add.f32 [tilespmem:s9], [sflag:$0x3], $0x40, s17, s8, $0xb8;
	[tilespmem:$0x1E820] =	vst v63  }
0x41: {  	_ =	swait.ge [sflag:s11], $0xFA00  }
0x42: {  	[sflag:s11] =	ssyncset.done $0x0  }
0x43: {  	s18 =	simm.s32 $0x1388;
	[sflag:s11] =	ssyncadd.s32 $0xFFFF0600  }
0x44: {  	[tilespmem:s9], [sflag:$0x1] =	stream.indirect.gather [hbm4b:s7+s8], $0x40, s18, s8, $0xb8;
	[tilespmem:$0x1E820] =	vst v63  }
0x45: {  	_ =	swait.ge [sflag:s10], $0xFA00  }
0x46: {  	[sflag:s10] =	ssyncset.done $0x0  }
0x47: {  	s19 =	simm.s32 $0x3A98;
	[sflag:s10] =	ssyncadd.s32 $0xFFFF0600  }
0x48: {  	[spmem:s2] =	stream.indirect.scatter.add.f32 [tilespmem:s9], [sflag:$0x3], $0x40, s19, s8, $0xb8;
	[tilespmem:$0x1E820] =	vst v63  }
0x49: {  	_ =	swait.ge [sflag:s11], $0xFA00  }
0x4a: {  	[sflag:s11] =	ssyncset.done $0x0  }
0x4b: {  	s20 =	simm.s32 $0x1770;
	[sflag:s11] =	ssyncadd.s32 $0xFFFF0600  }
0x4c: {  	[tilespmem:s9], [sflag:$0x1] =	stream.indirect.gather [hbm4b:s7+s8], $0x40, s20, s8, $0xb8;
	[tilespmem:$0x1E820] =	vst v63  }
0x4d: {  	_ =	swait.ge [sflag:s10], $0xFA00  }
0x4e: {  	[sflag:s10] =	ssyncset.done $0x0  }
0x4f: {  	s21 =	simm.s32 $0x3E80;
	[sflag:s10] =	ssyncadd.s32 $0xFFFF0600  }
0x50: {  	[spmem:s2] =	stream.indirect.scatter.add.f32 [tilespmem:s9], [sflag:$0x3], $0x40, s21, s8, $0xb8;
	[tilespmem:$0x1E820] =	vst v63  }
0x51: {  	_ =	swait.ge [sflag:s11], $0xFA00  }
0x52: {  	[sflag:s11] =	ssyncset.done $0x0  }
0x53: {  	s22 =	simm.s32 $0x1B58;
	[sflag:s11] =	ssyncadd.s32 $0xFFFF0600  }
0x54: {  	[tilespmem:s9], [sflag:$0x1] =	stream.indirect.gather [hbm4b:s7+s8], $0x40, s22, s8, $0xb8;
	[tilespmem:$0x1E820] =	vst v63  }
0x55: {  	_ =	swait.ge [sflag:s10], $0xFA00  }
0x56: {  	[sflag:s10] =	ssyncset.done $0x0  }
0x57: {  	s23 =	simm.s32 $0x4268;
	[sflag:s10] =	ssyncadd.s32 $0xFFFF0600  }
0x58: {  	[spmem:s2] =	stream.indirect.scatter.add.f32 [tilespmem:s9], [sflag:$0x3], $0x40, s23, s8, $0xb8;
	[tilespmem:$0x1E820] =	vst v63  }
0x59: {  	_ =	swait.ge [sflag:s11], $0xFA00  }
0x5a: {  	[sflag:s11] =	ssyncset.done $0x0  }
0x5b: {  	s24 =	simm.s32 $0x1F40;
	[sflag:s11] =	ssyncadd.s32 $0xFFFF0600  }
0x5c: {  	[tilespmem:s9], [sflag:$0x1] =	stream.indirect.gather [hbm4b:s7+s8], $0x40, s24, s8, $0xb8;
	[tilespmem:$0x1E820] =	vst v63  }
0x5d: {  	_ =	swait.ge [sflag:s10], $0xFA00  }
0x5e: {  	[sflag:s10] =	ssyncset.done $0x0  }
0x5f: {  	s25 =	simm.s32 $0x4650;
	[sflag:s10] =	ssyncadd.s32 $0xFFFF0600  }
0x60: {  	[spmem:s2] =	stream.indirect.scatter.add.f32 [tilespmem:s9], [sflag:$0x3], $0x40, s25, s8, $0xb8;
	[tilespmem:$0x1E820] =	vst v63  }
0x61: {  	_ =	swait.ge [sflag:s11], $0xFA00  }
0x62: {  	s12 =	smul.u32 $0x14000, s29;
	[sflag:s11] =	ssyncset.done $0x0  }
0x63: {  	s29 =	ssub.s32 $0x2, s29;
	s26 =	simm.s32 $0x2328;
	[sflag:s11] =	ssyncadd.s32 $0xFFFF0600  }
0x64: {  	[tilespmem:s9], [sflag:$0x1] =	stream.indirect.gather [hbm4b:s7+s8], $0x40, s26, s8, $0xb8;
	[tilespmem:$0x1E820] =	vst v63  }
0x65: {  	s0 =	sadd.s32 s12, s30;
	s30 =	sshrl.u32 s29, $0x1;
	_ =	swait.ge [sflag:s10], $0xFA00  }
0x66: {  	s30 =	ssub.s32 s29, s30;
	[sflag:s10] =	ssyncset.done $0x0  }
0x67: {  	s28 =	simm.s32 $0x4A38;
	s12 =	smax.u32 s30, $0x1;
	[sflag:s10] =	ssyncadd.s32 $0xFFFF0600  }
0x68: {  	[spmem:s2] =	stream.indirect.scatter.add.f32 [tilespmem:s9], [sflag:$0x3], $0x40, s28, s8, $0xb8;
	[tilespmem:$0x1E820] =	vst v63  }
0x69: {  	p0 =	sne.s32 s12, $0x1;
	_ =	swait.ge [sflag:s11], $0xFA00  }
.Ltmp0:
0x6a: {  	[sflag:s11] =	ssyncset.done $0x0;
	(pc) =	sbr.rel @!p0 .LBB2_2-.Ltmp0, $4  }
0x6b: {  	s0 =	sadd.s32 $0x90800, s0;
	[sflag:s11] =	ssyncadd.s32 $0xFFFF0600  }
0x6c: {  	s29 =	sadd.s32 s31, s0;
	s30 =	sor.u32 $0x1C03, s1;
	[bflag:$0x0] =	sbarrier.arrive $0xFFFF  }
0x6d: {  	[hbm:s29], [sflag:s30] =	dma.local [spmem:s5], $0x1400  }
0x6e: {  	s31 =	sadd.s32 $0xFFFFFFFF, s12;
	_ =	swait.ge [sflag:s11], $0x1400  }
.LBB2_1:
0x6f: {  	s0 =	rddreg [dreg:$0x3]  }
0x70: {  	s1 =	rddreg [dreg:$0x4];
	[sflag:s11] =	ssyncset.done $0x0  }
0x71: {  	s12 =	rddreg [dreg:$0x5];
	[sflag:s11] =	ssyncadd.s32 $0xFFFFEC00  }
0x72: {  	[tilespmem:s3], [sflag:$0x2] =	stream.linear.gather [hbm4b:s0+s3], $0x2710, $0x38;
	[tilespmem:$0x1E820] =	vst v63  }
0x73: {  	s0 =	rddreg [dreg:$0x6]  }
0x74: {  	[tilespmem:s4], [sflag:$0x2] =	stream.linear.gather [hbm4b:s1+s3], $0x2710, $0x38;
	[tilespmem:$0x1E820] =	vst v63  }
0x75: {  	[spmem:s5], [sflag:s0] =	dma.local [hbm:s12], $0x1400  }
0x76: {  	_ =	swait.ge [sflag:s6], $0x2710  }
0x77: {  	[sflag:s6] =	ssyncset.done $0x0  }
0x78: {  	[sflag:s6] =	ssyncadd.s32 $0xFFFFD8F0  }
0x79: {  	_ =	swait.ge [sflag:s6], $0x2710  }
0x7a: {  	[sflag:s6] =	ssyncset.done $0x0  }
0x7b: {  	[sflag:s6] =	ssyncadd.s32 $0xFFFFD8F0  }
0x7c: {  	_ =	swait.ge [sflag:s6], $0x1400  }
0x7d: {  	[sflag:s6] =	ssyncset.done $0x0  }
0x7e: {  	[sflag:s6] =	ssyncadd.s32 $0xFFFFEC00  }
0x7f: {  	[bflag:$0x0] =	sbarrier.arrive $0xFFFF  }
0x80: {  	[tilespmem:s9], [sflag:$0x1] =	stream.indirect.gather [hbm4b:s7+s8], $0x40, s3, s8, $0xb8;
	[tilespmem:$0x1E820] =	vst v63  }
0x81: {  	_ =	swait.ge [sflag:s10], $0xFA00  }
0x82: {  	[sflag:s10] =	ssyncset.done $0x0  }
0x83: {  	[sflag:s10] =	ssyncadd.s32 $0xFFFF0600  }
0x84: {  	[spmem:s2] =	stream.indirect.scatter.add.f32 [tilespmem:s9], [sflag:$0x3], $0x40, s4, s8, $0xb8;
	[tilespmem:$0x1E820] =	vst v63  }
0x85: {  	_ =	swait.ge [sflag:s11], $0xFA00  }
0x86: {  	[sflag:s11] =	ssyncset.done $0x0  }
0x87: {  	[sflag:s11] =	ssyncadd.s32 $0xFFFF0600  }
0x88: {  	[tilespmem:s9], [sflag:$0x1] =	stream.indirect.gather [hbm4b:s7+s8], $0x40, s8, s8, $0xb8;
	[tilespmem:$0x1E820] =	vst v63  }
0x89: {  	_ =	swait.ge [sflag:s10], $0xFA00  }
0x8a: {  	[sflag:s10] =	ssyncset.done $0x0  }
0x8b: {  	s1 =	rddreg [dreg:$0x7];
	[sflag:s10] =	ssyncadd.s32 $0xFFFF0600  }
0x8c: {  	[spmem:s2] =	stream.indirect.scatter.add.f32 [tilespmem:s9], [sflag:$0x3], $0x40, s1, s8, $0xb8;
	[tilespmem:$0x1E820] =	vst v63  }
0x8d: {  	_ =	swait.ge [sflag:s11], $0xFA00  }
0x8e: {  	[sflag:s11] =	ssyncset.done $0x0  }
0x8f: {  	s12 =	simm.s32 $0x7D0;
	[sflag:s11] =	ssyncadd.s32 $0xFFFF0600  }
0x90: {  	[tilespmem:s9], [sflag:$0x1] =	stream.indirect.gather [hbm4b:s7+s8], $0x40, s12, s8, $0xb8;
	[tilespmem:$0x1E820] =	vst v63  }
0x91: {  	_ =	swait.ge [sflag:s10], $0xFA00  }
0x92: {  	[sflag:s10] =	ssyncset.done $0x0  }
0x93: {  	[sflag:s10] =	ssyncadd.s32 $0xFFFF0600  }
0x94: {  	[spmem:s2] =	stream.indirect.scatter.add.f32 [tilespmem:s9], [sflag:$0x3], $0x40, s13, s8, $0xb8;
	[tilespmem:$0x1E820] =	vst v63  }
0x95: {  	_ =	swait.ge [sflag:s11], $0xFA00  }
0x96: {  	[sflag:s11] =	ssyncset.done $0x0  }
0x97: {  	[sflag:s11] =	ssyncadd.s32 $0xFFFF0600  }
0x98: {  	[tilespmem:s9], [sflag:$0x1] =	stream.indirect.gather [hbm4b:s7+s8], $0x40, s14, s8, $0xb8;
	[tilespmem:$0x1E820] =	vst v63  }
0x99: {  	_ =	swait.ge [sflag:s10], $0xFA00  }
0x9a: {  	[sflag:s10] =	ssyncset.done $0x0  }
0x9b: {  	[sflag:s10] =	ssyncadd.s32 $0xFFFF0600  }
0x9c: {  	[spmem:s2] =	stream.indirect.scatter.add.f32 [tilespmem:s9], [sflag:$0x3], $0x40, s15, s8, $0xb8;
	[tilespmem:$0x1E820] =	vst v63  }
0x9d: {  	_ =	swait.ge [sflag:s11], $0xFA00  }
0x9e: {  	[sflag:s11] =	ssyncset.done $0x0  }
0x9f: {  	[sflag:s11] =	ssyncadd.s32 $0xFFFF0600  }
0xa0: {  	[tilespmem:s9], [sflag:$0x1] =	stream.indirect.gather [hbm4b:s7+s8], $0x40, s16, s8, $0xb8;
	[tilespmem:$0x1E820] =	vst v63  }
0xa1: {  	_ =	swait.ge [sflag:s10], $0xFA00  }
0xa2: {  	[sflag:s10] =	ssyncset.done $0x0  }
0xa3: {  	[sflag:s10] =	ssyncadd.s32 $0xFFFF0600  }
0xa4: {  	[spmem:s2] =	stream.indirect.scatter.add.f32 [tilespmem:s9], [sflag:$0x3], $0x40, s17, s8, $0xb8;
	[tilespmem:$0x1E820] =	vst v63  }
0xa5: {  	_ =	swait.ge [sflag:s11], $0xFA00  }
0xa6: {  	[sflag:s11] =	ssyncset.done $0x0  }
0xa7: {  	[sflag:s11] =	ssyncadd.s32 $0xFFFF0600  }
0xa8: {  	[tilespmem:s9], [sflag:$0x1] =	stream.indirect.gather [hbm4b:s7+s8], $0x40, s18, s8, $0xb8;
	[tilespmem:$0x1E820] =	vst v63  }
0xa9: {  	_ =	swait.ge [sflag:s10], $0xFA00  }
0xaa: {  	[sflag:s10] =	ssyncset.done $0x0  }
0xab: {  	[sflag:s10] =	ssyncadd.s32 $0xFFFF0600  }
0xac: {  	[spmem:s2] =	stream.indirect.scatter.add.f32 [tilespmem:s9], [sflag:$0x3], $0x40, s19, s8, $0xb8;
	[tilespmem:$0x1E820] =	vst v63  }
0xad: {  	_ =	swait.ge [sflag:s11], $0xFA00  }
0xae: {  	[sflag:s11] =	ssyncset.done $0x0  }
0xaf: {  	[sflag:s11] =	ssyncadd.s32 $0xFFFF0600  }
0xb0: {  	[tilespmem:s9], [sflag:$0x1] =	stream.indirect.gather [hbm4b:s7+s8], $0x40, s20, s8, $0xb8;
	[tilespmem:$0x1E820] =	vst v63  }
0xb1: {  	_ =	swait.ge [sflag:s10], $0xFA00  }
0xb2: {  	[sflag:s10] =	ssyncset.done $0x0  }
0xb3: {  	[sflag:s10] =	ssyncadd.s32 $0xFFFF0600  }
0xb4: {  	[spmem:s2] =	stream.indirect.scatter.add.f32 [tilespmem:s9], [sflag:$0x3], $0x40, s21, s8, $0xb8;
	[tilespmem:$0x1E820] =	vst v63  }
0xb5: {  	_ =	swait.ge [sflag:s11], $0xFA00  }
0xb6: {  	[sflag:s11] =	ssyncset.done $0x0  }
0xb7: {  	[sflag:s11] =	ssyncadd.s32 $0xFFFF0600  }
0xb8: {  	[tilespmem:s9], [sflag:$0x1] =	stream.indirect.gather [hbm4b:s7+s8], $0x40, s22, s8, $0xb8;
	[tilespmem:$0x1E820] =	vst v63  }
0xb9: {  	_ =	swait.ge [sflag:s10], $0xFA00  }
0xba: {  	[sflag:s10] =	ssyncset.done $0x0  }
0xbb: {  	[sflag:s10] =	ssyncadd.s32 $0xFFFF0600  }
0xbc: {  	[spmem:s2] =	stream.indirect.scatter.add.f32 [tilespmem:s9], [sflag:$0x3], $0x40, s23, s8, $0xb8;
	[tilespmem:$0x1E820] =	vst v63  }
0xbd: {  	_ =	swait.ge [sflag:s11], $0xFA00  }
0xbe: {  	[sflag:s11] =	ssyncset.done $0x0  }
0xbf: {  	[sflag:s11] =	ssyncadd.s32 $0xFFFF0600  }
0xc0: {  	[tilespmem:s9], [sflag:$0x1] =	stream.indirect.gather [hbm4b:s7+s8], $0x40, s24, s8, $0xb8;
	[tilespmem:$0x1E820] =	vst v63  }
0xc1: {  	_ =	swait.ge [sflag:s10], $0xFA00  }
0xc2: {  	[sflag:s10] =	ssyncset.done $0x0  }
0xc3: {  	[sflag:s10] =	ssyncadd.s32 $0xFFFF0600  }
0xc4: {  	[spmem:s2] =	stream.indirect.scatter.add.f32 [tilespmem:s9], [sflag:$0x3], $0x40, s25, s8, $0xb8;
	[tilespmem:$0x1E820] =	vst v63  }
0xc5: {  	_ =	swait.ge [sflag:s11], $0xFA00  }
0xc6: {  	[sflag:s11] =	ssyncset.done $0x0  }
0xc7: {  	[sflag:s11] =	ssyncadd.s32 $0xFFFF0600  }
0xc8: {  	[tilespmem:s9], [sflag:$0x1] =	stream.indirect.gather [hbm4b:s7+s8], $0x40, s26, s8, $0xb8;
	[tilespmem:$0x1E820] =	vst v63  }
0xc9: {  	_ =	swait.ge [sflag:s10], $0xFA00  }
0xca: {  	[sflag:s10] =	ssyncset.done $0x0  }
0xcb: {  	[sflag:s10] =	ssyncadd.s32 $0xFFFF0600  }
0xcc: {  	[spmem:s2] =	stream.indirect.scatter.add.f32 [tilespmem:s9], [sflag:$0x3], $0x40, s28, s8, $0xb8;
	[tilespmem:$0x1E820] =	vst v63  }
0xcd: {  	p0 =	sne.s32 s31, $0x1;
	_ =	swait.ge [sflag:s11], $0xFA00  }
.Ltmp1:
0xce: {  	[sflag:s11] =	ssyncset.done $0x0;
	(pc) =	sbr.rel @p0 .LBB2_1-.Ltmp1, $4  }
0xcf: {  	[sflag:s11] =	ssyncadd.s32 $0xFFFF0600  }
0xd0: {  	[bflag:$0x0] =	sbarrier.arrive $0xFFFF  }
0xd1: {  	[hbm:s29], [sflag:s30] =	dma.local [spmem:s5], $0x1400  }
0xd2: {  	s31 =	sadd.s32 $0xFFFFFFFF, s31;
	_ =	swait.ge [sflag:s11], $0x1400  }
.LBB2_2:
0xd3: {  	[sflag:s11] =	ssyncset.done $0x0  }
0xd4: {  	[sflag:s11] =	ssyncadd.s32 $0xFFFFEC00  }
0xd5: {  	_ =	sfence.sel $0x180000  }
0xd6: {  	[bflag:$0x0] =	sbarrier.arrive $0xFFFF  }
0xd7: {  	_ =	strace $0x9000004A  }
0xd8: {  	s0 =	stileid.u32;
	[bflag:$0x2] =	sbarrier.arrive $0xFFFF  }
0xd9: {  	p0 =	sne.s32 s0, $0x0;
	s0 =	rddreg [dreg:$0x2]  }
0xda: {  	s0 =	sadd.s32 @!p0 $0x100000, s0  }
0xdb: {  	[sflag:s0] =	ssyncadd.tile.s32 @!p0 $0x1;
	_ =	shalt  }
.Lfunc_end2:
_tile_overlayer_lowered:
.L_overlay_start_2:
0xdc: {  	(tag) =	ssettag $0x2  }
0xdd: {  	s0 =	rddreg [dreg:$0x0];
	s2 =	stileid.u32  }
0xde: {  	s1 =	rddreg [dreg:$0x1];
	p0 =	sne.s32 s2, $0x0  }
0xdf: {  	s3 =	rddreg [dreg:$0x2];
	[bflag:$0x3] =	sbarrier.arrive $0xFFFF;
	s2 =	simm.s32 @!p0 $0x1C03  }
0xe0: {  	[timem:s3], [sflag:s2] =	dma.local @!p0 [hbm:s0], s1  }
0xe1: {  	s0 =	simm.s32 @!p0 $0x3  }
0xe2: {  	_ =	swait.ge @!p0 [sflag:s0], s1  }
0xe3: {  	s1 =	ssub.s32 @!p0 $0x0, s1;
	[sflag:s0] =	ssyncset.done @!p0 $0x0  }
0xe4: {  	[sflag:s0] =	ssyncadd.s32 @!p0 s1  }
0xe5: {  	[bflag:$0x3] =	sbarrier.arrive $0xFFFF  }
0xe6: {  	_ =	shalt  }

// kernel: kernel.31.cloned.1.call-start
scs
__scs_entry_jumppad:
0x0: {  	(pc) =	sbr.rel $0x88, $3  }
0x1: {  	(tag) =	ssettag $0x0;
	lr =	simm.s32 $0x1  }
0x2: {  	[smem:$0x3F9B] =	sst lr;
	_ =	strace $0xD0000000  }
0x3: {  	_ = 	snop  }
0x4: {  	_ = 	snop  }
0x5: {  	_ = 	snop  }
0x6: {  	_ = 	snop  }
0x7: {  	_ = 	snop  }
__scs_overlays_trampoline_lowered:
0x8: {  	[smem:$0x3FAA] =	sst s0  }
0x9: {  	[smem:$0x3FAB] =	sst s1  }
0xa: {  	[smem:$0x3FAC] =	sst s2  }
0xb: {  	[smem:$0x3FAD] =	sst s3  }
0xc: {  	[smem:$0x3FAE] =	sst s4  }
0xd: {  	[smem:$0x3FAF] =	sst s5  }
0xe: {  	[smem:$0x3FB0] =	sst s6  }
0xf: {  	[smem:$0x3FB1] =	sst s7  }
0x10: {  	[smem:$0x3FB2] =	sst s8  }
0x11: {  	[smem:$0x3FB3] =	sst s9;
	s0 =	simm.s32 @!p0 $0x0  }
0x12: {  	s1 =	sld [smem:$0x3F99];
	s0 =	simm.s32 @p0 $0x1  }
0x13: {  	[smem:$0x3FB4] =	sst s0;
	s0 =	simm.s32 @!p1 $0x0  }
0x14: {  	s2 =	sld [smem:$0x3F98];
	s0 =	simm.s32 @p1 $0x1  }
0x15: {  	[smem:$0x3FB5] =	sst s0;
	s0 =	simm.s32 @!p2 $0x0  }
0x16: {  	s3 =	sld [smem:$0x3FDB];
	s0 =	simm.s32 @p2 $0x1  }
0x17: {  	s4 =	simm.s32 $0x1BF5;
	[smem:$0x3FB7] =	sst s0  }
0x18: {  	s0 =	sld [smem:$0x3F9A];
	_ =	swait.ge [sflag:s4], $0x0  }
0x19: {  	s7 =	sld [smem:$0x3F9B]  }
0x1a: {  	s8 =	sadd.s32 $0xFFFFE003, lr  }
0x1b: {  	s9 =	sadd.s32 $0xFFFFFEF7, lr;
	s5 =	simm.s32 $0xFFFFFFFF;
	p2 =	slt.u32 s8, $0xFFFFF086  }
0x1c: {  	p1 =	slt.u32 s9, $0xF7A;
	s5 =	simm.s32 @!p2 $0x0  }
0x1d: {  	s5 =	simm.s32 @p1 $0x1;
	p0 =	seq.s32 s7, s2  }
0x1e: {  	s7 =	smul.u32 @!p0 $0xF7A, s2;
	p2 =	seq.s32 @!p0 s5, $0x0  }
0x1f: {  	s9 =	smul.u32 $0xF7A, s1;
	s8 =	simm.s32 @!p0 $0x1BF5;
	p2 =	por !p2, p0  }
0x20: {  	[sflag:s8] =	ssyncset.s32 @!p0 $0xFFFFF086;
	s6 =	sadd.s32 @!p0 s3, s7;
	s7 =	simm.s32 @!p0 $0x108  }
0x21: {  	s3 =	sadd.s32 s3, s9;
	s6 =	sadd.s32 @!p0 $0x88, s6;
	s7 =	simm.s32 @p2 $0x1082  }
0x22: {  	[simem:s7], [sflag:s8] =	dma.local @!p0 [hbm:s6], $0xF7A  }
0x23: {  	s9 =	sor.u32 $0xD0000000, s2;
	s6 =	simm.s32 $0x108;
	_ =	swait.ge @!p0 [sflag:s8], $0x0  }
0x24: {  	s3 =	sadd.s32 $0x88, s3;
	s6 =	simm.s32 @!p1 $0x1082;
	[sflag:s4] =	ssyncset.s32 $0xFFFFF086  }
0x25: {  	[simem:s6], [sflag:s4] =	dma.local [hbm:s3], $0xF7A  }
0x26: {  	[smem:$0x3F9B] =	sst s1;
	(tag) =	ssettag s2;
	_ =	strace s9  }
0x27: {  	s1 =	sld [smem:$0x3FAB]  }
0x28: {  	s2 =	sld [smem:$0x3FAC]  }
0x29: {  	s4 =	sld [smem:$0x3FAE]  }
0x2a: {  	p0 =	seq.s32 s5, $0x0;
	s5 =	sld [smem:$0x3FAF]  }
0x2b: {  	s6 =	sld [smem:$0x3FB0]  }
0x2c: {  	s7 =	sld [smem:$0x3FB1]  }
0x2d: {  	s3 =	simm.s32 $0x108;
	s8 =	sld [smem:$0x3FB2]  }
0x2e: {  	s3 =	simm.s32 @!p0 $0x1082;
	s9 =	sld [smem:$0x3FB3]  }
0x2f: {  	lr =	sadd.s32 s0, s3;
	s0 =	sld [smem:$0x3FAA]  }
0x30: {  	s3 =	sld [smem:$0x3FAD]  }
0x31: {  	[smem:$0x3FB6] =	sst s10  }
0x32: {  	s10 =	sld [smem:$0x3FB4];
	_ =	sdelay $0x3  }
0x33: {  	p0 =	seq.s32 s10, $0x1;
	s10 =	sld [smem:$0x3FB6];
	_ =	sdelay $0x3  }
0x34: {  	[smem:$0x3FB6] =	sst s10  }
0x35: {  	s10 =	sld [smem:$0x3FB5];
	_ =	sdelay $0x3  }
0x36: {  	p1 =	seq.s32 s10, $0x1;
	s10 =	sld [smem:$0x3FB6];
	_ =	sdelay $0x3  }
0x37: {  	[smem:$0x3FB6] =	sst s10  }
0x38: {  	s10 =	sld [smem:$0x3FB7]  }
0x39: {  	_ = 	snop;
	(pc) =	sbr.ind lr, $3  }
0x3a: {  	_ = 	snop  }
0x3b: {  	_ = 	snop  }
0x3c: {  	p2 =	seq.s32 s10, $0x1;
	s10 =	sld [smem:$0x3FB6]  }
0x3d: {  	_ =	shalt  }
0x3e: {  	_ =	shalt  }
0x3f: {  	_ =	shalt  }
0x40: {  	_ =	shalt  }
0x41: {  	_ =	shalt  }
0x42: {  	_ =	shalt  }
0x43: {  	_ =	shalt  }
0x44: {  	_ =	shalt  }
0x45: {  	_ =	shalt  }
0x46: {  	_ =	shalt  }
0x47: {  	_ =	shalt  }
0x48: {  	_ =	shalt  }
0x49: {  	_ =	shalt  }
0x4a: {  	_ =	shalt  }
0x4b: {  	_ =	shalt  }
0x4c: {  	_ =	shalt  }
0x4d: {  	_ =	shalt  }
0x4e: {  	_ =	shalt  }
0x4f: {  	_ =	shalt  }
0x50: {  	_ =	shalt  }
0x51: {  	_ =	shalt  }
0x52: {  	_ =	shalt  }
0x53: {  	_ =	shalt  }
0x54: {  	_ =	shalt  }
0x55: {  	_ =	shalt  }
0x56: {  	_ =	shalt  }
0x57: {  	_ =	shalt  }
0x58: {  	_ =	shalt  }
0x59: {  	_ =	shalt  }
0x5a: {  	_ =	shalt  }
0x5b: {  	_ =	shalt  }
0x5c: {  	_ =	shalt  }
0x5d: {  	_ =	shalt  }
0x5e: {  	_ =	shalt  }
0x5f: {  	_ =	shalt  }
0x60: {  	_ =	shalt  }
0x61: {  	_ =	shalt  }
0x62: {  	_ =	shalt  }
0x63: {  	_ =	shalt  }
0x64: {  	_ =	shalt  }
0x65: {  	_ =	shalt  }
0x66: {  	_ =	shalt  }
0x67: {  	_ =	shalt  }
0x68: {  	_ =	shalt  }
0x69: {  	_ =	shalt  }
0x6a: {  	_ =	shalt  }
0x6b: {  	_ =	shalt  }
0x6c: {  	_ =	shalt  }
0x6d: {  	_ =	shalt  }
0x6e: {  	_ =	shalt  }
0x6f: {  	_ =	shalt  }
0x70: {  	_ =	shalt  }
0x71: {  	_ =	shalt  }
0x72: {  	_ =	shalt  }
0x73: {  	_ =	shalt  }
0x74: {  	_ =	shalt  }
0x75: {  	_ =	shalt  }
0x76: {  	_ =	shalt  }
0x77: {  	_ =	shalt  }
0x78: {  	_ =	shalt  }
0x79: {  	_ =	shalt  }
0x7a: {  	_ =	shalt  }
0x7b: {  	_ =	shalt  }
0x7c: {  	_ =	shalt  }
0x7d: {  	_ =	shalt  }
0x7e: {  	_ =	shalt  }
0x7f: {  	_ =	shalt  }
0x80: {  	_ =	shalt  }
0x81: {  	_ =	shalt  }
0x82: {  	_ =	shalt  }
0x83: {  	_ =	shalt  }
0x84: {  	_ =	shalt  }
0x85: {  	_ =	shalt  }
0x86: {  	_ =	shalt  }
0x87: {  	_ =	shalt  }
.Lfunc_end0:
.L_simem_size_0:
called_computation.2_lowered:
.L_overlay_start_0:
0x88: {  	s2 =	sld [smem:$0x3FD9]  }
0x89: {  	s3 =	sld [smem:$0x3FFE];
	_ =	sdelay $0x1  }
0x8a: {  	s1 =	srdreg.scid  }
0x8b: {  	s0 =	sand.u32 $0x1, s1  }
0x8c: {  	s16 =	sshll.u32 s0, $0xA;
	s2 =	sadd.s32 s3, s2  }
0x8d: {  	s2 =	sadd.s32 s2, s16  }
0x8e: {  	[smem:$0x3FC2] =	sst s2  }
0x8f: {  	_ = 	snop  }
0x90: {  	(tm) =	ssettm $0x1  }
0x91: {  	s17 =	sld [smem:$0x3FFB];
	_ =	sdelay $0x3  }
0x92: {  	_ =	strace s17  }
0x93: {  	s2 =	sld [smem:$0x3FFC];
	_ =	sdelay $0x3  }
0x94: {  	_ =	strace s2  }
0x95: {  	s2 =	sld [smem:$0x3FFD];
	_ =	sdelay $0x3  }
0x96: {  	_ =	strace s2  }
0x97: {  	_ =	strace $0x8FFFFFFF  }
0x98: {  	s18 =	sld [smem:$0x3FDB];
	_ =	sdelay $0x1  }
0x99: {  	s19 =	simm.s32 $_scs_section_size  }
0x9a: {  	s4 =	simm.s32 $_size__tile_overlayer_lowered;
	s5 =	simm.s32 $_tile_overlayer_lowered  }
0x9b: {  	s22 =	simm.s32 $0x1BFF;
	s21 =	sshll.u32 s5, $0x1;
	s2 =	sadd.s32 s19, s18  }
0x9c: {  	s6 =	simm.s32 $0x0;
	s20 =	sshll.u32 s4, $0x1;
	s4 =	sadd.s32 s21, s2  }
0x9d: {  	[timem:s6], [sflag:s22] =	dma.local [hbm:s4], s20  }
0x9e: {  	_ =	swait.ge [sflag:s22], s20  }
0x9f: {  	s3 =	ssub.s32 $0x0, s20;
	[sflag:s22] =	ssyncset.done $0x0  }
0xa0: {  	[sflag:s22] =	ssyncadd.s32 s3;
	_ =	sdelay $0x1  }
0xa1: {  	s23 =	simm.s32 $0x1B8B  }
0xa2: {  	_ =	swait.ge [sflag:s23], $0x1  }
0xa3: {  	[sflag:s23] =	ssyncset.done $0x0  }
0xa4: {  	s25 =	simm.s32 $0x1B8E;
	s24 =	sld [smem:$0x3FFE];
	[sflag:s23] =	ssyncadd.s32 $0xFFFFFFFF  }
0xa5: {  	s26 =	simm.s32 $execute0_lowered;
	[smem:$0x3FD2] =	sst s25  }
0xa6: {  	s4 =	sshll.u32 s26, $0x1;
	_ =	strace $0x8000004C;
	[dreg:$0x1] =	wrdreg $0xFFFFFFFF  }
0xa7: {  	s28 =	simm.s32 $_size_execute0_lowered;
	s2 =	sadd.s32 s2, s4;
	[dreg:$0x0] =	wrdreg $0x0  }
0xa8: {  	s4 =	sshll.u32 s28, $0x1;
	[dreg:$0x2] =	wrdreg s2  }
0xa9: {  	[dreg:$0x3] =	wrdreg s4  }
0xaa: {  	[dreg:$0x4] =	wrdreg $0xC0  }
0xab: {  	_ =	task [dreg:s6], $0x5FFFF  }
0xac: {  	[dreg:$0x1] =	wrdreg $0xFFFFFFFF  }
0xad: {  	[dreg:$0x0] =	wrdreg $0x60  }
0xae: {  	[dreg:$0x2] =	wrdreg s24  }
0xaf: {  	[dreg:$0x3] =	wrdreg $0x148200  }
0xb0: {  	[dreg:$0x4] =	wrdreg $0x9  }
0xb1: {  	_ =	task.clear_ibuf [dreg:s6], $0x5FFFF;
	_ =	strace $0x9000004C  }
0xb2: {  	s29 =	simm.s32 $0x9;
	_ =	strace $0x8000004E  }
0xb3: {  	_ =	swait.ge [sflag:s29], $0x1  }
0xb4: {  	[sflag:s29] =	ssyncadd.s32 $0xFFFFFFFF  }
0xb5: {  	_ =	strace $0x9000004E  }
0xb6: {  	_ =	sfence  }
0xb7: {  	s30 =	sld [smem:$0x0];
	_ =	sdelay $0x2  }
0xb8: {  	s31 =	sshll.u32 s1, $0xD;
	s1 =	sshrl.u32 s1, $0x2  }
0xb9: {  	s3 =	sand.u32 $0x4000, s31;
	s1 =	sadd.s32 s1, s30  }
0xba: {  	s0 =	sor.u32 s3, s0;
	s1 =	sshll.u32 s1, $0x11  }
0xbb: {  	s0 =	sor.u32 s1, s0  }
0xbc: {  	s0 =	sadd.s32 $0x8F2B, s0  }
0xbd: {  	[sflag:s0] =	ssyncadd.remote.s32 $0x1  }
0xbe: {  	_ =	sfence.sel $0xFFFF  }
0xbf: {  	[dreg:$0x0] =	wrdreg $0xFFFFFFFF;
	(pc) =	sbr.abs _section_cstart, $3  }
0xc0: {  	[dreg:$0x1] =	wrdreg $0xFFFFFFFF  }
0xc1: {  	_ =	task.clear_ibuf [dreg:s6], $0x2FFFF;
	_ =	strace $0x9FFFFFFF  }
0xc2: {  	(tm) =	ssettm $0x7FFFFFFF  }
0xc3: {  	_ =	shalt  }
tec
execute0_lowered:
.L_overlay_start_1:
0x0: {  	(tag) =	ssettag $0x1  }
0x1: {  	s0 =	srdreg.scid;
	s21 =	stileid.u32  }
0x2: {  	s30 =	rddreg [dreg:$0x0];
	s29 =	sand.u32 $0x1, s0;
	s4 =	smul.u32 $0xA000, s21  }
0x3: {  	s2 =	rddreg [dreg:$0x1];
	s3 =	simm.s32 $0x0;
	s1 =	sshll.u32 s29, $0x4  }
0x4: {  	s9 =	simm.s32 $0x2AF8;
	s1 =	sor.u32 s21, s1;
	s31 =	sshrl.u32 s4, $0x3  }
0x5: {  	[smem:$0x7FF] =	sst s3;
	s1 =	smul.u32 $0x4E2, s1;
	s6 =	sadd.s32 s31, s30  }
0x6: {  	_ =	strace $0x8000004D;
	[dreg:$0x7] =	wrdreg s9;
	s22 =	sadd.s32 $0x7C800, s6  }
0x7: {  	s1 =	sadd.s32 s1, s30;
	[dreg:$0x5] =	wrdreg s22  }
0x8: {  	s5 =	sadd.s32 $0x4C00, s1;
	s8 =	rddreg [dreg:$0x5]  }
0x9: {  	s1 =	sadd.s32 $0xEA00, s1;
	[dreg:$0x3] =	wrdreg s5  }
0xa: {  	[dreg:$0x4] =	wrdreg s1  }
0xb: {  	s1 =	sshll.u32 s21, $0x6;
	s24 =	rddreg [dreg:$0x3]  }
0xc: {  	s23 =	sor.u32 $0x1C02, s1;
	s7 =	rddreg [dreg:$0x4]  }
0xd: {  	s25 =	sadd.s32 s4, s2;
	s4 =	simm.s32 $0x2710;
	[dreg:$0x6] =	wrdreg s23  }
0xe: {  	[tilespmem:s3], [sflag:$0x2] =	stream.linear.gather [hbm4b:s24+s3], $0x2710, $0x38;
	[tilespmem:$0x1E820] =	vst v63  }
0xf: {  	s6 =	simm.s32 $0x2;
	s5 =	sshrl.u32 s25, $0x3;
	s10 =	rddreg [dreg:$0x6]  }
0x10: {  	[tilespmem:s4], [sflag:$0x2] =	stream.linear.gather [hbm4b:s7+s3], $0x2710, $0x38;
	[tilespmem:$0x1E820] =	vst v63  }
0x11: {  	[spmem:s5], [sflag:s10] =	dma.local [hbm:s8], $0x1400  }
0x12: {  	_ =	swait.ge [sflag:s6], $0x2710  }
0x13: {  	[sflag:s6] =	ssyncset.done $0x0  }
0x14: {  	[sflag:s6] =	ssyncadd.s32 $0xFFFFD8F0  }
0x15: {  	_ =	swait.ge [sflag:s6], $0x2710  }
0x16: {  	[sflag:s6] =	ssyncset.done $0x0  }
0x17: {  	[sflag:s6] =	ssyncadd.s32 $0xFFFFD8F0  }
0x18: {  	_ =	swait.ge [sflag:s6], $0x1400  }
0x19: {  	[sflag:s6] =	ssyncset.done $0x0  }
0x1a: {  	s9 =	simm.s32 $0x4E20;
	s7 =	sadd.s32 $0x68800, s30;
	[sflag:s6] =	ssyncadd.s32 $0xFFFFEC00  }
0x1b: {  	s8 =	simm.s32 $0x3E8;
	s10 =	simm.s32 $0x1;
	[bflag:$0x0] =	sbarrier.arrive $0xFFFF  }
0x1c: {  	[tilespmem:s9], [sflag:$0x1] =	stream.indirect.gather [hbm4b:s7+s8], $0x40, s3, s8, $0xb8;
	[tilespmem:$0x1E820] =	vst v63  }
0x1d: {  	_ =	swait.ge [sflag:s10], $0xFA00  }
0x1e: {  	[sflag:s10] =	ssyncset.done $0x0  }
0x1f: {  	s11 =	simm.s32 $0x3;
	[sflag:s10] =	ssyncadd.s32 $0xFFFF0600  }
0x20: {  	[spmem:s2] =	stream.indirect.scatter.add.f32 [tilespmem:s9], [sflag:$0x3], $0x40, s4, s8, $0xb8;
	[tilespmem:$0x1E820] =	vst v63  }
0x21: {  	_ =	swait.ge [sflag:s11], $0xFA00  }
0x22: {  	[sflag:s11] =	ssyncset.done $0x0  }
0x23: {  	[sflag:s11] =	ssyncadd.s32 $0xFFFF0600  }
0x24: {  	[tilespmem:s9], [sflag:$0x1] =	stream.indirect.gather [hbm4b:s7+s8], $0x40, s8, s8, $0xb8;
	[tilespmem:$0x1E820] =	vst v63  }
0x25: {  	_ =	swait.ge [sflag:s10], $0xFA00  }
0x26: {  	[sflag:s10] =	ssyncset.done $0x0  }
0x27: {  	s12 =	rddreg [dreg:$0x7];
	[sflag:s10] =	ssyncadd.s32 $0xFFFF0600  }
0x28: {  	[spmem:s2] =	stream.indirect.scatter.add.f32 [tilespmem:s9], [sflag:$0x3], $0x40, s12, s8, $0xb8;
	[tilespmem:$0x1E820] =	vst v63  }
0x29: {  	_ =	swait.ge [sflag:s11], $0xFA00  }
0x2a: {  	[sflag:s11] =	ssyncset.done $0x0  }
0x2b: {  	s26 =	simm.s32 $0x7D0;
	[sflag:s11] =	ssyncadd.s32 $0xFFFF0600  }
0x2c: {  	[tilespmem:s9], [sflag:$0x1] =	stream.indirect.gather [hbm4b:s7+s8], $0x40, s26, s8, $0xb8;
	[tilespmem:$0x1E820] =	vst v63  }
0x2d: {  	_ =	swait.ge [sflag:s10], $0xFA00  }
0x2e: {  	[sflag:s10] =	ssyncset.done $0x0  }
0x2f: {  	s13 =	simm.s32 $0x2EE0;
	[sflag:s10] =	ssyncadd.s32 $0xFFFF0600  }
0x30: {  	[spmem:s2] =	stream.indirect.scatter.add.f32 [tilespmem:s9], [sflag:$0x3], $0x40, s13, s8, $0xb8;
	[tilespmem:$0x1E820] =	vst v63  }
0x31: {  	_ =	swait.ge [sflag:s11], $0xFA00  }
0x32: {  	[sflag:s11] =	ssyncset.done $0x0  }
0x33: {  	s14 =	simm.s32 $0xBB8;
	[sflag:s11] =	ssyncadd.s32 $0xFFFF0600  }
0x34: {  	[tilespmem:s9], [sflag:$0x1] =	stream.indirect.gather [hbm4b:s7+s8], $0x40, s14, s8, $0xb8;
	[tilespmem:$0x1E820] =	vst v63  }
0x35: {  	_ =	swait.ge [sflag:s10], $0xFA00  }
0x36: {  	[sflag:s10] =	ssyncset.done $0x0  }
0x37: {  	s15 =	simm.s32 $0x32C8;
	[sflag:s10] =	ssyncadd.s32 $0xFFFF0600  }
0x38: {  	[spmem:s2] =	stream.indirect.scatter.add.f32 [tilespmem:s9], [sflag:$0x3], $0x40, s15, s8, $0xb8;
	[tilespmem:$0x1E820] =	vst v63  }
0x39: {  	_ =	swait.ge [sflag:s11], $0xFA00  }
0x3a: {  	[sflag:s11] =	ssyncset.done $0x0  }
0x3b: {  	s16 =	simm.s32 $0xFA0;
	[sflag:s11] =	ssyncadd.s32 $0xFFFF0600  }
0x3c: {  	[tilespmem:s9], [sflag:$0x1] =	stream.indirect.gather [hbm4b:s7+s8], $0x40, s16, s8, $0xb8;
	[tilespmem:$0x1E820] =	vst v63  }
0x3d: {  	_ =	swait.ge [sflag:s10], $0xFA00  }
0x3e: {  	[sflag:s10] =	ssyncset.done $0x0  }
0x3f: {  	s17 =	simm.s32 $0x36B0;
	[sflag:s10] =	ssyncadd.s32 $0xFFFF0600  }
0x40: {  	[spmem:s2] =	stream.indirect.scatter.add.f32 [tilespmem:s9], [sflag:$0x3], $0x40, s17, s8, $0xb8;
	[tilespmem:$0x1E820] =	vst v63  }
0x41: {  	_ =	swait.ge [sflag:s11], $0xFA00  }
0x42: {  	[sflag:s11] =	ssyncset.done $0x0  }
0x43: {  	s18 =	simm.s32 $0x1388;
	[sflag:s11] =	ssyncadd.s32 $0xFFFF0600  }
0x44: {  	[tilespmem:s9], [sflag:$0x1] =	stream.indirect.gather [hbm4b:s7+s8], $0x40, s18, s8, $0xb8;
	[tilespmem:$0x1E820] =	vst v63  }
0x45: {  	_ =	swait.ge [sflag:s10], $0xFA00  }
0x46: {  	[sflag:s10] =	ssyncset.done $0x0  }
0x47: {  	s19 =	simm.s32 $0x3A98;
	[sflag:s10] =	ssyncadd.s32 $0xFFFF0600  }
0x48: {  	[spmem:s2] =	stream.indirect.scatter.add.f32 [tilespmem:s9], [sflag:$0x3], $0x40, s19, s8, $0xb8;
	[tilespmem:$0x1E820] =	vst v63  }
0x49: {  	_ =	swait.ge [sflag:s11], $0xFA00  }
0x4a: {  	[sflag:s11] =	ssyncset.done $0x0  }
0x4b: {  	s20 =	simm.s32 $0x1770;
	[sflag:s11] =	ssyncadd.s32 $0xFFFF0600  }
0x4c: {  	[tilespmem:s9], [sflag:$0x1] =	stream.indirect.gather [hbm4b:s7+s8], $0x40, s20, s8, $0xb8;
	[tilespmem:$0x1E820] =	vst v63  }
0x4d: {  	_ =	swait.ge [sflag:s10], $0xFA00  }
0x4e: {  	[sflag:s10] =	ssyncset.done $0x0  }
0x4f: {  	s21 =	simm.s32 $0x3E80;
	[sflag:s10] =	ssyncadd.s32 $0xFFFF0600  }
0x50: {  	[spmem:s2] =	stream.indirect.scatter.add.f32 [tilespmem:s9], [sflag:$0x3], $0x40, s21, s8, $0xb8;
	[tilespmem:$0x1E820] =	vst v63  }
0x51: {  	_ =	swait.ge [sflag:s11], $0xFA00  }
0x52: {  	[sflag:s11] =	ssyncset.done $0x0  }
0x53: {  	s22 =	simm.s32 $0x1B58;
	[sflag:s11] =	ssyncadd.s32 $0xFFFF0600  }
0x54: {  	[tilespmem:s9], [sflag:$0x1] =	stream.indirect.gather [hbm4b:s7+s8], $0x40, s22, s8, $0xb8;
	[tilespmem:$0x1E820] =	vst v63  }
0x55: {  	_ =	swait.ge [sflag:s10], $0xFA00  }
0x56: {  	[sflag:s10] =	ssyncset.done $0x0  }
0x57: {  	s23 =	simm.s32 $0x4268;
	[sflag:s10] =	ssyncadd.s32 $0xFFFF0600  }
0x58: {  	[spmem:s2] =	stream.indirect.scatter.add.f32 [tilespmem:s9], [sflag:$0x3], $0x40, s23, s8, $0xb8;
	[tilespmem:$0x1E820] =	vst v63  }
0x59: {  	_ =	swait.ge [sflag:s11], $0xFA00  }
0x5a: {  	[sflag:s11] =	ssyncset.done $0x0  }
0x5b: {  	s24 =	simm.s32 $0x1F40;
	[sflag:s11] =	ssyncadd.s32 $0xFFFF0600  }
0x5c: {  	[tilespmem:s9], [sflag:$0x1] =	stream.indirect.gather [hbm4b:s7+s8], $0x40, s24, s8, $0xb8;
	[tilespmem:$0x1E820] =	vst v63  }
0x5d: {  	_ =	swait.ge [sflag:s10], $0xFA00  }
0x5e: {  	[sflag:s10] =	ssyncset.done $0x0  }
0x5f: {  	s25 =	simm.s32 $0x4650;
	[sflag:s10] =	ssyncadd.s32 $0xFFFF0600  }
0x60: {  	[spmem:s2] =	stream.indirect.scatter.add.f32 [tilespmem:s9], [sflag:$0x3], $0x40, s25, s8, $0xb8;
	[tilespmem:$0x1E820] =	vst v63  }
0x61: {  	_ =	swait.ge [sflag:s11], $0xFA00  }
0x62: {  	s12 =	smul.u32 $0x14000, s29;
	[sflag:s11] =	ssyncset.done $0x0  }
0x63: {  	s29 =	ssub.s32 $0x2, s29;
	s26 =	simm.s32 $0x2328;
	[sflag:s11] =	ssyncadd.s32 $0xFFFF0600  }
0x64: {  	[tilespmem:s9], [sflag:$0x1] =	stream.indirect.gather [hbm4b:s7+s8], $0x40, s26, s8, $0xb8;
	[tilespmem:$0x1E820] =	vst v63  }
0x65: {  	s0 =	sadd.s32 s12, s30;
	s30 =	sshrl.u32 s29, $0x1;
	_ =	swait.ge [sflag:s10], $0xFA00  }
0x66: {  	s30 =	ssub.s32 s29, s30;
	[sflag:s10] =	ssyncset.done $0x0  }
0x67: {  	s28 =	simm.s32 $0x4A38;
	s12 =	smax.u32 s30, $0x1;
	[sflag:s10] =	ssyncadd.s32 $0xFFFF0600  }
0x68: {  	[spmem:s2] =	stream.indirect.scatter.add.f32 [tilespmem:s9], [sflag:$0x3], $0x40, s28, s8, $0xb8;
	[tilespmem:$0x1E820] =	vst v63  }
0x69: {  	p0 =	sne.s32 s12, $0x1;
	_ =	swait.ge [sflag:s11], $0xFA00  }
.Ltmp0:
0x6a: {  	[sflag:s11] =	ssyncset.done $0x0;
	(pc) =	sbr.rel @!p0 .LBB2_2-.Ltmp0, $4  }
0x6b: {  	s0 =	sadd.s32 $0x90800, s0;
	[sflag:s11] =	ssyncadd.s32 $0xFFFF0600  }
0x6c: {  	s29 =	sadd.s32 s31, s0;
	s30 =	sor.u32 $0x1C03, s1;
	[bflag:$0x0] =	sbarrier.arrive $0xFFFF  }
0x6d: {  	[hbm:s29], [sflag:s30] =	dma.local [spmem:s5], $0x1400  }
0x6e: {  	s31 =	sadd.s32 $0xFFFFFFFF, s12;
	_ =	swait.ge [sflag:s11], $0x1400  }
.LBB2_1:
0x6f: {  	s0 =	rddreg [dreg:$0x3]  }
0x70: {  	s1 =	rddreg [dreg:$0x4];
	[sflag:s11] =	ssyncset.done $0x0  }
0x71: {  	s12 =	rddreg [dreg:$0x5];
	[sflag:s11] =	ssyncadd.s32 $0xFFFFEC00  }
0x72: {  	[tilespmem:s3], [sflag:$0x2] =	stream.linear.gather [hbm4b:s0+s3], $0x2710, $0x38;
	[tilespmem:$0x1E820] =	vst v63  }
0x73: {  	s0 =	rddreg [dreg:$0x6]  }
0x74: {  	[tilespmem:s4], [sflag:$0x2] =	stream.linear.gather [hbm4b:s1+s3], $0x2710, $0x38;
	[tilespmem:$0x1E820] =	vst v63  }
0x75: {  	[spmem:s5], [sflag:s0] =	dma.local [hbm:s12], $0x1400  }
0x76: {  	_ =	swait.ge [sflag:s6], $0x2710  }
0x77: {  	[sflag:s6] =	ssyncset.done $0x0  }
0x78: {  	[sflag:s6] =	ssyncadd.s32 $0xFFFFD8F0  }
0x79: {  	_ =	swait.ge [sflag:s6], $0x2710  }
0x7a: {  	[sflag:s6] =	ssyncset.done $0x0  }
0x7b: {  	[sflag:s6] =	ssyncadd.s32 $0xFFFFD8F0  }
0x7c: {  	_ =	swait.ge [sflag:s6], $0x1400  }
0x7d: {  	[sflag:s6] =	ssyncset.done $0x0  }
0x7e: {  	[sflag:s6] =	ssyncadd.s32 $0xFFFFEC00  }
0x7f: {  	[bflag:$0x0] =	sbarrier.arrive $0xFFFF  }
0x80: {  	[tilespmem:s9], [sflag:$0x1] =	stream.indirect.gather [hbm4b:s7+s8], $0x40, s3, s8, $0xb8;
	[tilespmem:$0x1E820] =	vst v63  }
0x81: {  	_ =	swait.ge [sflag:s10], $0xFA00  }
0x82: {  	[sflag:s10] =	ssyncset.done $0x0  }
0x83: {  	[sflag:s10] =	ssyncadd.s32 $0xFFFF0600  }
0x84: {  	[spmem:s2] =	stream.indirect.scatter.add.f32 [tilespmem:s9], [sflag:$0x3], $0x40, s4, s8, $0xb8;
	[tilespmem:$0x1E820] =	vst v63  }
0x85: {  	_ =	swait.ge [sflag:s11], $0xFA00  }
0x86: {  	[sflag:s11] =	ssyncset.done $0x0  }
0x87: {  	[sflag:s11] =	ssyncadd.s32 $0xFFFF0600  }
0x88: {  	[tilespmem:s9], [sflag:$0x1] =	stream.indirect.gather [hbm4b:s7+s8], $0x40, s8, s8, $0xb8;
	[tilespmem:$0x1E820] =	vst v63  }
0x89: {  	_ =	swait.ge [sflag:s10], $0xFA00  }
0x8a: {  	[sflag:s10] =	ssyncset.done $0x0  }
0x8b: {  	s1 =	rddreg [dreg:$0x7];
	[sflag:s10] =	ssyncadd.s32 $0xFFFF0600  }
0x8c: {  	[spmem:s2] =	stream.indirect.scatter.add.f32 [tilespmem:s9], [sflag:$0x3], $0x40, s1, s8, $0xb8;
	[tilespmem:$0x1E820] =	vst v63  }
0x8d: {  	_ =	swait.ge [sflag:s11], $0xFA00  }
0x8e: {  	[sflag:s11] =	ssyncset.done $0x0  }
0x8f: {  	s12 =	simm.s32 $0x7D0;
	[sflag:s11] =	ssyncadd.s32 $0xFFFF0600  }
0x90: {  	[tilespmem:s9], [sflag:$0x1] =	stream.indirect.gather [hbm4b:s7+s8], $0x40, s12, s8, $0xb8;
	[tilespmem:$0x1E820] =	vst v63  }
0x91: {  	_ =	swait.ge [sflag:s10], $0xFA00  }
0x92: {  	[sflag:s10] =	ssyncset.done $0x0  }
0x93: {  	[sflag:s10] =	ssyncadd.s32 $0xFFFF0600  }
0x94: {  	[spmem:s2] =	stream.indirect.scatter.add.f32 [tilespmem:s9], [sflag:$0x3], $0x40, s13, s8, $0xb8;
	[tilespmem:$0x1E820] =	vst v63  }
0x95: {  	_ =	swait.ge [sflag:s11], $0xFA00  }
0x96: {  	[sflag:s11] =	ssyncset.done $0x0  }
0x97: {  	[sflag:s11] =	ssyncadd.s32 $0xFFFF0600  }
0x98: {  	[tilespmem:s9], [sflag:$0x1] =	stream.indirect.gather [hbm4b:s7+s8], $0x40, s14, s8, $0xb8;
	[tilespmem:$0x1E820] =	vst v63  }
0x99: {  	_ =	swait.ge [sflag:s10], $0xFA00  }
0x9a: {  	[sflag:s10] =	ssyncset.done $0x0  }
0x9b: {  	[sflag:s10] =	ssyncadd.s32 $0xFFFF0600  }
0x9c: {  	[spmem:s2] =	stream.indirect.scatter.add.f32 [tilespmem:s9], [sflag:$0x3], $0x40, s15, s8, $0xb8;
	[tilespmem:$0x1E820] =	vst v63  }
0x9d: {  	_ =	swait.ge [sflag:s11], $0xFA00  }
0x9e: {  	[sflag:s11] =	ssyncset.done $0x0  }
0x9f: {  	[sflag:s11] =	ssyncadd.s32 $0xFFFF0600  }
0xa0: {  	[tilespmem:s9], [sflag:$0x1] =	stream.indirect.gather [hbm4b:s7+s8], $0x40, s16, s8, $0xb8;
	[tilespmem:$0x1E820] =	vst v63  }
0xa1: {  	_ =	swait.ge [sflag:s10], $0xFA00  }
0xa2: {  	[sflag:s10] =	ssyncset.done $0x0  }
0xa3: {  	[sflag:s10] =	ssyncadd.s32 $0xFFFF0600  }
0xa4: {  	[spmem:s2] =	stream.indirect.scatter.add.f32 [tilespmem:s9], [sflag:$0x3], $0x40, s17, s8, $0xb8;
	[tilespmem:$0x1E820] =	vst v63  }
0xa5: {  	_ =	swait.ge [sflag:s11], $0xFA00  }
0xa6: {  	[sflag:s11] =	ssyncset.done $0x0  }
0xa7: {  	[sflag:s11] =	ssyncadd.s32 $0xFFFF0600  }
0xa8: {  	[tilespmem:s9], [sflag:$0x1] =	stream.indirect.gather [hbm4b:s7+s8], $0x40, s18, s8, $0xb8;
	[tilespmem:$0x1E820] =	vst v63  }
0xa9: {  	_ =	swait.ge [sflag:s10], $0xFA00  }
0xaa: {  	[sflag:s10] =	ssyncset.done $0x0  }
0xab: {  	[sflag:s10] =	ssyncadd.s32 $0xFFFF0600  }
0xac: {  	[spmem:s2] =	stream.indirect.scatter.add.f32 [tilespmem:s9], [sflag:$0x3], $0x40, s19, s8, $0xb8;
	[tilespmem:$0x1E820] =	vst v63  }
0xad: {  	_ =	swait.ge [sflag:s11], $0xFA00  }
0xae: {  	[sflag:s11] =	ssyncset.done $0x0  }
0xaf: {  	[sflag:s11] =	ssyncadd.s32 $0xFFFF0600  }
0xb0: {  	[tilespmem:s9], [sflag:$0x1] =	stream.indirect.gather [hbm4b:s7+s8], $0x40, s20, s8, $0xb8;
	[tilespmem:$0x1E820] =	vst v63  }
0xb1: {  	_ =	swait.ge [sflag:s10], $0xFA00  }
0xb2: {  	[sflag:s10] =	ssyncset.done $0x0  }
0xb3: {  	[sflag:s10] =	ssyncadd.s32 $0xFFFF0600  }
0xb4: {  	[spmem:s2] =	stream.indirect.scatter.add.f32 [tilespmem:s9], [sflag:$0x3], $0x40, s21, s8, $0xb8;
	[tilespmem:$0x1E820] =	vst v63  }
0xb5: {  	_ =	swait.ge [sflag:s11], $0xFA00  }
0xb6: {  	[sflag:s11] =	ssyncset.done $0x0  }
0xb7: {  	[sflag:s11] =	ssyncadd.s32 $0xFFFF0600  }
0xb8: {  	[tilespmem:s9], [sflag:$0x1] =	stream.indirect.gather [hbm4b:s7+s8], $0x40, s22, s8, $0xb8;
	[tilespmem:$0x1E820] =	vst v63  }
0xb9: {  	_ =	swait.ge [sflag:s10], $0xFA00  }
0xba: {  	[sflag:s10] =	ssyncset.done $0x0  }
0xbb: {  	[sflag:s10] =	ssyncadd.s32 $0xFFFF0600  }
0xbc: {  	[spmem:s2] =	stream.indirect.scatter.add.f32 [tilespmem:s9], [sflag:$0x3], $0x40, s23, s8, $0xb8;
	[tilespmem:$0x1E820] =	vst v63  }
0xbd: {  	_ =	swait.ge [sflag:s11], $0xFA00  }
0xbe: {  	[sflag:s11] =	ssyncset.done $0x0  }
0xbf: {  	[sflag:s11] =	ssyncadd.s32 $0xFFFF0600  }
0xc0: {  	[tilespmem:s9], [sflag:$0x1] =	stream.indirect.gather [hbm4b:s7+s8], $0x40, s24, s8, $0xb8;
	[tilespmem:$0x1E820] =	vst v63  }
0xc1: {  	_ =	swait.ge [sflag:s10], $0xFA00  }
0xc2: {  	[sflag:s10] =	ssyncset.done $0x0  }
0xc3: {  	[sflag:s10] =	ssyncadd.s32 $0xFFFF0600  }
0xc4: {  	[spmem:s2] =	stream.indirect.scatter.add.f32 [tilespmem:s9], [sflag:$0x3], $0x40, s25, s8, $0xb8;
	[tilespmem:$0x1E820] =	vst v63  }
0xc5: {  	_ =	swait.ge [sflag:s11], $0xFA00  }
0xc6: {  	[sflag:s11] =	ssyncset.done $0x0  }
0xc7: {  	[sflag:s11] =	ssyncadd.s32 $0xFFFF0600  }
0xc8: {  	[tilespmem:s9], [sflag:$0x1] =	stream.indirect.gather [hbm4b:s7+s8], $0x40, s26, s8, $0xb8;
	[tilespmem:$0x1E820] =	vst v63  }
0xc9: {  	_ =	swait.ge [sflag:s10], $0xFA00  }
0xca: {  	[sflag:s10] =	ssyncset.done $0x0  }
0xcb: {  	[sflag:s10] =	ssyncadd.s32 $0xFFFF0600  }
0xcc: {  	[spmem:s2] =	stream.indirect.scatter.add.f32 [tilespmem:s9], [sflag:$0x3], $0x40, s28, s8, $0xb8;
	[tilespmem:$0x1E820] =	vst v63  }
0xcd: {  	p0 =	sne.s32 s31, $0x1;
	_ =	swait.ge [sflag:s11], $0xFA00  }
.Ltmp1:
0xce: {  	[sflag:s11] =	ssyncset.done $0x0;
	(pc) =	sbr.rel @p0 .LBB2_1-.Ltmp1, $4  }
0xcf: {  	[sflag:s11] =	ssyncadd.s32 $0xFFFF0600  }
0xd0: {  	[bflag:$0x0] =	sbarrier.arrive $0xFFFF  }
0xd1: {  	[hbm:s29], [sflag:s30] =	dma.local [spmem:s5], $0x1400  }
0xd2: {  	s31 =	sadd.s32 $0xFFFFFFFF, s31;
	_ =	swait.ge [sflag:s11], $0x1400  }
.LBB2_2:
0xd3: {  	[sflag:s11] =	ssyncset.done $0x0  }
0xd4: {  	[sflag:s11] =	ssyncadd.s32 $0xFFFFEC00  }
0xd5: {  	_ =	sfence.sel $0x180000  }
0xd6: {  	[bflag:$0x0] =	sbarrier.arrive $0xFFFF  }
0xd7: {  	_ =	strace $0x9000004D  }
0xd8: {  	s0 =	stileid.u32;
	[bflag:$0x2] =	sbarrier.arrive $0xFFFF  }
0xd9: {  	p0 =	sne.s32 s0, $0x0;
	s0 =	rddreg [dreg:$0x2]  }
0xda: {  	s0 =	sadd.s32 @!p0 $0x100000, s0  }
0xdb: {  	[sflag:s0] =	ssyncadd.tile.s32 @!p0 $0x1;
	_ =	shalt  }
.Lfunc_end2:
_tile_overlayer_lowered:
.L_overlay_start_2:
0xdc: {  	(tag) =	ssettag $0x2  }
0xdd: {  	s0 =	rddreg [dreg:$0x0];
	s2 =	stileid.u32  }
0xde: {  	s1 =	rddreg [dreg:$0x1];
	p0 =	sne.s32 s2, $0x0  }
0xdf: {  	s3 =	rddreg [dreg:$0x2];
	[bflag:$0x3] =	sbarrier.arrive $0xFFFF;
	s2 =	simm.s32 @!p0 $0x1C03  }
0xe0: {  	[timem:s3], [sflag:s2] =	dma.local @!p0 [hbm:s0], s1  }
0xe1: {  	s0 =	simm.s32 @!p0 $0x3  }
0xe2: {  	_ =	swait.ge @!p0 [sflag:s0], s1  }
0xe3: {  	s1 =	ssub.s32 @!p0 $0x0, s1;
	[sflag:s0] =	ssyncset.done @!p0 $0x0  }
0xe4: {  	[sflag:s0] =	ssyncadd.s32 @!p0 s1  }
0xe5: {  	[bflag:$0x3] =	sbarrier.arrive $0xFFFF  }
0xe6: {  	_ =	shalt  }

// kernel: kernel.34.cloned.1.call-start
scs
__scs_entry_jumppad:
0x0: {  	(pc) =	sbr.rel $0x88, $3  }
0x1: {  	(tag) =	ssettag $0x0;
	lr =	simm.s32 $0x1  }
0x2: {  	[smem:$0x3F9B] =	sst lr;
	_ =	strace $0xD0000000  }
0x3: {  	_ = 	snop  }
0x4: {  	_ = 	snop  }
0x5: {  	_ = 	snop  }
0x6: {  	_ = 	snop  }
0x7: {  	_ = 	snop  }
__scs_overlays_trampoline_lowered:
0x8: {  	[smem:$0x3FAA] =	sst s0  }
0x9: {  	[smem:$0x3FAB] =	sst s1  }
0xa: {  	[smem:$0x3FAC] =	sst s2  }
0xb: {  	[smem:$0x3FAD] =	sst s3  }
0xc: {  	[smem:$0x3FAE] =	sst s4  }
0xd: {  	[smem:$0x3FAF] =	sst s5  }
0xe: {  	[smem:$0x3FB0] =	sst s6  }
0xf: {  	[smem:$0x3FB1] =	sst s7  }
0x10: {  	[smem:$0x3FB2] =	sst s8  }
0x11: {  	[smem:$0x3FB3] =	sst s9;
	s0 =	simm.s32 @!p0 $0x0  }
0x12: {  	s1 =	sld [smem:$0x3F99];
	s0 =	simm.s32 @p0 $0x1  }
0x13: {  	[smem:$0x3FB4] =	sst s0;
	s0 =	simm.s32 @!p1 $0x0  }
0x14: {  	s2 =	sld [smem:$0x3F98];
	s0 =	simm.s32 @p1 $0x1  }
0x15: {  	[smem:$0x3FB5] =	sst s0;
	s0 =	simm.s32 @!p2 $0x0  }
0x16: {  	s3 =	sld [smem:$0x3FDB];
	s0 =	simm.s32 @p2 $0x1  }
0x17: {  	s4 =	simm.s32 $0x1BF5;
	[smem:$0x3FB7] =	sst s0  }
0x18: {  	s0 =	sld [smem:$0x3F9A];
	_ =	swait.ge [sflag:s4], $0x0  }
0x19: {  	s7 =	sld [smem:$0x3F9B]  }
0x1a: {  	s8 =	sadd.s32 $0xFFFFE003, lr  }
0x1b: {  	s9 =	sadd.s32 $0xFFFFFEF7, lr;
	s5 =	simm.s32 $0xFFFFFFFF;
	p2 =	slt.u32 s8, $0xFFFFF086  }
0x1c: {  	p1 =	slt.u32 s9, $0xF7A;
	s5 =	simm.s32 @!p2 $0x0  }
0x1d: {  	s5 =	simm.s32 @p1 $0x1;
	p0 =	seq.s32 s7, s2  }
0x1e: {  	s7 =	smul.u32 @!p0 $0xF7A, s2;
	p2 =	seq.s32 @!p0 s5, $0x0  }
0x1f: {  	s9 =	smul.u32 $0xF7A, s1;
	s8 =	simm.s32 @!p0 $0x1BF5;
	p2 =	por !p2, p0  }
0x20: {  	[sflag:s8] =	ssyncset.s32 @!p0 $0xFFFFF086;
	s6 =	sadd.s32 @!p0 s3, s7;
	s7 =	simm.s32 @!p0 $0x108  }
0x21: {  	s3 =	sadd.s32 s3, s9;
	s6 =	sadd.s32 @!p0 $0x88, s6;
	s7 =	simm.s32 @p2 $0x1082  }
0x22: {  	[simem:s7], [sflag:s8] =	dma.local @!p0 [hbm:s6], $0xF7A  }
0x23: {  	s9 =	sor.u32 $0xD0000000, s2;
	s6 =	simm.s32 $0x108;
	_ =	swait.ge @!p0 [sflag:s8], $0x0  }
0x24: {  	s3 =	sadd.s32 $0x88, s3;
	s6 =	simm.s32 @!p1 $0x1082;
	[sflag:s4] =	ssyncset.s32 $0xFFFFF086  }
0x25: {  	[simem:s6], [sflag:s4] =	dma.local [hbm:s3], $0xF7A  }
0x26: {  	[smem:$0x3F9B] =	sst s1;
	(tag) =	ssettag s2;
	_ =	strace s9  }
0x27: {  	s1 =	sld [smem:$0x3FAB]  }
0x28: {  	s2 =	sld [smem:$0x3FAC]  }
0x29: {  	s4 =	sld [smem:$0x3FAE]  }
0x2a: {  	p0 =	seq.s32 s5, $0x0;
	s5 =	sld [smem:$0x3FAF]  }
0x2b: {  	s6 =	sld [smem:$0x3FB0]  }
0x2c: {  	s7 =	sld [smem:$0x3FB1]  }
0x2d: {  	s3 =	simm.s32 $0x108;
	s8 =	sld [smem:$0x3FB2]  }
0x2e: {  	s3 =	simm.s32 @!p0 $0x1082;
	s9 =	sld [smem:$0x3FB3]  }
0x2f: {  	lr =	sadd.s32 s0, s3;
	s0 =	sld [smem:$0x3FAA]  }
0x30: {  	s3 =	sld [smem:$0x3FAD]  }
0x31: {  	[smem:$0x3FB6] =	sst s10  }
0x32: {  	s10 =	sld [smem:$0x3FB4];
	_ =	sdelay $0x3  }
0x33: {  	p0 =	seq.s32 s10, $0x1;
	s10 =	sld [smem:$0x3FB6];
	_ =	sdelay $0x3  }
0x34: {  	[smem:$0x3FB6] =	sst s10  }
0x35: {  	s10 =	sld [smem:$0x3FB5];
	_ =	sdelay $0x3  }
0x36: {  	p1 =	seq.s32 s10, $0x1;
	s10 =	sld [smem:$0x3FB6];
	_ =	sdelay $0x3  }
0x37: {  	[smem:$0x3FB6] =	sst s10  }
0x38: {  	s10 =	sld [smem:$0x3FB7]  }
0x39: {  	_ = 	snop;
	(pc) =	sbr.ind lr, $3  }
0x3a: {  	_ = 	snop  }
0x3b: {  	_ = 	snop  }
0x3c: {  	p2 =	seq.s32 s10, $0x1;
	s10 =	sld [smem:$0x3FB6]  }
0x3d: {  	_ =	shalt  }
0x3e: {  	_ =	shalt  }
0x3f: {  	_ =	shalt  }
0x40: {  	_ =	shalt  }
0x41: {  	_ =	shalt  }
0x42: {  	_ =	shalt  }
0x43: {  	_ =	shalt  }
0x44: {  	_ =	shalt  }
0x45: {  	_ =	shalt  }
0x46: {  	_ =	shalt  }
0x47: {  	_ =	shalt  }
0x48: {  	_ =	shalt  }
0x49: {  	_ =	shalt  }
0x4a: {  	_ =	shalt  }
0x4b: {  	_ =	shalt  }
0x4c: {  	_ =	shalt  }
0x4d: {  	_ =	shalt  }
0x4e: {  	_ =	shalt  }
0x4f: {  	_ =	shalt  }
0x50: {  	_ =	shalt  }
0x51: {  	_ =	shalt  }
0x52: {  	_ =	shalt  }
0x53: {  	_ =	shalt  }
0x54: {  	_ =	shalt  }
0x55: {  	_ =	shalt  }
0x56: {  	_ =	shalt  }
0x57: {  	_ =	shalt  }
0x58: {  	_ =	shalt  }
0x59: {  	_ =	shalt  }
0x5a: {  	_ =	shalt  }
0x5b: {  	_ =	shalt  }
0x5c: {  	_ =	shalt  }
0x5d: {  	_ =	shalt  }
0x5e: {  	_ =	shalt  }
0x5f: {  	_ =	shalt  }
0x60: {  	_ =	shalt  }
0x61: {  	_ =	shalt  }
0x62: {  	_ =	shalt  }
0x63: {  	_ =	shalt  }
0x64: {  	_ =	shalt  }
0x65: {  	_ =	shalt  }
0x66: {  	_ =	shalt  }
0x67: {  	_ =	shalt  }
0x68: {  	_ =	shalt  }
0x69: {  	_ =	shalt  }
0x6a: {  	_ =	shalt  }
0x6b: {  	_ =	shalt  }
0x6c: {  	_ =	shalt  }
0x6d: {  	_ =	shalt  }
0x6e: {  	_ =	shalt  }
0x6f: {  	_ =	shalt  }
0x70: {  	_ =	shalt  }
0x71: {  	_ =	shalt  }
0x72: {  	_ =	shalt  }
0x73: {  	_ =	shalt  }
0x74: {  	_ =	shalt  }
0x75: {  	_ =	shalt  }
0x76: {  	_ =	shalt  }
0x77: {  	_ =	shalt  }
0x78: {  	_ =	shalt  }
0x79: {  	_ =	shalt  }
0x7a: {  	_ =	shalt  }
0x7b: {  	_ =	shalt  }
0x7c: {  	_ =	shalt  }
0x7d: {  	_ =	shalt  }
0x7e: {  	_ =	shalt  }
0x7f: {  	_ =	shalt  }
0x80: {  	_ =	shalt  }
0x81: {  	_ =	shalt  }
0x82: {  	_ =	shalt  }
0x83: {  	_ =	shalt  }
0x84: {  	_ =	shalt  }
0x85: {  	_ =	shalt  }
0x86: {  	_ =	shalt  }
0x87: {  	_ =	shalt  }
.Lfunc_end0:
.L_simem_size_0:
called_computation.3_lowered:
.L_overlay_start_0:
0x88: {  	s2 =	sld [smem:$0x3FD9]  }
0x89: {  	s3 =	sld [smem:$0x3FFE];
	_ =	sdelay $0x1  }
0x8a: {  	s1 =	srdreg.scid  }
0x8b: {  	s0 =	sand.u32 $0x1, s1  }
0x8c: {  	s16 =	sshll.u32 s0, $0xA;
	s2 =	sadd.s32 s3, s2  }
0x8d: {  	s2 =	sadd.s32 s2, s16  }
0x8e: {  	[smem:$0x3FC2] =	sst s2  }
0x8f: {  	_ = 	snop  }
0x90: {  	(tm) =	ssettm $0x1  }
0x91: {  	s17 =	sld [smem:$0x3FFB];
	_ =	sdelay $0x3  }
0x92: {  	_ =	strace s17  }
0x93: {  	s2 =	sld [smem:$0x3FFC];
	_ =	sdelay $0x3  }
0x94: {  	_ =	strace s2  }
0x95: {  	s2 =	sld [smem:$0x3FFD];
	_ =	sdelay $0x3  }
0x96: {  	_ =	strace s2  }
0x97: {  	_ =	strace $0x8FFFFFFF  }
0x98: {  	s18 =	sld [smem:$0x3FDB];
	_ =	sdelay $0x1  }
0x99: {  	s19 =	simm.s32 $_scs_section_size  }
0x9a: {  	s4 =	simm.s32 $_size__tile_overlayer_lowered;
	s5 =	simm.s32 $_tile_overlayer_lowered  }
0x9b: {  	s22 =	simm.s32 $0x1BFF;
	s21 =	sshll.u32 s5, $0x1;
	s2 =	sadd.s32 s19, s18  }
0x9c: {  	s6 =	simm.s32 $0x0;
	s20 =	sshll.u32 s4, $0x1;
	s4 =	sadd.s32 s21, s2  }
0x9d: {  	[timem:s6], [sflag:s22] =	dma.local [hbm:s4], s20  }
0x9e: {  	_ =	swait.ge [sflag:s22], s20  }
0x9f: {  	s3 =	ssub.s32 $0x0, s20;
	[sflag:s22] =	ssyncset.done $0x0  }
0xa0: {  	[sflag:s22] =	ssyncadd.s32 s3;
	_ =	sdelay $0x1  }
0xa1: {  	s23 =	simm.s32 $0x1B8B  }
0xa2: {  	_ =	swait.ge [sflag:s23], $0x1  }
0xa3: {  	[sflag:s23] =	ssyncset.done $0x0  }
0xa4: {  	s25 =	simm.s32 $0x1B8E;
	s24 =	sld [smem:$0x3FFE];
	[sflag:s23] =	ssyncadd.s32 $0xFFFFFFFF  }
0xa5: {  	s26 =	simm.s32 $execute0_lowered;
	[smem:$0x3FD2] =	sst s25  }
0xa6: {  	s4 =	sshll.u32 s26, $0x1;
	_ =	strace $0x8000004F;
	[dreg:$0x1] =	wrdreg $0xFFFFFFFF  }
0xa7: {  	s28 =	simm.s32 $_size_execute0_lowered;
	s2 =	sadd.s32 s2, s4;
	[dreg:$0x0] =	wrdreg $0x0  }
0xa8: {  	s4 =	sshll.u32 s28, $0x1;
	[dreg:$0x2] =	wrdreg s2  }
0xa9: {  	[dreg:$0x3] =	wrdreg s4  }
0xaa: {  	[dreg:$0x4] =	wrdreg $0xC0  }
0xab: {  	_ =	task [dreg:s6], $0x5FFFF  }
0xac: {  	[dreg:$0x1] =	wrdreg $0xFFFFFFFF  }
0xad: {  	[dreg:$0x0] =	wrdreg $0x60  }
0xae: {  	[dreg:$0x2] =	wrdreg s24  }
0xaf: {  	[dreg:$0x3] =	wrdreg $0x148200  }
0xb0: {  	[dreg:$0x4] =	wrdreg $0x9  }
0xb1: {  	_ =	task.clear_ibuf [dreg:s6], $0x5FFFF;
	_ =	strace $0x9000004F  }
0xb2: {  	s29 =	simm.s32 $0x9;
	_ =	strace $0x80000051  }
0xb3: {  	_ =	swait.ge [sflag:s29], $0x1  }
0xb4: {  	[sflag:s29] =	ssyncadd.s32 $0xFFFFFFFF  }
0xb5: {  	_ =	strace $0x90000051  }
0xb6: {  	_ =	sfence  }
0xb7: {  	s30 =	sld [smem:$0x0];
	_ =	sdelay $0x2  }
0xb8: {  	s31 =	sshll.u32 s1, $0xD;
	s1 =	sshrl.u32 s1, $0x2  }
0xb9: {  	s3 =	sand.u32 $0x4000, s31;
	s1 =	sadd.s32 s1, s30  }
0xba: {  	s0 =	sor.u32 s3, s0;
	s1 =	sshll.u32 s1, $0x11  }
0xbb: {  	s0 =	sor.u32 s1, s0  }
0xbc: {  	s0 =	sadd.s32 $0x8F2B, s0  }
0xbd: {  	[sflag:s0] =	ssyncadd.remote.s32 $0x1  }
0xbe: {  	_ =	sfence.sel $0xFFFF  }
0xbf: {  	[dreg:$0x0] =	wrdreg $0xFFFFFFFF;
	(pc) =	sbr.abs _section_cstart, $3  }
0xc0: {  	[dreg:$0x1] =	wrdreg $0xFFFFFFFF  }
0xc1: {  	_ =	task.clear_ibuf [dreg:s6], $0x2FFFF;
	_ =	strace $0x9FFFFFFF  }
0xc2: {  	(tm) =	ssettm $0x7FFFFFFF  }
0xc3: {  	_ =	shalt  }
tec
execute0_lowered:
.L_overlay_start_1:
0x0: {  	(tag) =	ssettag $0x1  }
0x1: {  	s0 =	srdreg.scid;
	s21 =	stileid.u32  }
0x2: {  	s30 =	rddreg [dreg:$0x0];
	s29 =	sand.u32 $0x1, s0;
	s4 =	smul.u32 $0xA000, s21  }
0x3: {  	s2 =	rddreg [dreg:$0x1];
	s3 =	simm.s32 $0x0;
	s1 =	sshll.u32 s29, $0x4  }
0x4: {  	s9 =	simm.s32 $0x2AF8;
	s1 =	sor.u32 s21, s1;
	s31 =	sshrl.u32 s4, $0x3  }
0x5: {  	[smem:$0x7FF] =	sst s3;
	s1 =	smul.u32 $0x4E2, s1;
	s6 =	sadd.s32 s31, s30  }
0x6: {  	_ =	strace $0x80000050;
	[dreg:$0x7] =	wrdreg s9;
	s22 =	sadd.s32 $0x7C800, s6  }
0x7: {  	s1 =	sadd.s32 s1, s30;
	[dreg:$0x5] =	wrdreg s22  }
0x8: {  	s5 =	sadd.s32 $0x4C00, s1;
	s8 =	rddreg [dreg:$0x5]  }
0x9: {  	s1 =	sadd.s32 $0xEA00, s1;
	[dreg:$0x3] =	wrdreg s5  }
0xa: {  	[dreg:$0x4] =	wrdreg s1  }
0xb: {  	s1 =	sshll.u32 s21, $0x6;
	s24 =	rddreg [dreg:$0x3]  }
0xc: {  	s23 =	sor.u32 $0x1C02, s1;
	s7 =	rddreg [dreg:$0x4]  }
0xd: {  	s25 =	sadd.s32 s4, s2;
	s4 =	simm.s32 $0x2710;
	[dreg:$0x6] =	wrdreg s23  }
0xe: {  	[tilespmem:s3], [sflag:$0x2] =	stream.linear.gather [hbm4b:s24+s3], $0x2710, $0x38;
	[tilespmem:$0x1E820] =	vst v63  }
0xf: {  	s6 =	simm.s32 $0x2;
	s5 =	sshrl.u32 s25, $0x3;
	s10 =	rddreg [dreg:$0x6]  }
0x10: {  	[tilespmem:s4], [sflag:$0x2] =	stream.linear.gather [hbm4b:s7+s3], $0x2710, $0x38;
	[tilespmem:$0x1E820] =	vst v63  }
0x11: {  	[spmem:s5], [sflag:s10] =	dma.local [hbm:s8], $0x1400  }
0x12: {  	_ =	swait.ge [sflag:s6], $0x2710  }
0x13: {  	[sflag:s6] =	ssyncset.done $0x0  }
0x14: {  	[sflag:s6] =	ssyncadd.s32 $0xFFFFD8F0  }
0x15: {  	_ =	swait.ge [sflag:s6], $0x2710  }
0x16: {  	[sflag:s6] =	ssyncset.done $0x0  }
0x17: {  	[sflag:s6] =	ssyncadd.s32 $0xFFFFD8F0  }
0x18: {  	_ =	swait.ge [sflag:s6], $0x1400  }
0x19: {  	[sflag:s6] =	ssyncset.done $0x0  }
0x1a: {  	s9 =	simm.s32 $0x4E20;
	s7 =	sadd.s32 $0x68800, s30;
	[sflag:s6] =	ssyncadd.s32 $0xFFFFEC00  }
0x1b: {  	s8 =	simm.s32 $0x3E8;
	s10 =	simm.s32 $0x1;
	[bflag:$0x0] =	sbarrier.arrive $0xFFFF  }
0x1c: {  	[tilespmem:s9], [sflag:$0x1] =	stream.indirect.gather [hbm4b:s7+s8], $0x40, s3, s8, $0xb8;
	[tilespmem:$0x1E820] =	vst v63  }
0x1d: {  	_ =	swait.ge [sflag:s10], $0xFA00  }
0x1e: {  	[sflag:s10] =	ssyncset.done $0x0  }
0x1f: {  	s11 =	simm.s32 $0x3;
	[sflag:s10] =	ssyncadd.s32 $0xFFFF0600  }
0x20: {  	[spmem:s2] =	stream.indirect.scatter.add.f32 [tilespmem:s9], [sflag:$0x3], $0x40, s4, s8, $0xb8;
	[tilespmem:$0x1E820] =	vst v63  }
0x21: {  	_ =	swait.ge [sflag:s11], $0xFA00  }
0x22: {  	[sflag:s11] =	ssyncset.done $0x0  }
0x23: {  	[sflag:s11] =	ssyncadd.s32 $0xFFFF0600  }
0x24: {  	[tilespmem:s9], [sflag:$0x1] =	stream.indirect.gather [hbm4b:s7+s8], $0x40, s8, s8, $0xb8;
	[tilespmem:$0x1E820] =	vst v63  }
0x25: {  	_ =	swait.ge [sflag:s10], $0xFA00  }
0x26: {  	[sflag:s10] =	ssyncset.done $0x0  }
0x27: {  	s12 =	rddreg [dreg:$0x7];
	[sflag:s10] =	ssyncadd.s32 $0xFFFF0600  }
0x28: {  	[spmem:s2] =	stream.indirect.scatter.add.f32 [tilespmem:s9], [sflag:$0x3], $0x40, s12, s8, $0xb8;
	[tilespmem:$0x1E820] =	vst v63  }
0x29: {  	_ =	swait.ge [sflag:s11], $0xFA00  }
0x2a: {  	[sflag:s11] =	ssyncset.done $0x0  }
0x2b: {  	s26 =	simm.s32 $0x7D0;
	[sflag:s11] =	ssyncadd.s32 $0xFFFF0600  }
0x2c: {  	[tilespmem:s9], [sflag:$0x1] =	stream.indirect.gather [hbm4b:s7+s8], $0x40, s26, s8, $0xb8;
	[tilespmem:$0x1E820] =	vst v63  }
0x2d: {  	_ =	swait.ge [sflag:s10], $0xFA00  }
0x2e: {  	[sflag:s10] =	ssyncset.done $0x0  }
0x2f: {  	s13 =	simm.s32 $0x2EE0;
	[sflag:s10] =	ssyncadd.s32 $0xFFFF0600  }
0x30: {  	[spmem:s2] =	stream.indirect.scatter.add.f32 [tilespmem:s9], [sflag:$0x3], $0x40, s13, s8, $0xb8;
	[tilespmem:$0x1E820] =	vst v63  }
0x31: {  	_ =	swait.ge [sflag:s11], $0xFA00  }
0x32: {  	[sflag:s11] =	ssyncset.done $0x0  }
0x33: {  	s14 =	simm.s32 $0xBB8;
	[sflag:s11] =	ssyncadd.s32 $0xFFFF0600  }
0x34: {  	[tilespmem:s9], [sflag:$0x1] =	stream.indirect.gather [hbm4b:s7+s8], $0x40, s14, s8, $0xb8;
	[tilespmem:$0x1E820] =	vst v63  }
0x35: {  	_ =	swait.ge [sflag:s10], $0xFA00  }
0x36: {  	[sflag:s10] =	ssyncset.done $0x0  }
0x37: {  	s15 =	simm.s32 $0x32C8;
	[sflag:s10] =	ssyncadd.s32 $0xFFFF0600  }
0x38: {  	[spmem:s2] =	stream.indirect.scatter.add.f32 [tilespmem:s9], [sflag:$0x3], $0x40, s15, s8, $0xb8;
	[tilespmem:$0x1E820] =	vst v63  }
0x39: {  	_ =	swait.ge [sflag:s11], $0xFA00  }
0x3a: {  	[sflag:s11] =	ssyncset.done $0x0  }
0x3b: {  	s16 =	simm.s32 $0xFA0;
	[sflag:s11] =	ssyncadd.s32 $0xFFFF0600  }
0x3c: {  	[tilespmem:s9], [sflag:$0x1] =	stream.indirect.gather [hbm4b:s7+s8], $0x40, s16, s8, $0xb8;
	[tilespmem:$0x1E820] =	vst v63  }
0x3d: {  	_ =	swait.ge [sflag:s10], $0xFA00  }
0x3e: {  	[sflag:s10] =	ssyncset.done $0x0  }
0x3f: {  	s17 =	simm.s32 $0x36B0;
	[sflag:s10] =	ssyncadd.s32 $0xFFFF0600  }
0x40: {  	[spmem:s2] =	stream.indirect.scatter.add.f32 [tilespmem:s9], [sflag:$0x3], $0x40, s17, s8, $0xb8;
	[tilespmem:$0x1E820] =	vst v63  }
0x41: {  	_ =	swait.ge [sflag:s11], $0xFA00  }
0x42: {  	[sflag:s11] =	ssyncset.done $0x0  }
0x43: {  	s18 =	simm.s32 $0x1388;
	[sflag:s11] =	ssyncadd.s32 $0xFFFF0600  }
0x44: {  	[tilespmem:s9], [sflag:$0x1] =	stream.indirect.gather [hbm4b:s7+s8], $0x40, s18, s8, $0xb8;
	[tilespmem:$0x1E820] =	vst v63  }
0x45: {  	_ =	swait.ge [sflag:s10], $0xFA00  }
0x46: {  	[sflag:s10] =	ssyncset.done $0x0  }
0x47: {  	s19 =	simm.s32 $0x3A98;
	[sflag:s10] =	ssyncadd.s32 $0xFFFF0600  }
0x48: {  	[spmem:s2] =	stream.indirect.scatter.add.f32 [tilespmem:s9], [sflag:$0x3], $0x40, s19, s8, $0xb8;
	[tilespmem:$0x1E820] =	vst v63  }
0x49: {  	_ =	swait.ge [sflag:s11], $0xFA00  }
0x4a: {  	[sflag:s11] =	ssyncset.done $0x0  }
0x4b: {  	s20 =	simm.s32 $0x1770;
	[sflag:s11] =	ssyncadd.s32 $0xFFFF0600  }
0x4c: {  	[tilespmem:s9], [sflag:$0x1] =	stream.indirect.gather [hbm4b:s7+s8], $0x40, s20, s8, $0xb8;
	[tilespmem:$0x1E820] =	vst v63  }
0x4d: {  	_ =	swait.ge [sflag:s10], $0xFA00  }
0x4e: {  	[sflag:s10] =	ssyncset.done $0x0  }
0x4f: {  	s21 =	simm.s32 $0x3E80;
	[sflag:s10] =	ssyncadd.s32 $0xFFFF0600  }
0x50: {  	[spmem:s2] =	stream.indirect.scatter.add.f32 [tilespmem:s9], [sflag:$0x3], $0x40, s21, s8, $0xb8;
	[tilespmem:$0x1E820] =	vst v63  }
0x51: {  	_ =	swait.ge [sflag:s11], $0xFA00  }
0x52: {  	[sflag:s11] =	ssyncset.done $0x0  }
0x53: {  	s22 =	simm.s32 $0x1B58;
	[sflag:s11] =	ssyncadd.s32 $0xFFFF0600  }
0x54: {  	[tilespmem:s9], [sflag:$0x1] =	stream.indirect.gather [hbm4b:s7+s8], $0x40, s22, s8, $0xb8;
	[tilespmem:$0x1E820] =	vst v63  }
0x55: {  	_ =	swait.ge [sflag:s10], $0xFA00  }
0x56: {  	[sflag:s10] =	ssyncset.done $0x0  }
0x57: {  	s23 =	simm.s32 $0x4268;
	[sflag:s10] =	ssyncadd.s32 $0xFFFF0600  }
0x58: {  	[spmem:s2] =	stream.indirect.scatter.add.f32 [tilespmem:s9], [sflag:$0x3], $0x40, s23, s8, $0xb8;
	[tilespmem:$0x1E820] =	vst v63  }
0x59: {  	_ =	swait.ge [sflag:s11], $0xFA00  }
0x5a: {  	[sflag:s11] =	ssyncset.done $0x0  }
0x5b: {  	s24 =	simm.s32 $0x1F40;
	[sflag:s11] =	ssyncadd.s32 $0xFFFF0600  }
0x5c: {  	[tilespmem:s9], [sflag:$0x1] =	stream.indirect.gather [hbm4b:s7+s8], $0x40, s24, s8, $0xb8;
	[tilespmem:$0x1E820] =	vst v63  }
0x5d: {  	_ =	swait.ge [sflag:s10], $0xFA00  }
0x5e: {  	[sflag:s10] =	ssyncset.done $0x0  }
0x5f: {  	s25 =	simm.s32 $0x4650;
	[sflag:s10] =	ssyncadd.s32 $0xFFFF0600  }
0x60: {  	[spmem:s2] =	stream.indirect.scatter.add.f32 [tilespmem:s9], [sflag:$0x3], $0x40, s25, s8, $0xb8;
	[tilespmem:$0x1E820] =	vst v63  }
0x61: {  	_ =	swait.ge [sflag:s11], $0xFA00  }
0x62: {  	s12 =	smul.u32 $0x14000, s29;
	[sflag:s11] =	ssyncset.done $0x0  }
0x63: {  	s29 =	ssub.s32 $0x2, s29;
	s26 =	simm.s32 $0x2328;
	[sflag:s11] =	ssyncadd.s32 $0xFFFF0600  }
0x64: {  	[tilespmem:s9], [sflag:$0x1] =	stream.indirect.gather [hbm4b:s7+s8], $0x40, s26, s8, $0xb8;
	[tilespmem:$0x1E820] =	vst v63  }
0x65: {  	s0 =	sadd.s32 s12, s30;
	s30 =	sshrl.u32 s29, $0x1;
	_ =	swait.ge [sflag:s10], $0xFA00  }
0x66: {  	s30 =	ssub.s32 s29, s30;
	[sflag:s10] =	ssyncset.done $0x0  }
0x67: {  	s28 =	simm.s32 $0x4A38;
	s12 =	smax.u32 s30, $0x1;
	[sflag:s10] =	ssyncadd.s32 $0xFFFF0600  }
0x68: {  	[spmem:s2] =	stream.indirect.scatter.add.f32 [tilespmem:s9], [sflag:$0x3], $0x40, s28, s8, $0xb8;
	[tilespmem:$0x1E820] =	vst v63  }
0x69: {  	p0 =	sne.s32 s12, $0x1;
	_ =	swait.ge [sflag:s11], $0xFA00  }
.Ltmp0:
0x6a: {  	[sflag:s11] =	ssyncset.done $0x0;
	(pc) =	sbr.rel @!p0 .LBB2_2-.Ltmp0, $4  }
0x6b: {  	s0 =	sadd.s32 $0x90800, s0;
	[sflag:s11] =	ssyncadd.s32 $0xFFFF0600  }
0x6c: {  	s29 =	sadd.s32 s31, s0;
	s30 =	sor.u32 $0x1C03, s1;
	[bflag:$0x0] =	sbarrier.arrive $0xFFFF  }
0x6d: {  	[hbm:s29], [sflag:s30] =	dma.local [spmem:s5], $0x1400  }
0x6e: {  	s31 =	sadd.s32 $0xFFFFFFFF, s12;
	_ =	swait.ge [sflag:s11], $0x1400  }
.LBB2_1:
0x6f: {  	s0 =	rddreg [dreg:$0x3]  }
0x70: {  	s1 =	rddreg [dreg:$0x4];
	[sflag:s11] =	ssyncset.done $0x0  }
0x71: {  	s12 =	rddreg [dreg:$0x5];
	[sflag:s11] =	ssyncadd.s32 $0xFFFFEC00  }
0x72: {  	[tilespmem:s3], [sflag:$0x2] =	stream.linear.gather [hbm4b:s0+s3], $0x2710, $0x38;
	[tilespmem:$0x1E820] =	vst v63  }
0x73: {  	s0 =	rddreg [dreg:$0x6]  }
0x74: {  	[tilespmem:s4], [sflag:$0x2] =	stream.linear.gather [hbm4b:s1+s3], $0x2710, $0x38;
	[tilespmem:$0x1E820] =	vst v63  }
0x75: {  	[spmem:s5], [sflag:s0] =	dma.local [hbm:s12], $0x1400  }
0x76: {  	_ =	swait.ge [sflag:s6], $0x2710  }
0x77: {  	[sflag:s6] =	ssyncset.done $0x0  }
0x78: {  	[sflag:s6] =	ssyncadd.s32 $0xFFFFD8F0  }
0x79: {  	_ =	swait.ge [sflag:s6], $0x2710  }
0x7a: {  	[sflag:s6] =	ssyncset.done $0x0  }
0x7b: {  	[sflag:s6] =	ssyncadd.s32 $0xFFFFD8F0  }
0x7c: {  	_ =	swait.ge [sflag:s6], $0x1400  }
0x7d: {  	[sflag:s6] =	ssyncset.done $0x0  }
0x7e: {  	[sflag:s6] =	ssyncadd.s32 $0xFFFFEC00  }
0x7f: {  	[bflag:$0x0] =	sbarrier.arrive $0xFFFF  }
0x80: {  	[tilespmem:s9], [sflag:$0x1] =	stream.indirect.gather [hbm4b:s7+s8], $0x40, s3, s8, $0xb8;
	[tilespmem:$0x1E820] =	vst v63  }
0x81: {  	_ =	swait.ge [sflag:s10], $0xFA00  }
0x82: {  	[sflag:s10] =	ssyncset.done $0x0  }
0x83: {  	[sflag:s10] =	ssyncadd.s32 $0xFFFF0600  }
0x84: {  	[spmem:s2] =	stream.indirect.scatter.add.f32 [tilespmem:s9], [sflag:$0x3], $0x40, s4, s8, $0xb8;
	[tilespmem:$0x1E820] =	vst v63  }
0x85: {  	_ =	swait.ge [sflag:s11], $0xFA00  }
0x86: {  	[sflag:s11] =	ssyncset.done $0x0  }
0x87: {  	[sflag:s11] =	ssyncadd.s32 $0xFFFF0600  }
0x88: {  	[tilespmem:s9], [sflag:$0x1] =	stream.indirect.gather [hbm4b:s7+s8], $0x40, s8, s8, $0xb8;
	[tilespmem:$0x1E820] =	vst v63  }
0x89: {  	_ =	swait.ge [sflag:s10], $0xFA00  }
0x8a: {  	[sflag:s10] =	ssyncset.done $0x0  }
0x8b: {  	s1 =	rddreg [dreg:$0x7];
	[sflag:s10] =	ssyncadd.s32 $0xFFFF0600  }
0x8c: {  	[spmem:s2] =	stream.indirect.scatter.add.f32 [tilespmem:s9], [sflag:$0x3], $0x40, s1, s8, $0xb8;
	[tilespmem:$0x1E820] =	vst v63  }
0x8d: {  	_ =	swait.ge [sflag:s11], $0xFA00  }
0x8e: {  	[sflag:s11] =	ssyncset.done $0x0  }
0x8f: {  	s12 =	simm.s32 $0x7D0;
	[sflag:s11] =	ssyncadd.s32 $0xFFFF0600  }
0x90: {  	[tilespmem:s9], [sflag:$0x1] =	stream.indirect.gather [hbm4b:s7+s8], $0x40, s12, s8, $0xb8;
	[tilespmem:$0x1E820] =	vst v63  }
0x91: {  	_ =	swait.ge [sflag:s10], $0xFA00  }
0x92: {  	[sflag:s10] =	ssyncset.done $0x0  }
0x93: {  	[sflag:s10] =	ssyncadd.s32 $0xFFFF0600  }
0x94: {  	[spmem:s2] =	stream.indirect.scatter.add.f32 [tilespmem:s9], [sflag:$0x3], $0x40, s13, s8, $0xb8;
	[tilespmem:$0x1E820] =	vst v63  }
0x95: {  	_ =	swait.ge [sflag:s11], $0xFA00  }
0x96: {  	[sflag:s11] =	ssyncset.done $0x0  }
0x97: {  	[sflag:s11] =	ssyncadd.s32 $0xFFFF0600  }
0x98: {  	[tilespmem:s9], [sflag:$0x1] =	stream.indirect.gather [hbm4b:s7+s8], $0x40, s14, s8, $0xb8;
	[tilespmem:$0x1E820] =	vst v63  }
0x99: {  	_ =	swait.ge [sflag:s10], $0xFA00  }
0x9a: {  	[sflag:s10] =	ssyncset.done $0x0  }
0x9b: {  	[sflag:s10] =	ssyncadd.s32 $0xFFFF0600  }
0x9c: {  	[spmem:s2] =	stream.indirect.scatter.add.f32 [tilespmem:s9], [sflag:$0x3], $0x40, s15, s8, $0xb8;
	[tilespmem:$0x1E820] =	vst v63  }
0x9d: {  	_ =	swait.ge [sflag:s11], $0xFA00  }
0x9e: {  	[sflag:s11] =	ssyncset.done $0x0  }
0x9f: {  	[sflag:s11] =	ssyncadd.s32 $0xFFFF0600  }
0xa0: {  	[tilespmem:s9], [sflag:$0x1] =	stream.indirect.gather [hbm4b:s7+s8], $0x40, s16, s8, $0xb8;
	[tilespmem:$0x1E820] =	vst v63  }
0xa1: {  	_ =	swait.ge [sflag:s10], $0xFA00  }
0xa2: {  	[sflag:s10] =	ssyncset.done $0x0  }
0xa3: {  	[sflag:s10] =	ssyncadd.s32 $0xFFFF0600  }
0xa4: {  	[spmem:s2] =	stream.indirect.scatter.add.f32 [tilespmem:s9], [sflag:$0x3], $0x40, s17, s8, $0xb8;
	[tilespmem:$0x1E820] =	vst v63  }
0xa5: {  	_ =	swait.ge [sflag:s11], $0xFA00  }
0xa6: {  	[sflag:s11] =	ssyncset.done $0x0  }
0xa7: {  	[sflag:s11] =	ssyncadd.s32 $0xFFFF0600  }
0xa8: {  	[tilespmem:s9], [sflag:$0x1] =	stream.indirect.gather [hbm4b:s7+s8], $0x40, s18, s8, $0xb8;
	[tilespmem:$0x1E820] =	vst v63  }
0xa9: {  	_ =	swait.ge [sflag:s10], $0xFA00  }
0xaa: {  	[sflag:s10] =	ssyncset.done $0x0  }
0xab: {  	[sflag:s10] =	ssyncadd.s32 $0xFFFF0600  }
0xac: {  	[spmem:s2] =	stream.indirect.scatter.add.f32 [tilespmem:s9], [sflag:$0x3], $0x40, s19, s8, $0xb8;
	[tilespmem:$0x1E820] =	vst v63  }
0xad: {  	_ =	swait.ge [sflag:s11], $0xFA00  }
0xae: {  	[sflag:s11] =	ssyncset.done $0x0  }
0xaf: {  	[sflag:s11] =	ssyncadd.s32 $0xFFFF0600  }
0xb0: {  	[tilespmem:s9], [sflag:$0x1] =	stream.indirect.gather [hbm4b:s7+s8], $0x40, s20, s8, $0xb8;
	[tilespmem:$0x1E820] =	vst v63  }
0xb1: {  	_ =	swait.ge [sflag:s10], $0xFA00  }
0xb2: {  	[sflag:s10] =	ssyncset.done $0x0  }
0xb3: {  	[sflag:s10] =	ssyncadd.s32 $0xFFFF0600  }
0xb4: {  	[spmem:s2] =	stream.indirect.scatter.add.f32 [tilespmem:s9], [sflag:$0x3], $0x40, s21, s8, $0xb8;
	[tilespmem:$0x1E820] =	vst v63  }
0xb5: {  	_ =	swait.ge [sflag:s11], $0xFA00  }
0xb6: {  	[sflag:s11] =	ssyncset.done $0x0  }
0xb7: {  	[sflag:s11] =	ssyncadd.s32 $0xFFFF0600  }
0xb8: {  	[tilespmem:s9], [sflag:$0x1] =	stream.indirect.gather [hbm4b:s7+s8], $0x40, s22, s8, $0xb8;
	[tilespmem:$0x1E820] =	vst v63  }
0xb9: {  	_ =	swait.ge [sflag:s10], $0xFA00  }
0xba: {  	[sflag:s10] =	ssyncset.done $0x0  }
0xbb: {  	[sflag:s10] =	ssyncadd.s32 $0xFFFF0600  }
0xbc: {  	[spmem:s2] =	stream.indirect.scatter.add.f32 [tilespmem:s9], [sflag:$0x3], $0x40, s23, s8, $0xb8;
	[tilespmem:$0x1E820] =	vst v63  }
0xbd: {  	_ =	swait.ge [sflag:s11], $0xFA00  }
0xbe: {  	[sflag:s11] =	ssyncset.done $0x0  }
0xbf: {  	[sflag:s11] =	ssyncadd.s32 $0xFFFF0600  }
0xc0: {  	[tilespmem:s9], [sflag:$0x1] =	stream.indirect.gather [hbm4b:s7+s8], $0x40, s24, s8, $0xb8;
	[tilespmem:$0x1E820] =	vst v63  }
0xc1: {  	_ =	swait.ge [sflag:s10], $0xFA00  }
0xc2: {  	[sflag:s10] =	ssyncset.done $0x0  }
0xc3: {  	[sflag:s10] =	ssyncadd.s32 $0xFFFF0600  }
0xc4: {  	[spmem:s2] =	stream.indirect.scatter.add.f32 [tilespmem:s9], [sflag:$0x3], $0x40, s25, s8, $0xb8;
	[tilespmem:$0x1E820] =	vst v63  }
0xc5: {  	_ =	swait.ge [sflag:s11], $0xFA00  }
0xc6: {  	[sflag:s11] =	ssyncset.done $0x0  }
0xc7: {  	[sflag:s11] =	ssyncadd.s32 $0xFFFF0600  }
0xc8: {  	[tilespmem:s9], [sflag:$0x1] =	stream.indirect.gather [hbm4b:s7+s8], $0x40, s26, s8, $0xb8;
	[tilespmem:$0x1E820] =	vst v63  }
0xc9: {  	_ =	swait.ge [sflag:s10], $0xFA00  }
0xca: {  	[sflag:s10] =	ssyncset.done $0x0  }
0xcb: {  	[sflag:s10] =	ssyncadd.s32 $0xFFFF0600  }
0xcc: {  	[spmem:s2] =	stream.indirect.scatter.add.f32 [tilespmem:s9], [sflag:$0x3], $0x40, s28, s8, $0xb8;
	[tilespmem:$0x1E820] =	vst v63  }
0xcd: {  	p0 =	sne.s32 s31, $0x1;
	_ =	swait.ge [sflag:s11], $0xFA00  }
.Ltmp1:
0xce: {  	[sflag:s11] =	ssyncset.done $0x0;
	(pc) =	sbr.rel @p0 .LBB2_1-.Ltmp1, $4  }
0xcf: {  	[sflag:s11] =	ssyncadd.s32 $0xFFFF0600  }
0xd0: {  	[bflag:$0x0] =	sbarrier.arrive $0xFFFF  }
0xd1: {  	[hbm:s29], [sflag:s30] =	dma.local [spmem:s5], $0x1400  }
0xd2: {  	s31 =	sadd.s32 $0xFFFFFFFF, s31;
	_ =	swait.ge [sflag:s11], $0x1400  }
.LBB2_2:
0xd3: {  	[sflag:s11] =	ssyncset.done $0x0  }
0xd4: {  	[sflag:s11] =	ssyncadd.s32 $0xFFFFEC00  }
0xd5: {  	_ =	sfence.sel $0x180000  }
0xd6: {  	[bflag:$0x0] =	sbarrier.arrive $0xFFFF  }
0xd7: {  	_ =	strace $0x90000050  }
0xd8: {  	s0 =	stileid.u32;
	[bflag:$0x2] =	sbarrier.arrive $0xFFFF  }
0xd9: {  	p0 =	sne.s32 s0, $0x0;
	s0 =	rddreg [dreg:$0x2]  }
0xda: {  	s0 =	sadd.s32 @!p0 $0x100000, s0  }
0xdb: {  	[sflag:s0] =	ssyncadd.tile.s32 @!p0 $0x1;
	_ =	shalt  }
.Lfunc_end2:
_tile_overlayer_lowered:
.L_overlay_start_2:
0xdc: {  	(tag) =	ssettag $0x2  }
0xdd: {  	s0 =	rddreg [dreg:$0x0];
	s2 =	stileid.u32  }
0xde: {  	s1 =	rddreg [dreg:$0x1];
	p0 =	sne.s32 s2, $0x0  }
0xdf: {  	s3 =	rddreg [dreg:$0x2];
	[bflag:$0x3] =	sbarrier.arrive $0xFFFF;
	s2 =	simm.s32 @!p0 $0x1C03  }
0xe0: {  	[timem:s3], [sflag:s2] =	dma.local @!p0 [hbm:s0], s1  }
0xe1: {  	s0 =	simm.s32 @!p0 $0x3  }
0xe2: {  	_ =	swait.ge @!p0 [sflag:s0], s1  }
0xe3: {  	s1 =	ssub.s32 @!p0 $0x0, s1;
	[sflag:s0] =	ssyncset.done @!p0 $0x0  }
0xe4: {  	[sflag:s0] =	ssyncadd.s32 @!p0 s1  }
0xe5: {  	[bflag:$0x3] =	sbarrier.arrive $0xFFFF  }
0xe6: {  	_ =	shalt  }

// kernel: kernel.37.cloned.1.call-start
scs
__scs_entry_jumppad:
0x0: {  	(pc) =	sbr.rel $0x88, $3  }
0x1: {  	(tag) =	ssettag $0x0;
	lr =	simm.s32 $0x1  }
0x2: {  	[smem:$0x3F9B] =	sst lr;
	_ =	strace $0xD0000000  }
0x3: {  	_ = 	snop  }
0x4: {  	_ = 	snop  }
0x5: {  	_ = 	snop  }
0x6: {  	_ = 	snop  }
0x7: {  	_ = 	snop  }
__scs_overlays_trampoline_lowered:
0x8: {  	[smem:$0x3FAA] =	sst s0  }
0x9: {  	[smem:$0x3FAB] =	sst s1  }
0xa: {  	[smem:$0x3FAC] =	sst s2  }
0xb: {  	[smem:$0x3FAD] =	sst s3  }
0xc: {  	[smem:$0x3FAE] =	sst s4  }
0xd: {  	[smem:$0x3FAF] =	sst s5  }
0xe: {  	[smem:$0x3FB0] =	sst s6  }
0xf: {  	[smem:$0x3FB1] =	sst s7  }
0x10: {  	[smem:$0x3FB2] =	sst s8  }
0x11: {  	[smem:$0x3FB3] =	sst s9;
	s0 =	simm.s32 @!p0 $0x0  }
0x12: {  	s1 =	sld [smem:$0x3F99];
	s0 =	simm.s32 @p0 $0x1  }
0x13: {  	[smem:$0x3FB4] =	sst s0;
	s0 =	simm.s32 @!p1 $0x0  }
0x14: {  	s2 =	sld [smem:$0x3F98];
	s0 =	simm.s32 @p1 $0x1  }
0x15: {  	[smem:$0x3FB5] =	sst s0;
	s0 =	simm.s32 @!p2 $0x0  }
0x16: {  	s3 =	sld [smem:$0x3FDB];
	s0 =	simm.s32 @p2 $0x1  }
0x17: {  	s4 =	simm.s32 $0x1BF5;
	[smem:$0x3FB7] =	sst s0  }
0x18: {  	s0 =	sld [smem:$0x3F9A];
	_ =	swait.ge [sflag:s4], $0x0  }
0x19: {  	s7 =	sld [smem:$0x3F9B]  }
0x1a: {  	s8 =	sadd.s32 $0xFFFFE003, lr  }
0x1b: {  	s9 =	sadd.s32 $0xFFFFFEF7, lr;
	s5 =	simm.s32 $0xFFFFFFFF;
	p2 =	slt.u32 s8, $0xFFFFF086  }
0x1c: {  	p1 =	slt.u32 s9, $0xF7A;
	s5 =	simm.s32 @!p2 $0x0  }
0x1d: {  	s5 =	simm.s32 @p1 $0x1;
	p0 =	seq.s32 s7, s2  }
0x1e: {  	s7 =	smul.u32 @!p0 $0xF7A, s2;
	p2 =	seq.s32 @!p0 s5, $0x0  }
0x1f: {  	s9 =	smul.u32 $0xF7A, s1;
	s8 =	simm.s32 @!p0 $0x1BF5;
	p2 =	por !p2, p0  }
0x20: {  	[sflag:s8] =	ssyncset.s32 @!p0 $0xFFFFF086;
	s6 =	sadd.s32 @!p0 s3, s7;
	s7 =	simm.s32 @!p0 $0x108  }
0x21: {  	s3 =	sadd.s32 s3, s9;
	s6 =	sadd.s32 @!p0 $0x88, s6;
	s7 =	simm.s32 @p2 $0x1082  }
0x22: {  	[simem:s7], [sflag:s8] =	dma.local @!p0 [hbm:s6], $0xF7A  }
0x23: {  	s9 =	sor.u32 $0xD0000000, s2;
	s6 =	simm.s32 $0x108;
	_ =	swait.ge @!p0 [sflag:s8], $0x0  }
0x24: {  	s3 =	sadd.s32 $0x88, s3;
	s6 =	simm.s32 @!p1 $0x1082;
	[sflag:s4] =	ssyncset.s32 $0xFFFFF086  }
0x25: {  	[simem:s6], [sflag:s4] =	dma.local [hbm:s3], $0xF7A  }
0x26: {  	[smem:$0x3F9B] =	sst s1;
	(tag) =	ssettag s2;
	_ =	strace s9  }
0x27: {  	s1 =	sld [smem:$0x3FAB]  }
0x28: {  	s2 =	sld [smem:$0x3FAC]  }
0x29: {  	s4 =	sld [smem:$0x3FAE]  }
0x2a: {  	p0 =	seq.s32 s5, $0x0;
	s5 =	sld [smem:$0x3FAF]  }
0x2b: {  	s6 =	sld [smem:$0x3FB0]  }
0x2c: {  	s7 =	sld [smem:$0x3FB1]  }
0x2d: {  	s3 =	simm.s32 $0x108;
	s8 =	sld [smem:$0x3FB2]  }
0x2e: {  	s3 =	simm.s32 @!p0 $0x1082;
	s9 =	sld [smem:$0x3FB3]  }
0x2f: {  	lr =	sadd.s32 s0, s3;
	s0 =	sld [smem:$0x3FAA]  }
0x30: {  	s3 =	sld [smem:$0x3FAD]  }
0x31: {  	[smem:$0x3FB6] =	sst s10  }
0x32: {  	s10 =	sld [smem:$0x3FB4];
	_ =	sdelay $0x3  }
0x33: {  	p0 =	seq.s32 s10, $0x1;
	s10 =	sld [smem:$0x3FB6];
	_ =	sdelay $0x3  }
0x34: {  	[smem:$0x3FB6] =	sst s10  }
0x35: {  	s10 =	sld [smem:$0x3FB5];
	_ =	sdelay $0x3  }
0x36: {  	p1 =	seq.s32 s10, $0x1;
	s10 =	sld [smem:$0x3FB6];
	_ =	sdelay $0x3  }
0x37: {  	[smem:$0x3FB6] =	sst s10  }
0x38: {  	s10 =	sld [smem:$0x3FB7]  }
0x39: {  	_ = 	snop;
	(pc) =	sbr.ind lr, $3  }
0x3a: {  	_ = 	snop  }
0x3b: {  	_ = 	snop  }
0x3c: {  	p2 =	seq.s32 s10, $0x1;
	s10 =	sld [smem:$0x3FB6]  }
0x3d: {  	_ =	shalt  }
0x3e: {  	_ =	shalt  }
0x3f: {  	_ =	shalt  }
0x40: {  	_ =	shalt  }
0x41: {  	_ =	shalt  }
0x42: {  	_ =	shalt  }
0x43: {  	_ =	shalt  }
0x44: {  	_ =	shalt  }
0x45: {  	_ =	shalt  }
0x46: {  	_ =	shalt  }
0x47: {  	_ =	shalt  }
0x48: {  	_ =	shalt  }
0x49: {  	_ =	shalt  }
0x4a: {  	_ =	shalt  }
0x4b: {  	_ =	shalt  }
0x4c: {  	_ =	shalt  }
0x4d: {  	_ =	shalt  }
0x4e: {  	_ =	shalt  }
0x4f: {  	_ =	shalt  }
0x50: {  	_ =	shalt  }
0x51: {  	_ =	shalt  }
0x52: {  	_ =	shalt  }
0x53: {  	_ =	shalt  }
0x54: {  	_ =	shalt  }
0x55: {  	_ =	shalt  }
0x56: {  	_ =	shalt  }
0x57: {  	_ =	shalt  }
0x58: {  	_ =	shalt  }
0x59: {  	_ =	shalt  }
0x5a: {  	_ =	shalt  }
0x5b: {  	_ =	shalt  }
0x5c: {  	_ =	shalt  }
0x5d: {  	_ =	shalt  }
0x5e: {  	_ =	shalt  }
0x5f: {  	_ =	shalt  }
0x60: {  	_ =	shalt  }
0x61: {  	_ =	shalt  }
0x62: {  	_ =	shalt  }
0x63: {  	_ =	shalt  }
0x64: {  	_ =	shalt  }
0x65: {  	_ =	shalt  }
0x66: {  	_ =	shalt  }
0x67: {  	_ =	shalt  }
0x68: {  	_ =	shalt  }
0x69: {  	_ =	shalt  }
0x6a: {  	_ =	shalt  }
0x6b: {  	_ =	shalt  }
0x6c: {  	_ =	shalt  }
0x6d: {  	_ =	shalt  }
0x6e: {  	_ =	shalt  }
0x6f: {  	_ =	shalt  }
0x70: {  	_ =	shalt  }
0x71: {  	_ =	shalt  }
0x72: {  	_ =	shalt  }
0x73: {  	_ =	shalt  }
0x74: {  	_ =	shalt  }
0x75: {  	_ =	shalt  }
0x76: {  	_ =	shalt  }
0x77: {  	_ =	shalt  }
0x78: {  	_ =	shalt  }
0x79: {  	_ =	shalt  }
0x7a: {  	_ =	shalt  }
0x7b: {  	_ =	shalt  }
0x7c: {  	_ =	shalt  }
0x7d: {  	_ =	shalt  }
0x7e: {  	_ =	shalt  }
0x7f: {  	_ =	shalt  }
0x80: {  	_ =	shalt  }
0x81: {  	_ =	shalt  }
0x82: {  	_ =	shalt  }
0x83: {  	_ =	shalt  }
0x84: {  	_ =	shalt  }
0x85: {  	_ =	shalt  }
0x86: {  	_ =	shalt  }
0x87: {  	_ =	shalt  }
.Lfunc_end0:
.L_simem_size_0:
called_computation.4_lowered:
.L_overlay_start_0:
0x88: {  	s2 =	sld [smem:$0x3FD9]  }
0x89: {  	s3 =	sld [smem:$0x3FFE];
	_ =	sdelay $0x1  }
0x8a: {  	s1 =	srdreg.scid  }
0x8b: {  	s0 =	sand.u32 $0x1, s1  }
0x8c: {  	s16 =	sshll.u32 s0, $0xA;
	s2 =	sadd.s32 s3, s2  }
0x8d: {  	s2 =	sadd.s32 s2, s16  }
0x8e: {  	[smem:$0x3FC2] =	sst s2  }
0x8f: {  	_ = 	snop  }
0x90: {  	(tm) =	ssettm $0x1  }
0x91: {  	s17 =	sld [smem:$0x3FFB];
	_ =	sdelay $0x3  }
0x92: {  	_ =	strace s17  }
0x93: {  	s2 =	sld [smem:$0x3FFC];
	_ =	sdelay $0x3  }
0x94: {  	_ =	strace s2  }
0x95: {  	s2 =	sld [smem:$0x3FFD];
	_ =	sdelay $0x3  }
0x96: {  	_ =	strace s2  }
0x97: {  	_ =	strace $0x8FFFFFFF  }
0x98: {  	s18 =	sld [smem:$0x3FDB];
	_ =	sdelay $0x1  }
0x99: {  	s19 =	simm.s32 $_scs_section_size  }
0x9a: {  	s4 =	simm.s32 $_size__tile_overlayer_lowered;
	s5 =	simm.s32 $_tile_overlayer_lowered  }
0x9b: {  	s22 =	simm.s32 $0x1BFF;
	s21 =	sshll.u32 s5, $0x1;
	s2 =	sadd.s32 s19, s18  }
0x9c: {  	s6 =	simm.s32 $0x0;
	s20 =	sshll.u32 s4, $0x1;
	s4 =	sadd.s32 s21, s2  }
0x9d: {  	[timem:s6], [sflag:s22] =	dma.local [hbm:s4], s20  }
0x9e: {  	_ =	swait.ge [sflag:s22], s20  }
0x9f: {  	s3 =	ssub.s32 $0x0, s20;
	[sflag:s22] =	ssyncset.done $0x0  }
0xa0: {  	[sflag:s22] =	ssyncadd.s32 s3;
	_ =	sdelay $0x1  }
0xa1: {  	s23 =	simm.s32 $0x1B8B  }
0xa2: {  	_ =	swait.ge [sflag:s23], $0x1  }
0xa3: {  	[sflag:s23] =	ssyncset.done $0x0  }
0xa4: {  	s25 =	simm.s32 $0x1B8E;
	s24 =	sld [smem:$0x3FFE];
	[sflag:s23] =	ssyncadd.s32 $0xFFFFFFFF  }
0xa5: {  	s26 =	simm.s32 $execute0_lowered;
	[smem:$0x3FD2] =	sst s25  }
0xa6: {  	s4 =	sshll.u32 s26, $0x1;
	_ =	strace $0x80000052;
	[dreg:$0x1] =	wrdreg $0xFFFFFFFF  }
0xa7: {  	s28 =	simm.s32 $_size_execute0_lowered;
	s2 =	sadd.s32 s2, s4;
	[dreg:$0x0] =	wrdreg $0x0  }
0xa8: {  	s4 =	sshll.u32 s28, $0x1;
	[dreg:$0x2] =	wrdreg s2  }
0xa9: {  	[dreg:$0x3] =	wrdreg s4  }
0xaa: {  	[dreg:$0x4] =	wrdreg $0xC0  }
0xab: {  	_ =	task [dreg:s6], $0x5FFFF  }
0xac: {  	[dreg:$0x1] =	wrdreg $0xFFFFFFFF  }
0xad: {  	[dreg:$0x0] =	wrdreg $0x60  }
0xae: {  	[dreg:$0x2] =	wrdreg s24  }
0xaf: {  	[dreg:$0x3] =	wrdreg $0x148200  }
0xb0: {  	[dreg:$0x4] =	wrdreg $0x9  }
0xb1: {  	_ =	task.clear_ibuf [dreg:s6], $0x5FFFF;
	_ =	strace $0x90000052  }
0xb2: {  	s29 =	simm.s32 $0x9;
	_ =	strace $0x80000054  }
0xb3: {  	_ =	swait.ge [sflag:s29], $0x1  }
0xb4: {  	[sflag:s29] =	ssyncadd.s32 $0xFFFFFFFF  }
0xb5: {  	_ =	strace $0x90000054  }
0xb6: {  	_ =	sfence  }
0xb7: {  	s30 =	sld [smem:$0x0];
	_ =	sdelay $0x2  }
0xb8: {  	s31 =	sshll.u32 s1, $0xD;
	s1 =	sshrl.u32 s1, $0x2  }
0xb9: {  	s3 =	sand.u32 $0x4000, s31;
	s1 =	sadd.s32 s1, s30  }
0xba: {  	s0 =	sor.u32 s3, s0;
	s1 =	sshll.u32 s1, $0x11  }
0xbb: {  	s0 =	sor.u32 s1, s0  }
0xbc: {  	s0 =	sadd.s32 $0x8F2B, s0  }
0xbd: {  	[sflag:s0] =	ssyncadd.remote.s32 $0x1  }
0xbe: {  	_ =	sfence.sel $0xFFFF  }
0xbf: {  	[dreg:$0x0] =	wrdreg $0xFFFFFFFF;
	(pc) =	sbr.abs _section_cstart, $3  }
0xc0: {  	[dreg:$0x1] =	wrdreg $0xFFFFFFFF  }
0xc1: {  	_ =	task.clear_ibuf [dreg:s6], $0x2FFFF;
	_ =	strace $0x9FFFFFFF  }
0xc2: {  	(tm) =	ssettm $0x7FFFFFFF  }
0xc3: {  	_ =	shalt  }
tec
execute0_lowered:
.L_overlay_start_1:
0x0: {  	(tag) =	ssettag $0x1  }
0x1: {  	s0 =	srdreg.scid;
	s21 =	stileid.u32  }
0x2: {  	s30 =	rddreg [dreg:$0x0];
	s29 =	sand.u32 $0x1, s0;
	s4 =	smul.u32 $0xA000, s21  }
0x3: {  	s2 =	rddreg [dreg:$0x1];
	s3 =	simm.s32 $0x0;
	s1 =	sshll.u32 s29, $0x4  }
0x4: {  	s9 =	simm.s32 $0x2AF8;
	s1 =	sor.u32 s21, s1;
	s31 =	sshrl.u32 s4, $0x3  }
0x5: {  	[smem:$0x7FF] =	sst s3;
	s1 =	smul.u32 $0x4E2, s1;
	s6 =	sadd.s32 s31, s30  }
0x6: {  	_ =	strace $0x80000053;
	[dreg:$0x7] =	wrdreg s9;
	s22 =	sadd.s32 $0x7C800, s6  }
0x7: {  	s1 =	sadd.s32 s1, s30;
	[dreg:$0x5] =	wrdreg s22  }
0x8: {  	s5 =	sadd.s32 $0x4C00, s1;
	s8 =	rddreg [dreg:$0x5]  }
0x9: {  	s1 =	sadd.s32 $0xEA00, s1;
	[dreg:$0x3] =	wrdreg s5  }
0xa: {  	[dreg:$0x4] =	wrdreg s1  }
0xb: {  	s1 =	sshll.u32 s21, $0x6;
	s24 =	rddreg [dreg:$0x3]  }
0xc: {  	s23 =	sor.u32 $0x1C02, s1;
	s7 =	rddreg [dreg:$0x4]  }
0xd: {  	s25 =	sadd.s32 s4, s2;
	s4 =	simm.s32 $0x2710;
	[dreg:$0x6] =	wrdreg s23  }
0xe: {  	[tilespmem:s3], [sflag:$0x2] =	stream.linear.gather [hbm4b:s24+s3], $0x2710, $0x38;
	[tilespmem:$0x1E820] =	vst v63  }
0xf: {  	s6 =	simm.s32 $0x2;
	s5 =	sshrl.u32 s25, $0x3;
	s10 =	rddreg [dreg:$0x6]  }
0x10: {  	[tilespmem:s4], [sflag:$0x2] =	stream.linear.gather [hbm4b:s7+s3], $0x2710, $0x38;
	[tilespmem:$0x1E820] =	vst v63  }
0x11: {  	[spmem:s5], [sflag:s10] =	dma.local [hbm:s8], $0x1400  }
0x12: {  	_ =	swait.ge [sflag:s6], $0x2710  }
0x13: {  	[sflag:s6] =	ssyncset.done $0x0  }
0x14: {  	[sflag:s6] =	ssyncadd.s32 $0xFFFFD8F0  }
0x15: {  	_ =	swait.ge [sflag:s6], $0x2710  }
0x16: {  	[sflag:s6] =	ssyncset.done $0x0  }
0x17: {  	[sflag:s6] =	ssyncadd.s32 $0xFFFFD8F0  }
0x18: {  	_ =	swait.ge [sflag:s6], $0x1400  }
0x19: {  	[sflag:s6] =	ssyncset.done $0x0  }
0x1a: {  	s9 =	simm.s32 $0x4E20;
	s7 =	sadd.s32 $0x68800, s30;
	[sflag:s6] =	ssyncadd.s32 $0xFFFFEC00  }
0x1b: {  	s8 =	simm.s32 $0x3E8;
	s10 =	simm.s32 $0x1;
	[bflag:$0x0] =	sbarrier.arrive $0xFFFF  }
0x1c: {  	[tilespmem:s9], [sflag:$0x1] =	stream.indirect.gather [hbm4b:s7+s8], $0x40, s3, s8, $0xb8;
	[tilespmem:$0x1E820] =	vst v63  }
0x1d: {  	_ =	swait.ge [sflag:s10], $0xFA00  }
0x1e: {  	[sflag:s10] =	ssyncset.done $0x0  }
0x1f: {  	s11 =	simm.s32 $0x3;
	[sflag:s10] =	ssyncadd.s32 $0xFFFF0600  }
0x20: {  	[spmem:s2] =	stream.indirect.scatter.add.f32 [tilespmem:s9], [sflag:$0x3], $0x40, s4, s8, $0xb8;
	[tilespmem:$0x1E820] =	vst v63  }
0x21: {  	_ =	swait.ge [sflag:s11], $0xFA00  }
0x22: {  	[sflag:s11] =	ssyncset.done $0x0  }
0x23: {  	[sflag:s11] =	ssyncadd.s32 $0xFFFF0600  }
0x24: {  	[tilespmem:s9], [sflag:$0x1] =	stream.indirect.gather [hbm4b:s7+s8], $0x40, s8, s8, $0xb8;
	[tilespmem:$0x1E820] =	vst v63  }
0x25: {  	_ =	swait.ge [sflag:s10], $0xFA00  }
0x26: {  	[sflag:s10] =	ssyncset.done $0x0  }
0x27: {  	s12 =	rddreg [dreg:$0x7];
	[sflag:s10] =	ssyncadd.s32 $0xFFFF0600  }
0x28: {  	[spmem:s2] =	stream.indirect.scatter.add.f32 [tilespmem:s9], [sflag:$0x3], $0x40, s12, s8, $0xb8;
	[tilespmem:$0x1E820] =	vst v63  }
0x29: {  	_ =	swait.ge [sflag:s11], $0xFA00  }
0x2a: {  	[sflag:s11] =	ssyncset.done $0x0  }
0x2b: {  	s26 =	simm.s32 $0x7D0;
	[sflag:s11] =	ssyncadd.s32 $0xFFFF0600  }
0x2c: {  	[tilespmem:s9], [sflag:$0x1] =	stream.indirect.gather [hbm4b:s7+s8], $0x40, s26, s8, $0xb8;
	[tilespmem:$0x1E820] =	vst v63  }
0x2d: {  	_ =	swait.ge [sflag:s10], $0xFA00  }
0x2e: {  	[sflag:s10] =	ssyncset.done $0x0  }
0x2f: {  	s13 =	simm.s32 $0x2EE0;
	[sflag:s10] =	ssyncadd.s32 $0xFFFF0600  }
0x30: {  	[spmem:s2] =	stream.indirect.scatter.add.f32 [tilespmem:s9], [sflag:$0x3], $0x40, s13, s8, $0xb8;
	[tilespmem:$0x1E820] =	vst v63  }
0x31: {  	_ =	swait.ge [sflag:s11], $0xFA00  }
0x32: {  	[sflag:s11] =	ssyncset.done $0x0  }
0x33: {  	s14 =	simm.s32 $0xBB8;
	[sflag:s11] =	ssyncadd.s32 $0xFFFF0600  }
0x34: {  	[tilespmem:s9], [sflag:$0x1] =	stream.indirect.gather [hbm4b:s7+s8], $0x40, s14, s8, $0xb8;
	[tilespmem:$0x1E820] =	vst v63  }
0x35: {  	_ =	swait.ge [sflag:s10], $0xFA00  }
0x36: {  	[sflag:s10] =	ssyncset.done $0x0  }
0x37: {  	s15 =	simm.s32 $0x32C8;
	[sflag:s10] =	ssyncadd.s32 $0xFFFF0600  }
0x38: {  	[spmem:s2] =	stream.indirect.scatter.add.f32 [tilespmem:s9], [sflag:$0x3], $0x40, s15, s8, $0xb8;
	[tilespmem:$0x1E820] =	vst v63  }
0x39: {  	_ =	swait.ge [sflag:s11], $0xFA00  }
0x3a: {  	[sflag:s11] =	ssyncset.done $0x0  }
0x3b: {  	s16 =	simm.s32 $0xFA0;
	[sflag:s11] =	ssyncadd.s32 $0xFFFF0600  }
0x3c: {  	[tilespmem:s9], [sflag:$0x1] =	stream.indirect.gather [hbm4b:s7+s8], $0x40, s16, s8, $0xb8;
	[tilespmem:$0x1E820] =	vst v63  }
0x3d: {  	_ =	swait.ge [sflag:s10], $0xFA00  }
0x3e: {  	[sflag:s10] =	ssyncset.done $0x0  }
0x3f: {  	s17 =	simm.s32 $0x36B0;
	[sflag:s10] =	ssyncadd.s32 $0xFFFF0600  }
0x40: {  	[spmem:s2] =	stream.indirect.scatter.add.f32 [tilespmem:s9], [sflag:$0x3], $0x40, s17, s8, $0xb8;
	[tilespmem:$0x1E820] =	vst v63  }
0x41: {  	_ =	swait.ge [sflag:s11], $0xFA00  }
0x42: {  	[sflag:s11] =	ssyncset.done $0x0  }
0x43: {  	s18 =	simm.s32 $0x1388;
	[sflag:s11] =	ssyncadd.s32 $0xFFFF0600  }
0x44: {  	[tilespmem:s9], [sflag:$0x1] =	stream.indirect.gather [hbm4b:s7+s8], $0x40, s18, s8, $0xb8;
	[tilespmem:$0x1E820] =	vst v63  }
0x45: {  	_ =	swait.ge [sflag:s10], $0xFA00  }
0x46: {  	[sflag:s10] =	ssyncset.done $0x0  }
0x47: {  	s19 =	simm.s32 $0x3A98;
	[sflag:s10] =	ssyncadd.s32 $0xFFFF0600  }
0x48: {  	[spmem:s2] =	stream.indirect.scatter.add.f32 [tilespmem:s9], [sflag:$0x3], $0x40, s19, s8, $0xb8;
	[tilespmem:$0x1E820] =	vst v63  }
0x49: {  	_ =	swait.ge [sflag:s11], $0xFA00  }
0x4a: {  	[sflag:s11] =	ssyncset.done $0x0  }
0x4b: {  	s20 =	simm.s32 $0x1770;
	[sflag:s11] =	ssyncadd.s32 $0xFFFF0600  }
0x4c: {  	[tilespmem:s9], [sflag:$0x1] =	stream.indirect.gather [hbm4b:s7+s8], $0x40, s20, s8, $0xb8;
	[tilespmem:$0x1E820] =	vst v63  }
0x4d: {  	_ =	swait.ge [sflag:s10], $0xFA00  }
0x4e: {  	[sflag:s10] =	ssyncset.done $0x0  }
0x4f: {  	s21 =	simm.s32 $0x3E80;
	[sflag:s10] =	ssyncadd.s32 $0xFFFF0600  }
0x50: {  	[spmem:s2] =	stream.indirect.scatter.add.f32 [tilespmem:s9], [sflag:$0x3], $0x40, s21, s8, $0xb8;
	[tilespmem:$0x1E820] =	vst v63  }
0x51: {  	_ =	swait.ge [sflag:s11], $0xFA00  }
0x52: {  	[sflag:s11] =	ssyncset.done $0x0  }
0x53: {  	s22 =	simm.s32 $0x1B58;
	[sflag:s11] =	ssyncadd.s32 $0xFFFF0600  }
0x54: {  	[tilespmem:s9], [sflag:$0x1] =	stream.indirect.gather [hbm4b:s7+s8], $0x40, s22, s8, $0xb8;
	[tilespmem:$0x1E820] =	vst v63  }
0x55: {  	_ =	swait.ge [sflag:s10], $0xFA00  }
0x56: {  	[sflag:s10] =	ssyncset.done $0x0  }
0x57: {  	s23 =	simm.s32 $0x4268;
	[sflag:s10] =	ssyncadd.s32 $0xFFFF0600  }
0x58: {  	[spmem:s2] =	stream.indirect.scatter.add.f32 [tilespmem:s9], [sflag:$0x3], $0x40, s23, s8, $0xb8;
	[tilespmem:$0x1E820] =	vst v63  }
0x59: {  	_ =	swait.ge [sflag:s11], $0xFA00  }
0x5a: {  	[sflag:s11] =	ssyncset.done $0x0  }
0x5b: {  	s24 =	simm.s32 $0x1F40;
	[sflag:s11] =	ssyncadd.s32 $0xFFFF0600  }
0x5c: {  	[tilespmem:s9], [sflag:$0x1] =	stream.indirect.gather [hbm4b:s7+s8], $0x40, s24, s8, $0xb8;
	[tilespmem:$0x1E820] =	vst v63  }
0x5d: {  	_ =	swait.ge [sflag:s10], $0xFA00  }
0x5e: {  	[sflag:s10] =	ssyncset.done $0x0  }
0x5f: {  	s25 =	simm.s32 $0x4650;
	[sflag:s10] =	ssyncadd.s32 $0xFFFF0600  }
0x60: {  	[spmem:s2] =	stream.indirect.scatter.add.f32 [tilespmem:s9], [sflag:$0x3], $0x40, s25, s8, $0xb8;
	[tilespmem:$0x1E820] =	vst v63  }
0x61: {  	_ =	swait.ge [sflag:s11], $0xFA00  }
0x62: {  	s12 =	smul.u32 $0x14000, s29;
	[sflag:s11] =	ssyncset.done $0x0  }
0x63: {  	s29 =	ssub.s32 $0x2, s29;
	s26 =	simm.s32 $0x2328;
	[sflag:s11] =	ssyncadd.s32 $0xFFFF0600  }
0x64: {  	[tilespmem:s9], [sflag:$0x1] =	stream.indirect.gather [hbm4b:s7+s8], $0x40, s26, s8, $0xb8;
	[tilespmem:$0x1E820] =	vst v63  }
0x65: {  	s0 =	sadd.s32 s12, s30;
	s30 =	sshrl.u32 s29, $0x1;
	_ =	swait.ge [sflag:s10], $0xFA00  }
0x66: {  	s30 =	ssub.s32 s29, s30;
	[sflag:s10] =	ssyncset.done $0x0  }
0x67: {  	s28 =	simm.s32 $0x4A38;
	s12 =	smax.u32 s30, $0x1;
	[sflag:s10] =	ssyncadd.s32 $0xFFFF0600  }
0x68: {  	[spmem:s2] =	stream.indirect.scatter.add.f32 [tilespmem:s9], [sflag:$0x3], $0x40, s28, s8, $0xb8;
	[tilespmem:$0x1E820] =	vst v63  }
0x69: {  	p0 =	sne.s32 s12, $0x1;
	_ =	swait.ge [sflag:s11], $0xFA00  }
.Ltmp0:
0x6a: {  	[sflag:s11] =	ssyncset.done $0x0;
	(pc) =	sbr.rel @!p0 .LBB2_2-.Ltmp0, $4  }
0x6b: {  	s0 =	sadd.s32 $0x90800, s0;
	[sflag:s11] =	ssyncadd.s32 $0xFFFF0600  }
0x6c: {  	s29 =	sadd.s32 s31, s0;
	s30 =	sor.u32 $0x1C03, s1;
	[bflag:$0x0] =	sbarrier.arrive $0xFFFF  }
0x6d: {  	[hbm:s29], [sflag:s30] =	dma.local [spmem:s5], $0x1400  }
0x6e: {  	s31 =	sadd.s32 $0xFFFFFFFF, s12;
	_ =	swait.ge [sflag:s11], $0x1400  }
.LBB2_1:
0x6f: {  	s0 =	rddreg [dreg:$0x3]  }
0x70: {  	s1 =	rddreg [dreg:$0x4];
	[sflag:s11] =	ssyncset.done $0x0  }
0x71: {  	s12 =	rddreg [dreg:$0x5];
	[sflag:s11] =	ssyncadd.s32 $0xFFFFEC00  }
0x72: {  	[tilespmem:s3], [sflag:$0x2] =	stream.linear.gather [hbm4b:s0+s3], $0x2710, $0x38;
	[tilespmem:$0x1E820] =	vst v63  }
0x73: {  	s0 =	rddreg [dreg:$0x6]  }
0x74: {  	[tilespmem:s4], [sflag:$0x2] =	stream.linear.gather [hbm4b:s1+s3], $0x2710, $0x38;
	[tilespmem:$0x1E820] =	vst v63  }
0x75: {  	[spmem:s5], [sflag:s0] =	dma.local [hbm:s12], $0x1400  }
0x76: {  	_ =	swait.ge [sflag:s6], $0x2710  }
0x77: {  	[sflag:s6] =	ssyncset.done $0x0  }
0x78: {  	[sflag:s6] =	ssyncadd.s32 $0xFFFFD8F0  }
0x79: {  	_ =	swait.ge [sflag:s6], $0x2710  }
0x7a: {  	[sflag:s6] =	ssyncset.done $0x0  }
0x7b: {  	[sflag:s6] =	ssyncadd.s32 $0xFFFFD8F0  }
0x7c: {  	_ =	swait.ge [sflag:s6], $0x1400  }
0x7d: {  	[sflag:s6] =	ssyncset.done $0x0  }
0x7e: {  	[sflag:s6] =	ssyncadd.s32 $0xFFFFEC00  }
0x7f: {  	[bflag:$0x0] =	sbarrier.arrive $0xFFFF  }
0x80: {  	[tilespmem:s9], [sflag:$0x1] =	stream.indirect.gather [hbm4b:s7+s8], $0x40, s3, s8, $0xb8;
	[tilespmem:$0x1E820] =	vst v63  }
0x81: {  	_ =	swait.ge [sflag:s10], $0xFA00  }
0x82: {  	[sflag:s10] =	ssyncset.done $0x0  }
0x83: {  	[sflag:s10] =	ssyncadd.s32 $0xFFFF0600  }
0x84: {  	[spmem:s2] =	stream.indirect.scatter.add.f32 [tilespmem:s9], [sflag:$0x3], $0x40, s4, s8, $0xb8;
	[tilespmem:$0x1E820] =	vst v63  }
0x85: {  	_ =	swait.ge [sflag:s11], $0xFA00  }
0x86: {  	[sflag:s11] =	ssyncset.done $0x0  }
0x87: {  	[sflag:s11] =	ssyncadd.s32 $0xFFFF0600  }
0x88: {  	[tilespmem:s9], [sflag:$0x1] =	stream.indirect.gather [hbm4b:s7+s8], $0x40, s8, s8, $0xb8;
	[tilespmem:$0x1E820] =	vst v63  }
0x89: {  	_ =	swait.ge [sflag:s10], $0xFA00  }
0x8a: {  	[sflag:s10] =	ssyncset.done $0x0  }
0x8b: {  	s1 =	rddreg [dreg:$0x7];
	[sflag:s10] =	ssyncadd.s32 $0xFFFF0600  }
0x8c: {  	[spmem:s2] =	stream.indirect.scatter.add.f32 [tilespmem:s9], [sflag:$0x3], $0x40, s1, s8, $0xb8;
	[tilespmem:$0x1E820] =	vst v63  }
0x8d: {  	_ =	swait.ge [sflag:s11], $0xFA00  }
0x8e: {  	[sflag:s11] =	ssyncset.done $0x0  }
0x8f: {  	s12 =	simm.s32 $0x7D0;
	[sflag:s11] =	ssyncadd.s32 $0xFFFF0600  }
0x90: {  	[tilespmem:s9], [sflag:$0x1] =	stream.indirect.gather [hbm4b:s7+s8], $0x40, s12, s8, $0xb8;
	[tilespmem:$0x1E820] =	vst v63  }
0x91: {  	_ =	swait.ge [sflag:s10], $0xFA00  }
0x92: {  	[sflag:s10] =	ssyncset.done $0x0  }
0x93: {  	[sflag:s10] =	ssyncadd.s32 $0xFFFF0600  }
0x94: {  	[spmem:s2] =	stream.indirect.scatter.add.f32 [tilespmem:s9], [sflag:$0x3], $0x40, s13, s8, $0xb8;
	[tilespmem:$0x1E820] =	vst v63  }
0x95: {  	_ =	swait.ge [sflag:s11], $0xFA00  }
0x96: {  	[sflag:s11] =	ssyncset.done $0x0  }
0x97: {  	[sflag:s11] =	ssyncadd.s32 $0xFFFF0600  }
0x98: {  	[tilespmem:s9], [sflag:$0x1] =	stream.indirect.gather [hbm4b:s7+s8], $0x40, s14, s8, $0xb8;
	[tilespmem:$0x1E820] =	vst v63  }
0x99: {  	_ =	swait.ge [sflag:s10], $0xFA00  }
0x9a: {  	[sflag:s10] =	ssyncset.done $0x0  }
0x9b: {  	[sflag:s10] =	ssyncadd.s32 $0xFFFF0600  }
0x9c: {  	[spmem:s2] =	stream.indirect.scatter.add.f32 [tilespmem:s9], [sflag:$0x3], $0x40, s15, s8, $0xb8;
	[tilespmem:$0x1E820] =	vst v63  }
0x9d: {  	_ =	swait.ge [sflag:s11], $0xFA00  }
0x9e: {  	[sflag:s11] =	ssyncset.done $0x0  }
0x9f: {  	[sflag:s11] =	ssyncadd.s32 $0xFFFF0600  }
0xa0: {  	[tilespmem:s9], [sflag:$0x1] =	stream.indirect.gather [hbm4b:s7+s8], $0x40, s16, s8, $0xb8;
	[tilespmem:$0x1E820] =	vst v63  }
0xa1: {  	_ =	swait.ge [sflag:s10], $0xFA00  }
0xa2: {  	[sflag:s10] =	ssyncset.done $0x0  }
0xa3: {  	[sflag:s10] =	ssyncadd.s32 $0xFFFF0600  }
0xa4: {  	[spmem:s2] =	stream.indirect.scatter.add.f32 [tilespmem:s9], [sflag:$0x3], $0x40, s17, s8, $0xb8;
	[tilespmem:$0x1E820] =	vst v63  }
0xa5: {  	_ =	swait.ge [sflag:s11], $0xFA00  }
0xa6: {  	[sflag:s11] =	ssyncset.done $0x0  }
0xa7: {  	[sflag:s11] =	ssyncadd.s32 $0xFFFF0600  }
0xa8: {  	[tilespmem:s9], [sflag:$0x1] =	stream.indirect.gather [hbm4b:s7+s8], $0x40, s18, s8, $0xb8;
	[tilespmem:$0x1E820] =	vst v63  }
0xa9: {  	_ =	swait.ge [sflag:s10], $0xFA00  }
0xaa: {  	[sflag:s10] =	ssyncset.done $0x0  }
0xab: {  	[sflag:s10] =	ssyncadd.s32 $0xFFFF0600  }
0xac: {  	[spmem:s2] =	stream.indirect.scatter.add.f32 [tilespmem:s9], [sflag:$0x3], $0x40, s19, s8, $0xb8;
	[tilespmem:$0x1E820] =	vst v63  }
0xad: {  	_ =	swait.ge [sflag:s11], $0xFA00  }
0xae: {  	[sflag:s11] =	ssyncset.done $0x0  }
0xaf: {  	[sflag:s11] =	ssyncadd.s32 $0xFFFF0600  }
0xb0: {  	[tilespmem:s9], [sflag:$0x1] =	stream.indirect.gather [hbm4b:s7+s8], $0x40, s20, s8, $0xb8;
	[tilespmem:$0x1E820] =	vst v63  }
0xb1: {  	_ =	swait.ge [sflag:s10], $0xFA00  }
0xb2: {  	[sflag:s10] =	ssyncset.done $0x0  }
0xb3: {  	[sflag:s10] =	ssyncadd.s32 $0xFFFF0600  }
0xb4: {  	[spmem:s2] =	stream.indirect.scatter.add.f32 [tilespmem:s9], [sflag:$0x3], $0x40, s21, s8, $0xb8;
	[tilespmem:$0x1E820] =	vst v63  }
0xb5: {  	_ =	swait.ge [sflag:s11], $0xFA00  }
0xb6: {  	[sflag:s11] =	ssyncset.done $0x0  }
0xb7: {  	[sflag:s11] =	ssyncadd.s32 $0xFFFF0600  }
0xb8: {  	[tilespmem:s9], [sflag:$0x1] =	stream.indirect.gather [hbm4b:s7+s8], $0x40, s22, s8, $0xb8;
	[tilespmem:$0x1E820] =	vst v63  }
0xb9: {  	_ =	swait.ge [sflag:s10], $0xFA00  }
0xba: {  	[sflag:s10] =	ssyncset.done $0x0  }
0xbb: {  	[sflag:s10] =	ssyncadd.s32 $0xFFFF0600  }
0xbc: {  	[spmem:s2] =	stream.indirect.scatter.add.f32 [tilespmem:s9], [sflag:$0x3], $0x40, s23, s8, $0xb8;
	[tilespmem:$0x1E820] =	vst v63  }
0xbd: {  	_ =	swait.ge [sflag:s11], $0xFA00  }
0xbe: {  	[sflag:s11] =	ssyncset.done $0x0  }
0xbf: {  	[sflag:s11] =	ssyncadd.s32 $0xFFFF0600  }
0xc0: {  	[tilespmem:s9], [sflag:$0x1] =	stream.indirect.gather [hbm4b:s7+s8], $0x40, s24, s8, $0xb8;
	[tilespmem:$0x1E820] =	vst v63  }
0xc1: {  	_ =	swait.ge [sflag:s10], $0xFA00  }
0xc2: {  	[sflag:s10] =	ssyncset.done $0x0  }
0xc3: {  	[sflag:s10] =	ssyncadd.s32 $0xFFFF0600  }
0xc4: {  	[spmem:s2] =	stream.indirect.scatter.add.f32 [tilespmem:s9], [sflag:$0x3], $0x40, s25, s8, $0xb8;
	[tilespmem:$0x1E820] =	vst v63  }
0xc5: {  	_ =	swait.ge [sflag:s11], $0xFA00  }
0xc6: {  	[sflag:s11] =	ssyncset.done $0x0  }
0xc7: {  	[sflag:s11] =	ssyncadd.s32 $0xFFFF0600  }
0xc8: {  	[tilespmem:s9], [sflag:$0x1] =	stream.indirect.gather [hbm4b:s7+s8], $0x40, s26, s8, $0xb8;
	[tilespmem:$0x1E820] =	vst v63  }
0xc9: {  	_ =	swait.ge [sflag:s10], $0xFA00  }
0xca: {  	[sflag:s10] =	ssyncset.done $0x0  }
0xcb: {  	[sflag:s10] =	ssyncadd.s32 $0xFFFF0600  }
0xcc: {  	[spmem:s2] =	stream.indirect.scatter.add.f32 [tilespmem:s9], [sflag:$0x3], $0x40, s28, s8, $0xb8;
	[tilespmem:$0x1E820] =	vst v63  }
0xcd: {  	p0 =	sne.s32 s31, $0x1;
	_ =	swait.ge [sflag:s11], $0xFA00  }
.Ltmp1:
0xce: {  	[sflag:s11] =	ssyncset.done $0x0;
	(pc) =	sbr.rel @p0 .LBB2_1-.Ltmp1, $4  }
0xcf: {  	[sflag:s11] =	ssyncadd.s32 $0xFFFF0600  }
0xd0: {  	[bflag:$0x0] =	sbarrier.arrive $0xFFFF  }
0xd1: {  	[hbm:s29], [sflag:s30] =	dma.local [spmem:s5], $0x1400  }
0xd2: {  	s31 =	sadd.s32 $0xFFFFFFFF, s31;
	_ =	swait.ge [sflag:s11], $0x1400  }
.LBB2_2:
0xd3: {  	[sflag:s11] =	ssyncset.done $0x0  }
0xd4: {  	[sflag:s11] =	ssyncadd.s32 $0xFFFFEC00  }
0xd5: {  	_ =	sfence.sel $0x180000  }
0xd6: {  	[bflag:$0x0] =	sbarrier.arrive $0xFFFF  }
0xd7: {  	_ =	strace $0x90000053  }
0xd8: {  	s0 =	stileid.u32;
	[bflag:$0x2] =	sbarrier.arrive $0xFFFF  }
0xd9: {  	p0 =	sne.s32 s0, $0x0;
	s0 =	rddreg [dreg:$0x2]  }
0xda: {  	s0 =	sadd.s32 @!p0 $0x100000, s0  }
0xdb: {  	[sflag:s0] =	ssyncadd.tile.s32 @!p0 $0x1;
	_ =	shalt  }
.Lfunc_end2:
_tile_overlayer_lowered:
.L_overlay_start_2:
0xdc: {  	(tag) =	ssettag $0x2  }
0xdd: {  	s0 =	rddreg [dreg:$0x0];
	s2 =	stileid.u32  }
0xde: {  	s1 =	rddreg [dreg:$0x1];
	p0 =	sne.s32 s2, $0x0  }
0xdf: {  	s3 =	rddreg [dreg:$0x2];
	[bflag:$0x3] =	sbarrier.arrive $0xFFFF;
	s2 =	simm.s32 @!p0 $0x1C03  }
0xe0: {  	[timem:s3], [sflag:s2] =	dma.local @!p0 [hbm:s0], s1  }
0xe1: {  	s0 =	simm.s32 @!p0 $0x3  }
0xe2: {  	_ =	swait.ge @!p0 [sflag:s0], s1  }
0xe3: {  	s1 =	ssub.s32 @!p0 $0x0, s1;
	[sflag:s0] =	ssyncset.done @!p0 $0x0  }
0xe4: {  	[sflag:s0] =	ssyncadd.s32 @!p0 s1  }
0xe5: {  	[bflag:$0x3] =	sbarrier.arrive $0xFFFF  }
0xe6: {  	_ =	shalt  }

// kernel: kernel.40.cloned.1.call-start
scs
__scs_entry_jumppad:
0x0: {  	(pc) =	sbr.rel $0x88, $3  }
0x1: {  	(tag) =	ssettag $0x0;
	lr =	simm.s32 $0x1  }
0x2: {  	[smem:$0x3F9B] =	sst lr;
	_ =	strace $0xD0000000  }
0x3: {  	_ = 	snop  }
0x4: {  	_ = 	snop  }
0x5: {  	_ = 	snop  }
0x6: {  	_ = 	snop  }
0x7: {  	_ = 	snop  }
__scs_overlays_trampoline_lowered:
0x8: {  	[smem:$0x3FAA] =	sst s0  }
0x9: {  	[smem:$0x3FAB] =	sst s1  }
0xa: {  	[smem:$0x3FAC] =	sst s2  }
0xb: {  	[smem:$0x3FAD] =	sst s3  }
0xc: {  	[smem:$0x3FAE] =	sst s4  }
0xd: {  	[smem:$0x3FAF] =	sst s5  }
0xe: {  	[smem:$0x3FB0] =	sst s6  }
0xf: {  	[smem:$0x3FB1] =	sst s7  }
0x10: {  	[smem:$0x3FB2] =	sst s8  }
0x11: {  	[smem:$0x3FB3] =	sst s9;
	s0 =	simm.s32 @!p0 $0x0  }
0x12: {  	s1 =	sld [smem:$0x3F99];
	s0 =	simm.s32 @p0 $0x1  }
0x13: {  	[smem:$0x3FB4] =	sst s0;
	s0 =	simm.s32 @!p1 $0x0  }
0x14: {  	s2 =	sld [smem:$0x3F98];
	s0 =	simm.s32 @p1 $0x1  }
0x15: {  	[smem:$0x3FB5] =	sst s0;
	s0 =	simm.s32 @!p2 $0x0  }
0x16: {  	s3 =	sld [smem:$0x3FDB];
	s0 =	simm.s32 @p2 $0x1  }
0x17: {  	s4 =	simm.s32 $0x1BF5;
	[smem:$0x3FB7] =	sst s0  }
0x18: {  	s0 =	sld [smem:$0x3F9A];
	_ =	swait.ge [sflag:s4], $0x0  }
0x19: {  	s7 =	sld [smem:$0x3F9B]  }
0x1a: {  	s8 =	sadd.s32 $0xFFFFE003, lr  }
0x1b: {  	s9 =	sadd.s32 $0xFFFFFEF7, lr;
	s5 =	simm.s32 $0xFFFFFFFF;
	p2 =	slt.u32 s8, $0xFFFFF086  }
0x1c: {  	p1 =	slt.u32 s9, $0xF7A;
	s5 =	simm.s32 @!p2 $0x0  }
0x1d: {  	s5 =	simm.s32 @p1 $0x1;
	p0 =	seq.s32 s7, s2  }
0x1e: {  	s7 =	smul.u32 @!p0 $0xF7A, s2;
	p2 =	seq.s32 @!p0 s5, $0x0  }
0x1f: {  	s9 =	smul.u32 $0xF7A, s1;
	s8 =	simm.s32 @!p0 $0x1BF5;
	p2 =	por !p2, p0  }
0x20: {  	[sflag:s8] =	ssyncset.s32 @!p0 $0xFFFFF086;
	s6 =	sadd.s32 @!p0 s3, s7;
	s7 =	simm.s32 @!p0 $0x108  }
0x21: {  	s3 =	sadd.s32 s3, s9;
	s6 =	sadd.s32 @!p0 $0x88, s6;
	s7 =	simm.s32 @p2 $0x1082  }
0x22: {  	[simem:s7], [sflag:s8] =	dma.local @!p0 [hbm:s6], $0xF7A  }
0x23: {  	s9 =	sor.u32 $0xD0000000, s2;
	s6 =	simm.s32 $0x108;
	_ =	swait.ge @!p0 [sflag:s8], $0x0  }
0x24: {  	s3 =	sadd.s32 $0x88, s3;
	s6 =	simm.s32 @!p1 $0x1082;
	[sflag:s4] =	ssyncset.s32 $0xFFFFF086  }
0x25: {  	[simem:s6], [sflag:s4] =	dma.local [hbm:s3], $0xF7A  }
0x26: {  	[smem:$0x3F9B] =	sst s1;
	(tag) =	ssettag s2;
	_ =	strace s9  }
0x27: {  	s1 =	sld [smem:$0x3FAB]  }
0x28: {  	s2 =	sld [smem:$0x3FAC]  }
0x29: {  	s4 =	sld [smem:$0x3FAE]  }
0x2a: {  	p0 =	seq.s32 s5, $0x0;
	s5 =	sld [smem:$0x3FAF]  }
0x2b: {  	s6 =	sld [smem:$0x3FB0]  }
0x2c: {  	s7 =	sld [smem:$0x3FB1]  }
0x2d: {  	s3 =	simm.s32 $0x108;
	s8 =	sld [smem:$0x3FB2]  }
0x2e: {  	s3 =	simm.s32 @!p0 $0x1082;
	s9 =	sld [smem:$0x3FB3]  }
0x2f: {  	lr =	sadd.s32 s0, s3;
	s0 =	sld [smem:$0x3FAA]  }
0x30: {  	s3 =	sld [smem:$0x3FAD]  }
0x31: {  	[smem:$0x3FB6] =	sst s10  }
0x32: {  	s10 =	sld [smem:$0x3FB4];
	_ =	sdelay $0x3  }
0x33: {  	p0 =	seq.s32 s10, $0x1;
	s10 =	sld [smem:$0x3FB6];
	_ =	sdelay $0x3  }
0x34: {  	[smem:$0x3FB6] =	sst s10  }
0x35: {  	s10 =	sld [smem:$0x3FB5];
	_ =	sdelay $0x3  }
0x36: {  	p1 =	seq.s32 s10, $0x1;
	s10 =	sld [smem:$0x3FB6];
	_ =	sdelay $0x3  }
0x37: {  	[smem:$0x3FB6] =	sst s10  }
0x38: {  	s10 =	sld [smem:$0x3FB7]  }
0x39: {  	_ = 	snop;
	(pc) =	sbr.ind lr, $3  }
0x3a: {  	_ = 	snop  }
0x3b: {  	_ = 	snop  }
0x3c: {  	p2 =	seq.s32 s10, $0x1;
	s10 =	sld [smem:$0x3FB6]  }
0x3d: {  	_ =	shalt  }
0x3e: {  	_ =	shalt  }
0x3f: {  	_ =	shalt  }
0x40: {  	_ =	shalt  }
0x41: {  	_ =	shalt  }
0x42: {  	_ =	shalt  }
0x43: {  	_ =	shalt  }
0x44: {  	_ =	shalt  }
0x45: {  	_ =	shalt  }
0x46: {  	_ =	shalt  }
0x47: {  	_ =	shalt  }
0x48: {  	_ =	shalt  }
0x49: {  	_ =	shalt  }
0x4a: {  	_ =	shalt  }
0x4b: {  	_ =	shalt  }
0x4c: {  	_ =	shalt  }
0x4d: {  	_ =	shalt  }
0x4e: {  	_ =	shalt  }
0x4f: {  	_ =	shalt  }
0x50: {  	_ =	shalt  }
0x51: {  	_ =	shalt  }
0x52: {  	_ =	shalt  }
0x53: {  	_ =	shalt  }
0x54: {  	_ =	shalt  }
0x55: {  	_ =	shalt  }
0x56: {  	_ =	shalt  }
0x57: {  	_ =	shalt  }
0x58: {  	_ =	shalt  }
0x59: {  	_ =	shalt  }
0x5a: {  	_ =	shalt  }
0x5b: {  	_ =	shalt  }
0x5c: {  	_ =	shalt  }
0x5d: {  	_ =	shalt  }
0x5e: {  	_ =	shalt  }
0x5f: {  	_ =	shalt  }
0x60: {  	_ =	shalt  }
0x61: {  	_ =	shalt  }
0x62: {  	_ =	shalt  }
0x63: {  	_ =	shalt  }
0x64: {  	_ =	shalt  }
0x65: {  	_ =	shalt  }
0x66: {  	_ =	shalt  }
0x67: {  	_ =	shalt  }
0x68: {  	_ =	shalt  }
0x69: {  	_ =	shalt  }
0x6a: {  	_ =	shalt  }
0x6b: {  	_ =	shalt  }
0x6c: {  	_ =	shalt  }
0x6d: {  	_ =	shalt  }
0x6e: {  	_ =	shalt  }
0x6f: {  	_ =	shalt  }
0x70: {  	_ =	shalt  }
0x71: {  	_ =	shalt  }
0x72: {  	_ =	shalt  }
0x73: {  	_ =	shalt  }
0x74: {  	_ =	shalt  }
0x75: {  	_ =	shalt  }
0x76: {  	_ =	shalt  }
0x77: {  	_ =	shalt  }
0x78: {  	_ =	shalt  }
0x79: {  	_ =	shalt  }
0x7a: {  	_ =	shalt  }
0x7b: {  	_ =	shalt  }
0x7c: {  	_ =	shalt  }
0x7d: {  	_ =	shalt  }
0x7e: {  	_ =	shalt  }
0x7f: {  	_ =	shalt  }
0x80: {  	_ =	shalt  }
0x81: {  	_ =	shalt  }
0x82: {  	_ =	shalt  }
0x83: {  	_ =	shalt  }
0x84: {  	_ =	shalt  }
0x85: {  	_ =	shalt  }
0x86: {  	_ =	shalt  }
0x87: {  	_ =	shalt  }
.Lfunc_end0:
.L_simem_size_0:
called_computation.5_lowered:
.L_overlay_start_0:
0x88: {  	s2 =	sld [smem:$0x3FD9]  }
0x89: {  	s3 =	sld [smem:$0x3FFE];
	_ =	sdelay $0x1  }
0x8a: {  	s1 =	srdreg.scid  }
0x8b: {  	s0 =	sand.u32 $0x1, s1  }
0x8c: {  	s16 =	sshll.u32 s0, $0xA;
	s2 =	sadd.s32 s3, s2  }
0x8d: {  	s2 =	sadd.s32 s2, s16  }
0x8e: {  	[smem:$0x3FC2] =	sst s2  }
0x8f: {  	_ = 	snop  }
0x90: {  	(tm) =	ssettm $0x1  }
0x91: {  	s17 =	sld [smem:$0x3FFB];
	_ =	sdelay $0x3  }
0x92: {  	_ =	strace s17  }
0x93: {  	s2 =	sld [smem:$0x3FFC];
	_ =	sdelay $0x3  }
0x94: {  	_ =	strace s2  }
0x95: {  	s2 =	sld [smem:$0x3FFD];
	_ =	sdelay $0x3  }
0x96: {  	_ =	strace s2  }
0x97: {  	_ =	strace $0x8FFFFFFF  }
0x98: {  	s18 =	sld [smem:$0x3FDB];
	_ =	sdelay $0x1  }
0x99: {  	s19 =	simm.s32 $_scs_section_size  }
0x9a: {  	s4 =	simm.s32 $_size__tile_overlayer_lowered;
	s5 =	simm.s32 $_tile_overlayer_lowered  }
0x9b: {  	s22 =	simm.s32 $0x1BFF;
	s21 =	sshll.u32 s5, $0x1;
	s2 =	sadd.s32 s19, s18  }
0x9c: {  	s6 =	simm.s32 $0x0;
	s20 =	sshll.u32 s4, $0x1;
	s4 =	sadd.s32 s21, s2  }
0x9d: {  	[timem:s6], [sflag:s22] =	dma.local [hbm:s4], s20  }
0x9e: {  	_ =	swait.ge [sflag:s22], s20  }
0x9f: {  	s3 =	ssub.s32 $0x0, s20;
	[sflag:s22] =	ssyncset.done $0x0  }
0xa0: {  	[sflag:s22] =	ssyncadd.s32 s3;
	_ =	sdelay $0x1  }
0xa1: {  	s23 =	simm.s32 $0x1B8B  }
0xa2: {  	_ =	swait.ge [sflag:s23], $0x1  }
0xa3: {  	[sflag:s23] =	ssyncset.done $0x0  }
0xa4: {  	s25 =	simm.s32 $0x1B8E;
	s24 =	sld [smem:$0x3FFE];
	[sflag:s23] =	ssyncadd.s32 $0xFFFFFFFF  }
0xa5: {  	s26 =	simm.s32 $execute0_lowered;
	[smem:$0x3FD2] =	sst s25  }
0xa6: {  	s4 =	sshll.u32 s26, $0x1;
	_ =	strace $0x80000055;
	[dreg:$0x1] =	wrdreg $0xFFFFFFFF  }
0xa7: {  	s28 =	simm.s32 $_size_execute0_lowered;
	s2 =	sadd.s32 s2, s4;
	[dreg:$0x0] =	wrdreg $0x0  }
0xa8: {  	s4 =	sshll.u32 s28, $0x1;
	[dreg:$0x2] =	wrdreg s2  }
0xa9: {  	[dreg:$0x3] =	wrdreg s4  }
0xaa: {  	[dreg:$0x4] =	wrdreg $0xC0  }
0xab: {  	_ =	task [dreg:s6], $0x5FFFF  }
0xac: {  	[dreg:$0x1] =	wrdreg $0xFFFFFFFF  }
0xad: {  	[dreg:$0x0] =	wrdreg $0x60  }
0xae: {  	[dreg:$0x2] =	wrdreg s24  }
0xaf: {  	[dreg:$0x3] =	wrdreg $0x148200  }
0xb0: {  	[dreg:$0x4] =	wrdreg $0x9  }
0xb1: {  	_ =	task.clear_ibuf [dreg:s6], $0x5FFFF;
	_ =	strace $0x90000055  }
0xb2: {  	s29 =	simm.s32 $0x9;
	_ =	strace $0x80000057  }
0xb3: {  	_ =	swait.ge [sflag:s29], $0x1  }
0xb4: {  	[sflag:s29] =	ssyncadd.s32 $0xFFFFFFFF  }
0xb5: {  	_ =	strace $0x90000057  }
0xb6: {  	_ =	sfence  }
0xb7: {  	s30 =	sld [smem:$0x0];
	_ =	sdelay $0x2  }
0xb8: {  	s31 =	sshll.u32 s1, $0xD;
	s1 =	sshrl.u32 s1, $0x2  }
0xb9: {  	s3 =	sand.u32 $0x4000, s31;
	s1 =	sadd.s32 s1, s30  }
0xba: {  	s0 =	sor.u32 s3, s0;
	s1 =	sshll.u32 s1, $0x11  }
0xbb: {  	s0 =	sor.u32 s1, s0  }
0xbc: {  	s0 =	sadd.s32 $0x8F2B, s0  }
0xbd: {  	[sflag:s0] =	ssyncadd.remote.s32 $0x1  }
0xbe: {  	_ =	sfence.sel $0xFFFF  }
0xbf: {  	[dreg:$0x0] =	wrdreg $0xFFFFFFFF;
	(pc) =	sbr.abs _section_cstart, $3  }
0xc0: {  	[dreg:$0x1] =	wrdreg $0xFFFFFFFF  }
0xc1: {  	_ =	task.clear_ibuf [dreg:s6], $0x2FFFF;
	_ =	strace $0x9FFFFFFF  }
0xc2: {  	(tm) =	ssettm $0x7FFFFFFF  }
0xc3: {  	_ =	shalt  }
tec
execute0_lowered:
.L_overlay_start_1:
0x0: {  	(tag) =	ssettag $0x1  }
0x1: {  	s0 =	srdreg.scid;
	s21 =	stileid.u32  }
0x2: {  	s30 =	rddreg [dreg:$0x0];
	s29 =	sand.u32 $0x1, s0;
	s4 =	smul.u32 $0xA000, s21  }
0x3: {  	s2 =	rddreg [dreg:$0x1];
	s3 =	simm.s32 $0x0;
	s1 =	sshll.u32 s29, $0x4  }
0x4: {  	s9 =	simm.s32 $0x2AF8;
	s1 =	sor.u32 s21, s1;
	s31 =	sshrl.u32 s4, $0x3  }
0x5: {  	[smem:$0x7FF] =	sst s3;
	s1 =	smul.u32 $0x4E2, s1;
	s6 =	sadd.s32 s31, s30  }
0x6: {  	_ =	strace $0x80000056;
	[dreg:$0x7] =	wrdreg s9;
	s22 =	sadd.s32 $0x7C800, s6  }
0x7: {  	s1 =	sadd.s32 s1, s30;
	[dreg:$0x5] =	wrdreg s22  }
0x8: {  	s5 =	sadd.s32 $0x4C00, s1;
	s8 =	rddreg [dreg:$0x5]  }
0x9: {  	s1 =	sadd.s32 $0xEA00, s1;
	[dreg:$0x3] =	wrdreg s5  }
0xa: {  	[dreg:$0x4] =	wrdreg s1  }
0xb: {  	s1 =	sshll.u32 s21, $0x6;
	s24 =	rddreg [dreg:$0x3]  }
0xc: {  	s23 =	sor.u32 $0x1C02, s1;
	s7 =	rddreg [dreg:$0x4]  }
0xd: {  	s25 =	sadd.s32 s4, s2;
	s4 =	simm.s32 $0x2710;
	[dreg:$0x6] =	wrdreg s23  }
0xe: {  	[tilespmem:s3], [sflag:$0x2] =	stream.linear.gather [hbm4b:s24+s3], $0x2710, $0x38;
	[tilespmem:$0x1E820] =	vst v63  }
0xf: {  	s6 =	simm.s32 $0x2;
	s5 =	sshrl.u32 s25, $0x3;
	s10 =	rddreg [dreg:$0x6]  }
0x10: {  	[tilespmem:s4], [sflag:$0x2] =	stream.linear.gather [hbm4b:s7+s3], $0x2710, $0x38;
	[tilespmem:$0x1E820] =	vst v63  }
0x11: {  	[spmem:s5], [sflag:s10] =	dma.local [hbm:s8], $0x1400  }
0x12: {  	_ =	swait.ge [sflag:s6], $0x2710  }
0x13: {  	[sflag:s6] =	ssyncset.done $0x0  }
0x14: {  	[sflag:s6] =	ssyncadd.s32 $0xFFFFD8F0  }
0x15: {  	_ =	swait.ge [sflag:s6], $0x2710  }
0x16: {  	[sflag:s6] =	ssyncset.done $0x0  }
0x17: {  	[sflag:s6] =	ssyncadd.s32 $0xFFFFD8F0  }
0x18: {  	_ =	swait.ge [sflag:s6], $0x1400  }
0x19: {  	[sflag:s6] =	ssyncset.done $0x0  }
0x1a: {  	s9 =	simm.s32 $0x4E20;
	s7 =	sadd.s32 $0x68800, s30;
	[sflag:s6] =	ssyncadd.s32 $0xFFFFEC00  }
0x1b: {  	s8 =	simm.s32 $0x3E8;
	s10 =	simm.s32 $0x1;
	[bflag:$0x0] =	sbarrier.arrive $0xFFFF  }
0x1c: {  	[tilespmem:s9], [sflag:$0x1] =	stream.indirect.gather [hbm4b:s7+s8], $0x40, s3, s8, $0xb8;
	[tilespmem:$0x1E820] =	vst v63  }
0x1d: {  	_ =	swait.ge [sflag:s10], $0xFA00  }
0x1e: {  	[sflag:s10] =	ssyncset.done $0x0  }
0x1f: {  	s11 =	simm.s32 $0x3;
	[sflag:s10] =	ssyncadd.s32 $0xFFFF0600  }
0x20: {  	[spmem:s2] =	stream.indirect.scatter.add.f32 [tilespmem:s9], [sflag:$0x3], $0x40, s4, s8, $0xb8;
	[tilespmem:$0x1E820] =	vst v63  }
0x21: {  	_ =	swait.ge [sflag:s11], $0xFA00  }
0x22: {  	[sflag:s11] =	ssyncset.done $0x0  }
0x23: {  	[sflag:s11] =	ssyncadd.s32 $0xFFFF0600  }
0x24: {  	[tilespmem:s9], [sflag:$0x1] =	stream.indirect.gather [hbm4b:s7+s8], $0x40, s8, s8, $0xb8;
	[tilespmem:$0x1E820] =	vst v63  }
0x25: {  	_ =	swait.ge [sflag:s10], $0xFA00  }
0x26: {  	[sflag:s10] =	ssyncset.done $0x0  }
0x27: {  	s12 =	rddreg [dreg:$0x7];
	[sflag:s10] =	ssyncadd.s32 $0xFFFF0600  }
0x28: {  	[spmem:s2] =	stream.indirect.scatter.add.f32 [tilespmem:s9], [sflag:$0x3], $0x40, s12, s8, $0xb8;
	[tilespmem:$0x1E820] =	vst v63  }
0x29: {  	_ =	swait.ge [sflag:s11], $0xFA00  }
0x2a: {  	[sflag:s11] =	ssyncset.done $0x0  }
0x2b: {  	s26 =	simm.s32 $0x7D0;
	[sflag:s11] =	ssyncadd.s32 $0xFFFF0600  }
0x2c: {  	[tilespmem:s9], [sflag:$0x1] =	stream.indirect.gather [hbm4b:s7+s8], $0x40, s26, s8, $0xb8;
	[tilespmem:$0x1E820] =	vst v63  }
0x2d: {  	_ =	swait.ge [sflag:s10], $0xFA00  }
0x2e: {  	[sflag:s10] =	ssyncset.done $0x0  }
0x2f: {  	s13 =	simm.s32 $0x2EE0;
	[sflag:s10] =	ssyncadd.s32 $0xFFFF0600  }
0x30: {  	[spmem:s2] =	stream.indirect.scatter.add.f32 [tilespmem:s9], [sflag:$0x3], $0x40, s13, s8, $0xb8;
	[tilespmem:$0x1E820] =	vst v63  }
0x31: {  	_ =	swait.ge [sflag:s11], $0xFA00  }
0x32: {  	[sflag:s11] =	ssyncset.done $0x0  }
0x33: {  	s14 =	simm.s32 $0xBB8;
	[sflag:s11] =	ssyncadd.s32 $0xFFFF0600  }
0x34: {  	[tilespmem:s9], [sflag:$0x1] =	stream.indirect.gather [hbm4b:s7+s8], $0x40, s14, s8, $0xb8;
	[tilespmem:$0x1E820] =	vst v63  }
0x35: {  	_ =	swait.ge [sflag:s10], $0xFA00  }
0x36: {  	[sflag:s10] =	ssyncset.done $0x0  }
0x37: {  	s15 =	simm.s32 $0x32C8;
	[sflag:s10] =	ssyncadd.s32 $0xFFFF0600  }
0x38: {  	[spmem:s2] =	stream.indirect.scatter.add.f32 [tilespmem:s9], [sflag:$0x3], $0x40, s15, s8, $0xb8;
	[tilespmem:$0x1E820] =	vst v63  }
0x39: {  	_ =	swait.ge [sflag:s11], $0xFA00  }
0x3a: {  	[sflag:s11] =	ssyncset.done $0x0  }
0x3b: {  	s16 =	simm.s32 $0xFA0;
	[sflag:s11] =	ssyncadd.s32 $0xFFFF0600  }
0x3c: {  	[tilespmem:s9], [sflag:$0x1] =	stream.indirect.gather [hbm4b:s7+s8], $0x40, s16, s8, $0xb8;
	[tilespmem:$0x1E820] =	vst v63  }
0x3d: {  	_ =	swait.ge [sflag:s10], $0xFA00  }
0x3e: {  	[sflag:s10] =	ssyncset.done $0x0  }
0x3f: {  	s17 =	simm.s32 $0x36B0;
	[sflag:s10] =	ssyncadd.s32 $0xFFFF0600  }
0x40: {  	[spmem:s2] =	stream.indirect.scatter.add.f32 [tilespmem:s9], [sflag:$0x3], $0x40, s17, s8, $0xb8;
	[tilespmem:$0x1E820] =	vst v63  }
0x41: {  	_ =	swait.ge [sflag:s11], $0xFA00  }
0x42: {  	[sflag:s11] =	ssyncset.done $0x0  }
0x43: {  	s18 =	simm.s32 $0x1388;
	[sflag:s11] =	ssyncadd.s32 $0xFFFF0600  }
0x44: {  	[tilespmem:s9], [sflag:$0x1] =	stream.indirect.gather [hbm4b:s7+s8], $0x40, s18, s8, $0xb8;
	[tilespmem:$0x1E820] =	vst v63  }
0x45: {  	_ =	swait.ge [sflag:s10], $0xFA00  }
0x46: {  	[sflag:s10] =	ssyncset.done $0x0  }
0x47: {  	s19 =	simm.s32 $0x3A98;
	[sflag:s10] =	ssyncadd.s32 $0xFFFF0600  }
0x48: {  	[spmem:s2] =	stream.indirect.scatter.add.f32 [tilespmem:s9], [sflag:$0x3], $0x40, s19, s8, $0xb8;
	[tilespmem:$0x1E820] =	vst v63  }
0x49: {  	_ =	swait.ge [sflag:s11], $0xFA00  }
0x4a: {  	[sflag:s11] =	ssyncset.done $0x0  }
0x4b: {  	s20 =	simm.s32 $0x1770;
	[sflag:s11] =	ssyncadd.s32 $0xFFFF0600  }
0x4c: {  	[tilespmem:s9], [sflag:$0x1] =	stream.indirect.gather [hbm4b:s7+s8], $0x40, s20, s8, $0xb8;
	[tilespmem:$0x1E820] =	vst v63  }
0x4d: {  	_ =	swait.ge [sflag:s10], $0xFA00  }
0x4e: {  	[sflag:s10] =	ssyncset.done $0x0  }
0x4f: {  	s21 =	simm.s32 $0x3E80;
	[sflag:s10] =	ssyncadd.s32 $0xFFFF0600  }
0x50: {  	[spmem:s2] =	stream.indirect.scatter.add.f32 [tilespmem:s9], [sflag:$0x3], $0x40, s21, s8, $0xb8;
	[tilespmem:$0x1E820] =	vst v63  }
0x51: {  	_ =	swait.ge [sflag:s11], $0xFA00  }
0x52: {  	[sflag:s11] =	ssyncset.done $0x0  }
0x53: {  	s22 =	simm.s32 $0x1B58;
	[sflag:s11] =	ssyncadd.s32 $0xFFFF0600  }
0x54: {  	[tilespmem:s9], [sflag:$0x1] =	stream.indirect.gather [hbm4b:s7+s8], $0x40, s22, s8, $0xb8;
	[tilespmem:$0x1E820] =	vst v63  }
0x55: {  	_ =	swait.ge [sflag:s10], $0xFA00  }
0x56: {  	[sflag:s10] =	ssyncset.done $0x0  }
0x57: {  	s23 =	simm.s32 $0x4268;
	[sflag:s10] =	ssyncadd.s32 $0xFFFF0600  }
0x58: {  	[spmem:s2] =	stream.indirect.scatter.add.f32 [tilespmem:s9], [sflag:$0x3], $0x40, s23, s8, $0xb8;
	[tilespmem:$0x1E820] =	vst v63  }
0x59: {  	_ =	swait.ge [sflag:s11], $0xFA00  }
0x5a: {  	[sflag:s11] =	ssyncset.done $0x0  }
0x5b: {  	s24 =	simm.s32 $0x1F40;
	[sflag:s11] =	ssyncadd.s32 $0xFFFF0600  }
0x5c: {  	[tilespmem:s9], [sflag:$0x1] =	stream.indirect.gather [hbm4b:s7+s8], $0x40, s24, s8, $0xb8;
	[tilespmem:$0x1E820] =	vst v63  }
0x5d: {  	_ =	swait.ge [sflag:s10], $0xFA00  }
0x5e: {  	[sflag:s10] =	ssyncset.done $0x0  }
0x5f: {  	s25 =	simm.s32 $0x4650;
	[sflag:s10] =	ssyncadd.s32 $0xFFFF0600  }
0x60: {  	[spmem:s2] =	stream.indirect.scatter.add.f32 [tilespmem:s9], [sflag:$0x3], $0x40, s25, s8, $0xb8;
	[tilespmem:$0x1E820] =	vst v63  }
0x61: {  	_ =	swait.ge [sflag:s11], $0xFA00  }
0x62: {  	s12 =	smul.u32 $0x14000, s29;
	[sflag:s11] =	ssyncset.done $0x0  }
0x63: {  	s29 =	ssub.s32 $0x2, s29;
	s26 =	simm.s32 $0x2328;
	[sflag:s11] =	ssyncadd.s32 $0xFFFF0600  }
0x64: {  	[tilespmem:s9], [sflag:$0x1] =	stream.indirect.gather [hbm4b:s7+s8], $0x40, s26, s8, $0xb8;
	[tilespmem:$0x1E820] =	vst v63  }
0x65: {  	s0 =	sadd.s32 s12, s30;
	s30 =	sshrl.u32 s29, $0x1;
	_ =	swait.ge [sflag:s10], $0xFA00  }
0x66: {  	s30 =	ssub.s32 s29, s30;
	[sflag:s10] =	ssyncset.done $0x0  }
0x67: {  	s28 =	simm.s32 $0x4A38;
	s12 =	smax.u32 s30, $0x1;
	[sflag:s10] =	ssyncadd.s32 $0xFFFF0600  }
0x68: {  	[spmem:s2] =	stream.indirect.scatter.add.f32 [tilespmem:s9], [sflag:$0x3], $0x40, s28, s8, $0xb8;
	[tilespmem:$0x1E820] =	vst v63  }
0x69: {  	p0 =	sne.s32 s12, $0x1;
	_ =	swait.ge [sflag:s11], $0xFA00  }
.Ltmp0:
0x6a: {  	[sflag:s11] =	ssyncset.done $0x0;
	(pc) =	sbr.rel @!p0 .LBB2_2-.Ltmp0, $4  }
0x6b: {  	s0 =	sadd.s32 $0x90800, s0;
	[sflag:s11] =	ssyncadd.s32 $0xFFFF0600  }
0x6c: {  	s29 =	sadd.s32 s31, s0;
	s30 =	sor.u32 $0x1C03, s1;
	[bflag:$0x0] =	sbarrier.arrive $0xFFFF  }
0x6d: {  	[hbm:s29], [sflag:s30] =	dma.local [spmem:s5], $0x1400  }
0x6e: {  	s31 =	sadd.s32 $0xFFFFFFFF, s12;
	_ =	swait.ge [sflag:s11], $0x1400  }
.LBB2_1:
0x6f: {  	s0 =	rddreg [dreg:$0x3]  }
0x70: {  	s1 =	rddreg [dreg:$0x4];
	[sflag:s11] =	ssyncset.done $0x0  }
0x71: {  	s12 =	rddreg [dreg:$0x5];
	[sflag:s11] =	ssyncadd.s32 $0xFFFFEC00  }
0x72: {  	[tilespmem:s3], [sflag:$0x2] =	stream.linear.gather [hbm4b:s0+s3], $0x2710, $0x38;
	[tilespmem:$0x1E820] =	vst v63  }
0x73: {  	s0 =	rddreg [dreg:$0x6]  }
0x74: {  	[tilespmem:s4], [sflag:$0x2] =	stream.linear.gather [hbm4b:s1+s3], $0x2710, $0x38;
	[tilespmem:$0x1E820] =	vst v63  }
0x75: {  	[spmem:s5], [sflag:s0] =	dma.local [hbm:s12], $0x1400  }
0x76: {  	_ =	swait.ge [sflag:s6], $0x2710  }
0x77: {  	[sflag:s6] =	ssyncset.done $0x0  }
0x78: {  	[sflag:s6] =	ssyncadd.s32 $0xFFFFD8F0  }
0x79: {  	_ =	swait.ge [sflag:s6], $0x2710  }
0x7a: {  	[sflag:s6] =	ssyncset.done $0x0  }
0x7b: {  	[sflag:s6] =	ssyncadd.s32 $0xFFFFD8F0  }
0x7c: {  	_ =	swait.ge [sflag:s6], $0x1400  }
0x7d: {  	[sflag:s6] =	ssyncset.done $0x0  }
0x7e: {  	[sflag:s6] =	ssyncadd.s32 $0xFFFFEC00  }
0x7f: {  	[bflag:$0x0] =	sbarrier.arrive $0xFFFF  }
0x80: {  	[tilespmem:s9], [sflag:$0x1] =	stream.indirect.gather [hbm4b:s7+s8], $0x40, s3, s8, $0xb8;
	[tilespmem:$0x1E820] =	vst v63  }
0x81: {  	_ =	swait.ge [sflag:s10], $0xFA00  }
0x82: {  	[sflag:s10] =	ssyncset.done $0x0  }
0x83: {  	[sflag:s10] =	ssyncadd.s32 $0xFFFF0600  }
0x84: {  	[spmem:s2] =	stream.indirect.scatter.add.f32 [tilespmem:s9], [sflag:$0x3], $0x40, s4, s8, $0xb8;
	[tilespmem:$0x1E820] =	vst v63  }
0x85: {  	_ =	swait.ge [sflag:s11], $0xFA00  }
0x86: {  	[sflag:s11] =	ssyncset.done $0x0  }
0x87: {  	[sflag:s11] =	ssyncadd.s32 $0xFFFF0600  }
0x88: {  	[tilespmem:s9], [sflag:$0x1] =	stream.indirect.gather [hbm4b:s7+s8], $0x40, s8, s8, $0xb8;
	[tilespmem:$0x1E820] =	vst v63  }
0x89: {  	_ =	swait.ge [sflag:s10], $0xFA00  }
0x8a: {  	[sflag:s10] =	ssyncset.done $0x0  }
0x8b: {  	s1 =	rddreg [dreg:$0x7];
	[sflag:s10] =	ssyncadd.s32 $0xFFFF0600  }
0x8c: {  	[spmem:s2] =	stream.indirect.scatter.add.f32 [tilespmem:s9], [sflag:$0x3], $0x40, s1, s8, $0xb8;
	[tilespmem:$0x1E820] =	vst v63  }
0x8d: {  	_ =	swait.ge [sflag:s11], $0xFA00  }
0x8e: {  	[sflag:s11] =	ssyncset.done $0x0  }
0x8f: {  	s12 =	simm.s32 $0x7D0;
	[sflag:s11] =	ssyncadd.s32 $0xFFFF0600  }
0x90: {  	[tilespmem:s9], [sflag:$0x1] =	stream.indirect.gather [hbm4b:s7+s8], $0x40, s12, s8, $0xb8;
	[tilespmem:$0x1E820] =	vst v63  }
0x91: {  	_ =	swait.ge [sflag:s10], $0xFA00  }
0x92: {  	[sflag:s10] =	ssyncset.done $0x0  }
0x93: {  	[sflag:s10] =	ssyncadd.s32 $0xFFFF0600  }
0x94: {  	[spmem:s2] =	stream.indirect.scatter.add.f32 [tilespmem:s9], [sflag:$0x3], $0x40, s13, s8, $0xb8;
	[tilespmem:$0x1E820] =	vst v63  }
0x95: {  	_ =	swait.ge [sflag:s11], $0xFA00  }
0x96: {  	[sflag:s11] =	ssyncset.done $0x0  }
0x97: {  	[sflag:s11] =	ssyncadd.s32 $0xFFFF0600  }
0x98: {  	[tilespmem:s9], [sflag:$0x1] =	stream.indirect.gather [hbm4b:s7+s8], $0x40, s14, s8, $0xb8;
	[tilespmem:$0x1E820] =	vst v63  }
0x99: {  	_ =	swait.ge [sflag:s10], $0xFA00  }
0x9a: {  	[sflag:s10] =	ssyncset.done $0x0  }
0x9b: {  	[sflag:s10] =	ssyncadd.s32 $0xFFFF0600  }
0x9c: {  	[spmem:s2] =	stream.indirect.scatter.add.f32 [tilespmem:s9], [sflag:$0x3], $0x40, s15, s8, $0xb8;
	[tilespmem:$0x1E820] =	vst v63  }
0x9d: {  	_ =	swait.ge [sflag:s11], $0xFA00  }
0x9e: {  	[sflag:s11] =	ssyncset.done $0x0  }
0x9f: {  	[sflag:s11] =	ssyncadd.s32 $0xFFFF0600  }
0xa0: {  	[tilespmem:s9], [sflag:$0x1] =	stream.indirect.gather [hbm4b:s7+s8], $0x40, s16, s8, $0xb8;
	[tilespmem:$0x1E820] =	vst v63  }
0xa1: {  	_ =	swait.ge [sflag:s10], $0xFA00  }
0xa2: {  	[sflag:s10] =	ssyncset.done $0x0  }
0xa3: {  	[sflag:s10] =	ssyncadd.s32 $0xFFFF0600  }
0xa4: {  	[spmem:s2] =	stream.indirect.scatter.add.f32 [tilespmem:s9], [sflag:$0x3], $0x40, s17, s8, $0xb8;
	[tilespmem:$0x1E820] =	vst v63  }
0xa5: {  	_ =	swait.ge [sflag:s11], $0xFA00  }
0xa6: {  	[sflag:s11] =	ssyncset.done $0x0  }
0xa7: {  	[sflag:s11] =	ssyncadd.s32 $0xFFFF0600  }
0xa8: {  	[tilespmem:s9], [sflag:$0x1] =	stream.indirect.gather [hbm4b:s7+s8], $0x40, s18, s8, $0xb8;
	[tilespmem:$0x1E820] =	vst v63  }
0xa9: {  	_ =	swait.ge [sflag:s10], $0xFA00  }
0xaa: {  	[sflag:s10] =	ssyncset.done $0x0  }
0xab: {  	[sflag:s10] =	ssyncadd.s32 $0xFFFF0600  }
0xac: {  	[spmem:s2] =	stream.indirect.scatter.add.f32 [tilespmem:s9], [sflag:$0x3], $0x40, s19, s8, $0xb8;
	[tilespmem:$0x1E820] =	vst v63  }
0xad: {  	_ =	swait.ge [sflag:s11], $0xFA00  }
0xae: {  	[sflag:s11] =	ssyncset.done $0x0  }
0xaf: {  	[sflag:s11] =	ssyncadd.s32 $0xFFFF0600  }
0xb0: {  	[tilespmem:s9], [sflag:$0x1] =	stream.indirect.gather [hbm4b:s7+s8], $0x40, s20, s8, $0xb8;
	[tilespmem:$0x1E820] =	vst v63  }
0xb1: {  	_ =	swait.ge [sflag:s10], $0xFA00  }
0xb2: {  	[sflag:s10] =	ssyncset.done $0x0  }
0xb3: {  	[sflag:s10] =	ssyncadd.s32 $0xFFFF0600  }
0xb4: {  	[spmem:s2] =	stream.indirect.scatter.add.f32 [tilespmem:s9], [sflag:$0x3], $0x40, s21, s8, $0xb8;
	[tilespmem:$0x1E820] =	vst v63  }
0xb5: {  	_ =	swait.ge [sflag:s11], $0xFA00  }
0xb6: {  	[sflag:s11] =	ssyncset.done $0x0  }
0xb7: {  	[sflag:s11] =	ssyncadd.s32 $0xFFFF0600  }
0xb8: {  	[tilespmem:s9], [sflag:$0x1] =	stream.indirect.gather [hbm4b:s7+s8], $0x40, s22, s8, $0xb8;
	[tilespmem:$0x1E820] =	vst v63  }
0xb9: {  	_ =	swait.ge [sflag:s10], $0xFA00  }
0xba: {  	[sflag:s10] =	ssyncset.done $0x0  }
0xbb: {  	[sflag:s10] =	ssyncadd.s32 $0xFFFF0600  }
0xbc: {  	[spmem:s2] =	stream.indirect.scatter.add.f32 [tilespmem:s9], [sflag:$0x3], $0x40, s23, s8, $0xb8;
	[tilespmem:$0x1E820] =	vst v63  }
0xbd: {  	_ =	swait.ge [sflag:s11], $0xFA00  }
0xbe: {  	[sflag:s11] =	ssyncset.done $0x0  }
0xbf: {  	[sflag:s11] =	ssyncadd.s32 $0xFFFF0600  }
0xc0: {  	[tilespmem:s9], [sflag:$0x1] =	stream.indirect.gather [hbm4b:s7+s8], $0x40, s24, s8, $0xb8;
	[tilespmem:$0x1E820] =	vst v63  }
0xc1: {  	_ =	swait.ge [sflag:s10], $0xFA00  }
0xc2: {  	[sflag:s10] =	ssyncset.done $0x0  }
0xc3: {  	[sflag:s10] =	ssyncadd.s32 $0xFFFF0600  }
0xc4: {  	[spmem:s2] =	stream.indirect.scatter.add.f32 [tilespmem:s9], [sflag:$0x3], $0x40, s25, s8, $0xb8;
	[tilespmem:$0x1E820] =	vst v63  }
0xc5: {  	_ =	swait.ge [sflag:s11], $0xFA00  }
0xc6: {  	[sflag:s11] =	ssyncset.done $0x0  }
0xc7: {  	[sflag:s11] =	ssyncadd.s32 $0xFFFF0600  }
0xc8: {  	[tilespmem:s9], [sflag:$0x1] =	stream.indirect.gather [hbm4b:s7+s8], $0x40, s26, s8, $0xb8;
	[tilespmem:$0x1E820] =	vst v63  }
0xc9: {  	_ =	swait.ge [sflag:s10], $0xFA00  }
0xca: {  	[sflag:s10] =	ssyncset.done $0x0  }
0xcb: {  	[sflag:s10] =	ssyncadd.s32 $0xFFFF0600  }
0xcc: {  	[spmem:s2] =	stream.indirect.scatter.add.f32 [tilespmem:s9], [sflag:$0x3], $0x40, s28, s8, $0xb8;
	[tilespmem:$0x1E820] =	vst v63  }
0xcd: {  	p0 =	sne.s32 s31, $0x1;
	_ =	swait.ge [sflag:s11], $0xFA00  }
.Ltmp1:
0xce: {  	[sflag:s11] =	ssyncset.done $0x0;
	(pc) =	sbr.rel @p0 .LBB2_1-.Ltmp1, $4  }
0xcf: {  	[sflag:s11] =	ssyncadd.s32 $0xFFFF0600  }
0xd0: {  	[bflag:$0x0] =	sbarrier.arrive $0xFFFF  }
0xd1: {  	[hbm:s29], [sflag:s30] =	dma.local [spmem:s5], $0x1400  }
0xd2: {  	s31 =	sadd.s32 $0xFFFFFFFF, s31;
	_ =	swait.ge [sflag:s11], $0x1400  }
.LBB2_2:
0xd3: {  	[sflag:s11] =	ssyncset.done $0x0  }
0xd4: {  	[sflag:s11] =	ssyncadd.s32 $0xFFFFEC00  }
0xd5: {  	_ =	sfence.sel $0x180000  }
0xd6: {  	[bflag:$0x0] =	sbarrier.arrive $0xFFFF  }
0xd7: {  	_ =	strace $0x90000056  }
0xd8: {  	s0 =	stileid.u32;
	[bflag:$0x2] =	sbarrier.arrive $0xFFFF  }
0xd9: {  	p0 =	sne.s32 s0, $0x0;
	s0 =	rddreg [dreg:$0x2]  }
0xda: {  	s0 =	sadd.s32 @!p0 $0x100000, s0  }
0xdb: {  	[sflag:s0] =	ssyncadd.tile.s32 @!p0 $0x1;
	_ =	shalt  }
.Lfunc_end2:
_tile_overlayer_lowered:
.L_overlay_start_2:
0xdc: {  	(tag) =	ssettag $0x2  }
0xdd: {  	s0 =	rddreg [dreg:$0x0];
	s2 =	stileid.u32  }
0xde: {  	s1 =	rddreg [dreg:$0x1];
	p0 =	sne.s32 s2, $0x0  }
0xdf: {  	s3 =	rddreg [dreg:$0x2];
	[bflag:$0x3] =	sbarrier.arrive $0xFFFF;
	s2 =	simm.s32 @!p0 $0x1C03  }
0xe0: {  	[timem:s3], [sflag:s2] =	dma.local @!p0 [hbm:s0], s1  }
0xe1: {  	s0 =	simm.s32 @!p0 $0x3  }
0xe2: {  	_ =	swait.ge @!p0 [sflag:s0], s1  }
0xe3: {  	s1 =	ssub.s32 @!p0 $0x0, s1;
	[sflag:s0] =	ssyncset.done @!p0 $0x0  }
0xe4: {  	[sflag:s0] =	ssyncadd.s32 @!p0 s1  }
0xe5: {  	[bflag:$0x3] =	sbarrier.arrive $0xFFFF  }
0xe6: {  	_ =	shalt  }

// kernel: kernel.43.cloned.1.call-start
scs
__scs_entry_jumppad:
0x0: {  	(pc) =	sbr.rel $0x88, $3  }
0x1: {  	(tag) =	ssettag $0x0;
	lr =	simm.s32 $0x1  }
0x2: {  	[smem:$0x3F9B] =	sst lr;
	_ =	strace $0xD0000000  }
0x3: {  	_ = 	snop  }
0x4: {  	_ = 	snop  }
0x5: {  	_ = 	snop  }
0x6: {  	_ = 	snop  }
0x7: {  	_ = 	snop  }
__scs_overlays_trampoline_lowered:
0x8: {  	[smem:$0x3FAA] =	sst s0  }
0x9: {  	[smem:$0x3FAB] =	sst s1  }
0xa: {  	[smem:$0x3FAC] =	sst s2  }
0xb: {  	[smem:$0x3FAD] =	sst s3  }
0xc: {  	[smem:$0x3FAE] =	sst s4  }
0xd: {  	[smem:$0x3FAF] =	sst s5  }
0xe: {  	[smem:$0x3FB0] =	sst s6  }
0xf: {  	[smem:$0x3FB1] =	sst s7  }
0x10: {  	[smem:$0x3FB2] =	sst s8  }
0x11: {  	[smem:$0x3FB3] =	sst s9;
	s0 =	simm.s32 @!p0 $0x0  }
0x12: {  	s1 =	sld [smem:$0x3F99];
	s0 =	simm.s32 @p0 $0x1  }
0x13: {  	[smem:$0x3FB4] =	sst s0;
	s0 =	simm.s32 @!p1 $0x0  }
0x14: {  	s2 =	sld [smem:$0x3F98];
	s0 =	simm.s32 @p1 $0x1  }
0x15: {  	[smem:$0x3FB5] =	sst s0;
	s0 =	simm.s32 @!p2 $0x0  }
0x16: {  	s3 =	sld [smem:$0x3FDB];
	s0 =	simm.s32 @p2 $0x1  }
0x17: {  	s4 =	simm.s32 $0x1BF5;
	[smem:$0x3FB7] =	sst s0  }
0x18: {  	s0 =	sld [smem:$0x3F9A];
	_ =	swait.ge [sflag:s4], $0x0  }
0x19: {  	s7 =	sld [smem:$0x3F9B]  }
0x1a: {  	s8 =	sadd.s32 $0xFFFFE003, lr  }
0x1b: {  	s9 =	sadd.s32 $0xFFFFFEF7, lr;
	s5 =	simm.s32 $0xFFFFFFFF;
	p2 =	slt.u32 s8, $0xFFFFF086  }
0x1c: {  	p1 =	slt.u32 s9, $0xF7A;
	s5 =	simm.s32 @!p2 $0x0  }
0x1d: {  	s5 =	simm.s32 @p1 $0x1;
	p0 =	seq.s32 s7, s2  }
0x1e: {  	s7 =	smul.u32 @!p0 $0xF7A, s2;
	p2 =	seq.s32 @!p0 s5, $0x0  }
0x1f: {  	s9 =	smul.u32 $0xF7A, s1;
	s8 =	simm.s32 @!p0 $0x1BF5;
	p2 =	por !p2, p0  }
0x20: {  	[sflag:s8] =	ssyncset.s32 @!p0 $0xFFFFF086;
	s6 =	sadd.s32 @!p0 s3, s7;
	s7 =	simm.s32 @!p0 $0x108  }
0x21: {  	s3 =	sadd.s32 s3, s9;
	s6 =	sadd.s32 @!p0 $0x88, s6;
	s7 =	simm.s32 @p2 $0x1082  }
0x22: {  	[simem:s7], [sflag:s8] =	dma.local @!p0 [hbm:s6], $0xF7A  }
0x23: {  	s9 =	sor.u32 $0xD0000000, s2;
	s6 =	simm.s32 $0x108;
	_ =	swait.ge @!p0 [sflag:s8], $0x0  }
0x24: {  	s3 =	sadd.s32 $0x88, s3;
	s6 =	simm.s32 @!p1 $0x1082;
	[sflag:s4] =	ssyncset.s32 $0xFFFFF086  }
0x25: {  	[simem:s6], [sflag:s4] =	dma.local [hbm:s3], $0xF7A  }
0x26: {  	[smem:$0x3F9B] =	sst s1;
	(tag) =	ssettag s2;
	_ =	strace s9  }
0x27: {  	s1 =	sld [smem:$0x3FAB]  }
0x28: {  	s2 =	sld [smem:$0x3FAC]  }
0x29: {  	s4 =	sld [smem:$0x3FAE]  }
0x2a: {  	p0 =	seq.s32 s5, $0x0;
	s5 =	sld [smem:$0x3FAF]  }
0x2b: {  	s6 =	sld [smem:$0x3FB0]  }
0x2c: {  	s7 =	sld [smem:$0x3FB1]  }
0x2d: {  	s3 =	simm.s32 $0x108;
	s8 =	sld [smem:$0x3FB2]  }
0x2e: {  	s3 =	simm.s32 @!p0 $0x1082;
	s9 =	sld [smem:$0x3FB3]  }
0x2f: {  	lr =	sadd.s32 s0, s3;
	s0 =	sld [smem:$0x3FAA]  }
0x30: {  	s3 =	sld [smem:$0x3FAD]  }
0x31: {  	[smem:$0x3FB6] =	sst s10  }
0x32: {  	s10 =	sld [smem:$0x3FB4];
	_ =	sdelay $0x3  }
0x33: {  	p0 =	seq.s32 s10, $0x1;
	s10 =	sld [smem:$0x3FB6];
	_ =	sdelay $0x3  }
0x34: {  	[smem:$0x3FB6] =	sst s10  }
0x35: {  	s10 =	sld [smem:$0x3FB5];
	_ =	sdelay $0x3  }
0x36: {  	p1 =	seq.s32 s10, $0x1;
	s10 =	sld [smem:$0x3FB6];
	_ =	sdelay $0x3  }
0x37: {  	[smem:$0x3FB6] =	sst s10  }
0x38: {  	s10 =	sld [smem:$0x3FB7]  }
0x39: {  	_ = 	snop;
	(pc) =	sbr.ind lr, $3  }
0x3a: {  	_ = 	snop  }
0x3b: {  	_ = 	snop  }
0x3c: {  	p2 =	seq.s32 s10, $0x1;
	s10 =	sld [smem:$0x3FB6]  }
0x3d: {  	_ =	shalt  }
0x3e: {  	_ =	shalt  }
0x3f: {  	_ =	shalt  }
0x40: {  	_ =	shalt  }
0x41: {  	_ =	shalt  }
0x42: {  	_ =	shalt  }
0x43: {  	_ =	shalt  }
0x44: {  	_ =	shalt  }
0x45: {  	_ =	shalt  }
0x46: {  	_ =	shalt  }
0x47: {  	_ =	shalt  }
0x48: {  	_ =	shalt  }
0x49: {  	_ =	shalt  }
0x4a: {  	_ =	shalt  }
0x4b: {  	_ =	shalt  }
0x4c: {  	_ =	shalt  }
0x4d: {  	_ =	shalt  }
0x4e: {  	_ =	shalt  }
0x4f: {  	_ =	shalt  }
0x50: {  	_ =	shalt  }
0x51: {  	_ =	shalt  }
0x52: {  	_ =	shalt  }
0x53: {  	_ =	shalt  }
0x54: {  	_ =	shalt  }
0x55: {  	_ =	shalt  }
0x56: {  	_ =	shalt  }
0x57: {  	_ =	shalt  }
0x58: {  	_ =	shalt  }
0x59: {  	_ =	shalt  }
0x5a: {  	_ =	shalt  }
0x5b: {  	_ =	shalt  }
0x5c: {  	_ =	shalt  }
0x5d: {  	_ =	shalt  }
0x5e: {  	_ =	shalt  }
0x5f: {  	_ =	shalt  }
0x60: {  	_ =	shalt  }
0x61: {  	_ =	shalt  }
0x62: {  	_ =	shalt  }
0x63: {  	_ =	shalt  }
0x64: {  	_ =	shalt  }
0x65: {  	_ =	shalt  }
0x66: {  	_ =	shalt  }
0x67: {  	_ =	shalt  }
0x68: {  	_ =	shalt  }
0x69: {  	_ =	shalt  }
0x6a: {  	_ =	shalt  }
0x6b: {  	_ =	shalt  }
0x6c: {  	_ =	shalt  }
0x6d: {  	_ =	shalt  }
0x6e: {  	_ =	shalt  }
0x6f: {  	_ =	shalt  }
0x70: {  	_ =	shalt  }
0x71: {  	_ =	shalt  }
0x72: {  	_ =	shalt  }
0x73: {  	_ =	shalt  }
0x74: {  	_ =	shalt  }
0x75: {  	_ =	shalt  }
0x76: {  	_ =	shalt  }
0x77: {  	_ =	shalt  }
0x78: {  	_ =	shalt  }
0x79: {  	_ =	shalt  }
0x7a: {  	_ =	shalt  }
0x7b: {  	_ =	shalt  }
0x7c: {  	_ =	shalt  }
0x7d: {  	_ =	shalt  }
0x7e: {  	_ =	shalt  }
0x7f: {  	_ =	shalt  }
0x80: {  	_ =	shalt  }
0x81: {  	_ =	shalt  }
0x82: {  	_ =	shalt  }
0x83: {  	_ =	shalt  }
0x84: {  	_ =	shalt  }
0x85: {  	_ =	shalt  }
0x86: {  	_ =	shalt  }
0x87: {  	_ =	shalt  }
.Lfunc_end0:
.L_simem_size_0:
called_computation.6_lowered:
.L_overlay_start_0:
0x88: {  	s2 =	sld [smem:$0x3FD9]  }
0x89: {  	s3 =	sld [smem:$0x3FFE];
	_ =	sdelay $0x1  }
0x8a: {  	s1 =	srdreg.scid  }
0x8b: {  	s0 =	sand.u32 $0x1, s1  }
0x8c: {  	s16 =	sshll.u32 s0, $0xA;
	s2 =	sadd.s32 s3, s2  }
0x8d: {  	s2 =	sadd.s32 s2, s16  }
0x8e: {  	[smem:$0x3FC2] =	sst s2  }
0x8f: {  	_ = 	snop  }
0x90: {  	(tm) =	ssettm $0x1  }
0x91: {  	s17 =	sld [smem:$0x3FFB];
	_ =	sdelay $0x3  }
0x92: {  	_ =	strace s17  }
0x93: {  	s2 =	sld [smem:$0x3FFC];
	_ =	sdelay $0x3  }
0x94: {  	_ =	strace s2  }
0x95: {  	s2 =	sld [smem:$0x3FFD];
	_ =	sdelay $0x3  }
0x96: {  	_ =	strace s2  }
0x97: {  	_ =	strace $0x8FFFFFFF  }
0x98: {  	s18 =	sld [smem:$0x3FDB];
	_ =	sdelay $0x1  }
0x99: {  	s19 =	simm.s32 $_scs_section_size  }
0x9a: {  	s4 =	simm.s32 $_size__tile_overlayer_lowered;
	s5 =	simm.s32 $_tile_overlayer_lowered  }
0x9b: {  	s22 =	simm.s32 $0x1BFF;
	s21 =	sshll.u32 s5, $0x1;
	s2 =	sadd.s32 s19, s18  }
0x9c: {  	s6 =	simm.s32 $0x0;
	s20 =	sshll.u32 s4, $0x1;
	s4 =	sadd.s32 s21, s2  }
0x9d: {  	[timem:s6], [sflag:s22] =	dma.local [hbm:s4], s20  }
0x9e: {  	_ =	swait.ge [sflag:s22], s20  }
0x9f: {  	s3 =	ssub.s32 $0x0, s20;
	[sflag:s22] =	ssyncset.done $0x0  }
0xa0: {  	[sflag:s22] =	ssyncadd.s32 s3;
	_ =	sdelay $0x1  }
0xa1: {  	s23 =	simm.s32 $0x1B8B  }
0xa2: {  	_ =	swait.ge [sflag:s23], $0x1  }
0xa3: {  	[sflag:s23] =	ssyncset.done $0x0  }
0xa4: {  	s25 =	simm.s32 $0x1B8E;
	s24 =	sld [smem:$0x3FFE];
	[sflag:s23] =	ssyncadd.s32 $0xFFFFFFFF  }
0xa5: {  	s26 =	simm.s32 $execute0_lowered;
	[smem:$0x3FD2] =	sst s25  }
0xa6: {  	s4 =	sshll.u32 s26, $0x1;
	_ =	strace $0x80000058;
	[dreg:$0x1] =	wrdreg $0xFFFFFFFF  }
0xa7: {  	s28 =	simm.s32 $_size_execute0_lowered;
	s2 =	sadd.s32 s2, s4;
	[dreg:$0x0] =	wrdreg $0x0  }
0xa8: {  	s4 =	sshll.u32 s28, $0x1;
	[dreg:$0x2] =	wrdreg s2  }
0xa9: {  	[dreg:$0x3] =	wrdreg s4  }
0xaa: {  	[dreg:$0x4] =	wrdreg $0xC0  }
0xab: {  	_ =	task [dreg:s6], $0x5FFFF  }
0xac: {  	[dreg:$0x1] =	wrdreg $0xFFFFFFFF  }
0xad: {  	[dreg:$0x0] =	wrdreg $0x60  }
0xae: {  	[dreg:$0x2] =	wrdreg s24  }
0xaf: {  	[dreg:$0x3] =	wrdreg $0x148200  }
0xb0: {  	[dreg:$0x4] =	wrdreg $0x9  }
0xb1: {  	_ =	task.clear_ibuf [dreg:s6], $0x5FFFF;
	_ =	strace $0x90000058  }
0xb2: {  	s29 =	simm.s32 $0x9;
	_ =	strace $0x8000005A  }
0xb3: {  	_ =	swait.ge [sflag:s29], $0x1  }
0xb4: {  	[sflag:s29] =	ssyncadd.s32 $0xFFFFFFFF  }
0xb5: {  	_ =	strace $0x9000005A  }
0xb6: {  	_ =	sfence  }
0xb7: {  	s30 =	sld [smem:$0x0];
	_ =	sdelay $0x2  }
0xb8: {  	s31 =	sshll.u32 s1, $0xD;
	s1 =	sshrl.u32 s1, $0x2  }
0xb9: {  	s3 =	sand.u32 $0x4000, s31;
	s1 =	sadd.s32 s1, s30  }
0xba: {  	s0 =	sor.u32 s3, s0;
	s1 =	sshll.u32 s1, $0x11  }
0xbb: {  	s0 =	sor.u32 s1, s0  }
0xbc: {  	s0 =	sadd.s32 $0x8F2B, s0  }
0xbd: {  	[sflag:s0] =	ssyncadd.remote.s32 $0x1  }
0xbe: {  	_ =	sfence.sel $0xFFFF  }
0xbf: {  	[dreg:$0x0] =	wrdreg $0xFFFFFFFF;
	(pc) =	sbr.abs _section_cstart, $3  }
0xc0: {  	[dreg:$0x1] =	wrdreg $0xFFFFFFFF  }
0xc1: {  	_ =	task.clear_ibuf [dreg:s6], $0x2FFFF;
	_ =	strace $0x9FFFFFFF  }
0xc2: {  	(tm) =	ssettm $0x7FFFFFFF  }
0xc3: {  	_ =	shalt  }
tec
execute0_lowered:
.L_overlay_start_1:
0x0: {  	(tag) =	ssettag $0x1  }
0x1: {  	s0 =	srdreg.scid;
	s21 =	stileid.u32  }
0x2: {  	s30 =	rddreg [dreg:$0x0];
	s29 =	sand.u32 $0x1, s0;
	s4 =	smul.u32 $0xA000, s21  }
0x3: {  	s2 =	rddreg [dreg:$0x1];
	s3 =	simm.s32 $0x0;
	s1 =	sshll.u32 s29, $0x4  }
0x4: {  	s9 =	simm.s32 $0x2AF8;
	s1 =	sor.u32 s21, s1;
	s31 =	sshrl.u32 s4, $0x3  }
0x5: {  	[smem:$0x7FF] =	sst s3;
	s1 =	smul.u32 $0x4E2, s1;
	s6 =	sadd.s32 s31, s30  }
0x6: {  	_ =	strace $0x80000059;
	[dreg:$0x7] =	wrdreg s9;
	s22 =	sadd.s32 $0x7C800, s6  }
0x7: {  	s1 =	sadd.s32 s1, s30;
	[dreg:$0x5] =	wrdreg s22  }
0x8: {  	s5 =	sadd.s32 $0x4C00, s1;
	s8 =	rddreg [dreg:$0x5]  }
0x9: {  	s1 =	sadd.s32 $0xEA00, s1;
	[dreg:$0x3] =	wrdreg s5  }
0xa: {  	[dreg:$0x4] =	wrdreg s1  }
0xb: {  	s1 =	sshll.u32 s21, $0x6;
	s24 =	rddreg [dreg:$0x3]  }
0xc: {  	s23 =	sor.u32 $0x1C02, s1;
	s7 =	rddreg [dreg:$0x4]  }
0xd: {  	s25 =	sadd.s32 s4, s2;
	s4 =	simm.s32 $0x2710;
	[dreg:$0x6] =	wrdreg s23  }
0xe: {  	[tilespmem:s3], [sflag:$0x2] =	stream.linear.gather [hbm4b:s24+s3], $0x2710, $0x38;
	[tilespmem:$0x1E820] =	vst v63  }
0xf: {  	s6 =	simm.s32 $0x2;
	s5 =	sshrl.u32 s25, $0x3;
	s10 =	rddreg [dreg:$0x6]  }
0x10: {  	[tilespmem:s4], [sflag:$0x2] =	stream.linear.gather [hbm4b:s7+s3], $0x2710, $0x38;
	[tilespmem:$0x1E820] =	vst v63  }
0x11: {  	[spmem:s5], [sflag:s10] =	dma.local [hbm:s8], $0x1400  }
0x12: {  	_ =	swait.ge [sflag:s6], $0x2710  }
0x13: {  	[sflag:s6] =	ssyncset.done $0x0  }
0x14: {  	[sflag:s6] =	ssyncadd.s32 $0xFFFFD8F0  }
0x15: {  	_ =	swait.ge [sflag:s6], $0x2710  }
0x16: {  	[sflag:s6] =	ssyncset.done $0x0  }
0x17: {  	[sflag:s6] =	ssyncadd.s32 $0xFFFFD8F0  }
0x18: {  	_ =	swait.ge [sflag:s6], $0x1400  }
0x19: {  	[sflag:s6] =	ssyncset.done $0x0  }
0x1a: {  	s9 =	simm.s32 $0x4E20;
	s7 =	sadd.s32 $0x68800, s30;
	[sflag:s6] =	ssyncadd.s32 $0xFFFFEC00  }
0x1b: {  	s8 =	simm.s32 $0x3E8;
	s10 =	simm.s32 $0x1;
	[bflag:$0x0] =	sbarrier.arrive $0xFFFF  }
0x1c: {  	[tilespmem:s9], [sflag:$0x1] =	stream.indirect.gather [hbm4b:s7+s8], $0x40, s3, s8, $0xb8;
	[tilespmem:$0x1E820] =	vst v63  }
0x1d: {  	_ =	swait.ge [sflag:s10], $0xFA00  }
0x1e: {  	[sflag:s10] =	ssyncset.done $0x0  }
0x1f: {  	s11 =	simm.s32 $0x3;
	[sflag:s10] =	ssyncadd.s32 $0xFFFF0600  }
0x20: {  	[spmem:s2] =	stream.indirect.scatter.add.f32 [tilespmem:s9], [sflag:$0x3], $0x40, s4, s8, $0xb8;
	[tilespmem:$0x1E820] =	vst v63  }
0x21: {  	_ =	swait.ge [sflag:s11], $0xFA00  }
0x22: {  	[sflag:s11] =	ssyncset.done $0x0  }
0x23: {  	[sflag:s11] =	ssyncadd.s32 $0xFFFF0600  }
0x24: {  	[tilespmem:s9], [sflag:$0x1] =	stream.indirect.gather [hbm4b:s7+s8], $0x40, s8, s8, $0xb8;
	[tilespmem:$0x1E820] =	vst v63  }
0x25: {  	_ =	swait.ge [sflag:s10], $0xFA00  }
0x26: {  	[sflag:s10] =	ssyncset.done $0x0  }
0x27: {  	s12 =	rddreg [dreg:$0x7];
	[sflag:s10] =	ssyncadd.s32 $0xFFFF0600  }
0x28: {  	[spmem:s2] =	stream.indirect.scatter.add.f32 [tilespmem:s9], [sflag:$0x3], $0x40, s12, s8, $0xb8;
	[tilespmem:$0x1E820] =	vst v63  }
0x29: {  	_ =	swait.ge [sflag:s11], $0xFA00  }
0x2a: {  	[sflag:s11] =	ssyncset.done $0x0  }
0x2b: {  	s26 =	simm.s32 $0x7D0;
	[sflag:s11] =	ssyncadd.s32 $0xFFFF0600  }
0x2c: {  	[tilespmem:s9], [sflag:$0x1] =	stream.indirect.gather [hbm4b:s7+s8], $0x40, s26, s8, $0xb8;
	[tilespmem:$0x1E820] =	vst v63  }
0x2d: {  	_ =	swait.ge [sflag:s10], $0xFA00  }
0x2e: {  	[sflag:s10] =	ssyncset.done $0x0  }
0x2f: {  	s13 =	simm.s32 $0x2EE0;
	[sflag:s10] =	ssyncadd.s32 $0xFFFF0600  }
0x30: {  	[spmem:s2] =	stream.indirect.scatter.add.f32 [tilespmem:s9], [sflag:$0x3], $0x40, s13, s8, $0xb8;
	[tilespmem:$0x1E820] =	vst v63  }
0x31: {  	_ =	swait.ge [sflag:s11], $0xFA00  }
0x32: {  	[sflag:s11] =	ssyncset.done $0x0  }
0x33: {  	s14 =	simm.s32 $0xBB8;
	[sflag:s11] =	ssyncadd.s32 $0xFFFF0600  }
0x34: {  	[tilespmem:s9], [sflag:$0x1] =	stream.indirect.gather [hbm4b:s7+s8], $0x40, s14, s8, $0xb8;
	[tilespmem:$0x1E820] =	vst v63  }
0x35: {  	_ =	swait.ge [sflag:s10], $0xFA00  }
0x36: {  	[sflag:s10] =	ssyncset.done $0x0  }
0x37: {  	s15 =	simm.s32 $0x32C8;
	[sflag:s10] =	ssyncadd.s32 $0xFFFF0600  }
0x38: {  	[spmem:s2] =	stream.indirect.scatter.add.f32 [tilespmem:s9], [sflag:$0x3], $0x40, s15, s8, $0xb8;
	[tilespmem:$0x1E820] =	vst v63  }
0x39: {  	_ =	swait.ge [sflag:s11], $0xFA00  }
0x3a: {  	[sflag:s11] =	ssyncset.done $0x0  }
0x3b: {  	s16 =	simm.s32 $0xFA0;
	[sflag:s11] =	ssyncadd.s32 $0xFFFF0600  }
0x3c: {  	[tilespmem:s9], [sflag:$0x1] =	stream.indirect.gather [hbm4b:s7+s8], $0x40, s16, s8, $0xb8;
	[tilespmem:$0x1E820] =	vst v63  }
0x3d: {  	_ =	swait.ge [sflag:s10], $0xFA00  }
0x3e: {  	[sflag:s10] =	ssyncset.done $0x0  }
0x3f: {  	s17 =	simm.s32 $0x36B0;
	[sflag:s10] =	ssyncadd.s32 $0xFFFF0600  }
0x40: {  	[spmem:s2] =	stream.indirect.scatter.add.f32 [tilespmem:s9], [sflag:$0x3], $0x40, s17, s8, $0xb8;
	[tilespmem:$0x1E820] =	vst v63  }
0x41: {  	_ =	swait.ge [sflag:s11], $0xFA00  }
0x42: {  	[sflag:s11] =	ssyncset.done $0x0  }
0x43: {  	s18 =	simm.s32 $0x1388;
	[sflag:s11] =	ssyncadd.s32 $0xFFFF0600  }
0x44: {  	[tilespmem:s9], [sflag:$0x1] =	stream.indirect.gather [hbm4b:s7+s8], $0x40, s18, s8, $0xb8;
	[tilespmem:$0x1E820] =	vst v63  }
0x45: {  	_ =	swait.ge [sflag:s10], $0xFA00  }
0x46: {  	[sflag:s10] =	ssyncset.done $0x0  }
0x47: {  	s19 =	simm.s32 $0x3A98;
	[sflag:s10] =	ssyncadd.s32 $0xFFFF0600  }
0x48: {  	[spmem:s2] =	stream.indirect.scatter.add.f32 [tilespmem:s9], [sflag:$0x3], $0x40, s19, s8, $0xb8;
	[tilespmem:$0x1E820] =	vst v63  }
0x49: {  	_ =	swait.ge [sflag:s11], $0xFA00  }
0x4a: {  	[sflag:s11] =	ssyncset.done $0x0  }
0x4b: {  	s20 =	simm.s32 $0x1770;
	[sflag:s11] =	ssyncadd.s32 $0xFFFF0600  }
0x4c: {  	[tilespmem:s9], [sflag:$0x1] =	stream.indirect.gather [hbm4b:s7+s8], $0x40, s20, s8, $0xb8;
	[tilespmem:$0x1E820] =	vst v63  }
0x4d: {  	_ =	swait.ge [sflag:s10], $0xFA00  }
0x4e: {  	[sflag:s10] =	ssyncset.done $0x0  }
0x4f: {  	s21 =	simm.s32 $0x3E80;
	[sflag:s10] =	ssyncadd.s32 $0xFFFF0600  }
0x50: {  	[spmem:s2] =	stream.indirect.scatter.add.f32 [tilespmem:s9], [sflag:$0x3], $0x40, s21, s8, $0xb8;
	[tilespmem:$0x1E820] =	vst v63  }
0x51: {  	_ =	swait.ge [sflag:s11], $0xFA00  }
0x52: {  	[sflag:s11] =	ssyncset.done $0x0  }
0x53: {  	s22 =	simm.s32 $0x1B58;
	[sflag:s11] =	ssyncadd.s32 $0xFFFF0600  }
0x54: {  	[tilespmem:s9], [sflag:$0x1] =	stream.indirect.gather [hbm4b:s7+s8], $0x40, s22, s8, $0xb8;
	[tilespmem:$0x1E820] =	vst v63  }
0x55: {  	_ =	swait.ge [sflag:s10], $0xFA00  }
0x56: {  	[sflag:s10] =	ssyncset.done $0x0  }
0x57: {  	s23 =	simm.s32 $0x4268;
	[sflag:s10] =	ssyncadd.s32 $0xFFFF0600  }
0x58: {  	[spmem:s2] =	stream.indirect.scatter.add.f32 [tilespmem:s9], [sflag:$0x3], $0x40, s23, s8, $0xb8;
	[tilespmem:$0x1E820] =	vst v63  }
0x59: {  	_ =	swait.ge [sflag:s11], $0xFA00  }
0x5a: {  	[sflag:s11] =	ssyncset.done $0x0  }
0x5b: {  	s24 =	simm.s32 $0x1F40;
	[sflag:s11] =	ssyncadd.s32 $0xFFFF0600  }
0x5c: {  	[tilespmem:s9], [sflag:$0x1] =	stream.indirect.gather [hbm4b:s7+s8], $0x40, s24, s8, $0xb8;
	[tilespmem:$0x1E820] =	vst v63  }
0x5d: {  	_ =	swait.ge [sflag:s10], $0xFA00  }
0x5e: {  	[sflag:s10] =	ssyncset.done $0x0  }
0x5f: {  	s25 =	simm.s32 $0x4650;
	[sflag:s10] =	ssyncadd.s32 $0xFFFF0600  }
0x60: {  	[spmem:s2] =	stream.indirect.scatter.add.f32 [tilespmem:s9], [sflag:$0x3], $0x40, s25, s8, $0xb8;
	[tilespmem:$0x1E820] =	vst v63  }
0x61: {  	_ =	swait.ge [sflag:s11], $0xFA00  }
0x62: {  	s12 =	smul.u32 $0x14000, s29;
	[sflag:s11] =	ssyncset.done $0x0  }
0x63: {  	s29 =	ssub.s32 $0x2, s29;
	s26 =	simm.s32 $0x2328;
	[sflag:s11] =	ssyncadd.s32 $0xFFFF0600  }
0x64: {  	[tilespmem:s9], [sflag:$0x1] =	stream.indirect.gather [hbm4b:s7+s8], $0x40, s26, s8, $0xb8;
	[tilespmem:$0x1E820] =	vst v63  }
0x65: {  	s0 =	sadd.s32 s12, s30;
	s30 =	sshrl.u32 s29, $0x1;
	_ =	swait.ge [sflag:s10], $0xFA00  }
0x66: {  	s30 =	ssub.s32 s29, s30;
	[sflag:s10] =	ssyncset.done $0x0  }
0x67: {  	s28 =	simm.s32 $0x4A38;
	s12 =	smax.u32 s30, $0x1;
	[sflag:s10] =	ssyncadd.s32 $0xFFFF0600  }
0x68: {  	[spmem:s2] =	stream.indirect.scatter.add.f32 [tilespmem:s9], [sflag:$0x3], $0x40, s28, s8, $0xb8;
	[tilespmem:$0x1E820] =	vst v63  }
0x69: {  	p0 =	sne.s32 s12, $0x1;
	_ =	swait.ge [sflag:s11], $0xFA00  }
.Ltmp0:
0x6a: {  	[sflag:s11] =	ssyncset.done $0x0;
	(pc) =	sbr.rel @!p0 .LBB2_2-.Ltmp0, $4  }
0x6b: {  	s0 =	sadd.s32 $0x90800, s0;
	[sflag:s11] =	ssyncadd.s32 $0xFFFF0600  }
0x6c: {  	s29 =	sadd.s32 s31, s0;
	s30 =	sor.u32 $0x1C03, s1;
	[bflag:$0x0] =	sbarrier.arrive $0xFFFF  }
0x6d: {  	[hbm:s29], [sflag:s30] =	dma.local [spmem:s5], $0x1400  }
0x6e: {  	s31 =	sadd.s32 $0xFFFFFFFF, s12;
	_ =	swait.ge [sflag:s11], $0x1400  }
.LBB2_1:
0x6f: {  	s0 =	rddreg [dreg:$0x3]  }
0x70: {  	s1 =	rddreg [dreg:$0x4];
	[sflag:s11] =	ssyncset.done $0x0  }
0x71: {  	s12 =	rddreg [dreg:$0x5];
	[sflag:s11] =	ssyncadd.s32 $0xFFFFEC00  }
0x72: {  	[tilespmem:s3], [sflag:$0x2] =	stream.linear.gather [hbm4b:s0+s3], $0x2710, $0x38;
	[tilespmem:$0x1E820] =	vst v63  }
0x73: {  	s0 =	rddreg [dreg:$0x6]  }
0x74: {  	[tilespmem:s4], [sflag:$0x2] =	stream.linear.gather [hbm4b:s1+s3], $0x2710, $0x38;
	[tilespmem:$0x1E820] =	vst v63  }
0x75: {  	[spmem:s5], [sflag:s0] =	dma.local [hbm:s12], $0x1400  }
0x76: {  	_ =	swait.ge [sflag:s6], $0x2710  }
0x77: {  	[sflag:s6] =	ssyncset.done $0x0  }
0x78: {  	[sflag:s6] =	ssyncadd.s32 $0xFFFFD8F0  }
0x79: {  	_ =	swait.ge [sflag:s6], $0x2710  }
0x7a: {  	[sflag:s6] =	ssyncset.done $0x0  }
0x7b: {  	[sflag:s6] =	ssyncadd.s32 $0xFFFFD8F0  }
0x7c: {  	_ =	swait.ge [sflag:s6], $0x1400  }
0x7d: {  	[sflag:s6] =	ssyncset.done $0x0  }
0x7e: {  	[sflag:s6] =	ssyncadd.s32 $0xFFFFEC00  }
0x7f: {  	[bflag:$0x0] =	sbarrier.arrive $0xFFFF  }
0x80: {  	[tilespmem:s9], [sflag:$0x1] =	stream.indirect.gather [hbm4b:s7+s8], $0x40, s3, s8, $0xb8;
	[tilespmem:$0x1E820] =	vst v63  }
0x81: {  	_ =	swait.ge [sflag:s10], $0xFA00  }
0x82: {  	[sflag:s10] =	ssyncset.done $0x0  }
0x83: {  	[sflag:s10] =	ssyncadd.s32 $0xFFFF0600  }
0x84: {  	[spmem:s2] =	stream.indirect.scatter.add.f32 [tilespmem:s9], [sflag:$0x3], $0x40, s4, s8, $0xb8;
	[tilespmem:$0x1E820] =	vst v63  }
0x85: {  	_ =	swait.ge [sflag:s11], $0xFA00  }
0x86: {  	[sflag:s11] =	ssyncset.done $0x0  }
0x87: {  	[sflag:s11] =	ssyncadd.s32 $0xFFFF0600  }
0x88: {  	[tilespmem:s9], [sflag:$0x1] =	stream.indirect.gather [hbm4b:s7+s8], $0x40, s8, s8, $0xb8;
	[tilespmem:$0x1E820] =	vst v63  }
0x89: {  	_ =	swait.ge [sflag:s10], $0xFA00  }
0x8a: {  	[sflag:s10] =	ssyncset.done $0x0  }
0x8b: {  	s1 =	rddreg [dreg:$0x7];
	[sflag:s10] =	ssyncadd.s32 $0xFFFF0600  }
0x8c: {  	[spmem:s2] =	stream.indirect.scatter.add.f32 [tilespmem:s9], [sflag:$0x3], $0x40, s1, s8, $0xb8;
	[tilespmem:$0x1E820] =	vst v63  }
0x8d: {  	_ =	swait.ge [sflag:s11], $0xFA00  }
0x8e: {  	[sflag:s11] =	ssyncset.done $0x0  }
0x8f: {  	s12 =	simm.s32 $0x7D0;
	[sflag:s11] =	ssyncadd.s32 $0xFFFF0600  }
0x90: {  	[tilespmem:s9], [sflag:$0x1] =	stream.indirect.gather [hbm4b:s7+s8], $0x40, s12, s8, $0xb8;
	[tilespmem:$0x1E820] =	vst v63  }
0x91: {  	_ =	swait.ge [sflag:s10], $0xFA00  }
0x92: {  	[sflag:s10] =	ssyncset.done $0x0  }
0x93: {  	[sflag:s10] =	ssyncadd.s32 $0xFFFF0600  }
0x94: {  	[spmem:s2] =	stream.indirect.scatter.add.f32 [tilespmem:s9], [sflag:$0x3], $0x40, s13, s8, $0xb8;
	[tilespmem:$0x1E820] =	vst v63  }
0x95: {  	_ =	swait.ge [sflag:s11], $0xFA00  }
0x96: {  	[sflag:s11] =	ssyncset.done $0x0  }
0x97: {  	[sflag:s11] =	ssyncadd.s32 $0xFFFF0600  }
0x98: {  	[tilespmem:s9], [sflag:$0x1] =	stream.indirect.gather [hbm4b:s7+s8], $0x40, s14, s8, $0xb8;
	[tilespmem:$0x1E820] =	vst v63  }
0x99: {  	_ =	swait.ge [sflag:s10], $0xFA00  }
0x9a: {  	[sflag:s10] =	ssyncset.done $0x0  }
0x9b: {  	[sflag:s10] =	ssyncadd.s32 $0xFFFF0600  }
0x9c: {  	[spmem:s2] =	stream.indirect.scatter.add.f32 [tilespmem:s9], [sflag:$0x3], $0x40, s15, s8, $0xb8;
	[tilespmem:$0x1E820] =	vst v63  }
0x9d: {  	_ =	swait.ge [sflag:s11], $0xFA00  }
0x9e: {  	[sflag:s11] =	ssyncset.done $0x0  }
0x9f: {  	[sflag:s11] =	ssyncadd.s32 $0xFFFF0600  }
0xa0: {  	[tilespmem:s9], [sflag:$0x1] =	stream.indirect.gather [hbm4b:s7+s8], $0x40, s16, s8, $0xb8;
	[tilespmem:$0x1E820] =	vst v63  }
0xa1: {  	_ =	swait.ge [sflag:s10], $0xFA00  }
0xa2: {  	[sflag:s10] =	ssyncset.done $0x0  }
0xa3: {  	[sflag:s10] =	ssyncadd.s32 $0xFFFF0600  }
0xa4: {  	[spmem:s2] =	stream.indirect.scatter.add.f32 [tilespmem:s9], [sflag:$0x3], $0x40, s17, s8, $0xb8;
	[tilespmem:$0x1E820] =	vst v63  }
0xa5: {  	_ =	swait.ge [sflag:s11], $0xFA00  }
0xa6: {  	[sflag:s11] =	ssyncset.done $0x0  }
0xa7: {  	[sflag:s11] =	ssyncadd.s32 $0xFFFF0600  }
0xa8: {  	[tilespmem:s9], [sflag:$0x1] =	stream.indirect.gather [hbm4b:s7+s8], $0x40, s18, s8, $0xb8;
	[tilespmem:$0x1E820] =	vst v63  }
0xa9: {  	_ =	swait.ge [sflag:s10], $0xFA00  }
0xaa: {  	[sflag:s10] =	ssyncset.done $0x0  }
0xab: {  	[sflag:s10] =	ssyncadd.s32 $0xFFFF0600  }
0xac: {  	[spmem:s2] =	stream.indirect.scatter.add.f32 [tilespmem:s9], [sflag:$0x3], $0x40, s19, s8, $0xb8;
	[tilespmem:$0x1E820] =	vst v63  }
0xad: {  	_ =	swait.ge [sflag:s11], $0xFA00  }
0xae: {  	[sflag:s11] =	ssyncset.done $0x0  }
0xaf: {  	[sflag:s11] =	ssyncadd.s32 $0xFFFF0600  }
0xb0: {  	[tilespmem:s9], [sflag:$0x1] =	stream.indirect.gather [hbm4b:s7+s8], $0x40, s20, s8, $0xb8;
	[tilespmem:$0x1E820] =	vst v63  }
0xb1: {  	_ =	swait.ge [sflag:s10], $0xFA00  }
0xb2: {  	[sflag:s10] =	ssyncset.done $0x0  }
0xb3: {  	[sflag:s10] =	ssyncadd.s32 $0xFFFF0600  }
0xb4: {  	[spmem:s2] =	stream.indirect.scatter.add.f32 [tilespmem:s9], [sflag:$0x3], $0x40, s21, s8, $0xb8;
	[tilespmem:$0x1E820] =	vst v63  }
0xb5: {  	_ =	swait.ge [sflag:s11], $0xFA00  }
0xb6: {  	[sflag:s11] =	ssyncset.done $0x0  }
0xb7: {  	[sflag:s11] =	ssyncadd.s32 $0xFFFF0600  }
0xb8: {  	[tilespmem:s9], [sflag:$0x1] =	stream.indirect.gather [hbm4b:s7+s8], $0x40, s22, s8, $0xb8;
	[tilespmem:$0x1E820] =	vst v63  }
0xb9: {  	_ =	swait.ge [sflag:s10], $0xFA00  }
0xba: {  	[sflag:s10] =	ssyncset.done $0x0  }
0xbb: {  	[sflag:s10] =	ssyncadd.s32 $0xFFFF0600  }
0xbc: {  	[spmem:s2] =	stream.indirect.scatter.add.f32 [tilespmem:s9], [sflag:$0x3], $0x40, s23, s8, $0xb8;
	[tilespmem:$0x1E820] =	vst v63  }
0xbd: {  	_ =	swait.ge [sflag:s11], $0xFA00  }
0xbe: {  	[sflag:s11] =	ssyncset.done $0x0  }
0xbf: {  	[sflag:s11] =	ssyncadd.s32 $0xFFFF0600  }
0xc0: {  	[tilespmem:s9], [sflag:$0x1] =	stream.indirect.gather [hbm4b:s7+s8], $0x40, s24, s8, $0xb8;
	[tilespmem:$0x1E820] =	vst v63  }
0xc1: {  	_ =	swait.ge [sflag:s10], $0xFA00  }
0xc2: {  	[sflag:s10] =	ssyncset.done $0x0  }
0xc3: {  	[sflag:s10] =	ssyncadd.s32 $0xFFFF0600  }
0xc4: {  	[spmem:s2] =	stream.indirect.scatter.add.f32 [tilespmem:s9], [sflag:$0x3], $0x40, s25, s8, $0xb8;
	[tilespmem:$0x1E820] =	vst v63  }
0xc5: {  	_ =	swait.ge [sflag:s11], $0xFA00  }
0xc6: {  	[sflag:s11] =	ssyncset.done $0x0  }
0xc7: {  	[sflag:s11] =	ssyncadd.s32 $0xFFFF0600  }
0xc8: {  	[tilespmem:s9], [sflag:$0x1] =	stream.indirect.gather [hbm4b:s7+s8], $0x40, s26, s8, $0xb8;
	[tilespmem:$0x1E820] =	vst v63  }
0xc9: {  	_ =	swait.ge [sflag:s10], $0xFA00  }
0xca: {  	[sflag:s10] =	ssyncset.done $0x0  }
0xcb: {  	[sflag:s10] =	ssyncadd.s32 $0xFFFF0600  }
0xcc: {  	[spmem:s2] =	stream.indirect.scatter.add.f32 [tilespmem:s9], [sflag:$0x3], $0x40, s28, s8, $0xb8;
	[tilespmem:$0x1E820] =	vst v63  }
0xcd: {  	p0 =	sne.s32 s31, $0x1;
	_ =	swait.ge [sflag:s11], $0xFA00  }
.Ltmp1:
0xce: {  	[sflag:s11] =	ssyncset.done $0x0;
	(pc) =	sbr.rel @p0 .LBB2_1-.Ltmp1, $4  }
0xcf: {  	[sflag:s11] =	ssyncadd.s32 $0xFFFF0600  }
0xd0: {  	[bflag:$0x0] =	sbarrier.arrive $0xFFFF  }
0xd1: {  	[hbm:s29], [sflag:s30] =	dma.local [spmem:s5], $0x1400  }
0xd2: {  	s31 =	sadd.s32 $0xFFFFFFFF, s31;
	_ =	swait.ge [sflag:s11], $0x1400  }
.LBB2_2:
0xd3: {  	[sflag:s11] =	ssyncset.done $0x0  }
0xd4: {  	[sflag:s11] =	ssyncadd.s32 $0xFFFFEC00  }
0xd5: {  	_ =	sfence.sel $0x180000  }
0xd6: {  	[bflag:$0x0] =	sbarrier.arrive $0xFFFF  }
0xd7: {  	_ =	strace $0x90000059  }
0xd8: {  	s0 =	stileid.u32;
	[bflag:$0x2] =	sbarrier.arrive $0xFFFF  }
0xd9: {  	p0 =	sne.s32 s0, $0x0;
	s0 =	rddreg [dreg:$0x2]  }
0xda: {  	s0 =	sadd.s32 @!p0 $0x100000, s0  }
0xdb: {  	[sflag:s0] =	ssyncadd.tile.s32 @!p0 $0x1;
	_ =	shalt  }
.Lfunc_end2:
_tile_overlayer_lowered:
.L_overlay_start_2:
0xdc: {  	(tag) =	ssettag $0x2  }
0xdd: {  	s0 =	rddreg [dreg:$0x0];
	s2 =	stileid.u32  }
0xde: {  	s1 =	rddreg [dreg:$0x1];
	p0 =	sne.s32 s2, $0x0  }
0xdf: {  	s3 =	rddreg [dreg:$0x2];
	[bflag:$0x3] =	sbarrier.arrive $0xFFFF;
	s2 =	simm.s32 @!p0 $0x1C03  }
0xe0: {  	[timem:s3], [sflag:s2] =	dma.local @!p0 [hbm:s0], s1  }
0xe1: {  	s0 =	simm.s32 @!p0 $0x3  }
0xe2: {  	_ =	swait.ge @!p0 [sflag:s0], s1  }
0xe3: {  	s1 =	ssub.s32 @!p0 $0x0, s1;
	[sflag:s0] =	ssyncset.done @!p0 $0x0  }
0xe4: {  	[sflag:s0] =	ssyncadd.s32 @!p0 s1  }
0xe5: {  	[bflag:$0x3] =	sbarrier.arrive $0xFFFF  }
0xe6: {  	_ =	shalt  }

// kernel: kernel.46.cloned.1.call-start
scs
__scs_entry_jumppad:
0x0: {  	(pc) =	sbr.rel $0x88, $3  }
0x1: {  	(tag) =	ssettag $0x0;
	lr =	simm.s32 $0x1  }
0x2: {  	[smem:$0x3F9B] =	sst lr;
	_ =	strace $0xD0000000  }
0x3: {  	_ = 	snop  }
0x4: {  	_ = 	snop  }
0x5: {  	_ = 	snop  }
0x6: {  	_ = 	snop  }
0x7: {  	_ = 	snop  }
__scs_overlays_trampoline_lowered:
0x8: {  	[smem:$0x3FAA] =	sst s0  }
0x9: {  	[smem:$0x3FAB] =	sst s1  }
0xa: {  	[smem:$0x3FAC] =	sst s2  }
0xb: {  	[smem:$0x3FAD] =	sst s3  }
0xc: {  	[smem:$0x3FAE] =	sst s4  }
0xd: {  	[smem:$0x3FAF] =	sst s5  }
0xe: {  	[smem:$0x3FB0] =	sst s6  }
0xf: {  	[smem:$0x3FB1] =	sst s7  }
0x10: {  	[smem:$0x3FB2] =	sst s8  }
0x11: {  	[smem:$0x3FB3] =	sst s9;
	s0 =	simm.s32 @!p0 $0x0  }
0x12: {  	s1 =	sld [smem:$0x3F99];
	s0 =	simm.s32 @p0 $0x1  }
0x13: {  	[smem:$0x3FB4] =	sst s0;
	s0 =	simm.s32 @!p1 $0x0  }
0x14: {  	s2 =	sld [smem:$0x3F98];
	s0 =	simm.s32 @p1 $0x1  }
0x15: {  	[smem:$0x3FB5] =	sst s0;
	s0 =	simm.s32 @!p2 $0x0  }
0x16: {  	s3 =	sld [smem:$0x3FDB];
	s0 =	simm.s32 @p2 $0x1  }
0x17: {  	s4 =	simm.s32 $0x1BF5;
	[smem:$0x3FB7] =	sst s0  }
0x18: {  	s0 =	sld [smem:$0x3F9A];
	_ =	swait.ge [sflag:s4], $0x0  }
0x19: {  	s7 =	sld [smem:$0x3F9B]  }
0x1a: {  	s8 =	sadd.s32 $0xFFFFE003, lr  }
0x1b: {  	s9 =	sadd.s32 $0xFFFFFEF7, lr;
	s5 =	simm.s32 $0xFFFFFFFF;
	p2 =	slt.u32 s8, $0xFFFFF086  }
0x1c: {  	p1 =	slt.u32 s9, $0xF7A;
	s5 =	simm.s32 @!p2 $0x0  }
0x1d: {  	s5 =	simm.s32 @p1 $0x1;
	p0 =	seq.s32 s7, s2  }
0x1e: {  	s7 =	smul.u32 @!p0 $0xF7A, s2;
	p2 =	seq.s32 @!p0 s5, $0x0  }
0x1f: {  	s9 =	smul.u32 $0xF7A, s1;
	s8 =	simm.s32 @!p0 $0x1BF5;
	p2 =	por !p2, p0  }
0x20: {  	[sflag:s8] =	ssyncset.s32 @!p0 $0xFFFFF086;
	s6 =	sadd.s32 @!p0 s3, s7;
	s7 =	simm.s32 @!p0 $0x108  }
0x21: {  	s3 =	sadd.s32 s3, s9;
	s6 =	sadd.s32 @!p0 $0x88, s6;
	s7 =	simm.s32 @p2 $0x1082  }
0x22: {  	[simem:s7], [sflag:s8] =	dma.local @!p0 [hbm:s6], $0xF7A  }
0x23: {  	s9 =	sor.u32 $0xD0000000, s2;
	s6 =	simm.s32 $0x108;
	_ =	swait.ge @!p0 [sflag:s8], $0x0  }
0x24: {  	s3 =	sadd.s32 $0x88, s3;
	s6 =	simm.s32 @!p1 $0x1082;
	[sflag:s4] =	ssyncset.s32 $0xFFFFF086  }
0x25: {  	[simem:s6], [sflag:s4] =	dma.local [hbm:s3], $0xF7A  }
0x26: {  	[smem:$0x3F9B] =	sst s1;
	(tag) =	ssettag s2;
	_ =	strace s9  }
0x27: {  	s1 =	sld [smem:$0x3FAB]  }
0x28: {  	s2 =	sld [smem:$0x3FAC]  }
0x29: {  	s4 =	sld [smem:$0x3FAE]  }
0x2a: {  	p0 =	seq.s32 s5, $0x0;
	s5 =	sld [smem:$0x3FAF]  }
0x2b: {  	s6 =	sld [smem:$0x3FB0]  }
0x2c: {  	s7 =	sld [smem:$0x3FB1]  }
0x2d: {  	s3 =	simm.s32 $0x108;
	s8 =	sld [smem:$0x3FB2]  }
0x2e: {  	s3 =	simm.s32 @!p0 $0x1082;
	s9 =	sld [smem:$0x3FB3]  }
0x2f: {  	lr =	sadd.s32 s0, s3;
	s0 =	sld [smem:$0x3FAA]  }
0x30: {  	s3 =	sld [smem:$0x3FAD]  }
0x31: {  	[smem:$0x3FB6] =	sst s10  }
0x32: {  	s10 =	sld [smem:$0x3FB4];
	_ =	sdelay $0x3  }
0x33: {  	p0 =	seq.s32 s10, $0x1;
	s10 =	sld [smem:$0x3FB6];
	_ =	sdelay $0x3  }
0x34: {  	[smem:$0x3FB6] =	sst s10  }
0x35: {  	s10 =	sld [smem:$0x3FB5];
	_ =	sdelay $0x3  }
0x36: {  	p1 =	seq.s32 s10, $0x1;
	s10 =	sld [smem:$0x3FB6];
	_ =	sdelay $0x3  }
0x37: {  	[smem:$0x3FB6] =	sst s10  }
0x38: {  	s10 =	sld [smem:$0x3FB7]  }
0x39: {  	_ = 	snop;
	(pc) =	sbr.ind lr, $3  }
0x3a: {  	_ = 	snop  }
0x3b: {  	_ = 	snop  }
0x3c: {  	p2 =	seq.s32 s10, $0x1;
	s10 =	sld [smem:$0x3FB6]  }
0x3d: {  	_ =	shalt  }
0x3e: {  	_ =	shalt  }
0x3f: {  	_ =	shalt  }
0x40: {  	_ =	shalt  }
0x41: {  	_ =	shalt  }
0x42: {  	_ =	shalt  }
0x43: {  	_ =	shalt  }
0x44: {  	_ =	shalt  }
0x45: {  	_ =	shalt  }
0x46: {  	_ =	shalt  }
0x47: {  	_ =	shalt  }
0x48: {  	_ =	shalt  }
0x49: {  	_ =	shalt  }
0x4a: {  	_ =	shalt  }
0x4b: {  	_ =	shalt  }
0x4c: {  	_ =	shalt  }
0x4d: {  	_ =	shalt  }
0x4e: {  	_ =	shalt  }
0x4f: {  	_ =	shalt  }
0x50: {  	_ =	shalt  }
0x51: {  	_ =	shalt  }
0x52: {  	_ =	shalt  }
0x53: {  	_ =	shalt  }
0x54: {  	_ =	shalt  }
0x55: {  	_ =	shalt  }
0x56: {  	_ =	shalt  }
0x57: {  	_ =	shalt  }
0x58: {  	_ =	shalt  }
0x59: {  	_ =	shalt  }
0x5a: {  	_ =	shalt  }
0x5b: {  	_ =	shalt  }
0x5c: {  	_ =	shalt  }
0x5d: {  	_ =	shalt  }
0x5e: {  	_ =	shalt  }
0x5f: {  	_ =	shalt  }
0x60: {  	_ =	shalt  }
0x61: {  	_ =	shalt  }
0x62: {  	_ =	shalt  }
0x63: {  	_ =	shalt  }
0x64: {  	_ =	shalt  }
0x65: {  	_ =	shalt  }
0x66: {  	_ =	shalt  }
0x67: {  	_ =	shalt  }
0x68: {  	_ =	shalt  }
0x69: {  	_ =	shalt  }
0x6a: {  	_ =	shalt  }
0x6b: {  	_ =	shalt  }
0x6c: {  	_ =	shalt  }
0x6d: {  	_ =	shalt  }
0x6e: {  	_ =	shalt  }
0x6f: {  	_ =	shalt  }
0x70: {  	_ =	shalt  }
0x71: {  	_ =	shalt  }
0x72: {  	_ =	shalt  }
0x73: {  	_ =	shalt  }
0x74: {  	_ =	shalt  }
0x75: {  	_ =	shalt  }
0x76: {  	_ =	shalt  }
0x77: {  	_ =	shalt  }
0x78: {  	_ =	shalt  }
0x79: {  	_ =	shalt  }
0x7a: {  	_ =	shalt  }
0x7b: {  	_ =	shalt  }
0x7c: {  	_ =	shalt  }
0x7d: {  	_ =	shalt  }
0x7e: {  	_ =	shalt  }
0x7f: {  	_ =	shalt  }
0x80: {  	_ =	shalt  }
0x81: {  	_ =	shalt  }
0x82: {  	_ =	shalt  }
0x83: {  	_ =	shalt  }
0x84: {  	_ =	shalt  }
0x85: {  	_ =	shalt  }
0x86: {  	_ =	shalt  }
0x87: {  	_ =	shalt  }
.Lfunc_end0:
.L_simem_size_0:
called_computation.7_lowered:
.L_overlay_start_0:
0x88: {  	s2 =	sld [smem:$0x3FD9]  }
0x89: {  	s3 =	sld [smem:$0x3FFE];
	_ =	sdelay $0x1  }
0x8a: {  	s1 =	srdreg.scid  }
0x8b: {  	s0 =	sand.u32 $0x1, s1  }
0x8c: {  	s16 =	sshll.u32 s0, $0xA;
	s2 =	sadd.s32 s3, s2  }
0x8d: {  	s2 =	sadd.s32 s2, s16  }
0x8e: {  	[smem:$0x3FC2] =	sst s2  }
0x8f: {  	_ = 	snop  }
0x90: {  	(tm) =	ssettm $0x1  }
0x91: {  	s17 =	sld [smem:$0x3FFB];
	_ =	sdelay $0x3  }
0x92: {  	_ =	strace s17  }
0x93: {  	s2 =	sld [smem:$0x3FFC];
	_ =	sdelay $0x3  }
0x94: {  	_ =	strace s2  }
0x95: {  	s2 =	sld [smem:$0x3FFD];
	_ =	sdelay $0x3  }
0x96: {  	_ =	strace s2  }
0x97: {  	_ =	strace $0x8FFFFFFF  }
0x98: {  	s18 =	sld [smem:$0x3FDB];
	_ =	sdelay $0x1  }
0x99: {  	s19 =	simm.s32 $_scs_section_size  }
0x9a: {  	s4 =	simm.s32 $_size__tile_overlayer_lowered;
	s5 =	simm.s32 $_tile_overlayer_lowered  }
0x9b: {  	s22 =	simm.s32 $0x1BFF;
	s21 =	sshll.u32 s5, $0x1;
	s2 =	sadd.s32 s19, s18  }
0x9c: {  	s6 =	simm.s32 $0x0;
	s20 =	sshll.u32 s4, $0x1;
	s4 =	sadd.s32 s21, s2  }
0x9d: {  	[timem:s6], [sflag:s22] =	dma.local [hbm:s4], s20  }
0x9e: {  	_ =	swait.ge [sflag:s22], s20  }
0x9f: {  	s3 =	ssub.s32 $0x0, s20;
	[sflag:s22] =	ssyncset.done $0x0  }
0xa0: {  	[sflag:s22] =	ssyncadd.s32 s3;
	_ =	sdelay $0x1  }
0xa1: {  	s23 =	simm.s32 $0x1B8B  }
0xa2: {  	_ =	swait.ge [sflag:s23], $0x1  }
0xa3: {  	[sflag:s23] =	ssyncset.done $0x0  }
0xa4: {  	s25 =	simm.s32 $0x1B8E;
	s24 =	sld [smem:$0x3FFE];
	[sflag:s23] =	ssyncadd.s32 $0xFFFFFFFF  }
0xa5: {  	s26 =	simm.s32 $execute0_lowered;
	[smem:$0x3FD2] =	sst s25  }
0xa6: {  	s4 =	sshll.u32 s26, $0x1;
	_ =	strace $0x8000005B;
	[dreg:$0x1] =	wrdreg $0xFFFFFFFF  }
0xa7: {  	s28 =	simm.s32 $_size_execute0_lowered;
	s2 =	sadd.s32 s2, s4;
	[dreg:$0x0] =	wrdreg $0x0  }
0xa8: {  	s4 =	sshll.u32 s28, $0x1;
	[dreg:$0x2] =	wrdreg s2  }
0xa9: {  	[dreg:$0x3] =	wrdreg s4  }
0xaa: {  	[dreg:$0x4] =	wrdreg $0xC0  }
0xab: {  	_ =	task [dreg:s6], $0x5FFFF  }
0xac: {  	[dreg:$0x1] =	wrdreg $0xFFFFFFFF  }
0xad: {  	[dreg:$0x0] =	wrdreg $0x60  }
0xae: {  	[dreg:$0x2] =	wrdreg s24  }
0xaf: {  	[dreg:$0x3] =	wrdreg $0x148200  }
0xb0: {  	[dreg:$0x4] =	wrdreg $0x9  }
0xb1: {  	_ =	task.clear_ibuf [dreg:s6], $0x5FFFF;
	_ =	strace $0x9000005B  }
0xb2: {  	s29 =	simm.s32 $0x9;
	_ =	strace $0x8000005D  }
0xb3: {  	_ =	swait.ge [sflag:s29], $0x1  }
0xb4: {  	[sflag:s29] =	ssyncadd.s32 $0xFFFFFFFF  }
0xb5: {  	_ =	strace $0x9000005D  }
0xb6: {  	_ =	sfence  }
0xb7: {  	s30 =	sld [smem:$0x0];
	_ =	sdelay $0x2  }
0xb8: {  	s31 =	sshll.u32 s1, $0xD;
	s1 =	sshrl.u32 s1, $0x2  }
0xb9: {  	s3 =	sand.u32 $0x4000, s31;
	s1 =	sadd.s32 s1, s30  }
0xba: {  	s0 =	sor.u32 s3, s0;
	s1 =	sshll.u32 s1, $0x11  }
0xbb: {  	s0 =	sor.u32 s1, s0  }
0xbc: {  	s0 =	sadd.s32 $0x8F2B, s0  }
0xbd: {  	[sflag:s0] =	ssyncadd.remote.s32 $0x1  }
0xbe: {  	_ =	sfence.sel $0xFFFF  }
0xbf: {  	[dreg:$0x0] =	wrdreg $0xFFFFFFFF;
	(pc) =	sbr.abs _section_cstart, $3  }
0xc0: {  	[dreg:$0x1] =	wrdreg $0xFFFFFFFF  }
0xc1: {  	_ =	task.clear_ibuf [dreg:s6], $0x2FFFF;
	_ =	strace $0x9FFFFFFF  }
0xc2: {  	(tm) =	ssettm $0x7FFFFFFF  }
0xc3: {  	_ =	shalt  }
tec
execute0_lowered:
.L_overlay_start_1:
0x0: {  	(tag) =	ssettag $0x1  }
0x1: {  	s0 =	srdreg.scid;
	s21 =	stileid.u32  }
0x2: {  	s30 =	rddreg [dreg:$0x0];
	s29 =	sand.u32 $0x1, s0;
	s4 =	smul.u32 $0xA000, s21  }
0x3: {  	s2 =	rddreg [dreg:$0x1];
	s3 =	simm.s32 $0x0;
	s1 =	sshll.u32 s29, $0x4  }
0x4: {  	s9 =	simm.s32 $0x2AF8;
	s1 =	sor.u32 s21, s1;
	s31 =	sshrl.u32 s4, $0x3  }
0x5: {  	[smem:$0x7FF] =	sst s3;
	s1 =	smul.u32 $0x4E2, s1;
	s6 =	sadd.s32 s31, s30  }
0x6: {  	_ =	strace $0x8000005C;
	[dreg:$0x7] =	wrdreg s9;
	s22 =	sadd.s32 $0x7C800, s6  }
0x7: {  	s1 =	sadd.s32 s1, s30;
	[dreg:$0x5] =	wrdreg s22  }
0x8: {  	s5 =	sadd.s32 $0x4C00, s1;
	s8 =	rddreg [dreg:$0x5]  }
0x9: {  	s1 =	sadd.s32 $0xEA00, s1;
	[dreg:$0x3] =	wrdreg s5  }
0xa: {  	[dreg:$0x4] =	wrdreg s1  }
0xb: {  	s1 =	sshll.u32 s21, $0x6;
	s24 =	rddreg [dreg:$0x3]  }
0xc: {  	s23 =	sor.u32 $0x1C02, s1;
	s7 =	rddreg [dreg:$0x4]  }
0xd: {  	s25 =	sadd.s32 s4, s2;
	s4 =	simm.s32 $0x2710;
	[dreg:$0x6] =	wrdreg s23  }
0xe: {  	[tilespmem:s3], [sflag:$0x2] =	stream.linear.gather [hbm4b:s24+s3], $0x2710, $0x38;
	[tilespmem:$0x1E820] =	vst v63  }
0xf: {  	s6 =	simm.s32 $0x2;
	s5 =	sshrl.u32 s25, $0x3;
	s10 =	rddreg [dreg:$0x6]  }
0x10: {  	[tilespmem:s4], [sflag:$0x2] =	stream.linear.gather [hbm4b:s7+s3], $0x2710, $0x38;
	[tilespmem:$0x1E820] =	vst v63  }
0x11: {  	[spmem:s5], [sflag:s10] =	dma.local [hbm:s8], $0x1400  }
0x12: {  	_ =	swait.ge [sflag:s6], $0x2710  }
0x13: {  	[sflag:s6] =	ssyncset.done $0x0  }
0x14: {  	[sflag:s6] =	ssyncadd.s32 $0xFFFFD8F0  }
0x15: {  	_ =	swait.ge [sflag:s6], $0x2710  }
0x16: {  	[sflag:s6] =	ssyncset.done $0x0  }
0x17: {  	[sflag:s6] =	ssyncadd.s32 $0xFFFFD8F0  }
0x18: {  	_ =	swait.ge [sflag:s6], $0x1400  }
0x19: {  	[sflag:s6] =	ssyncset.done $0x0  }
0x1a: {  	s9 =	simm.s32 $0x4E20;
	s7 =	sadd.s32 $0x68800, s30;
	[sflag:s6] =	ssyncadd.s32 $0xFFFFEC00  }
0x1b: {  	s8 =	simm.s32 $0x3E8;
	s10 =	simm.s32 $0x1;
	[bflag:$0x0] =	sbarrier.arrive $0xFFFF  }
0x1c: {  	[tilespmem:s9], [sflag:$0x1] =	stream.indirect.gather [hbm4b:s7+s8], $0x40, s3, s8, $0xb8;
	[tilespmem:$0x1E820] =	vst v63  }
0x1d: {  	_ =	swait.ge [sflag:s10], $0xFA00  }
0x1e: {  	[sflag:s10] =	ssyncset.done $0x0  }
0x1f: {  	s11 =	simm.s32 $0x3;
	[sflag:s10] =	ssyncadd.s32 $0xFFFF0600  }
0x20: {  	[spmem:s2] =	stream.indirect.scatter.add.f32 [tilespmem:s9], [sflag:$0x3], $0x40, s4, s8, $0xb8;
	[tilespmem:$0x1E820] =	vst v63  }
0x21: {  	_ =	swait.ge [sflag:s11], $0xFA00  }
0x22: {  	[sflag:s11] =	ssyncset.done $0x0  }
0x23: {  	[sflag:s11] =	ssyncadd.s32 $0xFFFF0600  }
0x24: {  	[tilespmem:s9], [sflag:$0x1] =	stream.indirect.gather [hbm4b:s7+s8], $0x40, s8, s8, $0xb8;
	[tilespmem:$0x1E820] =	vst v63  }
0x25: {  	_ =	swait.ge [sflag:s10], $0xFA00  }
0x26: {  	[sflag:s10] =	ssyncset.done $0x0  }
0x27: {  	s12 =	rddreg [dreg:$0x7];
	[sflag:s10] =	ssyncadd.s32 $0xFFFF0600  }
0x28: {  	[spmem:s2] =	stream.indirect.scatter.add.f32 [tilespmem:s9], [sflag:$0x3], $0x40, s12, s8, $0xb8;
	[tilespmem:$0x1E820] =	vst v63  }
0x29: {  	_ =	swait.ge [sflag:s11], $0xFA00  }
0x2a: {  	[sflag:s11] =	ssyncset.done $0x0  }
0x2b: {  	s26 =	simm.s32 $0x7D0;
	[sflag:s11] =	ssyncadd.s32 $0xFFFF0600  }
0x2c: {  	[tilespmem:s9], [sflag:$0x1] =	stream.indirect.gather [hbm4b:s7+s8], $0x40, s26, s8, $0xb8;
	[tilespmem:$0x1E820] =	vst v63  }
0x2d: {  	_ =	swait.ge [sflag:s10], $0xFA00  }
0x2e: {  	[sflag:s10] =	ssyncset.done $0x0  }
0x2f: {  	s13 =	simm.s32 $0x2EE0;
	[sflag:s10] =	ssyncadd.s32 $0xFFFF0600  }
0x30: {  	[spmem:s2] =	stream.indirect.scatter.add.f32 [tilespmem:s9], [sflag:$0x3], $0x40, s13, s8, $0xb8;
	[tilespmem:$0x1E820] =	vst v63  }
0x31: {  	_ =	swait.ge [sflag:s11], $0xFA00  }
0x32: {  	[sflag:s11] =	ssyncset.done $0x0  }
0x33: {  	s14 =	simm.s32 $0xBB8;
	[sflag:s11] =	ssyncadd.s32 $0xFFFF0600  }
0x34: {  	[tilespmem:s9], [sflag:$0x1] =	stream.indirect.gather [hbm4b:s7+s8], $0x40, s14, s8, $0xb8;
	[tilespmem:$0x1E820] =	vst v63  }
0x35: {  	_ =	swait.ge [sflag:s10], $0xFA00  }
0x36: {  	[sflag:s10] =	ssyncset.done $0x0  }
0x37: {  	s15 =	simm.s32 $0x32C8;
	[sflag:s10] =	ssyncadd.s32 $0xFFFF0600  }
0x38: {  	[spmem:s2] =	stream.indirect.scatter.add.f32 [tilespmem:s9], [sflag:$0x3], $0x40, s15, s8, $0xb8;
	[tilespmem:$0x1E820] =	vst v63  }
0x39: {  	_ =	swait.ge [sflag:s11], $0xFA00  }
0x3a: {  	[sflag:s11] =	ssyncset.done $0x0  }
0x3b: {  	s16 =	simm.s32 $0xFA0;
	[sflag:s11] =	ssyncadd.s32 $0xFFFF0600  }
0x3c: {  	[tilespmem:s9], [sflag:$0x1] =	stream.indirect.gather [hbm4b:s7+s8], $0x40, s16, s8, $0xb8;
	[tilespmem:$0x1E820] =	vst v63  }
0x3d: {  	_ =	swait.ge [sflag:s10], $0xFA00  }
0x3e: {  	[sflag:s10] =	ssyncset.done $0x0  }
0x3f: {  	s17 =	simm.s32 $0x36B0;
	[sflag:s10] =	ssyncadd.s32 $0xFFFF0600  }
0x40: {  	[spmem:s2] =	stream.indirect.scatter.add.f32 [tilespmem:s9], [sflag:$0x3], $0x40, s17, s8, $0xb8;
	[tilespmem:$0x1E820] =	vst v63  }
0x41: {  	_ =	swait.ge [sflag:s11], $0xFA00  }
0x42: {  	[sflag:s11] =	ssyncset.done $0x0  }
0x43: {  	s18 =	simm.s32 $0x1388;
	[sflag:s11] =	ssyncadd.s32 $0xFFFF0600  }
0x44: {  	[tilespmem:s9], [sflag:$0x1] =	stream.indirect.gather [hbm4b:s7+s8], $0x40, s18, s8, $0xb8;
	[tilespmem:$0x1E820] =	vst v63  }
0x45: {  	_ =	swait.ge [sflag:s10], $0xFA00  }
0x46: {  	[sflag:s10] =	ssyncset.done $0x0  }
0x47: {  	s19 =	simm.s32 $0x3A98;
	[sflag:s10] =	ssyncadd.s32 $0xFFFF0600  }
0x48: {  	[spmem:s2] =	stream.indirect.scatter.add.f32 [tilespmem:s9], [sflag:$0x3], $0x40, s19, s8, $0xb8;
	[tilespmem:$0x1E820] =	vst v63  }
0x49: {  	_ =	swait.ge [sflag:s11], $0xFA00  }
0x4a: {  	[sflag:s11] =	ssyncset.done $0x0  }
0x4b: {  	s20 =	simm.s32 $0x1770;
	[sflag:s11] =	ssyncadd.s32 $0xFFFF0600  }
0x4c: {  	[tilespmem:s9], [sflag:$0x1] =	stream.indirect.gather [hbm4b:s7+s8], $0x40, s20, s8, $0xb8;
	[tilespmem:$0x1E820] =	vst v63  }
0x4d: {  	_ =	swait.ge [sflag:s10], $0xFA00  }
0x4e: {  	[sflag:s10] =	ssyncset.done $0x0  }
0x4f: {  	s21 =	simm.s32 $0x3E80;
	[sflag:s10] =	ssyncadd.s32 $0xFFFF0600  }
0x50: {  	[spmem:s2] =	stream.indirect.scatter.add.f32 [tilespmem:s9], [sflag:$0x3], $0x40, s21, s8, $0xb8;
	[tilespmem:$0x1E820] =	vst v63  }
0x51: {  	_ =	swait.ge [sflag:s11], $0xFA00  }
0x52: {  	[sflag:s11] =	ssyncset.done $0x0  }
0x53: {  	s22 =	simm.s32 $0x1B58;
	[sflag:s11] =	ssyncadd.s32 $0xFFFF0600  }
0x54: {  	[tilespmem:s9], [sflag:$0x1] =	stream.indirect.gather [hbm4b:s7+s8], $0x40, s22, s8, $0xb8;
	[tilespmem:$0x1E820] =	vst v63  }
0x55: {  	_ =	swait.ge [sflag:s10], $0xFA00  }
0x56: {  	[sflag:s10] =	ssyncset.done $0x0  }
0x57: {  	s23 =	simm.s32 $0x4268;
	[sflag:s10] =	ssyncadd.s32 $0xFFFF0600  }
0x58: {  	[spmem:s2] =	stream.indirect.scatter.add.f32 [tilespmem:s9], [sflag:$0x3], $0x40, s23, s8, $0xb8;
	[tilespmem:$0x1E820] =	vst v63  }
0x59: {  	_ =	swait.ge [sflag:s11], $0xFA00  }
0x5a: {  	[sflag:s11] =	ssyncset.done $0x0  }
0x5b: {  	s24 =	simm.s32 $0x1F40;
	[sflag:s11] =	ssyncadd.s32 $0xFFFF0600  }
0x5c: {  	[tilespmem:s9], [sflag:$0x1] =	stream.indirect.gather [hbm4b:s7+s8], $0x40, s24, s8, $0xb8;
	[tilespmem:$0x1E820] =	vst v63  }
0x5d: {  	_ =	swait.ge [sflag:s10], $0xFA00  }
0x5e: {  	[sflag:s10] =	ssyncset.done $0x0  }
0x5f: {  	s25 =	simm.s32 $0x4650;
	[sflag:s10] =	ssyncadd.s32 $0xFFFF0600  }
0x60: {  	[spmem:s2] =	stream.indirect.scatter.add.f32 [tilespmem:s9], [sflag:$0x3], $0x40, s25, s8, $0xb8;
	[tilespmem:$0x1E820] =	vst v63  }
0x61: {  	_ =	swait.ge [sflag:s11], $0xFA00  }
0x62: {  	s12 =	smul.u32 $0x14000, s29;
	[sflag:s11] =	ssyncset.done $0x0  }
0x63: {  	s29 =	ssub.s32 $0x2, s29;
	s26 =	simm.s32 $0x2328;
	[sflag:s11] =	ssyncadd.s32 $0xFFFF0600  }
0x64: {  	[tilespmem:s9], [sflag:$0x1] =	stream.indirect.gather [hbm4b:s7+s8], $0x40, s26, s8, $0xb8;
	[tilespmem:$0x1E820] =	vst v63  }
0x65: {  	s0 =	sadd.s32 s12, s30;
	s30 =	sshrl.u32 s29, $0x1;
	_ =	swait.ge [sflag:s10], $0xFA00  }
0x66: {  	s30 =	ssub.s32 s29, s30;
	[sflag:s10] =	ssyncset.done $0x0  }
0x67: {  	s28 =	simm.s32 $0x4A38;
	s12 =	smax.u32 s30, $0x1;
	[sflag:s10] =	ssyncadd.s32 $0xFFFF0600  }
0x68: {  	[spmem:s2] =	stream.indirect.scatter.add.f32 [tilespmem:s9], [sflag:$0x3], $0x40, s28, s8, $0xb8;
	[tilespmem:$0x1E820] =	vst v63  }
0x69: {  	p0 =	sne.s32 s12, $0x1;
	_ =	swait.ge [sflag:s11], $0xFA00  }
.Ltmp0:
0x6a: {  	[sflag:s11] =	ssyncset.done $0x0;
	(pc) =	sbr.rel @!p0 .LBB2_2-.Ltmp0, $4  }
0x6b: {  	s0 =	sadd.s32 $0x90800, s0;
	[sflag:s11] =	ssyncadd.s32 $0xFFFF0600  }
0x6c: {  	s29 =	sadd.s32 s31, s0;
	s30 =	sor.u32 $0x1C03, s1;
	[bflag:$0x0] =	sbarrier.arrive $0xFFFF  }
0x6d: {  	[hbm:s29], [sflag:s30] =	dma.local [spmem:s5], $0x1400  }
0x6e: {  	s31 =	sadd.s32 $0xFFFFFFFF, s12;
	_ =	swait.ge [sflag:s11], $0x1400  }
.LBB2_1:
0x6f: {  	s0 =	rddreg [dreg:$0x3]  }
0x70: {  	s1 =	rddreg [dreg:$0x4];
	[sflag:s11] =	ssyncset.done $0x0  }
0x71: {  	s12 =	rddreg [dreg:$0x5];
	[sflag:s11] =	ssyncadd.s32 $0xFFFFEC00  }
0x72: {  	[tilespmem:s3], [sflag:$0x2] =	stream.linear.gather [hbm4b:s0+s3], $0x2710, $0x38;
	[tilespmem:$0x1E820] =	vst v63  }
0x73: {  	s0 =	rddreg [dreg:$0x6]  }
0x74: {  	[tilespmem:s4], [sflag:$0x2] =	stream.linear.gather [hbm4b:s1+s3], $0x2710, $0x38;
	[tilespmem:$0x1E820] =	vst v63  }
0x75: {  	[spmem:s5], [sflag:s0] =	dma.local [hbm:s12], $0x1400  }
0x76: {  	_ =	swait.ge [sflag:s6], $0x2710  }
0x77: {  	[sflag:s6] =	ssyncset.done $0x0  }
0x78: {  	[sflag:s6] =	ssyncadd.s32 $0xFFFFD8F0  }
0x79: {  	_ =	swait.ge [sflag:s6], $0x2710  }
0x7a: {  	[sflag:s6] =	ssyncset.done $0x0  }
0x7b: {  	[sflag:s6] =	ssyncadd.s32 $0xFFFFD8F0  }
0x7c: {  	_ =	swait.ge [sflag:s6], $0x1400  }
0x7d: {  	[sflag:s6] =	ssyncset.done $0x0  }
0x7e: {  	[sflag:s6] =	ssyncadd.s32 $0xFFFFEC00  }
0x7f: {  	[bflag:$0x0] =	sbarrier.arrive $0xFFFF  }
0x80: {  	[tilespmem:s9], [sflag:$0x1] =	stream.indirect.gather [hbm4b:s7+s8], $0x40, s3, s8, $0xb8;
	[tilespmem:$0x1E820] =	vst v63  }
0x81: {  	_ =	swait.ge [sflag:s10], $0xFA00  }
0x82: {  	[sflag:s10] =	ssyncset.done $0x0  }
0x83: {  	[sflag:s10] =	ssyncadd.s32 $0xFFFF0600  }
0x84: {  	[spmem:s2] =	stream.indirect.scatter.add.f32 [tilespmem:s9], [sflag:$0x3], $0x40, s4, s8, $0xb8;
	[tilespmem:$0x1E820] =	vst v63  }
0x85: {  	_ =	swait.ge [sflag:s11], $0xFA00  }
0x86: {  	[sflag:s11] =	ssyncset.done $0x0  }
0x87: {  	[sflag:s11] =	ssyncadd.s32 $0xFFFF0600  }
0x88: {  	[tilespmem:s9], [sflag:$0x1] =	stream.indirect.gather [hbm4b:s7+s8], $0x40, s8, s8, $0xb8;
	[tilespmem:$0x1E820] =	vst v63  }
0x89: {  	_ =	swait.ge [sflag:s10], $0xFA00  }
0x8a: {  	[sflag:s10] =	ssyncset.done $0x0  }
0x8b: {  	s1 =	rddreg [dreg:$0x7];
	[sflag:s10] =	ssyncadd.s32 $0xFFFF0600  }
0x8c: {  	[spmem:s2] =	stream.indirect.scatter.add.f32 [tilespmem:s9], [sflag:$0x3], $0x40, s1, s8, $0xb8;
	[tilespmem:$0x1E820] =	vst v63  }
0x8d: {  	_ =	swait.ge [sflag:s11], $0xFA00  }
0x8e: {  	[sflag:s11] =	ssyncset.done $0x0  }
0x8f: {  	s12 =	simm.s32 $0x7D0;
	[sflag:s11] =	ssyncadd.s32 $0xFFFF0600  }
0x90: {  	[tilespmem:s9], [sflag:$0x1] =	stream.indirect.gather [hbm4b:s7+s8], $0x40, s12, s8, $0xb8;
	[tilespmem:$0x1E820] =	vst v63  }
0x91: {  	_ =	swait.ge [sflag:s10], $0xFA00  }
0x92: {  	[sflag:s10] =	ssyncset.done $0x0  }
0x93: {  	[sflag:s10] =	ssyncadd.s32 $0xFFFF0600  }
0x94: {  	[spmem:s2] =	stream.indirect.scatter.add.f32 [tilespmem:s9], [sflag:$0x3], $0x40, s13, s8, $0xb8;
	[tilespmem:$0x1E820] =	vst v63  }
0x95: {  	_ =	swait.ge [sflag:s11], $0xFA00  }
0x96: {  	[sflag:s11] =	ssyncset.done $0x0  }
0x97: {  	[sflag:s11] =	ssyncadd.s32 $0xFFFF0600  }
0x98: {  	[tilespmem:s9], [sflag:$0x1] =	stream.indirect.gather [hbm4b:s7+s8], $0x40, s14, s8, $0xb8;
	[tilespmem:$0x1E820] =	vst v63  }
0x99: {  	_ =	swait.ge [sflag:s10], $0xFA00  }
0x9a: {  	[sflag:s10] =	ssyncset.done $0x0  }
0x9b: {  	[sflag:s10] =	ssyncadd.s32 $0xFFFF0600  }
0x9c: {  	[spmem:s2] =	stream.indirect.scatter.add.f32 [tilespmem:s9], [sflag:$0x3], $0x40, s15, s8, $0xb8;
	[tilespmem:$0x1E820] =	vst v63  }
0x9d: {  	_ =	swait.ge [sflag:s11], $0xFA00  }
0x9e: {  	[sflag:s11] =	ssyncset.done $0x0  }
0x9f: {  	[sflag:s11] =	ssyncadd.s32 $0xFFFF0600  }
0xa0: {  	[tilespmem:s9], [sflag:$0x1] =	stream.indirect.gather [hbm4b:s7+s8], $0x40, s16, s8, $0xb8;
	[tilespmem:$0x1E820] =	vst v63  }
0xa1: {  	_ =	swait.ge [sflag:s10], $0xFA00  }
0xa2: {  	[sflag:s10] =	ssyncset.done $0x0  }
0xa3: {  	[sflag:s10] =	ssyncadd.s32 $0xFFFF0600  }
0xa4: {  	[spmem:s2] =	stream.indirect.scatter.add.f32 [tilespmem:s9], [sflag:$0x3], $0x40, s17, s8, $0xb8;
	[tilespmem:$0x1E820] =	vst v63  }
0xa5: {  	_ =	swait.ge [sflag:s11], $0xFA00  }
0xa6: {  	[sflag:s11] =	ssyncset.done $0x0  }
0xa7: {  	[sflag:s11] =	ssyncadd.s32 $0xFFFF0600  }
0xa8: {  	[tilespmem:s9], [sflag:$0x1] =	stream.indirect.gather [hbm4b:s7+s8], $0x40, s18, s8, $0xb8;
	[tilespmem:$0x1E820] =	vst v63  }
0xa9: {  	_ =	swait.ge [sflag:s10], $0xFA00  }
0xaa: {  	[sflag:s10] =	ssyncset.done $0x0  }
0xab: {  	[sflag:s10] =	ssyncadd.s32 $0xFFFF0600  }
0xac: {  	[spmem:s2] =	stream.indirect.scatter.add.f32 [tilespmem:s9], [sflag:$0x3], $0x40, s19, s8, $0xb8;
	[tilespmem:$0x1E820] =	vst v63  }
0xad: {  	_ =	swait.ge [sflag:s11], $0xFA00  }
0xae: {  	[sflag:s11] =	ssyncset.done $0x0  }
0xaf: {  	[sflag:s11] =	ssyncadd.s32 $0xFFFF0600  }
0xb0: {  	[tilespmem:s9], [sflag:$0x1] =	stream.indirect.gather [hbm4b:s7+s8], $0x40, s20, s8, $0xb8;
	[tilespmem:$0x1E820] =	vst v63  }
0xb1: {  	_ =	swait.ge [sflag:s10], $0xFA00  }
0xb2: {  	[sflag:s10] =	ssyncset.done $0x0  }
0xb3: {  	[sflag:s10] =	ssyncadd.s32 $0xFFFF0600  }
0xb4: {  	[spmem:s2] =	stream.indirect.scatter.add.f32 [tilespmem:s9], [sflag:$0x3], $0x40, s21, s8, $0xb8;
	[tilespmem:$0x1E820] =	vst v63  }
0xb5: {  	_ =	swait.ge [sflag:s11], $0xFA00  }
0xb6: {  	[sflag:s11] =	ssyncset.done $0x0  }
0xb7: {  	[sflag:s11] =	ssyncadd.s32 $0xFFFF0600  }
0xb8: {  	[tilespmem:s9], [sflag:$0x1] =	stream.indirect.gather [hbm4b:s7+s8], $0x40, s22, s8, $0xb8;
	[tilespmem:$0x1E820] =	vst v63  }
0xb9: {  	_ =	swait.ge [sflag:s10], $0xFA00  }
0xba: {  	[sflag:s10] =	ssyncset.done $0x0  }
0xbb: {  	[sflag:s10] =	ssyncadd.s32 $0xFFFF0600  }
0xbc: {  	[spmem:s2] =	stream.indirect.scatter.add.f32 [tilespmem:s9], [sflag:$0x3], $0x40, s23, s8, $0xb8;
	[tilespmem:$0x1E820] =	vst v63  }
0xbd: {  	_ =	swait.ge [sflag:s11], $0xFA00  }
0xbe: {  	[sflag:s11] =	ssyncset.done $0x0  }
0xbf: {  	[sflag:s11] =	ssyncadd.s32 $0xFFFF0600  }
0xc0: {  	[tilespmem:s9], [sflag:$0x1] =	stream.indirect.gather [hbm4b:s7+s8], $0x40, s24, s8, $0xb8;
	[tilespmem:$0x1E820] =	vst v63  }
0xc1: {  	_ =	swait.ge [sflag:s10], $0xFA00  }
0xc2: {  	[sflag:s10] =	ssyncset.done $0x0  }
0xc3: {  	[sflag:s10] =	ssyncadd.s32 $0xFFFF0600  }
0xc4: {  	[spmem:s2] =	stream.indirect.scatter.add.f32 [tilespmem:s9], [sflag:$0x3], $0x40, s25, s8, $0xb8;
	[tilespmem:$0x1E820] =	vst v63  }
0xc5: {  	_ =	swait.ge [sflag:s11], $0xFA00  }
0xc6: {  	[sflag:s11] =	ssyncset.done $0x0  }
0xc7: {  	[sflag:s11] =	ssyncadd.s32 $0xFFFF0600  }
0xc8: {  	[tilespmem:s9], [sflag:$0x1] =	stream.indirect.gather [hbm4b:s7+s8], $0x40, s26, s8, $0xb8;
	[tilespmem:$0x1E820] =	vst v63  }
0xc9: {  	_ =	swait.ge [sflag:s10], $0xFA00  }
0xca: {  	[sflag:s10] =	ssyncset.done $0x0  }
0xcb: {  	[sflag:s10] =	ssyncadd.s32 $0xFFFF0600  }
0xcc: {  	[spmem:s2] =	stream.indirect.scatter.add.f32 [tilespmem:s9], [sflag:$0x3], $0x40, s28, s8, $0xb8;
	[tilespmem:$0x1E820] =	vst v63  }
0xcd: {  	p0 =	sne.s32 s31, $0x1;
	_ =	swait.ge [sflag:s11], $0xFA00  }
.Ltmp1:
0xce: {  	[sflag:s11] =	ssyncset.done $0x0;
	(pc) =	sbr.rel @p0 .LBB2_1-.Ltmp1, $4  }
0xcf: {  	[sflag:s11] =	ssyncadd.s32 $0xFFFF0600  }
0xd0: {  	[bflag:$0x0] =	sbarrier.arrive $0xFFFF  }
0xd1: {  	[hbm:s29], [sflag:s30] =	dma.local [spmem:s5], $0x1400  }
0xd2: {  	s31 =	sadd.s32 $0xFFFFFFFF, s31;
	_ =	swait.ge [sflag:s11], $0x1400  }
.LBB2_2:
0xd3: {  	[sflag:s11] =	ssyncset.done $0x0  }
0xd4: {  	[sflag:s11] =	ssyncadd.s32 $0xFFFFEC00  }
0xd5: {  	_ =	sfence.sel $0x180000  }
0xd6: {  	[bflag:$0x0] =	sbarrier.arrive $0xFFFF  }
0xd7: {  	_ =	strace $0x9000005C  }
0xd8: {  	s0 =	stileid.u32;
	[bflag:$0x2] =	sbarrier.arrive $0xFFFF  }
0xd9: {  	p0 =	sne.s32 s0, $0x0;
	s0 =	rddreg [dreg:$0x2]  }
0xda: {  	s0 =	sadd.s32 @!p0 $0x100000, s0  }
0xdb: {  	[sflag:s0] =	ssyncadd.tile.s32 @!p0 $0x1;
	_ =	shalt  }
.Lfunc_end2:
_tile_overlayer_lowered:
.L_overlay_start_2:
0xdc: {  	(tag) =	ssettag $0x2  }
0xdd: {  	s0 =	rddreg [dreg:$0x0];
	s2 =	stileid.u32  }
0xde: {  	s1 =	rddreg [dreg:$0x1];
	p0 =	sne.s32 s2, $0x0  }
0xdf: {  	s3 =	rddreg [dreg:$0x2];
	[bflag:$0x3] =	sbarrier.arrive $0xFFFF;
	s2 =	simm.s32 @!p0 $0x1C03  }
0xe0: {  	[timem:s3], [sflag:s2] =	dma.local @!p0 [hbm:s0], s1  }
0xe1: {  	s0 =	simm.s32 @!p0 $0x3  }
0xe2: {  	_ =	swait.ge @!p0 [sflag:s0], s1  }
0xe3: {  	s1 =	ssub.s32 @!p0 $0x0, s1;
	[sflag:s0] =	ssyncset.done @!p0 $0x0  }
0xe4: {  	[sflag:s0] =	ssyncadd.s32 @!p0 s1  }
0xe5: {  	[bflag:$0x3] =	sbarrier.arrive $0xFFFF  }
0xe6: {  	_ =	shalt  }

// kernel: kernel.49.cloned.1.call-start
scs
__scs_entry_jumppad:
0x0: {  	(pc) =	sbr.rel $0x88, $3  }
0x1: {  	(tag) =	ssettag $0x0;
	lr =	simm.s32 $0x1  }
0x2: {  	[smem:$0x3F9B] =	sst lr;
	_ =	strace $0xD0000000  }
0x3: {  	_ = 	snop  }
0x4: {  	_ = 	snop  }
0x5: {  	_ = 	snop  }
0x6: {  	_ = 	snop  }
0x7: {  	_ = 	snop  }
__scs_overlays_trampoline_lowered:
0x8: {  	[smem:$0x3FAA] =	sst s0  }
0x9: {  	[smem:$0x3FAB] =	sst s1  }
0xa: {  	[smem:$0x3FAC] =	sst s2  }
0xb: {  	[smem:$0x3FAD] =	sst s3  }
0xc: {  	[smem:$0x3FAE] =	sst s4  }
0xd: {  	[smem:$0x3FAF] =	sst s5  }
0xe: {  	[smem:$0x3FB0] =	sst s6  }
0xf: {  	[smem:$0x3FB1] =	sst s7  }
0x10: {  	[smem:$0x3FB2] =	sst s8  }
0x11: {  	[smem:$0x3FB3] =	sst s9;
	s0 =	simm.s32 @!p0 $0x0  }
0x12: {  	s1 =	sld [smem:$0x3F99];
	s0 =	simm.s32 @p0 $0x1  }
0x13: {  	[smem:$0x3FB4] =	sst s0;
	s0 =	simm.s32 @!p1 $0x0  }
0x14: {  	s2 =	sld [smem:$0x3F98];
	s0 =	simm.s32 @p1 $0x1  }
0x15: {  	[smem:$0x3FB5] =	sst s0;
	s0 =	simm.s32 @!p2 $0x0  }
0x16: {  	s3 =	sld [smem:$0x3FDB];
	s0 =	simm.s32 @p2 $0x1  }
0x17: {  	s4 =	simm.s32 $0x1BF5;
	[smem:$0x3FB7] =	sst s0  }
0x18: {  	s0 =	sld [smem:$0x3F9A];
	_ =	swait.ge [sflag:s4], $0x0  }
0x19: {  	s7 =	sld [smem:$0x3F9B]  }
0x1a: {  	s8 =	sadd.s32 $0xFFFFE003, lr  }
0x1b: {  	s9 =	sadd.s32 $0xFFFFFEF7, lr;
	s5 =	simm.s32 $0xFFFFFFFF;
	p2 =	slt.u32 s8, $0xFFFFF086  }
0x1c: {  	p1 =	slt.u32 s9, $0xF7A;
	s5 =	simm.s32 @!p2 $0x0  }
0x1d: {  	s5 =	simm.s32 @p1 $0x1;
	p0 =	seq.s32 s7, s2  }
0x1e: {  	s7 =	smul.u32 @!p0 $0xF7A, s2;
	p2 =	seq.s32 @!p0 s5, $0x0  }
0x1f: {  	s9 =	smul.u32 $0xF7A, s1;
	s8 =	simm.s32 @!p0 $0x1BF5;
	p2 =	por !p2, p0  }
0x20: {  	[sflag:s8] =	ssyncset.s32 @!p0 $0xFFFFF086;
	s6 =	sadd.s32 @!p0 s3, s7;
	s7 =	simm.s32 @!p0 $0x108  }
0x21: {  	s3 =	sadd.s32 s3, s9;
	s6 =	sadd.s32 @!p0 $0x88, s6;
	s7 =	simm.s32 @p2 $0x1082  }
0x22: {  	[simem:s7], [sflag:s8] =	dma.local @!p0 [hbm:s6], $0xF7A  }
0x23: {  	s9 =	sor.u32 $0xD0000000, s2;
	s6 =	simm.s32 $0x108;
	_ =	swait.ge @!p0 [sflag:s8], $0x0  }
0x24: {  	s3 =	sadd.s32 $0x88, s3;
	s6 =	simm.s32 @!p1 $0x1082;
	[sflag:s4] =	ssyncset.s32 $0xFFFFF086  }
0x25: {  	[simem:s6], [sflag:s4] =	dma.local [hbm:s3], $0xF7A  }
0x26: {  	[smem:$0x3F9B] =	sst s1;
	(tag) =	ssettag s2;
	_ =	strace s9  }
0x27: {  	s1 =	sld [smem:$0x3FAB]  }
0x28: {  	s2 =	sld [smem:$0x3FAC]  }
0x29: {  	s4 =	sld [smem:$0x3FAE]  }
0x2a: {  	p0 =	seq.s32 s5, $0x0;
	s5 =	sld [smem:$0x3FAF]  }
0x2b: {  	s6 =	sld [smem:$0x3FB0]  }
0x2c: {  	s7 =	sld [smem:$0x3FB1]  }
0x2d: {  	s3 =	simm.s32 $0x108;
	s8 =	sld [smem:$0x3FB2]  }
0x2e: {  	s3 =	simm.s32 @!p0 $0x1082;
	s9 =	sld [smem:$0x3FB3]  }
0x2f: {  	lr =	sadd.s32 s0, s3;
	s0 =	sld [smem:$0x3FAA]  }
0x30: {  	s3 =	sld [smem:$0x3FAD]  }
0x31: {  	[smem:$0x3FB6] =	sst s10  }
0x32: {  	s10 =	sld [smem:$0x3FB4];
	_ =	sdelay $0x3  }
0x33: {  	p0 =	seq.s32 s10, $0x1;
	s10 =	sld [smem:$0x3FB6];
	_ =	sdelay $0x3  }
0x34: {  	[smem:$0x3FB6] =	sst s10  }
0x35: {  	s10 =	sld [smem:$0x3FB5];
	_ =	sdelay $0x3  }
0x36: {  	p1 =	seq.s32 s10, $0x1;
	s10 =	sld [smem:$0x3FB6];
	_ =	sdelay $0x3  }
0x37: {  	[smem:$0x3FB6] =	sst s10  }
0x38: {  	s10 =	sld [smem:$0x3FB7]  }
0x39: {  	_ = 	snop;
	(pc) =	sbr.ind lr, $3  }
0x3a: {  	_ = 	snop  }
0x3b: {  	_ = 	snop  }
0x3c: {  	p2 =	seq.s32 s10, $0x1;
	s10 =	sld [smem:$0x3FB6]  }
0x3d: {  	_ =	shalt  }
0x3e: {  	_ =	shalt  }
0x3f: {  	_ =	shalt  }
0x40: {  	_ =	shalt  }
0x41: {  	_ =	shalt  }
0x42: {  	_ =	shalt  }
0x43: {  	_ =	shalt  }
0x44: {  	_ =	shalt  }
0x45: {  	_ =	shalt  }
0x46: {  	_ =	shalt  }
0x47: {  	_ =	shalt  }
0x48: {  	_ =	shalt  }
0x49: {  	_ =	shalt  }
0x4a: {  	_ =	shalt  }
0x4b: {  	_ =	shalt  }
0x4c: {  	_ =	shalt  }
0x4d: {  	_ =	shalt  }
0x4e: {  	_ =	shalt  }
0x4f: {  	_ =	shalt  }
0x50: {  	_ =	shalt  }
0x51: {  	_ =	shalt  }
0x52: {  	_ =	shalt  }
0x53: {  	_ =	shalt  }
0x54: {  	_ =	shalt  }
0x55: {  	_ =	shalt  }
0x56: {  	_ =	shalt  }
0x57: {  	_ =	shalt  }
0x58: {  	_ =	shalt  }
0x59: {  	_ =	shalt  }
0x5a: {  	_ =	shalt  }
0x5b: {  	_ =	shalt  }
0x5c: {  	_ =	shalt  }
0x5d: {  	_ =	shalt  }
0x5e: {  	_ =	shalt  }
0x5f: {  	_ =	shalt  }
0x60: {  	_ =	shalt  }
0x61: {  	_ =	shalt  }
0x62: {  	_ =	shalt  }
0x63: {  	_ =	shalt  }
0x64: {  	_ =	shalt  }
0x65: {  	_ =	shalt  }
0x66: {  	_ =	shalt  }
0x67: {  	_ =	shalt  }
0x68: {  	_ =	shalt  }
0x69: {  	_ =	shalt  }
0x6a: {  	_ =	shalt  }
0x6b: {  	_ =	shalt  }
0x6c: {  	_ =	shalt  }
0x6d: {  	_ =	shalt  }
0x6e: {  	_ =	shalt  }
0x6f: {  	_ =	shalt  }
0x70: {  	_ =	shalt  }
0x71: {  	_ =	shalt  }
0x72: {  	_ =	shalt  }
0x73: {  	_ =	shalt  }
0x74: {  	_ =	shalt  }
0x75: {  	_ =	shalt  }
0x76: {  	_ =	shalt  }
0x77: {  	_ =	shalt  }
0x78: {  	_ =	shalt  }
0x79: {  	_ =	shalt  }
0x7a: {  	_ =	shalt  }
0x7b: {  	_ =	shalt  }
0x7c: {  	_ =	shalt  }
0x7d: {  	_ =	shalt  }
0x7e: {  	_ =	shalt  }
0x7f: {  	_ =	shalt  }
0x80: {  	_ =	shalt  }
0x81: {  	_ =	shalt  }
0x82: {  	_ =	shalt  }
0x83: {  	_ =	shalt  }
0x84: {  	_ =	shalt  }
0x85: {  	_ =	shalt  }
0x86: {  	_ =	shalt  }
0x87: {  	_ =	shalt  }
.Lfunc_end0:
.L_simem_size_0:
called_computation.8_lowered:
.L_overlay_start_0:
0x88: {  	s2 =	sld [smem:$0x3FD9]  }
0x89: {  	s3 =	sld [smem:$0x3FFE];
	_ =	sdelay $0x1  }
0x8a: {  	s1 =	srdreg.scid  }
0x8b: {  	s0 =	sand.u32 $0x1, s1  }
0x8c: {  	s16 =	sshll.u32 s0, $0xA;
	s2 =	sadd.s32 s3, s2  }
0x8d: {  	s2 =	sadd.s32 s2, s16  }
0x8e: {  	[smem:$0x3FC2] =	sst s2  }
0x8f: {  	_ = 	snop  }
0x90: {  	(tm) =	ssettm $0x1  }
0x91: {  	s17 =	sld [smem:$0x3FFB];
	_ =	sdelay $0x3  }
0x92: {  	_ =	strace s17  }
0x93: {  	s2 =	sld [smem:$0x3FFC];
	_ =	sdelay $0x3  }
0x94: {  	_ =	strace s2  }
0x95: {  	s2 =	sld [smem:$0x3FFD];
	_ =	sdelay $0x3  }
0x96: {  	_ =	strace s2  }
0x97: {  	_ =	strace $0x8FFFFFFF  }
0x98: {  	s18 =	sld [smem:$0x3FDB];
	_ =	sdelay $0x1  }
0x99: {  	s19 =	simm.s32 $_scs_section_size  }
0x9a: {  	s4 =	simm.s32 $_size__tile_overlayer_lowered;
	s5 =	simm.s32 $_tile_overlayer_lowered  }
0x9b: {  	s22 =	simm.s32 $0x1BFF;
	s21 =	sshll.u32 s5, $0x1;
	s2 =	sadd.s32 s19, s18  }
0x9c: {  	s6 =	simm.s32 $0x0;
	s20 =	sshll.u32 s4, $0x1;
	s4 =	sadd.s32 s21, s2  }
0x9d: {  	[timem:s6], [sflag:s22] =	dma.local [hbm:s4], s20  }
0x9e: {  	_ =	swait.ge [sflag:s22], s20  }
0x9f: {  	s3 =	ssub.s32 $0x0, s20;
	[sflag:s22] =	ssyncset.done $0x0  }
0xa0: {  	[sflag:s22] =	ssyncadd.s32 s3;
	_ =	sdelay $0x1  }
0xa1: {  	s23 =	simm.s32 $0x1B8B  }
0xa2: {  	_ =	swait.ge [sflag:s23], $0x1  }
0xa3: {  	[sflag:s23] =	ssyncset.done $0x0  }
0xa4: {  	s25 =	simm.s32 $0x1B8E;
	s24 =	sld [smem:$0x3FFE];
	[sflag:s23] =	ssyncadd.s32 $0xFFFFFFFF  }
0xa5: {  	s26 =	simm.s32 $execute0_lowered;
	[smem:$0x3FD2] =	sst s25  }
0xa6: {  	s4 =	sshll.u32 s26, $0x1;
	_ =	strace $0x8000005E;
	[dreg:$0x1] =	wrdreg $0xFFFFFFFF  }
0xa7: {  	s28 =	simm.s32 $_size_execute0_lowered;
	s2 =	sadd.s32 s2, s4;
	[dreg:$0x0] =	wrdreg $0x0  }
0xa8: {  	s4 =	sshll.u32 s28, $0x1;
	[dreg:$0x2] =	wrdreg s2  }
0xa9: {  	[dreg:$0x3] =	wrdreg s4  }
0xaa: {  	[dreg:$0x4] =	wrdreg $0xC0  }
0xab: {  	_ =	task [dreg:s6], $0x5FFFF  }
0xac: {  	[dreg:$0x1] =	wrdreg $0xFFFFFFFF  }
0xad: {  	[dreg:$0x0] =	wrdreg $0x60  }
0xae: {  	[dreg:$0x2] =	wrdreg s24  }
0xaf: {  	[dreg:$0x3] =	wrdreg $0x148200  }
0xb0: {  	[dreg:$0x4] =	wrdreg $0x9  }
0xb1: {  	_ =	task.clear_ibuf [dreg:s6], $0x5FFFF;
	_ =	strace $0x9000005E  }
0xb2: {  	s29 =	simm.s32 $0x9;
	_ =	strace $0x80000060  }
0xb3: {  	_ =	swait.ge [sflag:s29], $0x1  }
0xb4: {  	[sflag:s29] =	ssyncadd.s32 $0xFFFFFFFF  }
0xb5: {  	_ =	strace $0x90000060  }
0xb6: {  	_ =	sfence  }
0xb7: {  	s30 =	sld [smem:$0x0];
	_ =	sdelay $0x2  }
0xb8: {  	s31 =	sshll.u32 s1, $0xD;
	s1 =	sshrl.u32 s1, $0x2  }
0xb9: {  	s3 =	sand.u32 $0x4000, s31;
	s1 =	sadd.s32 s1, s30  }
0xba: {  	s0 =	sor.u32 s3, s0;
	s1 =	sshll.u32 s1, $0x11  }
0xbb: {  	s0 =	sor.u32 s1, s0  }
0xbc: {  	s0 =	sadd.s32 $0x8F2B, s0  }
0xbd: {  	[sflag:s0] =	ssyncadd.remote.s32 $0x1  }
0xbe: {  	_ =	sfence.sel $0xFFFF  }
0xbf: {  	[dreg:$0x0] =	wrdreg $0xFFFFFFFF;
	(pc) =	sbr.abs _section_cstart, $3  }
0xc0: {  	[dreg:$0x1] =	wrdreg $0xFFFFFFFF  }
0xc1: {  	_ =	task.clear_ibuf [dreg:s6], $0x2FFFF;
	_ =	strace $0x9FFFFFFF  }
0xc2: {  	(tm) =	ssettm $0x7FFFFFFF  }
0xc3: {  	_ =	shalt  }
tec
execute0_lowered:
.L_overlay_start_1:
0x0: {  	(tag) =	ssettag $0x1  }
0x1: {  	s0 =	srdreg.scid;
	s21 =	stileid.u32  }
0x2: {  	s30 =	rddreg [dreg:$0x0];
	s29 =	sand.u32 $0x1, s0;
	s4 =	smul.u32 $0xA000, s21  }
0x3: {  	s2 =	rddreg [dreg:$0x1];
	s3 =	simm.s32 $0x0;
	s1 =	sshll.u32 s29, $0x4  }
0x4: {  	s9 =	simm.s32 $0x2AF8;
	s1 =	sor.u32 s21, s1;
	s31 =	sshrl.u32 s4, $0x3  }
0x5: {  	[smem:$0x7FF] =	sst s3;
	s1 =	smul.u32 $0x4E2, s1;
	s6 =	sadd.s32 s31, s30  }
0x6: {  	_ =	strace $0x8000005F;
	[dreg:$0x7] =	wrdreg s9;
	s22 =	sadd.s32 $0x7C800, s6  }
0x7: {  	s1 =	sadd.s32 s1, s30;
	[dreg:$0x5] =	wrdreg s22  }
0x8: {  	s5 =	sadd.s32 $0x4C00, s1;
	s8 =	rddreg [dreg:$0x5]  }
0x9: {  	s1 =	sadd.s32 $0xEA00, s1;
	[dreg:$0x3] =	wrdreg s5  }
0xa: {  	[dreg:$0x4] =	wrdreg s1  }
0xb: {  	s1 =	sshll.u32 s21, $0x6;
	s24 =	rddreg [dreg:$0x3]  }
0xc: {  	s23 =	sor.u32 $0x1C02, s1;
	s7 =	rddreg [dreg:$0x4]  }
0xd: {  	s25 =	sadd.s32 s4, s2;
	s4 =	simm.s32 $0x2710;
	[dreg:$0x6] =	wrdreg s23  }
0xe: {  	[tilespmem:s3], [sflag:$0x2] =	stream.linear.gather [hbm4b:s24+s3], $0x2710, $0x38;
	[tilespmem:$0x1E820] =	vst v63  }
0xf: {  	s6 =	simm.s32 $0x2;
	s5 =	sshrl.u32 s25, $0x3;
	s10 =	rddreg [dreg:$0x6]  }
0x10: {  	[tilespmem:s4], [sflag:$0x2] =	stream.linear.gather [hbm4b:s7+s3], $0x2710, $0x38;
	[tilespmem:$0x1E820] =	vst v63  }
0x11: {  	[spmem:s5], [sflag:s10] =	dma.local [hbm:s8], $0x1400  }
0x12: {  	_ =	swait.ge [sflag:s6], $0x2710  }
0x13: {  	[sflag:s6] =	ssyncset.done $0x0  }
0x14: {  	[sflag:s6] =	ssyncadd.s32 $0xFFFFD8F0  }
0x15: {  	_ =	swait.ge [sflag:s6], $0x2710  }
0x16: {  	[sflag:s6] =	ssyncset.done $0x0  }
0x17: {  	[sflag:s6] =	ssyncadd.s32 $0xFFFFD8F0  }
0x18: {  	_ =	swait.ge [sflag:s6], $0x1400  }
0x19: {  	[sflag:s6] =	ssyncset.done $0x0  }
0x1a: {  	s9 =	simm.s32 $0x4E20;
	s7 =	sadd.s32 $0x68800, s30;
	[sflag:s6] =	ssyncadd.s32 $0xFFFFEC00  }
0x1b: {  	s8 =	simm.s32 $0x3E8;
	s10 =	simm.s32 $0x1;
	[bflag:$0x0] =	sbarrier.arrive $0xFFFF  }
0x1c: {  	[tilespmem:s9], [sflag:$0x1] =	stream.indirect.gather [hbm4b:s7+s8], $0x40, s3, s8, $0xb8;
	[tilespmem:$0x1E820] =	vst v63  }
0x1d: {  	_ =	swait.ge [sflag:s10], $0xFA00  }
0x1e: {  	[sflag:s10] =	ssyncset.done $0x0  }
0x1f: {  	s11 =	simm.s32 $0x3;
	[sflag:s10] =	ssyncadd.s32 $0xFFFF0600  }
0x20: {  	[spmem:s2] =	stream.indirect.scatter.add.f32 [tilespmem:s9], [sflag:$0x3], $0x40, s4, s8, $0xb8;
	[tilespmem:$0x1E820] =	vst v63  }
0x21: {  	_ =	swait.ge [sflag:s11], $0xFA00  }
0x22: {  	[sflag:s11] =	ssyncset.done $0x0  }
0x23: {  	[sflag:s11] =	ssyncadd.s32 $0xFFFF0600  }
0x24: {  	[tilespmem:s9], [sflag:$0x1] =	stream.indirect.gather [hbm4b:s7+s8], $0x40, s8, s8, $0xb8;
	[tilespmem:$0x1E820] =	vst v63  }
0x25: {  	_ =	swait.ge [sflag:s10], $0xFA00  }
0x26: {  	[sflag:s10] =	ssyncset.done $0x0  }
0x27: {  	s12 =	rddreg [dreg:$0x7];
	[sflag:s10] =	ssyncadd.s32 $0xFFFF0600  }
0x28: {  	[spmem:s2] =	stream.indirect.scatter.add.f32 [tilespmem:s9], [sflag:$0x3], $0x40, s12, s8, $0xb8;
	[tilespmem:$0x1E820] =	vst v63  }
0x29: {  	_ =	swait.ge [sflag:s11], $0xFA00  }
0x2a: {  	[sflag:s11] =	ssyncset.done $0x0  }
0x2b: {  	s26 =	simm.s32 $0x7D0;
	[sflag:s11] =	ssyncadd.s32 $0xFFFF0600  }
0x2c: {  	[tilespmem:s9], [sflag:$0x1] =	stream.indirect.gather [hbm4b:s7+s8], $0x40, s26, s8, $0xb8;
	[tilespmem:$0x1E820] =	vst v63  }
0x2d: {  	_ =	swait.ge [sflag:s10], $0xFA00  }
0x2e: {  	[sflag:s10] =	ssyncset.done $0x0  }
0x2f: {  	s13 =	simm.s32 $0x2EE0;
	[sflag:s10] =	ssyncadd.s32 $0xFFFF0600  }
0x30: {  	[spmem:s2] =	stream.indirect.scatter.add.f32 [tilespmem:s9], [sflag:$0x3], $0x40, s13, s8, $0xb8;
	[tilespmem:$0x1E820] =	vst v63  }
0x31: {  	_ =	swait.ge [sflag:s11], $0xFA00  }
0x32: {  	[sflag:s11] =	ssyncset.done $0x0  }
0x33: {  	s14 =	simm.s32 $0xBB8;
	[sflag:s11] =	ssyncadd.s32 $0xFFFF0600  }
0x34: {  	[tilespmem:s9], [sflag:$0x1] =	stream.indirect.gather [hbm4b:s7+s8], $0x40, s14, s8, $0xb8;
	[tilespmem:$0x1E820] =	vst v63  }
0x35: {  	_ =	swait.ge [sflag:s10], $0xFA00  }
0x36: {  	[sflag:s10] =	ssyncset.done $0x0  }
0x37: {  	s15 =	simm.s32 $0x32C8;
	[sflag:s10] =	ssyncadd.s32 $0xFFFF0600  }
0x38: {  	[spmem:s2] =	stream.indirect.scatter.add.f32 [tilespmem:s9], [sflag:$0x3], $0x40, s15, s8, $0xb8;
	[tilespmem:$0x1E820] =	vst v63  }
0x39: {  	_ =	swait.ge [sflag:s11], $0xFA00  }
0x3a: {  	[sflag:s11] =	ssyncset.done $0x0  }
0x3b: {  	s16 =	simm.s32 $0xFA0;
	[sflag:s11] =	ssyncadd.s32 $0xFFFF0600  }
0x3c: {  	[tilespmem:s9], [sflag:$0x1] =	stream.indirect.gather [hbm4b:s7+s8], $0x40, s16, s8, $0xb8;
	[tilespmem:$0x1E820] =	vst v63  }
0x3d: {  	_ =	swait.ge [sflag:s10], $0xFA00  }
0x3e: {  	[sflag:s10] =	ssyncset.done $0x0  }
0x3f: {  	s17 =	simm.s32 $0x36B0;
	[sflag:s10] =	ssyncadd.s32 $0xFFFF0600  }
0x40: {  	[spmem:s2] =	stream.indirect.scatter.add.f32 [tilespmem:s9], [sflag:$0x3], $0x40, s17, s8, $0xb8;
	[tilespmem:$0x1E820] =	vst v63  }
0x41: {  	_ =	swait.ge [sflag:s11], $0xFA00  }
0x42: {  	[sflag:s11] =	ssyncset.done $0x0  }
0x43: {  	s18 =	simm.s32 $0x1388;
	[sflag:s11] =	ssyncadd.s32 $0xFFFF0600  }
0x44: {  	[tilespmem:s9], [sflag:$0x1] =	stream.indirect.gather [hbm4b:s7+s8], $0x40, s18, s8, $0xb8;
	[tilespmem:$0x1E820] =	vst v63  }
0x45: {  	_ =	swait.ge [sflag:s10], $0xFA00  }
0x46: {  	[sflag:s10] =	ssyncset.done $0x0  }
0x47: {  	s19 =	simm.s32 $0x3A98;
	[sflag:s10] =	ssyncadd.s32 $0xFFFF0600  }
0x48: {  	[spmem:s2] =	stream.indirect.scatter.add.f32 [tilespmem:s9], [sflag:$0x3], $0x40, s19, s8, $0xb8;
	[tilespmem:$0x1E820] =	vst v63  }
0x49: {  	_ =	swait.ge [sflag:s11], $0xFA00  }
0x4a: {  	[sflag:s11] =	ssyncset.done $0x0  }
0x4b: {  	s20 =	simm.s32 $0x1770;
	[sflag:s11] =	ssyncadd.s32 $0xFFFF0600  }
0x4c: {  	[tilespmem:s9], [sflag:$0x1] =	stream.indirect.gather [hbm4b:s7+s8], $0x40, s20, s8, $0xb8;
	[tilespmem:$0x1E820] =	vst v63  }
0x4d: {  	_ =	swait.ge [sflag:s10], $0xFA00  }
0x4e: {  	[sflag:s10] =	ssyncset.done $0x0  }
0x4f: {  	s21 =	simm.s32 $0x3E80;
	[sflag:s10] =	ssyncadd.s32 $0xFFFF0600  }
0x50: {  	[spmem:s2] =	stream.indirect.scatter.add.f32 [tilespmem:s9], [sflag:$0x3], $0x40, s21, s8, $0xb8;
	[tilespmem:$0x1E820] =	vst v63  }
0x51: {  	_ =	swait.ge [sflag:s11], $0xFA00  }
0x52: {  	[sflag:s11] =	ssyncset.done $0x0  }
0x53: {  	s22 =	simm.s32 $0x1B58;
	[sflag:s11] =	ssyncadd.s32 $0xFFFF0600  }
0x54: {  	[tilespmem:s9], [sflag:$0x1] =	stream.indirect.gather [hbm4b:s7+s8], $0x40, s22, s8, $0xb8;
	[tilespmem:$0x1E820] =	vst v63  }
0x55: {  	_ =	swait.ge [sflag:s10], $0xFA00  }
0x56: {  	[sflag:s10] =	ssyncset.done $0x0  }
0x57: {  	s23 =	simm.s32 $0x4268;
	[sflag:s10] =	ssyncadd.s32 $0xFFFF0600  }
0x58: {  	[spmem:s2] =	stream.indirect.scatter.add.f32 [tilespmem:s9], [sflag:$0x3], $0x40, s23, s8, $0xb8;
	[tilespmem:$0x1E820] =	vst v63  }
0x59: {  	_ =	swait.ge [sflag:s11], $0xFA00  }
0x5a: {  	[sflag:s11] =	ssyncset.done $0x0  }
0x5b: {  	s24 =	simm.s32 $0x1F40;
	[sflag:s11] =	ssyncadd.s32 $0xFFFF0600  }
0x5c: {  	[tilespmem:s9], [sflag:$0x1] =	stream.indirect.gather [hbm4b:s7+s8], $0x40, s24, s8, $0xb8;
	[tilespmem:$0x1E820] =	vst v63  }
0x5d: {  	_ =	swait.ge [sflag:s10], $0xFA00  }
0x5e: {  	[sflag:s10] =	ssyncset.done $0x0  }
0x5f: {  	s25 =	simm.s32 $0x4650;
	[sflag:s10] =	ssyncadd.s32 $0xFFFF0600  }
0x60: {  	[spmem:s2] =	stream.indirect.scatter.add.f32 [tilespmem:s9], [sflag:$0x3], $0x40, s25, s8, $0xb8;
	[tilespmem:$0x1E820] =	vst v63  }
0x61: {  	_ =	swait.ge [sflag:s11], $0xFA00  }
0x62: {  	s12 =	smul.u32 $0x14000, s29;
	[sflag:s11] =	ssyncset.done $0x0  }
0x63: {  	s29 =	ssub.s32 $0x2, s29;
	s26 =	simm.s32 $0x2328;
	[sflag:s11] =	ssyncadd.s32 $0xFFFF0600  }
0x64: {  	[tilespmem:s9], [sflag:$0x1] =	stream.indirect.gather [hbm4b:s7+s8], $0x40, s26, s8, $0xb8;
	[tilespmem:$0x1E820] =	vst v63  }
0x65: {  	s0 =	sadd.s32 s12, s30;
	s30 =	sshrl.u32 s29, $0x1;
	_ =	swait.ge [sflag:s10], $0xFA00  }
0x66: {  	s30 =	ssub.s32 s29, s30;
	[sflag:s10] =	ssyncset.done $0x0  }
0x67: {  	s28 =	simm.s32 $0x4A38;
	s12 =	smax.u32 s30, $0x1;
	[sflag:s10] =	ssyncadd.s32 $0xFFFF0600  }
0x68: {  	[spmem:s2] =	stream.indirect.scatter.add.f32 [tilespmem:s9], [sflag:$0x3], $0x40, s28, s8, $0xb8;
	[tilespmem:$0x1E820] =	vst v63  }
0x69: {  	p0 =	sne.s32 s12, $0x1;
	_ =	swait.ge [sflag:s11], $0xFA00  }
.Ltmp0:
0x6a: {  	[sflag:s11] =	ssyncset.done $0x0;
	(pc) =	sbr.rel @!p0 .LBB2_2-.Ltmp0, $4  }
0x6b: {  	s0 =	sadd.s32 $0x90800, s0;
	[sflag:s11] =	ssyncadd.s32 $0xFFFF0600  }
0x6c: {  	s29 =	sadd.s32 s31, s0;
	s30 =	sor.u32 $0x1C03, s1;
	[bflag:$0x0] =	sbarrier.arrive $0xFFFF  }
0x6d: {  	[hbm:s29], [sflag:s30] =	dma.local [spmem:s5], $0x1400  }
0x6e: {  	s31 =	sadd.s32 $0xFFFFFFFF, s12;
	_ =	swait.ge [sflag:s11], $0x1400  }
.LBB2_1:
0x6f: {  	s0 =	rddreg [dreg:$0x3]  }
0x70: {  	s1 =	rddreg [dreg:$0x4];
	[sflag:s11] =	ssyncset.done $0x0  }
0x71: {  	s12 =	rddreg [dreg:$0x5];
	[sflag:s11] =	ssyncadd.s32 $0xFFFFEC00  }
0x72: {  	[tilespmem:s3], [sflag:$0x2] =	stream.linear.gather [hbm4b:s0+s3], $0x2710, $0x38;
	[tilespmem:$0x1E820] =	vst v63  }
0x73: {  	s0 =	rddreg [dreg:$0x6]  }
0x74: {  	[tilespmem:s4], [sflag:$0x2] =	stream.linear.gather [hbm4b:s1+s3], $0x2710, $0x38;
	[tilespmem:$0x1E820] =	vst v63  }
0x75: {  	[spmem:s5], [sflag:s0] =	dma.local [hbm:s12], $0x1400  }
0x76: {  	_ =	swait.ge [sflag:s6], $0x2710  }
0x77: {  	[sflag:s6] =	ssyncset.done $0x0  }
0x78: {  	[sflag:s6] =	ssyncadd.s32 $0xFFFFD8F0  }
0x79: {  	_ =	swait.ge [sflag:s6], $0x2710  }
0x7a: {  	[sflag:s6] =	ssyncset.done $0x0  }
0x7b: {  	[sflag:s6] =	ssyncadd.s32 $0xFFFFD8F0  }
0x7c: {  	_ =	swait.ge [sflag:s6], $0x1400  }
0x7d: {  	[sflag:s6] =	ssyncset.done $0x0  }
0x7e: {  	[sflag:s6] =	ssyncadd.s32 $0xFFFFEC00  }
0x7f: {  	[bflag:$0x0] =	sbarrier.arrive $0xFFFF  }
0x80: {  	[tilespmem:s9], [sflag:$0x1] =	stream.indirect.gather [hbm4b:s7+s8], $0x40, s3, s8, $0xb8;
	[tilespmem:$0x1E820] =	vst v63  }
0x81: {  	_ =	swait.ge [sflag:s10], $0xFA00  }
0x82: {  	[sflag:s10] =	ssyncset.done $0x0  }
0x83: {  	[sflag:s10] =	ssyncadd.s32 $0xFFFF0600  }
0x84: {  	[spmem:s2] =	stream.indirect.scatter.add.f32 [tilespmem:s9], [sflag:$0x3], $0x40, s4, s8, $0xb8;
	[tilespmem:$0x1E820] =	vst v63  }
0x85: {  	_ =	swait.ge [sflag:s11], $0xFA00  }
0x86: {  	[sflag:s11] =	ssyncset.done $0x0  }
0x87: {  	[sflag:s11] =	ssyncadd.s32 $0xFFFF0600  }
0x88: {  	[tilespmem:s9], [sflag:$0x1] =	stream.indirect.gather [hbm4b:s7+s8], $0x40, s8, s8, $0xb8;
	[tilespmem:$0x1E820] =	vst v63  }
0x89: {  	_ =	swait.ge [sflag:s10], $0xFA00  }
0x8a: {  	[sflag:s10] =	ssyncset.done $0x0  }
0x8b: {  	s1 =	rddreg [dreg:$0x7];
	[sflag:s10] =	ssyncadd.s32 $0xFFFF0600  }
0x8c: {  	[spmem:s2] =	stream.indirect.scatter.add.f32 [tilespmem:s9], [sflag:$0x3], $0x40, s1, s8, $0xb8;
	[tilespmem:$0x1E820] =	vst v63  }
0x8d: {  	_ =	swait.ge [sflag:s11], $0xFA00  }
0x8e: {  	[sflag:s11] =	ssyncset.done $0x0  }
0x8f: {  	s12 =	simm.s32 $0x7D0;
	[sflag:s11] =	ssyncadd.s32 $0xFFFF0600  }
0x90: {  	[tilespmem:s9], [sflag:$0x1] =	stream.indirect.gather [hbm4b:s7+s8], $0x40, s12, s8, $0xb8;
	[tilespmem:$0x1E820] =	vst v63  }
0x91: {  	_ =	swait.ge [sflag:s10], $0xFA00  }
0x92: {  	[sflag:s10] =	ssyncset.done $0x0  }
0x93: {  	[sflag:s10] =	ssyncadd.s32 $0xFFFF0600  }
0x94: {  	[spmem:s2] =	stream.indirect.scatter.add.f32 [tilespmem:s9], [sflag:$0x3], $0x40, s13, s8, $0xb8;
	[tilespmem:$0x1E820] =	vst v63  }
0x95: {  	_ =	swait.ge [sflag:s11], $0xFA00  }
0x96: {  	[sflag:s11] =	ssyncset.done $0x0  }
0x97: {  	[sflag:s11] =	ssyncadd.s32 $0xFFFF0600  }
0x98: {  	[tilespmem:s9], [sflag:$0x1] =	stream.indirect.gather [hbm4b:s7+s8], $0x40, s14, s8, $0xb8;
	[tilespmem:$0x1E820] =	vst v63  }
0x99: {  	_ =	swait.ge [sflag:s10], $0xFA00  }
0x9a: {  	[sflag:s10] =	ssyncset.done $0x0  }
0x9b: {  	[sflag:s10] =	ssyncadd.s32 $0xFFFF0600  }
0x9c: {  	[spmem:s2] =	stream.indirect.scatter.add.f32 [tilespmem:s9], [sflag:$0x3], $0x40, s15, s8, $0xb8;
	[tilespmem:$0x1E820] =	vst v63  }
0x9d: {  	_ =	swait.ge [sflag:s11], $0xFA00  }
0x9e: {  	[sflag:s11] =	ssyncset.done $0x0  }
0x9f: {  	[sflag:s11] =	ssyncadd.s32 $0xFFFF0600  }
0xa0: {  	[tilespmem:s9], [sflag:$0x1] =	stream.indirect.gather [hbm4b:s7+s8], $0x40, s16, s8, $0xb8;
	[tilespmem:$0x1E820] =	vst v63  }
0xa1: {  	_ =	swait.ge [sflag:s10], $0xFA00  }
0xa2: {  	[sflag:s10] =	ssyncset.done $0x0  }
0xa3: {  	[sflag:s10] =	ssyncadd.s32 $0xFFFF0600  }
0xa4: {  	[spmem:s2] =	stream.indirect.scatter.add.f32 [tilespmem:s9], [sflag:$0x3], $0x40, s17, s8, $0xb8;
	[tilespmem:$0x1E820] =	vst v63  }
0xa5: {  	_ =	swait.ge [sflag:s11], $0xFA00  }
0xa6: {  	[sflag:s11] =	ssyncset.done $0x0  }
0xa7: {  	[sflag:s11] =	ssyncadd.s32 $0xFFFF0600  }
0xa8: {  	[tilespmem:s9], [sflag:$0x1] =	stream.indirect.gather [hbm4b:s7+s8], $0x40, s18, s8, $0xb8;
	[tilespmem:$0x1E820] =	vst v63  }
0xa9: {  	_ =	swait.ge [sflag:s10], $0xFA00  }
0xaa: {  	[sflag:s10] =	ssyncset.done $0x0  }
0xab: {  	[sflag:s10] =	ssyncadd.s32 $0xFFFF0600  }
0xac: {  	[spmem:s2] =	stream.indirect.scatter.add.f32 [tilespmem:s9], [sflag:$0x3], $0x40, s19, s8, $0xb8;
	[tilespmem:$0x1E820] =	vst v63  }
0xad: {  	_ =	swait.ge [sflag:s11], $0xFA00  }
0xae: {  	[sflag:s11] =	ssyncset.done $0x0  }
0xaf: {  	[sflag:s11] =	ssyncadd.s32 $0xFFFF0600  }
0xb0: {  	[tilespmem:s9], [sflag:$0x1] =	stream.indirect.gather [hbm4b:s7+s8], $0x40, s20, s8, $0xb8;
	[tilespmem:$0x1E820] =	vst v63  }
0xb1: {  	_ =	swait.ge [sflag:s10], $0xFA00  }
0xb2: {  	[sflag:s10] =	ssyncset.done $0x0  }
0xb3: {  	[sflag:s10] =	ssyncadd.s32 $0xFFFF0600  }
0xb4: {  	[spmem:s2] =	stream.indirect.scatter.add.f32 [tilespmem:s9], [sflag:$0x3], $0x40, s21, s8, $0xb8;
	[tilespmem:$0x1E820] =	vst v63  }
0xb5: {  	_ =	swait.ge [sflag:s11], $0xFA00  }
0xb6: {  	[sflag:s11] =	ssyncset.done $0x0  }
0xb7: {  	[sflag:s11] =	ssyncadd.s32 $0xFFFF0600  }
0xb8: {  	[tilespmem:s9], [sflag:$0x1] =	stream.indirect.gather [hbm4b:s7+s8], $0x40, s22, s8, $0xb8;
	[tilespmem:$0x1E820] =	vst v63  }
0xb9: {  	_ =	swait.ge [sflag:s10], $0xFA00  }
0xba: {  	[sflag:s10] =	ssyncset.done $0x0  }
0xbb: {  	[sflag:s10] =	ssyncadd.s32 $0xFFFF0600  }
0xbc: {  	[spmem:s2] =	stream.indirect.scatter.add.f32 [tilespmem:s9], [sflag:$0x3], $0x40, s23, s8, $0xb8;
	[tilespmem:$0x1E820] =	vst v63  }
0xbd: {  	_ =	swait.ge [sflag:s11], $0xFA00  }
0xbe: {  	[sflag:s11] =	ssyncset.done $0x0  }
0xbf: {  	[sflag:s11] =	ssyncadd.s32 $0xFFFF0600  }
0xc0: {  	[tilespmem:s9], [sflag:$0x1] =	stream.indirect.gather [hbm4b:s7+s8], $0x40, s24, s8, $0xb8;
	[tilespmem:$0x1E820] =	vst v63  }
0xc1: {  	_ =	swait.ge [sflag:s10], $0xFA00  }
0xc2: {  	[sflag:s10] =	ssyncset.done $0x0  }
0xc3: {  	[sflag:s10] =	ssyncadd.s32 $0xFFFF0600  }
0xc4: {  	[spmem:s2] =	stream.indirect.scatter.add.f32 [tilespmem:s9], [sflag:$0x3], $0x40, s25, s8, $0xb8;
	[tilespmem:$0x1E820] =	vst v63  }
0xc5: {  	_ =	swait.ge [sflag:s11], $0xFA00  }
0xc6: {  	[sflag:s11] =	ssyncset.done $0x0  }
0xc7: {  	[sflag:s11] =	ssyncadd.s32 $0xFFFF0600  }
0xc8: {  	[tilespmem:s9], [sflag:$0x1] =	stream.indirect.gather [hbm4b:s7+s8], $0x40, s26, s8, $0xb8;
	[tilespmem:$0x1E820] =	vst v63  }
0xc9: {  	_ =	swait.ge [sflag:s10], $0xFA00  }
0xca: {  	[sflag:s10] =	ssyncset.done $0x0  }
0xcb: {  	[sflag:s10] =	ssyncadd.s32 $0xFFFF0600  }
0xcc: {  	[spmem:s2] =	stream.indirect.scatter.add.f32 [tilespmem:s9], [sflag:$0x3], $0x40, s28, s8, $0xb8;
	[tilespmem:$0x1E820] =	vst v63  }
0xcd: {  	p0 =	sne.s32 s31, $0x1;
	_ =	swait.ge [sflag:s11], $0xFA00  }
.Ltmp1:
0xce: {  	[sflag:s11] =	ssyncset.done $0x0;
	(pc) =	sbr.rel @p0 .LBB2_1-.Ltmp1, $4  }
0xcf: {  	[sflag:s11] =	ssyncadd.s32 $0xFFFF0600  }
0xd0: {  	[bflag:$0x0] =	sbarrier.arrive $0xFFFF  }
0xd1: {  	[hbm:s29], [sflag:s30] =	dma.local [spmem:s5], $0x1400  }
0xd2: {  	s31 =	sadd.s32 $0xFFFFFFFF, s31;
	_ =	swait.ge [sflag:s11], $0x1400  }
.LBB2_2:
0xd3: {  	[sflag:s11] =	ssyncset.done $0x0  }
0xd4: {  	[sflag:s11] =	ssyncadd.s32 $0xFFFFEC00  }
0xd5: {  	_ =	sfence.sel $0x180000  }
0xd6: {  	[bflag:$0x0] =	sbarrier.arrive $0xFFFF  }
0xd7: {  	_ =	strace $0x9000005F  }
0xd8: {  	s0 =	stileid.u32;
	[bflag:$0x2] =	sbarrier.arrive $0xFFFF  }
0xd9: {  	p0 =	sne.s32 s0, $0x0;
	s0 =	rddreg [dreg:$0x2]  }
0xda: {  	s0 =	sadd.s32 @!p0 $0x100000, s0  }
0xdb: {  	[sflag:s0] =	ssyncadd.tile.s32 @!p0 $0x1;
	_ =	shalt  }
.Lfunc_end2:
_tile_overlayer_lowered:
.L_overlay_start_2:
0xdc: {  	(tag) =	ssettag $0x2  }
0xdd: {  	s0 =	rddreg [dreg:$0x0];
	s2 =	stileid.u32  }
0xde: {  	s1 =	rddreg [dreg:$0x1];
	p0 =	sne.s32 s2, $0x0  }
0xdf: {  	s3 =	rddreg [dreg:$0x2];
	[bflag:$0x3] =	sbarrier.arrive $0xFFFF;
	s2 =	simm.s32 @!p0 $0x1C03  }
0xe0: {  	[timem:s3], [sflag:s2] =	dma.local @!p0 [hbm:s0], s1  }
0xe1: {  	s0 =	simm.s32 @!p0 $0x3  }
0xe2: {  	_ =	swait.ge @!p0 [sflag:s0], s1  }
0xe3: {  	s1 =	ssub.s32 @!p0 $0x0, s1;
	[sflag:s0] =	ssyncset.done @!p0 $0x0  }
0xe4: {  	[sflag:s0] =	ssyncadd.s32 @!p0 s1  }
0xe5: {  	[bflag:$0x3] =	sbarrier.arrive $0xFFFF  }
0xe6: {  	_ =	shalt  }

// kernel: kernel.52.cloned.1.call-start
scs
__scs_entry_jumppad:
0x0: {  	(pc) =	sbr.rel $0x88, $3  }
0x1: {  	(tag) =	ssettag $0x0;
	lr =	simm.s32 $0x1  }
0x2: {  	[smem:$0x3F9B] =	sst lr;
	_ =	strace $0xD0000000  }
0x3: {  	_ = 	snop  }
0x4: {  	_ = 	snop  }
0x5: {  	_ = 	snop  }
0x6: {  	_ = 	snop  }
0x7: {  	_ = 	snop  }
__scs_overlays_trampoline_lowered:
0x8: {  	[smem:$0x3FAA] =	sst s0  }
0x9: {  	[smem:$0x3FAB] =	sst s1  }
0xa: {  	[smem:$0x3FAC] =	sst s2  }
0xb: {  	[smem:$0x3FAD] =	sst s3  }
0xc: {  	[smem:$0x3FAE] =	sst s4  }
0xd: {  	[smem:$0x3FAF] =	sst s5  }
0xe: {  	[smem:$0x3FB0] =	sst s6  }
0xf: {  	[smem:$0x3FB1] =	sst s7  }
0x10: {  	[smem:$0x3FB2] =	sst s8  }
0x11: {  	[smem:$0x3FB3] =	sst s9;
	s0 =	simm.s32 @!p0 $0x0  }
0x12: {  	s1 =	sld [smem:$0x3F99];
	s0 =	simm.s32 @p0 $0x1  }
0x13: {  	[smem:$0x3FB4] =	sst s0;
	s0 =	simm.s32 @!p1 $0x0  }
0x14: {  	s2 =	sld [smem:$0x3F98];
	s0 =	simm.s32 @p1 $0x1  }
0x15: {  	[smem:$0x3FB5] =	sst s0;
	s0 =	simm.s32 @!p2 $0x0  }
0x16: {  	s3 =	sld [smem:$0x3FDB];
	s0 =	simm.s32 @p2 $0x1  }
0x17: {  	s4 =	simm.s32 $0x1BF5;
	[smem:$0x3FB7] =	sst s0  }
0x18: {  	s0 =	sld [smem:$0x3F9A];
	_ =	swait.ge [sflag:s4], $0x0  }
0x19: {  	s7 =	sld [smem:$0x3F9B]  }
0x1a: {  	s8 =	sadd.s32 $0xFFFFE003, lr  }
0x1b: {  	s9 =	sadd.s32 $0xFFFFFEF7, lr;
	s5 =	simm.s32 $0xFFFFFFFF;
	p2 =	slt.u32 s8, $0xFFFFF086  }
0x1c: {  	p1 =	slt.u32 s9, $0xF7A;
	s5 =	simm.s32 @!p2 $0x0  }
0x1d: {  	s5 =	simm.s32 @p1 $0x1;
	p0 =	seq.s32 s7, s2  }
0x1e: {  	s7 =	smul.u32 @!p0 $0xF7A, s2;
	p2 =	seq.s32 @!p0 s5, $0x0  }
0x1f: {  	s9 =	smul.u32 $0xF7A, s1;
	s8 =	simm.s32 @!p0 $0x1BF5;
	p2 =	por !p2, p0  }
0x20: {  	[sflag:s8] =	ssyncset.s32 @!p0 $0xFFFFF086;
	s6 =	sadd.s32 @!p0 s3, s7;
	s7 =	simm.s32 @!p0 $0x108  }
0x21: {  	s3 =	sadd.s32 s3, s9;
	s6 =	sadd.s32 @!p0 $0x88, s6;
	s7 =	simm.s32 @p2 $0x1082  }
0x22: {  	[simem:s7], [sflag:s8] =	dma.local @!p0 [hbm:s6], $0xF7A  }
0x23: {  	s9 =	sor.u32 $0xD0000000, s2;
	s6 =	simm.s32 $0x108;
	_ =	swait.ge @!p0 [sflag:s8], $0x0  }
0x24: {  	s3 =	sadd.s32 $0x88, s3;
	s6 =	simm.s32 @!p1 $0x1082;
	[sflag:s4] =	ssyncset.s32 $0xFFFFF086  }
0x25: {  	[simem:s6], [sflag:s4] =	dma.local [hbm:s3], $0xF7A  }
0x26: {  	[smem:$0x3F9B] =	sst s1;
	(tag) =	ssettag s2;
	_ =	strace s9  }
0x27: {  	s1 =	sld [smem:$0x3FAB]  }
0x28: {  	s2 =	sld [smem:$0x3FAC]  }
0x29: {  	s4 =	sld [smem:$0x3FAE]  }
0x2a: {  	p0 =	seq.s32 s5, $0x0;
	s5 =	sld [smem:$0x3FAF]  }
0x2b: {  	s6 =	sld [smem:$0x3FB0]  }
0x2c: {  	s7 =	sld [smem:$0x3FB1]  }
0x2d: {  	s3 =	simm.s32 $0x108;
	s8 =	sld [smem:$0x3FB2]  }
0x2e: {  	s3 =	simm.s32 @!p0 $0x1082;
	s9 =	sld [smem:$0x3FB3]  }
0x2f: {  	lr =	sadd.s32 s0, s3;
	s0 =	sld [smem:$0x3FAA]  }
0x30: {  	s3 =	sld [smem:$0x3FAD]  }
0x31: {  	[smem:$0x3FB6] =	sst s10  }
0x32: {  	s10 =	sld [smem:$0x3FB4];
	_ =	sdelay $0x3  }
0x33: {  	p0 =	seq.s32 s10, $0x1;
	s10 =	sld [smem:$0x3FB6];
	_ =	sdelay $0x3  }
0x34: {  	[smem:$0x3FB6] =	sst s10  }
0x35: {  	s10 =	sld [smem:$0x3FB5];
	_ =	sdelay $0x3  }
0x36: {  	p1 =	seq.s32 s10, $0x1;
	s10 =	sld [smem:$0x3FB6];
	_ =	sdelay $0x3  }
0x37: {  	[smem:$0x3FB6] =	sst s10  }
0x38: {  	s10 =	sld [smem:$0x3FB7]  }
0x39: {  	_ = 	snop;
	(pc) =	sbr.ind lr, $3  }
0x3a: {  	_ = 	snop  }
0x3b: {  	_ = 	snop  }
0x3c: {  	p2 =	seq.s32 s10, $0x1;
	s10 =	sld [smem:$0x3FB6]  }
0x3d: {  	_ =	shalt  }
0x3e: {  	_ =	shalt  }
0x3f: {  	_ =	shalt  }
0x40: {  	_ =	shalt  }
0x41: {  	_ =	shalt  }
0x42: {  	_ =	shalt  }
0x43: {  	_ =	shalt  }
0x44: {  	_ =	shalt  }
0x45: {  	_ =	shalt  }
0x46: {  	_ =	shalt  }
0x47: {  	_ =	shalt  }
0x48: {  	_ =	shalt  }
0x49: {  	_ =	shalt  }
0x4a: {  	_ =	shalt  }
0x4b: {  	_ =	shalt  }
0x4c: {  	_ =	shalt  }
0x4d: {  	_ =	shalt  }
0x4e: {  	_ =	shalt  }
0x4f: {  	_ =	shalt  }
0x50: {  	_ =	shalt  }
0x51: {  	_ =	shalt  }
0x52: {  	_ =	shalt  }
0x53: {  	_ =	shalt  }
0x54: {  	_ =	shalt  }
0x55: {  	_ =	shalt  }
0x56: {  	_ =	shalt  }
0x57: {  	_ =	shalt  }
0x58: {  	_ =	shalt  }
0x59: {  	_ =	shalt  }
0x5a: {  	_ =	shalt  }
0x5b: {  	_ =	shalt  }
0x5c: {  	_ =	shalt  }
0x5d: {  	_ =	shalt  }
0x5e: {  	_ =	shalt  }
0x5f: {  	_ =	shalt  }
0x60: {  	_ =	shalt  }
0x61: {  	_ =	shalt  }
0x62: {  	_ =	shalt  }
0x63: {  	_ =	shalt  }
0x64: {  	_ =	shalt  }
0x65: {  	_ =	shalt  }
0x66: {  	_ =	shalt  }
0x67: {  	_ =	shalt  }
0x68: {  	_ =	shalt  }
0x69: {  	_ =	shalt  }
0x6a: {  	_ =	shalt  }
0x6b: {  	_ =	shalt  }
0x6c: {  	_ =	shalt  }
0x6d: {  	_ =	shalt  }
0x6e: {  	_ =	shalt  }
0x6f: {  	_ =	shalt  }
0x70: {  	_ =	shalt  }
0x71: {  	_ =	shalt  }
0x72: {  	_ =	shalt  }
0x73: {  	_ =	shalt  }
0x74: {  	_ =	shalt  }
0x75: {  	_ =	shalt  }
0x76: {  	_ =	shalt  }
0x77: {  	_ =	shalt  }
0x78: {  	_ =	shalt  }
0x79: {  	_ =	shalt  }
0x7a: {  	_ =	shalt  }
0x7b: {  	_ =	shalt  }
0x7c: {  	_ =	shalt  }
0x7d: {  	_ =	shalt  }
0x7e: {  	_ =	shalt  }
0x7f: {  	_ =	shalt  }
0x80: {  	_ =	shalt  }
0x81: {  	_ =	shalt  }
0x82: {  	_ =	shalt  }
0x83: {  	_ =	shalt  }
0x84: {  	_ =	shalt  }
0x85: {  	_ =	shalt  }
0x86: {  	_ =	shalt  }
0x87: {  	_ =	shalt  }
.Lfunc_end0:
.L_simem_size_0:
called_computation.9_lowered:
.L_overlay_start_0:
0x88: {  	s2 =	sld [smem:$0x3FD9]  }
0x89: {  	s3 =	sld [smem:$0x3FFE];
	_ =	sdelay $0x1  }
0x8a: {  	s1 =	srdreg.scid  }
0x8b: {  	s0 =	sand.u32 $0x1, s1  }
0x8c: {  	s16 =	sshll.u32 s0, $0xA;
	s2 =	sadd.s32 s3, s2  }
0x8d: {  	s2 =	sadd.s32 s2, s16  }
0x8e: {  	[smem:$0x3FC2] =	sst s2  }
0x8f: {  	_ = 	snop  }
0x90: {  	(tm) =	ssettm $0x1  }
0x91: {  	s17 =	sld [smem:$0x3FFB];
	_ =	sdelay $0x3  }
0x92: {  	_ =	strace s17  }
0x93: {  	s2 =	sld [smem:$0x3FFC];
	_ =	sdelay $0x3  }
0x94: {  	_ =	strace s2  }
0x95: {  	s2 =	sld [smem:$0x3FFD];
	_ =	sdelay $0x3  }
0x96: {  	_ =	strace s2  }
0x97: {  	_ =	strace $0x8FFFFFFF  }
0x98: {  	s18 =	sld [smem:$0x3FDB];
	_ =	sdelay $0x1  }
0x99: {  	s19 =	simm.s32 $_scs_section_size  }
0x9a: {  	s4 =	simm.s32 $_size__tile_overlayer_lowered;
	s5 =	simm.s32 $_tile_overlayer_lowered  }
0x9b: {  	s22 =	simm.s32 $0x1BFF;
	s21 =	sshll.u32 s5, $0x1;
	s2 =	sadd.s32 s19, s18  }
0x9c: {  	s6 =	simm.s32 $0x0;
	s20 =	sshll.u32 s4, $0x1;
	s4 =	sadd.s32 s21, s2  }
0x9d: {  	[timem:s6], [sflag:s22] =	dma.local [hbm:s4], s20  }
0x9e: {  	_ =	swait.ge [sflag:s22], s20  }
0x9f: {  	s3 =	ssub.s32 $0x0, s20;
	[sflag:s22] =	ssyncset.done $0x0  }
0xa0: {  	[sflag:s22] =	ssyncadd.s32 s3;
	_ =	sdelay $0x1  }
0xa1: {  	s23 =	simm.s32 $0x1B8B  }
0xa2: {  	_ =	swait.ge [sflag:s23], $0x1  }
0xa3: {  	[sflag:s23] =	ssyncset.done $0x0  }
0xa4: {  	s25 =	simm.s32 $0x1B8E;
	s24 =	sld [smem:$0x3FFE];
	[sflag:s23] =	ssyncadd.s32 $0xFFFFFFFF  }
0xa5: {  	s26 =	simm.s32 $execute0_lowered;
	[smem:$0x3FD2] =	sst s25  }
0xa6: {  	s4 =	sshll.u32 s26, $0x1;
	_ =	strace $0x80000061;
	[dreg:$0x1] =	wrdreg $0xFFFFFFFF  }
0xa7: {  	s28 =	simm.s32 $_size_execute0_lowered;
	s2 =	sadd.s32 s2, s4;
	[dreg:$0x0] =	wrdreg $0x0  }
0xa8: {  	s4 =	sshll.u32 s28, $0x1;
	[dreg:$0x2] =	wrdreg s2  }
0xa9: {  	[dreg:$0x3] =	wrdreg s4  }
0xaa: {  	[dreg:$0x4] =	wrdreg $0xC0  }
0xab: {  	_ =	task [dreg:s6], $0x5FFFF  }
0xac: {  	[dreg:$0x1] =	wrdreg $0xFFFFFFFF  }
0xad: {  	[dreg:$0x0] =	wrdreg $0x60  }
0xae: {  	[dreg:$0x2] =	wrdreg s24  }
0xaf: {  	[dreg:$0x3] =	wrdreg $0x148200  }
0xb0: {  	[dreg:$0x4] =	wrdreg $0x9  }
0xb1: {  	_ =	task.clear_ibuf [dreg:s6], $0x5FFFF;
	_ =	strace $0x90000061  }
0xb2: {  	s29 =	simm.s32 $0x9;
	_ =	strace $0x80000063  }
0xb3: {  	_ =	swait.ge [sflag:s29], $0x1  }
0xb4: {  	[sflag:s29] =	ssyncadd.s32 $0xFFFFFFFF  }
0xb5: {  	_ =	strace $0x90000063  }
0xb6: {  	_ =	sfence  }
0xb7: {  	s30 =	sld [smem:$0x0];
	_ =	sdelay $0x2  }
0xb8: {  	s31 =	sshll.u32 s1, $0xD;
	s1 =	sshrl.u32 s1, $0x2  }
0xb9: {  	s3 =	sand.u32 $0x4000, s31;
	s1 =	sadd.s32 s1, s30  }
0xba: {  	s0 =	sor.u32 s3, s0;
	s1 =	sshll.u32 s1, $0x11  }
0xbb: {  	s0 =	sor.u32 s1, s0  }
0xbc: {  	s0 =	sadd.s32 $0x8F2B, s0  }
0xbd: {  	[sflag:s0] =	ssyncadd.remote.s32 $0x1  }
0xbe: {  	_ =	sfence.sel $0xFFFF  }
0xbf: {  	[dreg:$0x0] =	wrdreg $0xFFFFFFFF;
	(pc) =	sbr.abs _section_cstart, $3  }
0xc0: {  	[dreg:$0x1] =	wrdreg $0xFFFFFFFF  }
0xc1: {  	_ =	task.clear_ibuf [dreg:s6], $0x2FFFF;
	_ =	strace $0x9FFFFFFF  }
0xc2: {  	(tm) =	ssettm $0x7FFFFFFF  }
0xc3: {  	_ =	shalt  }
tec
execute0_lowered:
.L_overlay_start_1:
0x0: {  	(tag) =	ssettag $0x1  }
0x1: {  	s0 =	srdreg.scid;
	s21 =	stileid.u32  }
0x2: {  	s30 =	rddreg [dreg:$0x0];
	s29 =	sand.u32 $0x1, s0;
	s4 =	smul.u32 $0xA000, s21  }
0x3: {  	s2 =	rddreg [dreg:$0x1];
	s3 =	simm.s32 $0x0;
	s1 =	sshll.u32 s29, $0x4  }
0x4: {  	s9 =	simm.s32 $0x2AF8;
	s1 =	sor.u32 s21, s1;
	s31 =	sshrl.u32 s4, $0x3  }
0x5: {  	[smem:$0x7FF] =	sst s3;
	s1 =	smul.u32 $0x4E2, s1;
	s6 =	sadd.s32 s31, s30  }
0x6: {  	_ =	strace $0x80000062;
	[dreg:$0x7] =	wrdreg s9;
	s22 =	sadd.s32 $0x7C800, s6  }
0x7: {  	s1 =	sadd.s32 s1, s30;
	[dreg:$0x5] =	wrdreg s22  }
0x8: {  	s5 =	sadd.s32 $0x4C00, s1;
	s8 =	rddreg [dreg:$0x5]  }
0x9: {  	s1 =	sadd.s32 $0xEA00, s1;
	[dreg:$0x3] =	wrdreg s5  }
0xa: {  	[dreg:$0x4] =	wrdreg s1  }
0xb: {  	s1 =	sshll.u32 s21, $0x6;
	s24 =	rddreg [dreg:$0x3]  }
0xc: {  	s23 =	sor.u32 $0x1C02, s1;
	s7 =	rddreg [dreg:$0x4]  }
0xd: {  	s25 =	sadd.s32 s4, s2;
	s4 =	simm.s32 $0x2710;
	[dreg:$0x6] =	wrdreg s23  }
0xe: {  	[tilespmem:s3], [sflag:$0x2] =	stream.linear.gather [hbm4b:s24+s3], $0x2710, $0x38;
	[tilespmem:$0x1E820] =	vst v63  }
0xf: {  	s6 =	simm.s32 $0x2;
	s5 =	sshrl.u32 s25, $0x3;
	s10 =	rddreg [dreg:$0x6]  }
0x10: {  	[tilespmem:s4], [sflag:$0x2] =	stream.linear.gather [hbm4b:s7+s3], $0x2710, $0x38;
	[tilespmem:$0x1E820] =	vst v63  }
0x11: {  	[spmem:s5], [sflag:s10] =	dma.local [hbm:s8], $0x1400  }
0x12: {  	_ =	swait.ge [sflag:s6], $0x2710  }
0x13: {  	[sflag:s6] =	ssyncset.done $0x0  }
0x14: {  	[sflag:s6] =	ssyncadd.s32 $0xFFFFD8F0  }
0x15: {  	_ =	swait.ge [sflag:s6], $0x2710  }
0x16: {  	[sflag:s6] =	ssyncset.done $0x0  }
0x17: {  	[sflag:s6] =	ssyncadd.s32 $0xFFFFD8F0  }
0x18: {  	_ =	swait.ge [sflag:s6], $0x1400  }
0x19: {  	[sflag:s6] =	ssyncset.done $0x0  }
0x1a: {  	s9 =	simm.s32 $0x4E20;
	s7 =	sadd.s32 $0x68800, s30;
	[sflag:s6] =	ssyncadd.s32 $0xFFFFEC00  }
0x1b: {  	s8 =	simm.s32 $0x3E8;
	s10 =	simm.s32 $0x1;
	[bflag:$0x0] =	sbarrier.arrive $0xFFFF  }
0x1c: {  	[tilespmem:s9], [sflag:$0x1] =	stream.indirect.gather [hbm4b:s7+s8], $0x40, s3, s8, $0xb8;
	[tilespmem:$0x1E820] =	vst v63  }
0x1d: {  	_ =	swait.ge [sflag:s10], $0xFA00  }
0x1e: {  	[sflag:s10] =	ssyncset.done $0x0  }
0x1f: {  	s11 =	simm.s32 $0x3;
	[sflag:s10] =	ssyncadd.s32 $0xFFFF0600  }
0x20: {  	[spmem:s2] =	stream.indirect.scatter.add.f32 [tilespmem:s9], [sflag:$0x3], $0x40, s4, s8, $0xb8;
	[tilespmem:$0x1E820] =	vst v63  }
0x21: {  	_ =	swait.ge [sflag:s11], $0xFA00  }
0x22: {  	[sflag:s11] =	ssyncset.done $0x0  }
0x23: {  	[sflag:s11] =	ssyncadd.s32 $0xFFFF0600  }
0x24: {  	[tilespmem:s9], [sflag:$0x1] =	stream.indirect.gather [hbm4b:s7+s8], $0x40, s8, s8, $0xb8;
	[tilespmem:$0x1E820] =	vst v63  }
0x25: {  	_ =	swait.ge [sflag:s10], $0xFA00  }
0x26: {  	[sflag:s10] =	ssyncset.done $0x0  }
0x27: {  	s12 =	rddreg [dreg:$0x7];
	[sflag:s10] =	ssyncadd.s32 $0xFFFF0600  }
0x28: {  	[spmem:s2] =	stream.indirect.scatter.add.f32 [tilespmem:s9], [sflag:$0x3], $0x40, s12, s8, $0xb8;
	[tilespmem:$0x1E820] =	vst v63  }
0x29: {  	_ =	swait.ge [sflag:s11], $0xFA00  }
0x2a: {  	[sflag:s11] =	ssyncset.done $0x0  }
0x2b: {  	s26 =	simm.s32 $0x7D0;
	[sflag:s11] =	ssyncadd.s32 $0xFFFF0600  }
0x2c: {  	[tilespmem:s9], [sflag:$0x1] =	stream.indirect.gather [hbm4b:s7+s8], $0x40, s26, s8, $0xb8;
	[tilespmem:$0x1E820] =	vst v63  }
0x2d: {  	_ =	swait.ge [sflag:s10], $0xFA00  }
0x2e: {  	[sflag:s10] =	ssyncset.done $0x0  }
0x2f: {  	s13 =	simm.s32 $0x2EE0;
	[sflag:s10] =	ssyncadd.s32 $0xFFFF0600  }
0x30: {  	[spmem:s2] =	stream.indirect.scatter.add.f32 [tilespmem:s9], [sflag:$0x3], $0x40, s13, s8, $0xb8;
	[tilespmem:$0x1E820] =	vst v63  }
0x31: {  	_ =	swait.ge [sflag:s11], $0xFA00  }
0x32: {  	[sflag:s11] =	ssyncset.done $0x0  }
0x33: {  	s14 =	simm.s32 $0xBB8;
	[sflag:s11] =	ssyncadd.s32 $0xFFFF0600  }
0x34: {  	[tilespmem:s9], [sflag:$0x1] =	stream.indirect.gather [hbm4b:s7+s8], $0x40, s14, s8, $0xb8;
	[tilespmem:$0x1E820] =	vst v63  }
0x35: {  	_ =	swait.ge [sflag:s10], $0xFA00  }
0x36: {  	[sflag:s10] =	ssyncset.done $0x0  }
0x37: {  	s15 =	simm.s32 $0x32C8;
	[sflag:s10] =	ssyncadd.s32 $0xFFFF0600  }
0x38: {  	[spmem:s2] =	stream.indirect.scatter.add.f32 [tilespmem:s9], [sflag:$0x3], $0x40, s15, s8, $0xb8;
	[tilespmem:$0x1E820] =	vst v63  }
0x39: {  	_ =	swait.ge [sflag:s11], $0xFA00  }
0x3a: {  	[sflag:s11] =	ssyncset.done $0x0  }
0x3b: {  	s16 =	simm.s32 $0xFA0;
	[sflag:s11] =	ssyncadd.s32 $0xFFFF0600  }
0x3c: {  	[tilespmem:s9], [sflag:$0x1] =	stream.indirect.gather [hbm4b:s7+s8], $0x40, s16, s8, $0xb8;
	[tilespmem:$0x1E820] =	vst v63  }
0x3d: {  	_ =	swait.ge [sflag:s10], $0xFA00  }
0x3e: {  	[sflag:s10] =	ssyncset.done $0x0  }
0x3f: {  	s17 =	simm.s32 $0x36B0;
	[sflag:s10] =	ssyncadd.s32 $0xFFFF0600  }
0x40: {  	[spmem:s2] =	stream.indirect.scatter.add.f32 [tilespmem:s9], [sflag:$0x3], $0x40, s17, s8, $0xb8;
	[tilespmem:$0x1E820] =	vst v63  }
0x41: {  	_ =	swait.ge [sflag:s11], $0xFA00  }
0x42: {  	[sflag:s11] =	ssyncset.done $0x0  }
0x43: {  	s18 =	simm.s32 $0x1388;
	[sflag:s11] =	ssyncadd.s32 $0xFFFF0600  }
0x44: {  	[tilespmem:s9], [sflag:$0x1] =	stream.indirect.gather [hbm4b:s7+s8], $0x40, s18, s8, $0xb8;
	[tilespmem:$0x1E820] =	vst v63  }
0x45: {  	_ =	swait.ge [sflag:s10], $0xFA00  }
0x46: {  	[sflag:s10] =	ssyncset.done $0x0  }
0x47: {  	s19 =	simm.s32 $0x3A98;
	[sflag:s10] =	ssyncadd.s32 $0xFFFF0600  }
0x48: {  	[spmem:s2] =	stream.indirect.scatter.add.f32 [tilespmem:s9], [sflag:$0x3], $0x40, s19, s8, $0xb8;
	[tilespmem:$0x1E820] =	vst v63  }
0x49: {  	_ =	swait.ge [sflag:s11], $0xFA00  }
0x4a: {  	[sflag:s11] =	ssyncset.done $0x0  }
0x4b: {  	s20 =	simm.s32 $0x1770;
	[sflag:s11] =	ssyncadd.s32 $0xFFFF0600  }
0x4c: {  	[tilespmem:s9], [sflag:$0x1] =	stream.indirect.gather [hbm4b:s7+s8], $0x40, s20, s8, $0xb8;
	[tilespmem:$0x1E820] =	vst v63  }
0x4d: {  	_ =	swait.ge [sflag:s10], $0xFA00  }
0x4e: {  	[sflag:s10] =	ssyncset.done $0x0  }
0x4f: {  	s21 =	simm.s32 $0x3E80;
	[sflag:s10] =	ssyncadd.s32 $0xFFFF0600  }
0x50: {  	[spmem:s2] =	stream.indirect.scatter.add.f32 [tilespmem:s9], [sflag:$0x3], $0x40, s21, s8, $0xb8;
	[tilespmem:$0x1E820] =	vst v63  }
0x51: {  	_ =	swait.ge [sflag:s11], $0xFA00  }
0x52: {  	[sflag:s11] =	ssyncset.done $0x0  }
0x53: {  	s22 =	simm.s32 $0x1B58;
	[sflag:s11] =	ssyncadd.s32 $0xFFFF0600  }
0x54: {  	[tilespmem:s9], [sflag:$0x1] =	stream.indirect.gather [hbm4b:s7+s8], $0x40, s22, s8, $0xb8;
	[tilespmem:$0x1E820] =	vst v63  }
0x55: {  	_ =	swait.ge [sflag:s10], $0xFA00  }
0x56: {  	[sflag:s10] =	ssyncset.done $0x0  }
0x57: {  	s23 =	simm.s32 $0x4268;
	[sflag:s10] =	ssyncadd.s32 $0xFFFF0600  }
0x58: {  	[spmem:s2] =	stream.indirect.scatter.add.f32 [tilespmem:s9], [sflag:$0x3], $0x40, s23, s8, $0xb8;
	[tilespmem:$0x1E820] =	vst v63  }
0x59: {  	_ =	swait.ge [sflag:s11], $0xFA00  }
0x5a: {  	[sflag:s11] =	ssyncset.done $0x0  }
0x5b: {  	s24 =	simm.s32 $0x1F40;
	[sflag:s11] =	ssyncadd.s32 $0xFFFF0600  }
0x5c: {  	[tilespmem:s9], [sflag:$0x1] =	stream.indirect.gather [hbm4b:s7+s8], $0x40, s24, s8, $0xb8;
	[tilespmem:$0x1E820] =	vst v63  }
0x5d: {  	_ =	swait.ge [sflag:s10], $0xFA00  }
0x5e: {  	[sflag:s10] =	ssyncset.done $0x0  }
0x5f: {  	s25 =	simm.s32 $0x4650;
	[sflag:s10] =	ssyncadd.s32 $0xFFFF0600  }
0x60: {  	[spmem:s2] =	stream.indirect.scatter.add.f32 [tilespmem:s9], [sflag:$0x3], $0x40, s25, s8, $0xb8;
	[tilespmem:$0x1E820] =	vst v63  }
0x61: {  	_ =	swait.ge [sflag:s11], $0xFA00  }
0x62: {  	s12 =	smul.u32 $0x14000, s29;
	[sflag:s11] =	ssyncset.done $0x0  }
0x63: {  	s29 =	ssub.s32 $0x2, s29;
	s26 =	simm.s32 $0x2328;
	[sflag:s11] =	ssyncadd.s32 $0xFFFF0600  }
0x64: {  	[tilespmem:s9], [sflag:$0x1] =	stream.indirect.gather [hbm4b:s7+s8], $0x40, s26, s8, $0xb8;
	[tilespmem:$0x1E820] =	vst v63  }
0x65: {  	s0 =	sadd.s32 s12, s30;
	s30 =	sshrl.u32 s29, $0x1;
	_ =	swait.ge [sflag:s10], $0xFA00  }
0x66: {  	s30 =	ssub.s32 s29, s30;
	[sflag:s10] =	ssyncset.done $0x0  }
0x67: {  	s28 =	simm.s32 $0x4A38;
	s12 =	smax.u32 s30, $0x1;
	[sflag:s10] =	ssyncadd.s32 $0xFFFF0600  }
0x68: {  	[spmem:s2] =	stream.indirect.scatter.add.f32 [tilespmem:s9], [sflag:$0x3], $0x40, s28, s8, $0xb8;
	[tilespmem:$0x1E820] =	vst v63  }
0x69: {  	p0 =	sne.s32 s12, $0x1;
	_ =	swait.ge [sflag:s11], $0xFA00  }
.Ltmp0:
0x6a: {  	[sflag:s11] =	ssyncset.done $0x0;
	(pc) =	sbr.rel @!p0 .LBB2_2-.Ltmp0, $4  }
0x6b: {  	s0 =	sadd.s32 $0x90800, s0;
	[sflag:s11] =	ssyncadd.s32 $0xFFFF0600  }
0x6c: {  	s29 =	sadd.s32 s31, s0;
	s30 =	sor.u32 $0x1C03, s1;
	[bflag:$0x0] =	sbarrier.arrive $0xFFFF  }
0x6d: {  	[hbm:s29], [sflag:s30] =	dma.local [spmem:s5], $0x1400  }
0x6e: {  	s31 =	sadd.s32 $0xFFFFFFFF, s12;
	_ =	swait.ge [sflag:s11], $0x1400  }
.LBB2_1:
0x6f: {  	s0 =	rddreg [dreg:$0x3]  }
0x70: {  	s1 =	rddreg [dreg:$0x4];
	[sflag:s11] =	ssyncset.done $0x0  }
0x71: {  	s12 =	rddreg [dreg:$0x5];
	[sflag:s11] =	ssyncadd.s32 $0xFFFFEC00  }
0x72: {  	[tilespmem:s3], [sflag:$0x2] =	stream.linear.gather [hbm4b:s0+s3], $0x2710, $0x38;
	[tilespmem:$0x1E820] =	vst v63  }
0x73: {  	s0 =	rddreg [dreg:$0x6]  }
0x74: {  	[tilespmem:s4], [sflag:$0x2] =	stream.linear.gather [hbm4b:s1+s3], $0x2710, $0x38;
	[tilespmem:$0x1E820] =	vst v63  }
0x75: {  	[spmem:s5], [sflag:s0] =	dma.local [hbm:s12], $0x1400  }
0x76: {  	_ =	swait.ge [sflag:s6], $0x2710  }
0x77: {  	[sflag:s6] =	ssyncset.done $0x0  }
0x78: {  	[sflag:s6] =	ssyncadd.s32 $0xFFFFD8F0  }
0x79: {  	_ =	swait.ge [sflag:s6], $0x2710  }
0x7a: {  	[sflag:s6] =	ssyncset.done $0x0  }
0x7b: {  	[sflag:s6] =	ssyncadd.s32 $0xFFFFD8F0  }
0x7c: {  	_ =	swait.ge [sflag:s6], $0x1400  }
0x7d: {  	[sflag:s6] =	ssyncset.done $0x0  }
0x7e: {  	[sflag:s6] =	ssyncadd.s32 $0xFFFFEC00  }
0x7f: {  	[bflag:$0x0] =	sbarrier.arrive $0xFFFF  }
0x80: {  	[tilespmem:s9], [sflag:$0x1] =	stream.indirect.gather [hbm4b:s7+s8], $0x40, s3, s8, $0xb8;
	[tilespmem:$0x1E820] =	vst v63  }
0x81: {  	_ =	swait.ge [sflag:s10], $0xFA00  }
0x82: {  	[sflag:s10] =	ssyncset.done $0x0  }
0x83: {  	[sflag:s10] =	ssyncadd.s32 $0xFFFF0600  }
0x84: {  	[spmem:s2] =	stream.indirect.scatter.add.f32 [tilespmem:s9], [sflag:$0x3], $0x40, s4, s8, $0xb8;
	[tilespmem:$0x1E820] =	vst v63  }
0x85: {  	_ =	swait.ge [sflag:s11], $0xFA00  }
0x86: {  	[sflag:s11] =	ssyncset.done $0x0  }
0x87: {  	[sflag:s11] =	ssyncadd.s32 $0xFFFF0600  }
0x88: {  	[tilespmem:s9], [sflag:$0x1] =	stream.indirect.gather [hbm4b:s7+s8], $0x40, s8, s8, $0xb8;
	[tilespmem:$0x1E820] =	vst v63  }
0x89: {  	_ =	swait.ge [sflag:s10], $0xFA00  }
0x8a: {  	[sflag:s10] =	ssyncset.done $0x0  }
0x8b: {  	s1 =	rddreg [dreg:$0x7];
	[sflag:s10] =	ssyncadd.s32 $0xFFFF0600  }
0x8c: {  	[spmem:s2] =	stream.indirect.scatter.add.f32 [tilespmem:s9], [sflag:$0x3], $0x40, s1, s8, $0xb8;
	[tilespmem:$0x1E820] =	vst v63  }
0x8d: {  	_ =	swait.ge [sflag:s11], $0xFA00  }
0x8e: {  	[sflag:s11] =	ssyncset.done $0x0  }
0x8f: {  	s12 =	simm.s32 $0x7D0;
	[sflag:s11] =	ssyncadd.s32 $0xFFFF0600  }
0x90: {  	[tilespmem:s9], [sflag:$0x1] =	stream.indirect.gather [hbm4b:s7+s8], $0x40, s12, s8, $0xb8;
	[tilespmem:$0x1E820] =	vst v63  }
0x91: {  	_ =	swait.ge [sflag:s10], $0xFA00  }
0x92: {  	[sflag:s10] =	ssyncset.done $0x0  }
0x93: {  	[sflag:s10] =	ssyncadd.s32 $0xFFFF0600  }
0x94: {  	[spmem:s2] =	stream.indirect.scatter.add.f32 [tilespmem:s9], [sflag:$0x3], $0x40, s13, s8, $0xb8;
	[tilespmem:$0x1E820] =	vst v63  }
0x95: {  	_ =	swait.ge [sflag:s11], $0xFA00  }
0x96: {  	[sflag:s11] =	ssyncset.done $0x0  }
0x97: {  	[sflag:s11] =	ssyncadd.s32 $0xFFFF0600  }
0x98: {  	[tilespmem:s9], [sflag:$0x1] =	stream.indirect.gather [hbm4b:s7+s8], $0x40, s14, s8, $0xb8;
	[tilespmem:$0x1E820] =	vst v63  }
0x99: {  	_ =	swait.ge [sflag:s10], $0xFA00  }
0x9a: {  	[sflag:s10] =	ssyncset.done $0x0  }
0x9b: {  	[sflag:s10] =	ssyncadd.s32 $0xFFFF0600  }
0x9c: {  	[spmem:s2] =	stream.indirect.scatter.add.f32 [tilespmem:s9], [sflag:$0x3], $0x40, s15, s8, $0xb8;
	[tilespmem:$0x1E820] =	vst v63  }
0x9d: {  	_ =	swait.ge [sflag:s11], $0xFA00  }
0x9e: {  	[sflag:s11] =	ssyncset.done $0x0  }
0x9f: {  	[sflag:s11] =	ssyncadd.s32 $0xFFFF0600  }
0xa0: {  	[tilespmem:s9], [sflag:$0x1] =	stream.indirect.gather [hbm4b:s7+s8], $0x40, s16, s8, $0xb8;
	[tilespmem:$0x1E820] =	vst v63  }
0xa1: {  	_ =	swait.ge [sflag:s10], $0xFA00  }
0xa2: {  	[sflag:s10] =	ssyncset.done $0x0  }
0xa3: {  	[sflag:s10] =	ssyncadd.s32 $0xFFFF0600  }
0xa4: {  	[spmem:s2] =	stream.indirect.scatter.add.f32 [tilespmem:s9], [sflag:$0x3], $0x40, s17, s8, $0xb8;
	[tilespmem:$0x1E820] =	vst v63  }
0xa5: {  	_ =	swait.ge [sflag:s11], $0xFA00  }
0xa6: {  	[sflag:s11] =	ssyncset.done $0x0  }
0xa7: {  	[sflag:s11] =	ssyncadd.s32 $0xFFFF0600  }
0xa8: {  	[tilespmem:s9], [sflag:$0x1] =	stream.indirect.gather [hbm4b:s7+s8], $0x40, s18, s8, $0xb8;
	[tilespmem:$0x1E820] =	vst v63  }
0xa9: {  	_ =	swait.ge [sflag:s10], $0xFA00  }
0xaa: {  	[sflag:s10] =	ssyncset.done $0x0  }
0xab: {  	[sflag:s10] =	ssyncadd.s32 $0xFFFF0600  }
0xac: {  	[spmem:s2] =	stream.indirect.scatter.add.f32 [tilespmem:s9], [sflag:$0x3], $0x40, s19, s8, $0xb8;
	[tilespmem:$0x1E820] =	vst v63  }
0xad: {  	_ =	swait.ge [sflag:s11], $0xFA00  }
0xae: {  	[sflag:s11] =	ssyncset.done $0x0  }
0xaf: {  	[sflag:s11] =	ssyncadd.s32 $0xFFFF0600  }
0xb0: {  	[tilespmem:s9], [sflag:$0x1] =	stream.indirect.gather [hbm4b:s7+s8], $0x40, s20, s8, $0xb8;
	[tilespmem:$0x1E820] =	vst v63  }
0xb1: {  	_ =	swait.ge [sflag:s10], $0xFA00  }
0xb2: {  	[sflag:s10] =	ssyncset.done $0x0  }
0xb3: {  	[sflag:s10] =	ssyncadd.s32 $0xFFFF0600  }
0xb4: {  	[spmem:s2] =	stream.indirect.scatter.add.f32 [tilespmem:s9], [sflag:$0x3], $0x40, s21, s8, $0xb8;
	[tilespmem:$0x1E820] =	vst v63  }
0xb5: {  	_ =	swait.ge [sflag:s11], $0xFA00  }
0xb6: {  	[sflag:s11] =	ssyncset.done $0x0  }
0xb7: {  	[sflag:s11] =	ssyncadd.s32 $0xFFFF0600  }
0xb8: {  	[tilespmem:s9], [sflag:$0x1] =	stream.indirect.gather [hbm4b:s7+s8], $0x40, s22, s8, $0xb8;
	[tilespmem:$0x1E820] =	vst v63  }
0xb9: {  	_ =	swait.ge [sflag:s10], $0xFA00  }
0xba: {  	[sflag:s10] =	ssyncset.done $0x0  }
0xbb: {  	[sflag:s10] =	ssyncadd.s32 $0xFFFF0600  }
0xbc: {  	[spmem:s2] =	stream.indirect.scatter.add.f32 [tilespmem:s9], [sflag:$0x3], $0x40, s23, s8, $0xb8;
	[tilespmem:$0x1E820] =	vst v63  }
0xbd: {  	_ =	swait.ge [sflag:s11], $0xFA00  }
0xbe: {  	[sflag:s11] =	ssyncset.done $0x0  }
0xbf: {  	[sflag:s11] =	ssyncadd.s32 $0xFFFF0600  }
0xc0: {  	[tilespmem:s9], [sflag:$0x1] =	stream.indirect.gather [hbm4b:s7+s8], $0x40, s24, s8, $0xb8;
	[tilespmem:$0x1E820] =	vst v63  }
0xc1: {  	_ =	swait.ge [sflag:s10], $0xFA00  }
0xc2: {  	[sflag:s10] =	ssyncset.done $0x0  }
0xc3: {  	[sflag:s10] =	ssyncadd.s32 $0xFFFF0600  }
0xc4: {  	[spmem:s2] =	stream.indirect.scatter.add.f32 [tilespmem:s9], [sflag:$0x3], $0x40, s25, s8, $0xb8;
	[tilespmem:$0x1E820] =	vst v63  }
0xc5: {  	_ =	swait.ge [sflag:s11], $0xFA00  }
0xc6: {  	[sflag:s11] =	ssyncset.done $0x0  }
0xc7: {  	[sflag:s11] =	ssyncadd.s32 $0xFFFF0600  }
0xc8: {  	[tilespmem:s9], [sflag:$0x1] =	stream.indirect.gather [hbm4b:s7+s8], $0x40, s26, s8, $0xb8;
	[tilespmem:$0x1E820] =	vst v63  }
0xc9: {  	_ =	swait.ge [sflag:s10], $0xFA00  }
0xca: {  	[sflag:s10] =	ssyncset.done $0x0  }
0xcb: {  	[sflag:s10] =	ssyncadd.s32 $0xFFFF0600  }
0xcc: {  	[spmem:s2] =	stream.indirect.scatter.add.f32 [tilespmem:s9], [sflag:$0x3], $0x40, s28, s8, $0xb8;
	[tilespmem:$0x1E820] =	vst v63  }
0xcd: {  	p0 =	sne.s32 s31, $0x1;
	_ =	swait.ge [sflag:s11], $0xFA00  }
.Ltmp1:
0xce: {  	[sflag:s11] =	ssyncset.done $0x0;
	(pc) =	sbr.rel @p0 .LBB2_1-.Ltmp1, $4  }
0xcf: {  	[sflag:s11] =	ssyncadd.s32 $0xFFFF0600  }
0xd0: {  	[bflag:$0x0] =	sbarrier.arrive $0xFFFF  }
0xd1: {  	[hbm:s29], [sflag:s30] =	dma.local [spmem:s5], $0x1400  }
0xd2: {  	s31 =	sadd.s32 $0xFFFFFFFF, s31;
	_ =	swait.ge [sflag:s11], $0x1400  }
.LBB2_2:
0xd3: {  	[sflag:s11] =	ssyncset.done $0x0  }
0xd4: {  	[sflag:s11] =	ssyncadd.s32 $0xFFFFEC00  }
0xd5: {  	_ =	sfence.sel $0x180000  }
0xd6: {  	[bflag:$0x0] =	sbarrier.arrive $0xFFFF  }
0xd7: {  	_ =	strace $0x90000062  }
0xd8: {  	s0 =	stileid.u32;
	[bflag:$0x2] =	sbarrier.arrive $0xFFFF  }
0xd9: {  	p0 =	sne.s32 s0, $0x0;
	s0 =	rddreg [dreg:$0x2]  }
0xda: {  	s0 =	sadd.s32 @!p0 $0x100000, s0  }
0xdb: {  	[sflag:s0] =	ssyncadd.tile.s32 @!p0 $0x1;
	_ =	shalt  }
.Lfunc_end2:
_tile_overlayer_lowered:
.L_overlay_start_2:
0xdc: {  	(tag) =	ssettag $0x2  }
0xdd: {  	s0 =	rddreg [dreg:$0x0];
	s2 =	stileid.u32  }
0xde: {  	s1 =	rddreg [dreg:$0x1];
	p0 =	sne.s32 s2, $0x0  }
0xdf: {  	s3 =	rddreg [dreg:$0x2];
	[bflag:$0x3] =	sbarrier.arrive $0xFFFF;
	s2 =	simm.s32 @!p0 $0x1C03  }
0xe0: {  	[timem:s3], [sflag:s2] =	dma.local @!p0 [hbm:s0], s1  }
0xe1: {  	s0 =	simm.s32 @!p0 $0x3  }
0xe2: {  	_ =	swait.ge @!p0 [sflag:s0], s1  }
0xe3: {  	s1 =	ssub.s32 @!p0 $0x0, s1;
	[sflag:s0] =	ssyncset.done @!p0 $0x0  }
0xe4: {  	[sflag:s0] =	ssyncadd.s32 @!p0 s1  }
0xe5: {  	[bflag:$0x3] =	sbarrier.arrive $0xFFFF  }
0xe6: {  	_ =	shalt  }

// kernel: kernel.55.cloned.1.call-start
scs
__scs_entry_jumppad:
0x0: {  	(pc) =	sbr.rel $0x88, $3  }
0x1: {  	(tag) =	ssettag $0x0;
	lr =	simm.s32 $0x1  }
0x2: {  	[smem:$0x3F9B] =	sst lr;
	_ =	strace $0xD0000000  }
0x3: {  	_ = 	snop  }
0x4: {  	_ = 	snop  }
0x5: {  	_ = 	snop  }
0x6: {  	_ = 	snop  }
0x7: {  	_ = 	snop  }
__scs_overlays_trampoline_lowered:
0x8: {  	[smem:$0x3FAA] =	sst s0  }
0x9: {  	[smem:$0x3FAB] =	sst s1  }
0xa: {  	[smem:$0x3FAC] =	sst s2  }
0xb: {  	[smem:$0x3FAD] =	sst s3  }
0xc: {  	[smem:$0x3FAE] =	sst s4  }
0xd: {  	[smem:$0x3FAF] =	sst s5  }
0xe: {  	[smem:$0x3FB0] =	sst s6  }
0xf: {  	[smem:$0x3FB1] =	sst s7  }
0x10: {  	[smem:$0x3FB2] =	sst s8  }
0x11: {  	[smem:$0x3FB3] =	sst s9;
	s0 =	simm.s32 @!p0 $0x0  }
0x12: {  	s1 =	sld [smem:$0x3F99];
	s0 =	simm.s32 @p0 $0x1  }
0x13: {  	[smem:$0x3FB4] =	sst s0;
	s0 =	simm.s32 @!p1 $0x0  }
0x14: {  	s2 =	sld [smem:$0x3F98];
	s0 =	simm.s32 @p1 $0x1  }
0x15: {  	[smem:$0x3FB5] =	sst s0;
	s0 =	simm.s32 @!p2 $0x0  }
0x16: {  	s3 =	sld [smem:$0x3FDB];
	s0 =	simm.s32 @p2 $0x1  }
0x17: {  	s4 =	simm.s32 $0x1BF5;
	[smem:$0x3FB7] =	sst s0  }
0x18: {  	s0 =	sld [smem:$0x3F9A];
	_ =	swait.ge [sflag:s4], $0x0  }
0x19: {  	s7 =	sld [smem:$0x3F9B]  }
0x1a: {  	s8 =	sadd.s32 $0xFFFFE003, lr  }
0x1b: {  	s9 =	sadd.s32 $0xFFFFFEF7, lr;
	s5 =	simm.s32 $0xFFFFFFFF;
	p2 =	slt.u32 s8, $0xFFFFF086  }
0x1c: {  	p1 =	slt.u32 s9, $0xF7A;
	s5 =	simm.s32 @!p2 $0x0  }
0x1d: {  	s5 =	simm.s32 @p1 $0x1;
	p0 =	seq.s32 s7, s2  }
0x1e: {  	s7 =	smul.u32 @!p0 $0xF7A, s2;
	p2 =	seq.s32 @!p0 s5, $0x0  }
0x1f: {  	s9 =	smul.u32 $0xF7A, s1;
	s8 =	simm.s32 @!p0 $0x1BF5;
	p2 =	por !p2, p0  }
0x20: {  	[sflag:s8] =	ssyncset.s32 @!p0 $0xFFFFF086;
	s6 =	sadd.s32 @!p0 s3, s7;
	s7 =	simm.s32 @!p0 $0x108  }
0x21: {  	s3 =	sadd.s32 s3, s9;
	s6 =	sadd.s32 @!p0 $0x88, s6;
	s7 =	simm.s32 @p2 $0x1082  }
0x22: {  	[simem:s7], [sflag:s8] =	dma.local @!p0 [hbm:s6], $0xF7A  }
0x23: {  	s9 =	sor.u32 $0xD0000000, s2;
	s6 =	simm.s32 $0x108;
	_ =	swait.ge @!p0 [sflag:s8], $0x0  }
0x24: {  	s3 =	sadd.s32 $0x88, s3;
	s6 =	simm.s32 @!p1 $0x1082;
	[sflag:s4] =	ssyncset.s32 $0xFFFFF086  }
0x25: {  	[simem:s6], [sflag:s4] =	dma.local [hbm:s3], $0xF7A  }
0x26: {  	[smem:$0x3F9B] =	sst s1;
	(tag) =	ssettag s2;
	_ =	strace s9  }
0x27: {  	s1 =	sld [smem:$0x3FAB]  }
0x28: {  	s2 =	sld [smem:$0x3FAC]  }
0x29: {  	s4 =	sld [smem:$0x3FAE]  }
0x2a: {  	p0 =	seq.s32 s5, $0x0;
	s5 =	sld [smem:$0x3FAF]  }
0x2b: {  	s6 =	sld [smem:$0x3FB0]  }
0x2c: {  	s7 =	sld [smem:$0x3FB1]  }
0x2d: {  	s3 =	simm.s32 $0x108;
	s8 =	sld [smem:$0x3FB2]  }
0x2e: {  	s3 =	simm.s32 @!p0 $0x1082;
	s9 =	sld [smem:$0x3FB3]  }
0x2f: {  	lr =	sadd.s32 s0, s3;
	s0 =	sld [smem:$0x3FAA]  }
0x30: {  	s3 =	sld [smem:$0x3FAD]  }
0x31: {  	[smem:$0x3FB6] =	sst s10  }
0x32: {  	s10 =	sld [smem:$0x3FB4];
	_ =	sdelay $0x3  }
0x33: {  	p0 =	seq.s32 s10, $0x1;
	s10 =	sld [smem:$0x3FB6];
	_ =	sdelay $0x3  }
0x34: {  	[smem:$0x3FB6] =	sst s10  }
0x35: {  	s10 =	sld [smem:$0x3FB5];
	_ =	sdelay $0x3  }
0x36: {  	p1 =	seq.s32 s10, $0x1;
	s10 =	sld [smem:$0x3FB6];
	_ =	sdelay $0x3  }
0x37: {  	[smem:$0x3FB6] =	sst s10  }
0x38: {  	s10 =	sld [smem:$0x3FB7]  }
0x39: {  	_ = 	snop;
	(pc) =	sbr.ind lr, $3  }
0x3a: {  	_ = 	snop  }
0x3b: {  	_ = 	snop  }
0x3c: {  	p2 =	seq.s32 s10, $0x1;
	s10 =	sld [smem:$0x3FB6]  }
0x3d: {  	_ =	shalt  }
0x3e: {  	_ =	shalt  }
0x3f: {  	_ =	shalt  }
0x40: {  	_ =	shalt  }
0x41: {  	_ =	shalt  }
0x42: {  	_ =	shalt  }
0x43: {  	_ =	shalt  }
0x44: {  	_ =	shalt  }
0x45: {  	_ =	shalt  }
0x46: {  	_ =	shalt  }
0x47: {  	_ =	shalt  }
0x48: {  	_ =	shalt  }
0x49: {  	_ =	shalt  }
0x4a: {  	_ =	shalt  }
0x4b: {  	_ =	shalt  }
0x4c: {  	_ =	shalt  }
0x4d: {  	_ =	shalt  }
0x4e: {  	_ =	shalt  }
0x4f: {  	_ =	shalt  }
0x50: {  	_ =	shalt  }
0x51: {  	_ =	shalt  }
0x52: {  	_ =	shalt  }
0x53: {  	_ =	shalt  }
0x54: {  	_ =	shalt  }
0x55: {  	_ =	shalt  }
0x56: {  	_ =	shalt  }
0x57: {  	_ =	shalt  }
0x58: {  	_ =	shalt  }
0x59: {  	_ =	shalt  }
0x5a: {  	_ =	shalt  }
0x5b: {  	_ =	shalt  }
0x5c: {  	_ =	shalt  }
0x5d: {  	_ =	shalt  }
0x5e: {  	_ =	shalt  }
0x5f: {  	_ =	shalt  }
0x60: {  	_ =	shalt  }
0x61: {  	_ =	shalt  }
0x62: {  	_ =	shalt  }
0x63: {  	_ =	shalt  }
0x64: {  	_ =	shalt  }
0x65: {  	_ =	shalt  }
0x66: {  	_ =	shalt  }
0x67: {  	_ =	shalt  }
0x68: {  	_ =	shalt  }
0x69: {  	_ =	shalt  }
0x6a: {  	_ =	shalt  }
0x6b: {  	_ =	shalt  }
0x6c: {  	_ =	shalt  }
0x6d: {  	_ =	shalt  }
0x6e: {  	_ =	shalt  }
0x6f: {  	_ =	shalt  }
0x70: {  	_ =	shalt  }
0x71: {  	_ =	shalt  }
0x72: {  	_ =	shalt  }
0x73: {  	_ =	shalt  }
0x74: {  	_ =	shalt  }
0x75: {  	_ =	shalt  }
0x76: {  	_ =	shalt  }
0x77: {  	_ =	shalt  }
0x78: {  	_ =	shalt  }
0x79: {  	_ =	shalt  }
0x7a: {  	_ =	shalt  }
0x7b: {  	_ =	shalt  }
0x7c: {  	_ =	shalt  }
0x7d: {  	_ =	shalt  }
0x7e: {  	_ =	shalt  }
0x7f: {  	_ =	shalt  }
0x80: {  	_ =	shalt  }
0x81: {  	_ =	shalt  }
0x82: {  	_ =	shalt  }
0x83: {  	_ =	shalt  }
0x84: {  	_ =	shalt  }
0x85: {  	_ =	shalt  }
0x86: {  	_ =	shalt  }
0x87: {  	_ =	shalt  }
.Lfunc_end0:
.L_simem_size_0:
called_computation.10_lowered:
.L_overlay_start_0:
0x88: {  	s2 =	sld [smem:$0x3FD9]  }
0x89: {  	s3 =	sld [smem:$0x3FFE];
	_ =	sdelay $0x1  }
0x8a: {  	s1 =	srdreg.scid  }
0x8b: {  	s0 =	sand.u32 $0x1, s1  }
0x8c: {  	s16 =	sshll.u32 s0, $0xA;
	s2 =	sadd.s32 s3, s2  }
0x8d: {  	s2 =	sadd.s32 s2, s16  }
0x8e: {  	[smem:$0x3FC2] =	sst s2  }
0x8f: {  	_ = 	snop  }
0x90: {  	(tm) =	ssettm $0x1  }
0x91: {  	s17 =	sld [smem:$0x3FFB];
	_ =	sdelay $0x3  }
0x92: {  	_ =	strace s17  }
0x93: {  	s2 =	sld [smem:$0x3FFC];
	_ =	sdelay $0x3  }
0x94: {  	_ =	strace s2  }
0x95: {  	s2 =	sld [smem:$0x3FFD];
	_ =	sdelay $0x3  }
0x96: {  	_ =	strace s2  }
0x97: {  	_ =	strace $0x8FFFFFFF  }
0x98: {  	s18 =	sld [smem:$0x3FDB];
	_ =	sdelay $0x1  }
0x99: {  	s19 =	simm.s32 $_scs_section_size  }
0x9a: {  	s4 =	simm.s32 $_size__tile_overlayer_lowered;
	s5 =	simm.s32 $_tile_overlayer_lowered  }
0x9b: {  	s22 =	simm.s32 $0x1BFF;
	s21 =	sshll.u32 s5, $0x1;
	s2 =	sadd.s32 s19, s18  }
0x9c: {  	s6 =	simm.s32 $0x0;
	s20 =	sshll.u32 s4, $0x1;
	s4 =	sadd.s32 s21, s2  }
0x9d: {  	[timem:s6], [sflag:s22] =	dma.local [hbm:s4], s20  }
0x9e: {  	_ =	swait.ge [sflag:s22], s20  }
0x9f: {  	s3 =	ssub.s32 $0x0, s20;
	[sflag:s22] =	ssyncset.done $0x0  }
0xa0: {  	[sflag:s22] =	ssyncadd.s32 s3;
	_ =	sdelay $0x1  }
0xa1: {  	s23 =	simm.s32 $0x1B8B  }
0xa2: {  	_ =	swait.ge [sflag:s23], $0x1  }
0xa3: {  	[sflag:s23] =	ssyncset.done $0x0  }
0xa4: {  	s25 =	simm.s32 $0x1B8E;
	s24 =	sld [smem:$0x3FFE];
	[sflag:s23] =	ssyncadd.s32 $0xFFFFFFFF  }
0xa5: {  	s26 =	simm.s32 $execute0_lowered;
	[smem:$0x3FD2] =	sst s25  }
0xa6: {  	s4 =	sshll.u32 s26, $0x1;
	_ =	strace $0x80000064;
	[dreg:$0x1] =	wrdreg $0xFFFFFFFF  }
0xa7: {  	s28 =	simm.s32 $_size_execute0_lowered;
	s2 =	sadd.s32 s2, s4;
	[dreg:$0x0] =	wrdreg $0x0  }
0xa8: {  	s4 =	sshll.u32 s28, $0x1;
	[dreg:$0x2] =	wrdreg s2  }
0xa9: {  	[dreg:$0x3] =	wrdreg s4  }
0xaa: {  	[dreg:$0x4] =	wrdreg $0xC0  }
0xab: {  	_ =	task [dreg:s6], $0x5FFFF  }
0xac: {  	[dreg:$0x1] =	wrdreg $0xFFFFFFFF  }
0xad: {  	[dreg:$0x0] =	wrdreg $0x60  }
0xae: {  	[dreg:$0x2] =	wrdreg s24  }
0xaf: {  	[dreg:$0x3] =	wrdreg $0x148200  }
0xb0: {  	[dreg:$0x4] =	wrdreg $0x9  }
0xb1: {  	_ =	task.clear_ibuf [dreg:s6], $0x5FFFF;
	_ =	strace $0x90000064  }
0xb2: {  	s29 =	simm.s32 $0x9;
	_ =	strace $0x80000066  }
0xb3: {  	_ =	swait.ge [sflag:s29], $0x1  }
0xb4: {  	[sflag:s29] =	ssyncadd.s32 $0xFFFFFFFF  }
0xb5: {  	_ =	strace $0x90000066  }
0xb6: {  	_ =	sfence  }
0xb7: {  	s30 =	sld [smem:$0x0];
	_ =	sdelay $0x2  }
0xb8: {  	s31 =	sshll.u32 s1, $0xD;
	s1 =	sshrl.u32 s1, $0x2  }
0xb9: {  	s3 =	sand.u32 $0x4000, s31;
	s1 =	sadd.s32 s1, s30  }
0xba: {  	s0 =	sor.u32 s3, s0;
	s1 =	sshll.u32 s1, $0x11  }
0xbb: {  	s0 =	sor.u32 s1, s0  }
0xbc: {  	s0 =	sadd.s32 $0x8F2B, s0  }
0xbd: {  	[sflag:s0] =	ssyncadd.remote.s32 $0x1  }
0xbe: {  	_ =	sfence.sel $0xFFFF  }
0xbf: {  	[dreg:$0x0] =	wrdreg $0xFFFFFFFF;
	(pc) =	sbr.abs _section_cstart, $3  }
0xc0: {  	[dreg:$0x1] =	wrdreg $0xFFFFFFFF  }
0xc1: {  	_ =	task.clear_ibuf [dreg:s6], $0x2FFFF;
	_ =	strace $0x9FFFFFFF  }
0xc2: {  	(tm) =	ssettm $0x7FFFFFFF  }
0xc3: {  	_ =	shalt  }
tec
execute0_lowered:
.L_overlay_start_1:
0x0: {  	(tag) =	ssettag $0x1  }
0x1: {  	s0 =	srdreg.scid;
	s21 =	stileid.u32  }
0x2: {  	s30 =	rddreg [dreg:$0x0];
	s29 =	sand.u32 $0x1, s0;
	s4 =	smul.u32 $0xA000, s21  }
0x3: {  	s2 =	rddreg [dreg:$0x1];
	s3 =	simm.s32 $0x0;
	s1 =	sshll.u32 s29, $0x4  }
0x4: {  	s9 =	simm.s32 $0x2AF8;
	s1 =	sor.u32 s21, s1;
	s31 =	sshrl.u32 s4, $0x3  }
0x5: {  	[smem:$0x7FF] =	sst s3;
	s1 =	smul.u32 $0x4E2, s1;
	s6 =	sadd.s32 s31, s30  }
0x6: {  	_ =	strace $0x80000065;
	[dreg:$0x7] =	wrdreg s9;
	s22 =	sadd.s32 $0x7C800, s6  }
0x7: {  	s1 =	sadd.s32 s1, s30;
	[dreg:$0x5] =	wrdreg s22  }
0x8: {  	s5 =	sadd.s32 $0x4C00, s1;
	s8 =	rddreg [dreg:$0x5]  }
0x9: {  	s1 =	sadd.s32 $0xEA00, s1;
	[dreg:$0x3] =	wrdreg s5  }
0xa: {  	[dreg:$0x4] =	wrdreg s1  }
0xb: {  	s1 =	sshll.u32 s21, $0x6;
	s24 =	rddreg [dreg:$0x3]  }
0xc: {  	s23 =	sor.u32 $0x1C02, s1;
	s7 =	rddreg [dreg:$0x4]  }
0xd: {  	s25 =	sadd.s32 s4, s2;
	s4 =	simm.s32 $0x2710;
	[dreg:$0x6] =	wrdreg s23  }
0xe: {  	[tilespmem:s3], [sflag:$0x2] =	stream.linear.gather [hbm4b:s24+s3], $0x2710, $0x38;
	[tilespmem:$0x1E820] =	vst v63  }
0xf: {  	s6 =	simm.s32 $0x2;
	s5 =	sshrl.u32 s25, $0x3;
	s10 =	rddreg [dreg:$0x6]  }
0x10: {  	[tilespmem:s4], [sflag:$0x2] =	stream.linear.gather [hbm4b:s7+s3], $0x2710, $0x38;
	[tilespmem:$0x1E820] =	vst v63  }
0x11: {  	[spmem:s5], [sflag:s10] =	dma.local [hbm:s8], $0x1400  }
0x12: {  	_ =	swait.ge [sflag:s6], $0x2710  }
0x13: {  	[sflag:s6] =	ssyncset.done $0x0  }
0x14: {  	[sflag:s6] =	ssyncadd.s32 $0xFFFFD8F0  }
0x15: {  	_ =	swait.ge [sflag:s6], $0x2710  }
0x16: {  	[sflag:s6] =	ssyncset.done $0x0  }
0x17: {  	[sflag:s6] =	ssyncadd.s32 $0xFFFFD8F0  }
0x18: {  	_ =	swait.ge [sflag:s6], $0x1400  }
0x19: {  	[sflag:s6] =	ssyncset.done $0x0  }
0x1a: {  	s9 =	simm.s32 $0x4E20;
	s7 =	sadd.s32 $0x68800, s30;
	[sflag:s6] =	ssyncadd.s32 $0xFFFFEC00  }
0x1b: {  	s8 =	simm.s32 $0x3E8;
	s10 =	simm.s32 $0x1;
	[bflag:$0x0] =	sbarrier.arrive $0xFFFF  }
0x1c: {  	[tilespmem:s9], [sflag:$0x1] =	stream.indirect.gather [hbm4b:s7+s8], $0x40, s3, s8, $0xb8;
	[tilespmem:$0x1E820] =	vst v63  }
0x1d: {  	_ =	swait.ge [sflag:s10], $0xFA00  }
0x1e: {  	[sflag:s10] =	ssyncset.done $0x0  }
0x1f: {  	s11 =	simm.s32 $0x3;
	[sflag:s10] =	ssyncadd.s32 $0xFFFF0600  }
0x20: {  	[spmem:s2] =	stream.indirect.scatter.add.f32 [tilespmem:s9], [sflag:$0x3], $0x40, s4, s8, $0xb8;
	[tilespmem:$0x1E820] =	vst v63  }
0x21: {  	_ =	swait.ge [sflag:s11], $0xFA00  }
0x22: {  	[sflag:s11] =	ssyncset.done $0x0  }
0x23: {  	[sflag:s11] =	ssyncadd.s32 $0xFFFF0600  }
0x24: {  	[tilespmem:s9], [sflag:$0x1] =	stream.indirect.gather [hbm4b:s7+s8], $0x40, s8, s8, $0xb8;
	[tilespmem:$0x1E820] =	vst v63  }
0x25: {  	_ =	swait.ge [sflag:s10], $0xFA00  }
0x26: {  	[sflag:s10] =	ssyncset.done $0x0  }
0x27: {  	s12 =	rddreg [dreg:$0x7];
	[sflag:s10] =	ssyncadd.s32 $0xFFFF0600  }
0x28: {  	[spmem:s2] =	stream.indirect.scatter.add.f32 [tilespmem:s9], [sflag:$0x3], $0x40, s12, s8, $0xb8;
	[tilespmem:$0x1E820] =	vst v63  }
0x29: {  	_ =	swait.ge [sflag:s11], $0xFA00  }
0x2a: {  	[sflag:s11] =	ssyncset.done $0x0  }
0x2b: {  	s26 =	simm.s32 $0x7D0;
	[sflag:s11] =	ssyncadd.s32 $0xFFFF0600  }
0x2c: {  	[tilespmem:s9], [sflag:$0x1] =	stream.indirect.gather [hbm4b:s7+s8], $0x40, s26, s8, $0xb8;
	[tilespmem:$0x1E820] =	vst v63  }
0x2d: {  	_ =	swait.ge [sflag:s10], $0xFA00  }
0x2e: {  	[sflag:s10] =	ssyncset.done $0x0  }
0x2f: {  	s13 =	simm.s32 $0x2EE0;
	[sflag:s10] =	ssyncadd.s32 $0xFFFF0600  }
0x30: {  	[spmem:s2] =	stream.indirect.scatter.add.f32 [tilespmem:s9], [sflag:$0x3], $0x40, s13, s8, $0xb8;
	[tilespmem:$0x1E820] =	vst v63  }
0x31: {  	_ =	swait.ge [sflag:s11], $0xFA00  }
0x32: {  	[sflag:s11] =	ssyncset.done $0x0  }
0x33: {  	s14 =	simm.s32 $0xBB8;
	[sflag:s11] =	ssyncadd.s32 $0xFFFF0600  }
0x34: {  	[tilespmem:s9], [sflag:$0x1] =	stream.indirect.gather [hbm4b:s7+s8], $0x40, s14, s8, $0xb8;
	[tilespmem:$0x1E820] =	vst v63  }
0x35: {  	_ =	swait.ge [sflag:s10], $0xFA00  }
0x36: {  	[sflag:s10] =	ssyncset.done $0x0  }
0x37: {  	s15 =	simm.s32 $0x32C8;
	[sflag:s10] =	ssyncadd.s32 $0xFFFF0600  }
0x38: {  	[spmem:s2] =	stream.indirect.scatter.add.f32 [tilespmem:s9], [sflag:$0x3], $0x40, s15, s8, $0xb8;
	[tilespmem:$0x1E820] =	vst v63  }
0x39: {  	_ =	swait.ge [sflag:s11], $0xFA00  }
0x3a: {  	[sflag:s11] =	ssyncset.done $0x0  }
0x3b: {  	s16 =	simm.s32 $0xFA0;
	[sflag:s11] =	ssyncadd.s32 $0xFFFF0600  }
0x3c: {  	[tilespmem:s9], [sflag:$0x1] =	stream.indirect.gather [hbm4b:s7+s8], $0x40, s16, s8, $0xb8;
	[tilespmem:$0x1E820] =	vst v63  }
0x3d: {  	_ =	swait.ge [sflag:s10], $0xFA00  }
0x3e: {  	[sflag:s10] =	ssyncset.done $0x0  }
0x3f: {  	s17 =	simm.s32 $0x36B0;
	[sflag:s10] =	ssyncadd.s32 $0xFFFF0600  }
0x40: {  	[spmem:s2] =	stream.indirect.scatter.add.f32 [tilespmem:s9], [sflag:$0x3], $0x40, s17, s8, $0xb8;
	[tilespmem:$0x1E820] =	vst v63  }
0x41: {  	_ =	swait.ge [sflag:s11], $0xFA00  }
0x42: {  	[sflag:s11] =	ssyncset.done $0x0  }
0x43: {  	s18 =	simm.s32 $0x1388;
	[sflag:s11] =	ssyncadd.s32 $0xFFFF0600  }
0x44: {  	[tilespmem:s9], [sflag:$0x1] =	stream.indirect.gather [hbm4b:s7+s8], $0x40, s18, s8, $0xb8;
	[tilespmem:$0x1E820] =	vst v63  }
0x45: {  	_ =	swait.ge [sflag:s10], $0xFA00  }
0x46: {  	[sflag:s10] =	ssyncset.done $0x0  }
0x47: {  	s19 =	simm.s32 $0x3A98;
	[sflag:s10] =	ssyncadd.s32 $0xFFFF0600  }
0x48: {  	[spmem:s2] =	stream.indirect.scatter.add.f32 [tilespmem:s9], [sflag:$0x3], $0x40, s19, s8, $0xb8;
	[tilespmem:$0x1E820] =	vst v63  }
0x49: {  	_ =	swait.ge [sflag:s11], $0xFA00  }
0x4a: {  	[sflag:s11] =	ssyncset.done $0x0  }
0x4b: {  	s20 =	simm.s32 $0x1770;
	[sflag:s11] =	ssyncadd.s32 $0xFFFF0600  }
0x4c: {  	[tilespmem:s9], [sflag:$0x1] =	stream.indirect.gather [hbm4b:s7+s8], $0x40, s20, s8, $0xb8;
	[tilespmem:$0x1E820] =	vst v63  }
0x4d: {  	_ =	swait.ge [sflag:s10], $0xFA00  }
0x4e: {  	[sflag:s10] =	ssyncset.done $0x0  }
0x4f: {  	s21 =	simm.s32 $0x3E80;
	[sflag:s10] =	ssyncadd.s32 $0xFFFF0600  }
0x50: {  	[spmem:s2] =	stream.indirect.scatter.add.f32 [tilespmem:s9], [sflag:$0x3], $0x40, s21, s8, $0xb8;
	[tilespmem:$0x1E820] =	vst v63  }
0x51: {  	_ =	swait.ge [sflag:s11], $0xFA00  }
0x52: {  	[sflag:s11] =	ssyncset.done $0x0  }
0x53: {  	s22 =	simm.s32 $0x1B58;
	[sflag:s11] =	ssyncadd.s32 $0xFFFF0600  }
0x54: {  	[tilespmem:s9], [sflag:$0x1] =	stream.indirect.gather [hbm4b:s7+s8], $0x40, s22, s8, $0xb8;
	[tilespmem:$0x1E820] =	vst v63  }
0x55: {  	_ =	swait.ge [sflag:s10], $0xFA00  }
0x56: {  	[sflag:s10] =	ssyncset.done $0x0  }
0x57: {  	s23 =	simm.s32 $0x4268;
	[sflag:s10] =	ssyncadd.s32 $0xFFFF0600  }
0x58: {  	[spmem:s2] =	stream.indirect.scatter.add.f32 [tilespmem:s9], [sflag:$0x3], $0x40, s23, s8, $0xb8;
	[tilespmem:$0x1E820] =	vst v63  }
0x59: {  	_ =	swait.ge [sflag:s11], $0xFA00  }
0x5a: {  	[sflag:s11] =	ssyncset.done $0x0  }
0x5b: {  	s24 =	simm.s32 $0x1F40;
	[sflag:s11] =	ssyncadd.s32 $0xFFFF0600  }
0x5c: {  	[tilespmem:s9], [sflag:$0x1] =	stream.indirect.gather [hbm4b:s7+s8], $0x40, s24, s8, $0xb8;
	[tilespmem:$0x1E820] =	vst v63  }
0x5d: {  	_ =	swait.ge [sflag:s10], $0xFA00  }
0x5e: {  	[sflag:s10] =	ssyncset.done $0x0  }
0x5f: {  	s25 =	simm.s32 $0x4650;
	[sflag:s10] =	ssyncadd.s32 $0xFFFF0600  }
0x60: {  	[spmem:s2] =	stream.indirect.scatter.add.f32 [tilespmem:s9], [sflag:$0x3], $0x40, s25, s8, $0xb8;
	[tilespmem:$0x1E820] =	vst v63  }
0x61: {  	_ =	swait.ge [sflag:s11], $0xFA00  }
0x62: {  	s12 =	smul.u32 $0x14000, s29;
	[sflag:s11] =	ssyncset.done $0x0  }
0x63: {  	s29 =	ssub.s32 $0x2, s29;
	s26 =	simm.s32 $0x2328;
	[sflag:s11] =	ssyncadd.s32 $0xFFFF0600  }
0x64: {  	[tilespmem:s9], [sflag:$0x1] =	stream.indirect.gather [hbm4b:s7+s8], $0x40, s26, s8, $0xb8;
	[tilespmem:$0x1E820] =	vst v63  }
0x65: {  	s0 =	sadd.s32 s12, s30;
	s30 =	sshrl.u32 s29, $0x1;
	_ =	swait.ge [sflag:s10], $0xFA00  }
0x66: {  	s30 =	ssub.s32 s29, s30;
	[sflag:s10] =	ssyncset.done $0x0  }
0x67: {  	s28 =	simm.s32 $0x4A38;
	s12 =	smax.u32 s30, $0x1;
	[sflag:s10] =	ssyncadd.s32 $0xFFFF0600  }
0x68: {  	[spmem:s2] =	stream.indirect.scatter.add.f32 [tilespmem:s9], [sflag:$0x3], $0x40, s28, s8, $0xb8;
	[tilespmem:$0x1E820] =	vst v63  }
0x69: {  	p0 =	sne.s32 s12, $0x1;
	_ =	swait.ge [sflag:s11], $0xFA00  }
.Ltmp0:
0x6a: {  	[sflag:s11] =	ssyncset.done $0x0;
	(pc) =	sbr.rel @!p0 .LBB2_2-.Ltmp0, $4  }
0x6b: {  	s0 =	sadd.s32 $0x90800, s0;
	[sflag:s11] =	ssyncadd.s32 $0xFFFF0600  }
0x6c: {  	s29 =	sadd.s32 s31, s0;
	s30 =	sor.u32 $0x1C03, s1;
	[bflag:$0x0] =	sbarrier.arrive $0xFFFF  }
0x6d: {  	[hbm:s29], [sflag:s30] =	dma.local [spmem:s5], $0x1400  }
0x6e: {  	s31 =	sadd.s32 $0xFFFFFFFF, s12;
	_ =	swait.ge [sflag:s11], $0x1400  }
.LBB2_1:
0x6f: {  	s0 =	rddreg [dreg:$0x3]  }
0x70: {  	s1 =	rddreg [dreg:$0x4];
	[sflag:s11] =	ssyncset.done $0x0  }
0x71: {  	s12 =	rddreg [dreg:$0x5];
	[sflag:s11] =	ssyncadd.s32 $0xFFFFEC00  }
0x72: {  	[tilespmem:s3], [sflag:$0x2] =	stream.linear.gather [hbm4b:s0+s3], $0x2710, $0x38;
	[tilespmem:$0x1E820] =	vst v63  }
0x73: {  	s0 =	rddreg [dreg:$0x6]  }
0x74: {  	[tilespmem:s4], [sflag:$0x2] =	stream.linear.gather [hbm4b:s1+s3], $0x2710, $0x38;
	[tilespmem:$0x1E820] =	vst v63  }
0x75: {  	[spmem:s5], [sflag:s0] =	dma.local [hbm:s12], $0x1400  }
0x76: {  	_ =	swait.ge [sflag:s6], $0x2710  }
0x77: {  	[sflag:s6] =	ssyncset.done $0x0  }
0x78: {  	[sflag:s6] =	ssyncadd.s32 $0xFFFFD8F0  }
0x79: {  	_ =	swait.ge [sflag:s6], $0x2710  }
0x7a: {  	[sflag:s6] =	ssyncset.done $0x0  }
0x7b: {  	[sflag:s6] =	ssyncadd.s32 $0xFFFFD8F0  }
0x7c: {  	_ =	swait.ge [sflag:s6], $0x1400  }
0x7d: {  	[sflag:s6] =	ssyncset.done $0x0  }
0x7e: {  	[sflag:s6] =	ssyncadd.s32 $0xFFFFEC00  }
0x7f: {  	[bflag:$0x0] =	sbarrier.arrive $0xFFFF  }
0x80: {  	[tilespmem:s9], [sflag:$0x1] =	stream.indirect.gather [hbm4b:s7+s8], $0x40, s3, s8, $0xb8;
	[tilespmem:$0x1E820] =	vst v63  }
0x81: {  	_ =	swait.ge [sflag:s10], $0xFA00  }
0x82: {  	[sflag:s10] =	ssyncset.done $0x0  }
0x83: {  	[sflag:s10] =	ssyncadd.s32 $0xFFFF0600  }
0x84: {  	[spmem:s2] =	stream.indirect.scatter.add.f32 [tilespmem:s9], [sflag:$0x3], $0x40, s4, s8, $0xb8;
	[tilespmem:$0x1E820] =	vst v63  }
0x85: {  	_ =	swait.ge [sflag:s11], $0xFA00  }
0x86: {  	[sflag:s11] =	ssyncset.done $0x0  }
0x87: {  	[sflag:s11] =	ssyncadd.s32 $0xFFFF0600  }
0x88: {  	[tilespmem:s9], [sflag:$0x1] =	stream.indirect.gather [hbm4b:s7+s8], $0x40, s8, s8, $0xb8;
	[tilespmem:$0x1E820] =	vst v63  }
0x89: {  	_ =	swait.ge [sflag:s10], $0xFA00  }
0x8a: {  	[sflag:s10] =	ssyncset.done $0x0  }
0x8b: {  	s1 =	rddreg [dreg:$0x7];
	[sflag:s10] =	ssyncadd.s32 $0xFFFF0600  }
0x8c: {  	[spmem:s2] =	stream.indirect.scatter.add.f32 [tilespmem:s9], [sflag:$0x3], $0x40, s1, s8, $0xb8;
	[tilespmem:$0x1E820] =	vst v63  }
0x8d: {  	_ =	swait.ge [sflag:s11], $0xFA00  }
0x8e: {  	[sflag:s11] =	ssyncset.done $0x0  }
0x8f: {  	s12 =	simm.s32 $0x7D0;
	[sflag:s11] =	ssyncadd.s32 $0xFFFF0600  }
0x90: {  	[tilespmem:s9], [sflag:$0x1] =	stream.indirect.gather [hbm4b:s7+s8], $0x40, s12, s8, $0xb8;
	[tilespmem:$0x1E820] =	vst v63  }
0x91: {  	_ =	swait.ge [sflag:s10], $0xFA00  }
0x92: {  	[sflag:s10] =	ssyncset.done $0x0  }
0x93: {  	[sflag:s10] =	ssyncadd.s32 $0xFFFF0600  }
0x94: {  	[spmem:s2] =	stream.indirect.scatter.add.f32 [tilespmem:s9], [sflag:$0x3], $0x40, s13, s8, $0xb8;
	[tilespmem:$0x1E820] =	vst v63  }
0x95: {  	_ =	swait.ge [sflag:s11], $0xFA00  }
0x96: {  	[sflag:s11] =	ssyncset.done $0x0  }
0x97: {  	[sflag:s11] =	ssyncadd.s32 $0xFFFF0600  }
0x98: {  	[tilespmem:s9], [sflag:$0x1] =	stream.indirect.gather [hbm4b:s7+s8], $0x40, s14, s8, $0xb8;
	[tilespmem:$0x1E820] =	vst v63  }
0x99: {  	_ =	swait.ge [sflag:s10], $0xFA00  }
0x9a: {  	[sflag:s10] =	ssyncset.done $0x0  }
0x9b: {  	[sflag:s10] =	ssyncadd.s32 $0xFFFF0600  }
0x9c: {  	[spmem:s2] =	stream.indirect.scatter.add.f32 [tilespmem:s9], [sflag:$0x3], $0x40, s15, s8, $0xb8;
	[tilespmem:$0x1E820] =	vst v63  }
0x9d: {  	_ =	swait.ge [sflag:s11], $0xFA00  }
0x9e: {  	[sflag:s11] =	ssyncset.done $0x0  }
0x9f: {  	[sflag:s11] =	ssyncadd.s32 $0xFFFF0600  }
0xa0: {  	[tilespmem:s9], [sflag:$0x1] =	stream.indirect.gather [hbm4b:s7+s8], $0x40, s16, s8, $0xb8;
	[tilespmem:$0x1E820] =	vst v63  }
0xa1: {  	_ =	swait.ge [sflag:s10], $0xFA00  }
0xa2: {  	[sflag:s10] =	ssyncset.done $0x0  }
0xa3: {  	[sflag:s10] =	ssyncadd.s32 $0xFFFF0600  }
0xa4: {  	[spmem:s2] =	stream.indirect.scatter.add.f32 [tilespmem:s9], [sflag:$0x3], $0x40, s17, s8, $0xb8;
	[tilespmem:$0x1E820] =	vst v63  }
0xa5: {  	_ =	swait.ge [sflag:s11], $0xFA00  }
0xa6: {  	[sflag:s11] =	ssyncset.done $0x0  }
0xa7: {  	[sflag:s11] =	ssyncadd.s32 $0xFFFF0600  }
0xa8: {  	[tilespmem:s9], [sflag:$0x1] =	stream.indirect.gather [hbm4b:s7+s8], $0x40, s18, s8, $0xb8;
	[tilespmem:$0x1E820] =	vst v63  }
0xa9: {  	_ =	swait.ge [sflag:s10], $0xFA00  }
0xaa: {  	[sflag:s10] =	ssyncset.done $0x0  }
0xab: {  	[sflag:s10] =	ssyncadd.s32 $0xFFFF0600  }
0xac: {  	[spmem:s2] =	stream.indirect.scatter.add.f32 [tilespmem:s9], [sflag:$0x3], $0x40, s19, s8, $0xb8;
	[tilespmem:$0x1E820] =	vst v63  }
0xad: {  	_ =	swait.ge [sflag:s11], $0xFA00  }
0xae: {  	[sflag:s11] =	ssyncset.done $0x0  }
0xaf: {  	[sflag:s11] =	ssyncadd.s32 $0xFFFF0600  }
0xb0: {  	[tilespmem:s9], [sflag:$0x1] =	stream.indirect.gather [hbm4b:s7+s8], $0x40, s20, s8, $0xb8;
	[tilespmem:$0x1E820] =	vst v63  }
0xb1: {  	_ =	swait.ge [sflag:s10], $0xFA00  }
0xb2: {  	[sflag:s10] =	ssyncset.done $0x0  }
0xb3: {  	[sflag:s10] =	ssyncadd.s32 $0xFFFF0600  }
0xb4: {  	[spmem:s2] =	stream.indirect.scatter.add.f32 [tilespmem:s9], [sflag:$0x3], $0x40, s21, s8, $0xb8;
	[tilespmem:$0x1E820] =	vst v63  }
0xb5: {  	_ =	swait.ge [sflag:s11], $0xFA00  }
0xb6: {  	[sflag:s11] =	ssyncset.done $0x0  }
0xb7: {  	[sflag:s11] =	ssyncadd.s32 $0xFFFF0600  }
0xb8: {  	[tilespmem:s9], [sflag:$0x1] =	stream.indirect.gather [hbm4b:s7+s8], $0x40, s22, s8, $0xb8;
	[tilespmem:$0x1E820] =	vst v63  }
0xb9: {  	_ =	swait.ge [sflag:s10], $0xFA00  }
0xba: {  	[sflag:s10] =	ssyncset.done $0x0  }
0xbb: {  	[sflag:s10] =	ssyncadd.s32 $0xFFFF0600  }
0xbc: {  	[spmem:s2] =	stream.indirect.scatter.add.f32 [tilespmem:s9], [sflag:$0x3], $0x40, s23, s8, $0xb8;
	[tilespmem:$0x1E820] =	vst v63  }
0xbd: {  	_ =	swait.ge [sflag:s11], $0xFA00  }
0xbe: {  	[sflag:s11] =	ssyncset.done $0x0  }
0xbf: {  	[sflag:s11] =	ssyncadd.s32 $0xFFFF0600  }
0xc0: {  	[tilespmem:s9], [sflag:$0x1] =	stream.indirect.gather [hbm4b:s7+s8], $0x40, s24, s8, $0xb8;
	[tilespmem:$0x1E820] =	vst v63  }
0xc1: {  	_ =	swait.ge [sflag:s10], $0xFA00  }
0xc2: {  	[sflag:s10] =	ssyncset.done $0x0  }
0xc3: {  	[sflag:s10] =	ssyncadd.s32 $0xFFFF0600  }
0xc4: {  	[spmem:s2] =	stream.indirect.scatter.add.f32 [tilespmem:s9], [sflag:$0x3], $0x40, s25, s8, $0xb8;
	[tilespmem:$0x1E820] =	vst v63  }
0xc5: {  	_ =	swait.ge [sflag:s11], $0xFA00  }
0xc6: {  	[sflag:s11] =	ssyncset.done $0x0  }
0xc7: {  	[sflag:s11] =	ssyncadd.s32 $0xFFFF0600  }
0xc8: {  	[tilespmem:s9], [sflag:$0x1] =	stream.indirect.gather [hbm4b:s7+s8], $0x40, s26, s8, $0xb8;
	[tilespmem:$0x1E820] =	vst v63  }
0xc9: {  	_ =	swait.ge [sflag:s10], $0xFA00  }
0xca: {  	[sflag:s10] =	ssyncset.done $0x0  }
0xcb: {  	[sflag:s10] =	ssyncadd.s32 $0xFFFF0600  }
0xcc: {  	[spmem:s2] =	stream.indirect.scatter.add.f32 [tilespmem:s9], [sflag:$0x3], $0x40, s28, s8, $0xb8;
	[tilespmem:$0x1E820] =	vst v63  }
0xcd: {  	p0 =	sne.s32 s31, $0x1;
	_ =	swait.ge [sflag:s11], $0xFA00  }
.Ltmp1:
0xce: {  	[sflag:s11] =	ssyncset.done $0x0;
	(pc) =	sbr.rel @p0 .LBB2_1-.Ltmp1, $4  }
0xcf: {  	[sflag:s11] =	ssyncadd.s32 $0xFFFF0600  }
0xd0: {  	[bflag:$0x0] =	sbarrier.arrive $0xFFFF  }
0xd1: {  	[hbm:s29], [sflag:s30] =	dma.local [spmem:s5], $0x1400  }
0xd2: {  	s31 =	sadd.s32 $0xFFFFFFFF, s31;
	_ =	swait.ge [sflag:s11], $0x1400  }
.LBB2_2:
0xd3: {  	[sflag:s11] =	ssyncset.done $0x0  }
0xd4: {  	[sflag:s11] =	ssyncadd.s32 $0xFFFFEC00  }
0xd5: {  	_ =	sfence.sel $0x180000  }
0xd6: {  	[bflag:$0x0] =	sbarrier.arrive $0xFFFF  }
0xd7: {  	_ =	strace $0x90000065  }
0xd8: {  	s0 =	stileid.u32;
	[bflag:$0x2] =	sbarrier.arrive $0xFFFF  }
0xd9: {  	p0 =	sne.s32 s0, $0x0;
	s0 =	rddreg [dreg:$0x2]  }
0xda: {  	s0 =	sadd.s32 @!p0 $0x100000, s0  }
0xdb: {  	[sflag:s0] =	ssyncadd.tile.s32 @!p0 $0x1;
	_ =	shalt  }
.Lfunc_end2:
_tile_overlayer_lowered:
.L_overlay_start_2:
0xdc: {  	(tag) =	ssettag $0x2  }
0xdd: {  	s0 =	rddreg [dreg:$0x0];
	s2 =	stileid.u32  }
0xde: {  	s1 =	rddreg [dreg:$0x1];
	p0 =	sne.s32 s2, $0x0  }
0xdf: {  	s3 =	rddreg [dreg:$0x2];
	[bflag:$0x3] =	sbarrier.arrive $0xFFFF;
	s2 =	simm.s32 @!p0 $0x1C03  }
0xe0: {  	[timem:s3], [sflag:s2] =	dma.local @!p0 [hbm:s0], s1  }
0xe1: {  	s0 =	simm.s32 @!p0 $0x3  }
0xe2: {  	_ =	swait.ge @!p0 [sflag:s0], s1  }
0xe3: {  	s1 =	ssub.s32 @!p0 $0x0, s1;
	[sflag:s0] =	ssyncset.done @!p0 $0x0  }
0xe4: {  	[sflag:s0] =	ssyncadd.s32 @!p0 s1  }
0xe5: {  	[bflag:$0x3] =	sbarrier.arrive $0xFFFF  }
0xe6: {  	_ =	shalt  }

</sc_bundles>
